<compile_context>
chip_gen: v7x
topology: tpu7x:2x2x1
jax: 0.10.2.dev20260603
libtpu: 0.0.44.dev20260713+nightly
codegen_flags: <defaults>
</compile_context>

<pallas_src>
import functools
import jax
import jax.numpy as jnp
from jax import lax
from jax.experimental import pallas as pl
from jax.experimental.pallas import tpu as pltpu
from jax.experimental.pallas import tpu_sc as plsc

N = 10000
D = 128
C = 64
E = 320000

NC = 2
NS = 16
NW = NC * NS

NP = 10240
RPT = NP // NS
EB = 32
TPB = 320
KB = 4
EPT = TPB * EB
EP = NW * EPT
ERT = EP // NS // EB
DUMP = NP - 1

_mesh = plsc.VectorSubcoreMesh(core_axis_name="c", subcore_axis_name="s")
_f32 = jnp.float32


def _quake_rsqrt16(s):
    ii = plsc.bitcast(s, jnp.int32)
    ii = 0x5F3759DF - lax.shift_right_logical(ii, 1)
    y = plsc.bitcast(ii, _f32)
    hs = 0.5 * s
    for _ in range(3):
        y = y * (1.5 - hs * y * y)
    return jnp.where(s > 0.0, y, jnp.zeros((16,), _f32))


def _degnorm_body(gidx, norms_out, idx_v, deg_v, stage, acc_v, sh):
    cid = lax.axis_index("c")
    sid = lax.axis_index("s")

    pltpu.sync_copy(gidx.at[cid, pl.ds(sid * ERT, ERT)], idx_v)

    zeros16 = jnp.zeros((16,), _f32)

    def zb(i, carry):
        deg_v[pl.ds(i * 16, 16)] = zeros16
        return carry

    lax.fori_loop(0, NP // 16, zb, 0)

    ones16 = jnp.ones((16,), _f32)

    def sb(r, carry):
        for c in range(EB // 16):
            plsc.addupdate_scatter(deg_v, [idx_v[r, pl.ds(c * 16, 16)]],
                                   ones16)
        return carry

    lax.fori_loop(0, ERT, sb, 0)

    pltpu.sync_copy(deg_v, sh.at[sid])
    plsc.subcore_barrier()

    nb = sid * RPT
    for k in range(NS):
        pltpu.sync_copy(sh.at[k, pl.ds(nb, RPT)], stage.at[k])

    def rb(i, carry):
        s = stage[0, pl.ds(i * 16, 16)]
        for k in range(1, NS):
            s = s + stage[k, pl.ds(i * 16, 16)]
        acc_v[pl.ds(i * 16, 16)] = _quake_rsqrt16(s)
        return carry

    lax.fori_loop(0, RPT // 16, rb, 0)

    pltpu.sync_copy(acc_v, norms_out.at[cid, pl.ds(nb, RPT)])


@functools.partial(
    pl.kernel,
    out_type=jax.ShapeDtypeStruct((NC, NP), _f32),
    mesh=_mesh,
    scratch_types=[
        pltpu.VMEM((ERT, EB), jnp.int32),
        pltpu.VMEM((NP,), _f32),
        pltpu.VMEM((NS, RPT), _f32),
        pltpu.VMEM((RPT,), _f32),
        pltpu.VMEM_SHARED((NS, NP), _f32),
    ],
    compiler_params=pltpu.CompilerParams(needs_layout_passes=False, use_tc_tiling_on_sc=False),
)
def _degnorm(*args):
    _degnorm_body(*args)


def _make_agg():
    def body(gidx, m_hbm, out_hbm, srcv, dstv,
             rows0, rows1, rows2, rows3,
             agg_sh, gs0, gs1, gs2, gs3, ss0, ss1, ss2, ss3):
        cid = lax.axis_index("c")
        sid = lax.axis_index("s")
        wid = cid * NS + sid
        rows = (rows0, rows1, rows2, rows3)
        gsem = (gs0, gs1, gs2, gs3)
        ssem = (ss0, ss1, ss2, ss3)

        pltpu.sync_copy(gidx.at[0, pl.ds(wid * TPB, TPB)],
                        srcv.at[pl.ds(0, TPB)])
        pltpu.sync_copy(gidx.at[0, pl.ds(wid * TPB, 1)],
                        srcv.at[pl.ds(TPB, 1)])
        pltpu.sync_copy(gidx.at[0, pl.ds(wid * TPB, 1)],
                        srcv.at[pl.ds(TPB + 1, 1)])
        pltpu.sync_copy(gidx.at[1, pl.ds(wid * TPB, TPB)], dstv)

        zeros16 = jnp.zeros((16,), _f32)

        def zb(i, carry):
            for c in range(D // 16):
                for rb in rows:
                    rb[i, pl.ds(c * 16, 16)] = zeros16
            return carry

        lax.fori_loop(0, EB, zb, 0)

        for t in range(RPT // EB):
            pltpu.sync_copy(rows0, agg_sh.at[pl.ds(sid * RPT + t * EB, EB)])
        plsc.subcore_barrier()

        pltpu.async_copy(m_hbm.at[srcv.at[0]], rows0, gsem[0])
        pltpu.async_copy(m_hbm.at[srcv.at[1]], rows1, gsem[1])
        pltpu.async_copy(rows2, agg_sh.at[dstv.at[0]], ssem[2], add=True)
        pltpu.async_copy(rows3, agg_sh.at[dstv.at[0]], ssem[3], add=True)

        def slot(j, k, kn):
            pltpu.make_async_copy(rows[kn], agg_sh.at[dstv.at[0]],
                                  ssem[kn]).wait()
            pltpu.async_copy(m_hbm.at[srcv.at[j + 2]], rows[kn], gsem[kn])
            pltpu.make_async_copy(m_hbm.at[srcv.at[j]], rows[k],
                                  gsem[k]).wait()
            pltpu.async_copy(rows[k], agg_sh.at[dstv.at[j]], ssem[k],
                             add=True)

        def eb4(t, carry):
            j = 4 * t
            slot(j, 0, 2)
            slot(j + 1, 1, 3)
            slot(j + 2, 2, 0)
            slot(j + 3, 3, 1)
            return carry

        lax.fori_loop(0, TPB // KB, eb4, 0)
        pltpu.make_async_copy(rows[2], agg_sh.at[dstv.at[0]], ssem[2]).wait()
        pltpu.make_async_copy(rows[3], agg_sh.at[dstv.at[0]], ssem[3]).wait()
        pltpu.make_async_copy(m_hbm.at[srcv.at[0]], rows[0], gsem[0]).wait()
        pltpu.make_async_copy(m_hbm.at[srcv.at[1]], rows[1], gsem[1]).wait()
        plsc.subcore_barrier()

        pltpu.sync_copy(agg_sh.at[pl.ds(sid * RPT, RPT)],
                        out_hbm.at[cid, pl.ds(sid * RPT, RPT)])

    return pl.kernel(
        body,
        out_type=jax.ShapeDtypeStruct((NC, NP, D), _f32),
        mesh=_mesh,
        scratch_types=[
            pltpu.VMEM((TPB + 2, EB), jnp.int32),
            pltpu.VMEM((TPB, EB), jnp.int32),
            pltpu.VMEM((EB, D), _f32),
            pltpu.VMEM((EB, D), _f32),
            pltpu.VMEM((EB, D), _f32),
            pltpu.VMEM((EB, D), _f32),
            pltpu.VMEM_SHARED((NP, D), _f32),
            pltpu.SemaphoreType.DMA,
            pltpu.SemaphoreType.DMA,
            pltpu.SemaphoreType.DMA,
            pltpu.SemaphoreType.DMA,
            pltpu.SemaphoreType.DMA,
            pltpu.SemaphoreType.DMA,
            pltpu.SemaphoreType.DMA,
            pltpu.SemaphoreType.DMA,
        ],
        compiler_params=pltpu.CompilerParams(needs_layout_passes=False, use_tc_tiling_on_sc=False),
    )


_agg = _make_agg()



BN = 1024


def _scale_tc(x_ref, ns_ref, o_ref):
    o_ref[...] = x_ref[...] * ns_ref[...]


def _mm1_tc(agg_ref, ns_ref, nd_ref, w_ref, b_ref, o_ref):
    a = agg_ref[0] + agg_ref[1]
    p = jnp.dot(a, w_ref[...], preferred_element_type=_f32)
    o_ref[...] = jnp.maximum(nd_ref[...] * p + b_ref[...], 0.0) * ns_ref[...]


def _mm2_tc(agg_ref, nd_ref, w_ref, b_ref, wc_ref, bc_ref, h_ref, l_ref):
    a = agg_ref[0] + agg_ref[1]
    h = nd_ref[...] * jnp.dot(a, w_ref[...], preferred_element_type=_f32) \
        + b_ref[...]
    h_ref[...] = h
    l_ref[...] = jnp.dot(jnp.maximum(h, 0.0), wc_ref[...],
                         preferred_element_type=_f32) + bc_ref[...]


def _scale_call(x, ns_col):
    return pl.pallas_call(
        _scale_tc,
        grid=(NP // BN,),
        in_specs=[
            pl.BlockSpec((BN, D), lambda i: (i, 0)),
            pl.BlockSpec((BN, 1), lambda i: (i, 0)),
        ],
        out_specs=pl.BlockSpec((BN, D), lambda i: (i, 0)),
        out_shape=jax.ShapeDtypeStruct((NP, D), _f32),
    )(x, ns_col)


def _mm1_call(aggp, ns_col, nd_col, W, b_row):
    return pl.pallas_call(
        _mm1_tc,
        grid=(NP // BN,),
        in_specs=[
            pl.BlockSpec((NC, BN, D), lambda i: (0, i, 0)),
            pl.BlockSpec((BN, 1), lambda i: (i, 0)),
            pl.BlockSpec((BN, 1), lambda i: (i, 0)),
            pl.BlockSpec((D, D), lambda i: (0, 0)),
            pl.BlockSpec((1, D), lambda i: (0, 0)),
        ],
        out_specs=pl.BlockSpec((BN, D), lambda i: (i, 0)),
        out_shape=jax.ShapeDtypeStruct((NP, D), _f32),
    )(aggp, ns_col, nd_col, W, b_row)


def _mm2_call(aggp, nd_col, W, b_row, Wc, bc_row):
    return pl.pallas_call(
        _mm2_tc,
        grid=(NP // BN,),
        in_specs=[
            pl.BlockSpec((NC, BN, D), lambda i: (0, i, 0)),
            pl.BlockSpec((BN, 1), lambda i: (i, 0)),
            pl.BlockSpec((D, D), lambda i: (0, 0)),
            pl.BlockSpec((1, D), lambda i: (0, 0)),
            pl.BlockSpec((D, C), lambda i: (0, 0)),
            pl.BlockSpec((1, C), lambda i: (0, 0)),
        ],
        out_specs=[
            pl.BlockSpec((BN, D), lambda i: (i, 0)),
            pl.BlockSpec((BN, C), lambda i: (i, 0)),
        ],
        out_shape=[
            jax.ShapeDtypeStruct((N, D), _f32),
            jax.ShapeDtypeStruct((N, C), _f32),
        ],
    )(aggp, nd_col, W, b_row, Wc, bc_row)


@jax.jit
def kernel(g, x, W1, b1, W2, b2, Wc, bc):
    pad_nodes = N + jax.lax.rem(jnp.arange(EP - E, dtype=jnp.int32),
                                jnp.int32(NP - N))
    pad = jnp.stack([pad_nodes, pad_nodes])
    gidx = jnp.concatenate([g, pad], axis=1).reshape(2, NW * TPB, EB)

    norms = _degnorm(gidx)
    ns_col = norms[0].reshape(NP, 1)
    nd_col = norms[1].reshape(NP, 1)

    m1 = _scale_call(x, ns_col)
    aggp1 = _agg(gidx, m1)
    m2 = _mm1_call(aggp1, ns_col, nd_col, W1, b1.reshape(1, D))
    aggp2 = _agg(gidx, m2)
    h, logits = _mm2_call(aggp2, nd_col, W2, b2.reshape(1, D),
                          Wc, bc.reshape(1, C))
    return h, logits

# --- scband reference (transcript-rebuilt; emitter-appended) ---
"""Pipeline reference for scband-m3-s-75127567942075 (READ-ONLY COPY).

The authoritative reference and input builder live on the scoring server;
editing this copy changes nothing except your own understanding.
"""

import jax, jax.numpy as jnp
import numpy as np

N = 10000
E = 320000
IN_FEATS = 128
N_HIDDEN = 128
N_CLASSES = 64


def gcn_conv(x, edge_index, W, b):
    # DGL GraphConv with norm='both': D_out^{-1/2} on src, D_in^{-1/2} on dst
    src = edge_index[0]
    dst = edge_index[1]
    n = x.shape[0]
    ones = jnp.ones((edge_index.shape[1],), dtype=x.dtype)
    deg_out = jnp.zeros((n,), x.dtype).at[src].add(ones)
    deg_in = jnp.zeros((n,), x.dtype).at[dst].add(ones)
    norm_src = jnp.where(deg_out > 0, deg_out ** -0.5, 0.0)
    norm_dst = jnp.where(deg_in > 0, deg_in ** -0.5, 0.0)
    h = x * norm_src[:, None]
    h = h @ W
    agg = jnp.zeros((n, h.shape[1]), h.dtype).at[dst].add(h[src])
    agg = agg * norm_dst[:, None]
    return agg + b


def setup_inputs(seed: int = 0) -> dict:
    key = jax.random.key(seed)
    ks = jax.random.split(key, 8)
    x = jax.random.normal(ks[0], (N, IN_FEATS), dtype=jnp.float32)
    g = jax.random.randint(ks[1], (2, E), 0, N, dtype=jnp.int32)
    s1 = 1.0 / np.sqrt(IN_FEATS)
    s2 = 1.0 / np.sqrt(N_HIDDEN)
    W1 = jax.random.uniform(ks[2], (IN_FEATS, N_HIDDEN), jnp.float32, -s1, s1)
    b1 = jnp.zeros((N_HIDDEN,), jnp.float32)
    W2 = jax.random.uniform(ks[3], (N_HIDDEN, N_HIDDEN), jnp.float32, -s2, s2)
    b2 = jnp.zeros((N_HIDDEN,), jnp.float32)
    Wc = jax.random.uniform(ks[4], (N_HIDDEN, N_CLASSES), jnp.float32, -s2, s2)
    bc = jax.random.uniform(ks[5], (N_CLASSES,), jnp.float32, -s2, s2)
    return {"g": g, "x": x, "W1": W1, "b1": b1, "W2": W2, "b2": b2, "Wc": Wc, "bc": bc}


def reference(g, x, W1, b1, W2, b2, Wc, bc):
    # encoder: GCN with 2 layers (dropout=0.0 -> identity in eval)
    h = gcn_conv(x, g, W1, b1)
    h = jax.nn.relu(h)
    h = gcn_conv(h, g, W2, b2)
    # classifier: Linear(relu(h))
    logits = jax.nn.relu(h) @ Wc + bc
    return (h, logits)

if __name__ == "__main__":
    import jax
    _d = setup_inputs()
    print(jax.jit(kernel)(*tuple(_d.values())))

</pallas_src>

<mosaic_0001>
#map = affine_map<(d0, d1) -> (0, 0, 0)>
#map1 = affine_map<(d0, d1) -> (0, 0)>
module attributes {stable_mosaic.version = 14 : i64} {
  func.func @body(%arg0: i32, %arg1: i32, %arg2: memref<2x10240x32xi32, #tpu.memory_space<hbm>>, %arg3: memref<10240x128xf32, #tpu.memory_space<hbm>>, %arg4: memref<2x10240x128xf32, #tpu.memory_space<hbm>>, %arg5: memref<322x32xi32, #tpu.memory_space<vmem>>, %arg6: memref<320x32xi32, #tpu.memory_space<vmem>>, %arg7: memref<32x128xf32, #tpu.memory_space<vmem>>, %arg8: memref<32x128xf32, #tpu.memory_space<vmem>>, %arg9: memref<32x128xf32, #tpu.memory_space<vmem>>, %arg10: memref<32x128xf32, #tpu.memory_space<vmem>>, %arg11: memref<10240x128xf32, #tpu.memory_space<vmem_shared>>, %arg12: memref<!tpu.dma_semaphore, #tpu.memory_space<semaphore_mem>>, %arg13: memref<!tpu.dma_semaphore, #tpu.memory_space<semaphore_mem>>, %arg14: memref<!tpu.dma_semaphore, #tpu.memory_space<semaphore_mem>>, %arg15: memref<!tpu.dma_semaphore, #tpu.memory_space<semaphore_mem>>, %arg16: memref<!tpu.dma_semaphore, #tpu.memory_space<semaphore_mem>>, %arg17: memref<!tpu.dma_semaphore, #tpu.memory_space<semaphore_mem>>, %arg18: memref<!tpu.dma_semaphore, #tpu.memory_space<semaphore_mem>>, %arg19: memref<!tpu.dma_semaphore, #tpu.memory_space<semaphore_mem>>) attributes {dimension_semantics = [#tpu.dimension_semantics<core_parallel>, #tpu.dimension_semantics<subcore_parallel>], iteration_bounds = array<i64: 2, 16>, scalar_prefetch = 0 : i64, scratch_operands = 15 : i64, tpu.core_type = #tpu.core_type<sc_vector_subcore>, window_params = [{transform_indices = #map}, {transform_indices = #map1}, {transform_indices = #map}]} {
    %mul3A = arith.constant 16 : i32
    %mul3A_0 = arith.muli %arg0, %mul3A : i32
    %add3A = arith.addi %mul3A_0, %arg1 : i32
    %mul3A_1 = arith.constant 320 : i32
    %mul3A_2 = arith.muli %add3A, %mul3A_1 : i32
    %run_scoped3A = arith.constant 0 : i32
    "tpu.region"() ({
      %run_scoped3A_163 = tpu.sem_alloc : memref<!tpu.dma_semaphore, #tpu.memory_space<semaphore_mem>>
      %dma_start3A_164 = arith.constant 0 : i32
      %dma_start3A_165 = arith.constant 0 : i32
      %dma_start3A_166 = tpu.memref_slice %arg5[%dma_start3A_164, %dma_start3A_165] : memref<322x32xi32, #tpu.memory_space<vmem>> -> memref<320x32xi32, #tpu.memory_space<vmem>>
      %dma_start3A_167 = arith.constant 0 : i32
      %dma_start3A_168 = tpu.memref_slice %arg2[%run_scoped3A, %mul3A_2, %dma_start3A_167] : memref<2x10240x32xi32, #tpu.memory_space<hbm>> -> memref<1x320x32xi32, #tpu.memory_space<hbm>>
      %dma_start3A_169 = tpu.memref_squeeze %dma_start3A_168 : memref<1x320x32xi32, #tpu.memory_space<hbm>> -> memref<320x32xi32, #tpu.memory_space<hbm>>
      %dma_start3A_170 = arith.constant 0 : i32
      %dma_start3A_171 = arith.constant 0 : i32
      %dma_start3A_172 = tpu.memref_slice %arg5[%dma_start3A_170, %dma_start3A_171] : memref<322x32xi32, #tpu.memory_space<vmem>> -> memref<320x32xi32, #tpu.memory_space<vmem>>
      %dma_start3A_173 = arith.constant 0 : i32
      %dma_start3A_174 = tpu.memref_slice %arg2[%run_scoped3A, %mul3A_2, %dma_start3A_173] : memref<2x10240x32xi32, #tpu.memory_space<hbm>> -> memref<1x320x32xi32, #tpu.memory_space<hbm>>
      %dma_start3A_175 = tpu.memref_squeeze %dma_start3A_174 : memref<1x320x32xi32, #tpu.memory_space<hbm>> -> memref<320x32xi32, #tpu.memory_space<hbm>>
      tpu.enqueue_dma source(%dma_start3A_175 : memref<320x32xi32, #tpu.memory_space<hbm>>) target(%dma_start3A_172 : memref<320x32xi32, #tpu.memory_space<vmem>>) target_semaphore(%run_scoped3A_163 : memref<!tpu.dma_semaphore, #tpu.memory_space<semaphore_mem>>)
      %dma_wait3A_176 = arith.constant 0 : i32
      %dma_wait3A_177 = arith.constant 0 : i32
      %dma_wait3A_178 = tpu.memref_slice %arg5[%dma_wait3A_176, %dma_wait3A_177] : memref<322x32xi32, #tpu.memory_space<vmem>> -> memref<320x32xi32, #tpu.memory_space<vmem>>
      %dma_wait3A_179 = arith.constant 0 : i32
      %dma_wait3A_180 = tpu.memref_slice %arg2[%run_scoped3A, %mul3A_2, %dma_wait3A_179] : memref<2x10240x32xi32, #tpu.memory_space<hbm>> -> memref<1x320x32xi32, #tpu.memory_space<hbm>>
      %dma_wait3A_181 = tpu.memref_squeeze %dma_wait3A_180 : memref<1x320x32xi32, #tpu.memory_space<hbm>> -> memref<320x32xi32, #tpu.memory_space<hbm>>
      %dma_wait3A_182 = arith.constant 0 : i32
      %dma_wait3A_183 = arith.constant 0 : i32
      %dma_wait3A_184 = tpu.memref_slice %arg5[%dma_wait3A_182, %dma_wait3A_183] : memref<322x32xi32, #tpu.memory_space<vmem>> -> memref<320x32xi32, #tpu.memory_space<vmem>>
      %dma_wait3A_185 = arith.constant 0 : i32
      %dma_wait3A_186 = tpu.memref_slice %arg2[%run_scoped3A, %mul3A_2, %dma_wait3A_185] : memref<2x10240x32xi32, #tpu.memory_space<hbm>> -> memref<1x320x32xi32, #tpu.memory_space<hbm>>
      %dma_wait3A_187 = tpu.memref_squeeze %dma_wait3A_186 : memref<1x320x32xi32, #tpu.memory_space<hbm>> -> memref<320x32xi32, #tpu.memory_space<hbm>>
      tpu.wait_dma2 semaphore(%run_scoped3A_163 : memref<!tpu.dma_semaphore, #tpu.memory_space<semaphore_mem>>) src(%dma_wait3A_187 : memref<320x32xi32, #tpu.memory_space<hbm>>) dst(%dma_wait3A_184 : memref<320x32xi32, #tpu.memory_space<vmem>>)
      tpu.yield
    }) : () -> ()
    %mul3A_3 = arith.constant 320 : i32
    %mul3A_4 = arith.muli %add3A, %mul3A_3 : i32
    %run_scoped3A_5 = arith.constant 0 : i32
    "tpu.region"() ({
      %run_scoped3A_163 = tpu.sem_alloc : memref<!tpu.dma_semaphore, #tpu.memory_space<semaphore_mem>>
      %dma_start3A_164 = arith.constant 320 : i32
      %dma_start3A_165 = arith.constant 0 : i32
      %dma_start3A_166 = tpu.memref_slice %arg5[%dma_start3A_164, %dma_start3A_165] : memref<322x32xi32, #tpu.memory_space<vmem>> -> memref<1x32xi32, #tpu.memory_space<vmem>>
      %dma_start3A_167 = arith.constant 0 : i32
      %dma_start3A_168 = tpu.memref_slice %arg2[%run_scoped3A_5, %mul3A_4, %dma_start3A_167] : memref<2x10240x32xi32, #tpu.memory_space<hbm>> -> memref<1x1x32xi32, #tpu.memory_space<hbm>>
      %dma_start3A_169 = tpu.memref_squeeze %dma_start3A_168 : memref<1x1x32xi32, #tpu.memory_space<hbm>> -> memref<1x32xi32, #tpu.memory_space<hbm>>
      %dma_start3A_170 = arith.constant 320 : i32
      %dma_start3A_171 = arith.constant 0 : i32
      %dma_start3A_172 = tpu.memref_slice %arg5[%dma_start3A_170, %dma_start3A_171] : memref<322x32xi32, #tpu.memory_space<vmem>> -> memref<1x32xi32, #tpu.memory_space<vmem>>
      %dma_start3A_173 = arith.constant 0 : i32
      %dma_start3A_174 = tpu.memref_slice %arg2[%run_scoped3A_5, %mul3A_4, %dma_start3A_173] : memref<2x10240x32xi32, #tpu.memory_space<hbm>> -> memref<1x1x32xi32, #tpu.memory_space<hbm>>
      %dma_start3A_175 = tpu.memref_squeeze %dma_start3A_174 : memref<1x1x32xi32, #tpu.memory_space<hbm>> -> memref<1x32xi32, #tpu.memory_space<hbm>>
      tpu.enqueue_dma source(%dma_start3A_175 : memref<1x32xi32, #tpu.memory_space<hbm>>) target(%dma_start3A_172 : memref<1x32xi32, #tpu.memory_space<vmem>>) target_semaphore(%run_scoped3A_163 : memref<!tpu.dma_semaphore, #tpu.memory_space<semaphore_mem>>)
      %dma_wait3A_176 = arith.constant 320 : i32
      %dma_wait3A_177 = arith.constant 0 : i32
      %dma_wait3A_178 = tpu.memref_slice %arg5[%dma_wait3A_176, %dma_wait3A_177] : memref<322x32xi32, #tpu.memory_space<vmem>> -> memref<1x32xi32, #tpu.memory_space<vmem>>
      %dma_wait3A_179 = arith.constant 0 : i32
      %dma_wait3A_180 = tpu.memref_slice %arg2[%run_scoped3A_5, %mul3A_4, %dma_wait3A_179] : memref<2x10240x32xi32, #tpu.memory_space<hbm>> -> memref<1x1x32xi32, #tpu.memory_space<hbm>>
      %dma_wait3A_181 = tpu.memref_squeeze %dma_wait3A_180 : memref<1x1x32xi32, #tpu.memory_space<hbm>> -> memref<1x32xi32, #tpu.memory_space<hbm>>
      %dma_wait3A_182 = arith.constant 320 : i32
      %dma_wait3A_183 = arith.constant 0 : i32
      %dma_wait3A_184 = tpu.memref_slice %arg5[%dma_wait3A_182, %dma_wait3A_183] : memref<322x32xi32, #tpu.memory_space<vmem>> -> memref<1x32xi32, #tpu.memory_space<vmem>>
      %dma_wait3A_185 = arith.constant 0 : i32
      %dma_wait3A_186 = tpu.memref_slice %arg2[%run_scoped3A_5, %mul3A_4, %dma_wait3A_185] : memref<2x10240x32xi32, #tpu.memory_space<hbm>> -> memref<1x1x32xi32, #tpu.memory_space<hbm>>
      %dma_wait3A_187 = tpu.memref_squeeze %dma_wait3A_186 : memref<1x1x32xi32, #tpu.memory_space<hbm>> -> memref<1x32xi32, #tpu.memory_space<hbm>>
      tpu.wait_dma2 semaphore(%run_scoped3A_163 : memref<!tpu.dma_semaphore, #tpu.memory_space<semaphore_mem>>) src(%dma_wait3A_187 : memref<1x32xi32, #tpu.memory_space<hbm>>) dst(%dma_wait3A_184 : memref<1x32xi32, #tpu.memory_space<vmem>>)
      tpu.yield
    }) : () -> ()
    %mul3A_6 = arith.constant 320 : i32
    %mul3A_7 = arith.muli %add3A, %mul3A_6 : i32
    %run_scoped3A_8 = arith.constant 0 : i32
    "tpu.region"() ({
      %run_scoped3A_163 = tpu.sem_alloc : memref<!tpu.dma_semaphore, #tpu.memory_space<semaphore_mem>>
      %dma_start3A_164 = arith.constant 321 : i32
      %dma_start3A_165 = arith.constant 0 : i32
      %dma_start3A_166 = tpu.memref_slice %arg5[%dma_start3A_164, %dma_start3A_165] : memref<322x32xi32, #tpu.memory_space<vmem>> -> memref<1x32xi32, #tpu.memory_space<vmem>>
      %dma_start3A_167 = arith.constant 0 : i32
      %dma_start3A_168 = tpu.memref_slice %arg2[%run_scoped3A_8, %mul3A_7, %dma_start3A_167] : memref<2x10240x32xi32, #tpu.memory_space<hbm>> -> memref<1x1x32xi32, #tpu.memory_space<hbm>>
      %dma_start3A_169 = tpu.memref_squeeze %dma_start3A_168 : memref<1x1x32xi32, #tpu.memory_space<hbm>> -> memref<1x32xi32, #tpu.memory_space<hbm>>
      %dma_start3A_170 = arith.constant 321 : i32
      %dma_start3A_171 = arith.constant 0 : i32
      %dma_start3A_172 = tpu.memref_slice %arg5[%dma_start3A_170, %dma_start3A_171] : memref<322x32xi32, #tpu.memory_space<vmem>> -> memref<1x32xi32, #tpu.memory_space<vmem>>
      %dma_start3A_173 = arith.constant 0 : i32
      %dma_start3A_174 = tpu.memref_slice %arg2[%run_scoped3A_8, %mul3A_7, %dma_start3A_173] : memref<2x10240x32xi32, #tpu.memory_space<hbm>> -> memref<1x1x32xi32, #tpu.memory_space<hbm>>
      %dma_start3A_175 = tpu.memref_squeeze %dma_start3A_174 : memref<1x1x32xi32, #tpu.memory_space<hbm>> -> memref<1x32xi32, #tpu.memory_space<hbm>>
      tpu.enqueue_dma source(%dma_start3A_175 : memref<1x32xi32, #tpu.memory_space<hbm>>) target(%dma_start3A_172 : memref<1x32xi32, #tpu.memory_space<vmem>>) target_semaphore(%run_scoped3A_163 : memref<!tpu.dma_semaphore, #tpu.memory_space<semaphore_mem>>)
      %dma_wait3A_176 = arith.constant 321 : i32
      %dma_wait3A_177 = arith.constant 0 : i32
      %dma_wait3A_178 = tpu.memref_slice %arg5[%dma_wait3A_176, %dma_wait3A_177] : memref<322x32xi32, #tpu.memory_space<vmem>> -> memref<1x32xi32, #tpu.memory_space<vmem>>
      %dma_wait3A_179 = arith.constant 0 : i32
      %dma_wait3A_180 = tpu.memref_slice %arg2[%run_scoped3A_8, %mul3A_7, %dma_wait3A_179] : memref<2x10240x32xi32, #tpu.memory_space<hbm>> -> memref<1x1x32xi32, #tpu.memory_space<hbm>>
      %dma_wait3A_181 = tpu.memref_squeeze %dma_wait3A_180 : memref<1x1x32xi32, #tpu.memory_space<hbm>> -> memref<1x32xi32, #tpu.memory_space<hbm>>
      %dma_wait3A_182 = arith.constant 321 : i32
      %dma_wait3A_183 = arith.constant 0 : i32
      %dma_wait3A_184 = tpu.memref_slice %arg5[%dma_wait3A_182, %dma_wait3A_183] : memref<322x32xi32, #tpu.memory_space<vmem>> -> memref<1x32xi32, #tpu.memory_space<vmem>>
      %dma_wait3A_185 = arith.constant 0 : i32
      %dma_wait3A_186 = tpu.memref_slice %arg2[%run_scoped3A_8, %mul3A_7, %dma_wait3A_185] : memref<2x10240x32xi32, #tpu.memory_space<hbm>> -> memref<1x1x32xi32, #tpu.memory_space<hbm>>
      %dma_wait3A_187 = tpu.memref_squeeze %dma_wait3A_186 : memref<1x1x32xi32, #tpu.memory_space<hbm>> -> memref<1x32xi32, #tpu.memory_space<hbm>>
      tpu.wait_dma2 semaphore(%run_scoped3A_163 : memref<!tpu.dma_semaphore, #tpu.memory_space<semaphore_mem>>) src(%dma_wait3A_187 : memref<1x32xi32, #tpu.memory_space<hbm>>) dst(%dma_wait3A_184 : memref<1x32xi32, #tpu.memory_space<vmem>>)
      tpu.yield
    }) : () -> ()
    %mul3A_9 = arith.constant 320 : i32
    %mul3A_10 = arith.muli %add3A, %mul3A_9 : i32
    %run_scoped3A_11 = arith.constant 1 : i32
    "tpu.region"() ({
      %run_scoped3A_163 = tpu.sem_alloc : memref<!tpu.dma_semaphore, #tpu.memory_space<semaphore_mem>>
      %dma_start3A_164 = arith.constant 0 : i32
      %dma_start3A_165 = tpu.memref_slice %arg2[%run_scoped3A_11, %mul3A_10, %dma_start3A_164] : memref<2x10240x32xi32, #tpu.memory_space<hbm>> -> memref<1x320x32xi32, #tpu.memory_space<hbm>>
      %dma_start3A_166 = tpu.memref_squeeze %dma_start3A_165 : memref<1x320x32xi32, #tpu.memory_space<hbm>> -> memref<320x32xi32, #tpu.memory_space<hbm>>
      %dma_start3A_167 = arith.constant 0 : i32
      %dma_start3A_168 = tpu.memref_slice %arg2[%run_scoped3A_11, %mul3A_10, %dma_start3A_167] : memref<2x10240x32xi32, #tpu.memory_space<hbm>> -> memref<1x320x32xi32, #tpu.memory_space<hbm>>
      %dma_start3A_169 = tpu.memref_squeeze %dma_start3A_168 : memref<1x320x32xi32, #tpu.memory_space<hbm>> -> memref<320x32xi32, #tpu.memory_space<hbm>>
      tpu.enqueue_dma source(%dma_start3A_169 : memref<320x32xi32, #tpu.memory_space<hbm>>) target(%arg6 : memref<320x32xi32, #tpu.memory_space<vmem>>) target_semaphore(%run_scoped3A_163 : memref<!tpu.dma_semaphore, #tpu.memory_space<semaphore_mem>>)
      %dma_wait3A_170 = arith.constant 0 : i32
      %dma_wait3A_171 = tpu.memref_slice %arg2[%run_scoped3A_11, %mul3A_10, %dma_wait3A_170] : memref<2x10240x32xi32, #tpu.memory_space<hbm>> -> memref<1x320x32xi32, #tpu.memory_space<hbm>>
      %dma_wait3A_172 = tpu.memref_squeeze %dma_wait3A_171 : memref<1x320x32xi32, #tpu.memory_space<hbm>> -> memref<320x32xi32, #tpu.memory_space<hbm>>
      %dma_wait3A_173 = arith.constant 0 : i32
      %dma_wait3A_174 = tpu.memref_slice %arg2[%run_scoped3A_11, %mul3A_10, %dma_wait3A_173] : memref<2x10240x32xi32, #tpu.memory_space<hbm>> -> memref<1x320x32xi32, #tpu.memory_space<hbm>>
      %dma_wait3A_175 = tpu.memref_squeeze %dma_wait3A_174 : memref<1x320x32xi32, #tpu.memory_space<hbm>> -> memref<320x32xi32, #tpu.memory_space<hbm>>
      tpu.wait_dma2 semaphore(%run_scoped3A_163 : memref<!tpu.dma_semaphore, #tpu.memory_space<semaphore_mem>>) src(%dma_wait3A_175 : memref<320x32xi32, #tpu.memory_space<hbm>>) dst(%arg6 : memref<320x32xi32, #tpu.memory_space<vmem>>)
      tpu.yield
    }) : () -> ()
    %broadcast_in_dim3A = arith.constant 0.000000e+00 : f32
    %broadcast_in_dim3A_12 = vector.broadcast %broadcast_in_dim3A : f32 to vector<16xf32>
    %scan3A = arith.constant 0 : i32
    %scan3A_13 = arith.constant 0 : i32
    %scan3A_14 = arith.constant 32 : i32
    %scan3A_15 = arith.addi %scan3A_13, %scan3A_14 : i32
    %scan3A_16 = arith.constant 1 : i32
    scf.for %scan3A_163 = %scan3A_13 to %scan3A_15 step %scan3A_16  : i32 {
      %swap3A = arith.index_cast %scan3A_163 : i32 to index
      %swap3A_164 = arith.constant 0 : index
      %swap3A_165 = tpu.vector_load %arg7[%swap3A, %swap3A_164] {strides = array<i32>} : memref<32x128xf32, #tpu.memory_space<vmem>>, vector<16xf32>,
      tpu.vector_store %arg7[%swap3A, %swap3A_164], %broadcast_in_dim3A_12 {strides = array<i32>} : memref<32x128xf32, #tpu.memory_space<vmem>>, vector<16xf32>,
      %swap3A_166 = arith.index_cast %scan3A_163 : i32 to index
      %swap3A_167 = arith.constant 0 : index
      %swap3A_168 = tpu.vector_load %arg8[%swap3A_166, %swap3A_167] {strides = array<i32>} : memref<32x128xf32, #tpu.memory_space<vmem>>, vector<16xf32>,
      tpu.vector_store %arg8[%swap3A_166, %swap3A_167], %broadcast_in_dim3A_12 {strides = array<i32>} : memref<32x128xf32, #tpu.memory_space<vmem>>, vector<16xf32>,
      %swap3A_169 = arith.index_cast %scan3A_163 : i32 to index
      %swap3A_170 = arith.constant 0 : index
      %swap3A_171 = tpu.vector_load %arg9[%swap3A_169, %swap3A_170] {strides = array<i32>} : memref<32x128xf32, #tpu.memory_space<vmem>>, vector<16xf32>,
      tpu.vector_store %arg9[%swap3A_169, %swap3A_170], %broadcast_in_dim3A_12 {strides = array<i32>} : memref<32x128xf32, #tpu.memory_space<vmem>>, vector<16xf32>,
      %swap3A_172 = arith.index_cast %scan3A_163 : i32 to index
      %swap3A_173 = arith.constant 0 : index
      %swap3A_174 = tpu.vector_load %arg10[%swap3A_172, %swap3A_173] {strides = array<i32>} : memref<32x128xf32, #tpu.memory_space<vmem>>, vector<16xf32>,
      tpu.vector_store %arg10[%swap3A_172, %swap3A_173], %broadcast_in_dim3A_12 {strides = array<i32>} : memref<32x128xf32, #tpu.memory_space<vmem>>, vector<16xf32>,
      %swap3A_175 = arith.index_cast %scan3A_163 : i32 to index
      %swap3A_176 = arith.constant 16 : index
      %swap3A_177 = tpu.vector_load %arg7[%swap3A_175, %swap3A_176] {strides = array<i32>} : memref<32x128xf32, #tpu.memory_space<vmem>>, vector<16xf32>,
      tpu.vector_store %arg7[%swap3A_175, %swap3A_176], %broadcast_in_dim3A_12 {strides = array<i32>} : memref<32x128xf32, #tpu.memory_space<vmem>>, vector<16xf32>,
      %swap3A_178 = arith.index_cast %scan3A_163 : i32 to index
      %swap3A_179 = arith.constant 16 : index
      %swap3A_180 = tpu.vector_load %arg8[%swap3A_178, %swap3A_179] {strides = array<i32>} : memref<32x128xf32, #tpu.memory_space<vmem>>, vector<16xf32>,
      tpu.vector_store %arg8[%swap3A_178, %swap3A_179], %broadcast_in_dim3A_12 {strides = array<i32>} : memref<32x128xf32, #tpu.memory_space<vmem>>, vector<16xf32>,
      %swap3A_181 = arith.index_cast %scan3A_163 : i32 to index
      %swap3A_182 = arith.constant 16 : index
      %swap3A_183 = tpu.vector_load %arg9[%swap3A_181, %swap3A_182] {strides = array<i32>} : memref<32x128xf32, #tpu.memory_space<vmem>>, vector<16xf32>,
      tpu.vector_store %arg9[%swap3A_181, %swap3A_182], %broadcast_in_dim3A_12 {strides = array<i32>} : memref<32x128xf32, #tpu.memory_space<vmem>>, vector<16xf32>,
      %swap3A_184 = arith.index_cast %scan3A_163 : i32 to index
      %swap3A_185 = arith.constant 16 : index
      %swap3A_186 = tpu.vector_load %arg10[%swap3A_184, %swap3A_185] {strides = array<i32>} : memref<32x128xf32, #tpu.memory_space<vmem>>, vector<16xf32>,
      tpu.vector_store %arg10[%swap3A_184, %swap3A_185], %broadcast_in_dim3A_12 {strides = array<i32>} : memref<32x128xf32, #tpu.memory_space<vmem>>, vector<16xf32>,
      %swap3A_187 = arith.index_cast %scan3A_163 : i32 to index
      %swap3A_188 = arith.constant 32 : index
      %swap3A_189 = tpu.vector_load %arg7[%swap3A_187, %swap3A_188] {strides = array<i32>} : memref<32x128xf32, #tpu.memory_space<vmem>>, vector<16xf32>,
      tpu.vector_store %arg7[%swap3A_187, %swap3A_188], %broadcast_in_dim3A_12 {strides = array<i32>} : memref<32x128xf32, #tpu.memory_space<vmem>>, vector<16xf32>,
      %swap3A_190 = arith.index_cast %scan3A_163 : i32 to index
      %swap3A_191 = arith.constant 32 : index
      %swap3A_192 = tpu.vector_load %arg8[%swap3A_190, %swap3A_191] {strides = array<i32>} : memref<32x128xf32, #tpu.memory_space<vmem>>, vector<16xf32>,
      tpu.vector_store %arg8[%swap3A_190, %swap3A_191], %broadcast_in_dim3A_12 {strides = array<i32>} : memref<32x128xf32, #tpu.memory_space<vmem>>, vector<16xf32>,
      %swap3A_193 = arith.index_cast %scan3A_163 : i32 to index
      %swap3A_194 = arith.constant 32 : index
      %swap3A_195 = tpu.vector_load %arg9[%swap3A_193, %swap3A_194] {strides = array<i32>} : memref<32x128xf32, #tpu.memory_space<vmem>>, vector<16xf32>,
      tpu.vector_store %arg9[%swap3A_193, %swap3A_194], %broadcast_in_dim3A_12 {strides = array<i32>} : memref<32x128xf32, #tpu.memory_space<vmem>>, vector<16xf32>,
      %swap3A_196 = arith.index_cast %scan3A_163 : i32 to index
      %swap3A_197 = arith.constant 32 : index
      %swap3A_198 = tpu.vector_load %arg10[%swap3A_196, %swap3A_197] {strides = array<i32>} : memref<32x128xf32, #tpu.memory_space<vmem>>, vector<16xf32>,
      tpu.vector_store %arg10[%swap3A_196, %swap3A_197], %broadcast_in_dim3A_12 {strides = array<i32>} : memref<32x128xf32, #tpu.memory_space<vmem>>, vector<16xf32>,
      %swap3A_199 = arith.index_cast %scan3A_163 : i32 to index
      %swap3A_200 = arith.constant 48 : index
      %swap3A_201 = tpu.vector_load %arg7[%swap3A_199, %swap3A_200] {strides = array<i32>} : memref<32x128xf32, #tpu.memory_space<vmem>>, vector<16xf32>,
      tpu.vector_store %arg7[%swap3A_199, %swap3A_200], %broadcast_in_dim3A_12 {strides = array<i32>} : memref<32x128xf32, #tpu.memory_space<vmem>>, vector<16xf32>,
      %swap3A_202 = arith.index_cast %scan3A_163 : i32 to index
      %swap3A_203 = arith.constant 48 : index
      %swap3A_204 = tpu.vector_load %arg8[%swap3A_202, %swap3A_203] {strides = array<i32>} : memref<32x128xf32, #tpu.memory_space<vmem>>, vector<16xf32>,
      tpu.vector_store %arg8[%swap3A_202, %swap3A_203], %broadcast_in_dim3A_12 {strides = array<i32>} : memref<32x128xf32, #tpu.memory_space<vmem>>, vector<16xf32>,
      %swap3A_205 = arith.index_cast %scan3A_163 : i32 to index
      %swap3A_206 = arith.constant 48 : index
      %swap3A_207 = tpu.vector_load %arg9[%swap3A_205, %swap3A_206] {strides = array<i32>} : memref<32x128xf32, #tpu.memory_space<vmem>>, vector<16xf32>,
      tpu.vector_store %arg9[%swap3A_205, %swap3A_206], %broadcast_in_dim3A_12 {strides = array<i32>} : memref<32x128xf32, #tpu.memory_space<vmem>>, vector<16xf32>,
      %swap3A_208 = arith.index_cast %scan3A_163 : i32 to index
      %swap3A_209 = arith.constant 48 : index
      %swap3A_210 = tpu.vector_load %arg10[%swap3A_208, %swap3A_209] {strides = array<i32>} : memref<32x128xf32, #tpu.memory_space<vmem>>, vector<16xf32>,
      tpu.vector_store %arg10[%swap3A_208, %swap3A_209], %broadcast_in_dim3A_12 {strides = array<i32>} : memref<32x128xf32, #tpu.memory_space<vmem>>, vector<16xf32>,
      %swap3A_211 = arith.index_cast %scan3A_163 : i32 to index
      %swap3A_212 = arith.constant 64 : index
      %swap3A_213 = tpu.vector_load %arg7[%swap3A_211, %swap3A_212] {strides = array<i32>} : memref<32x128xf32, #tpu.memory_space<vmem>>, vector<16xf32>,
      tpu.vector_store %arg7[%swap3A_211, %swap3A_212], %broadcast_in_dim3A_12 {strides = array<i32>} : memref<32x128xf32, #tpu.memory_space<vmem>>, vector<16xf32>,
      %swap3A_214 = arith.index_cast %scan3A_163 : i32 to index
      %swap3A_215 = arith.constant 64 : index
      %swap3A_216 = tpu.vector_load %arg8[%swap3A_214, %swap3A_215] {strides = array<i32>} : memref<32x128xf32, #tpu.memory_space<vmem>>, vector<16xf32>,
      tpu.vector_store %arg8[%swap3A_214, %swap3A_215], %broadcast_in_dim3A_12 {strides = array<i32>} : memref<32x128xf32, #tpu.memory_space<vmem>>, vector<16xf32>,
      %swap3A_217 = arith.index_cast %scan3A_163 : i32 to index
      %swap3A_218 = arith.constant 64 : index
      %swap3A_219 = tpu.vector_load %arg9[%swap3A_217, %swap3A_218] {strides = array<i32>} : memref<32x128xf32, #tpu.memory_space<vmem>>, vector<16xf32>,
      tpu.vector_store %arg9[%swap3A_217, %swap3A_218], %broadcast_in_dim3A_12 {strides = array<i32>} : memref<32x128xf32, #tpu.memory_space<vmem>>, vector<16xf32>,
      %swap3A_220 = arith.index_cast %scan3A_163 : i32 to index
      %swap3A_221 = arith.constant 64 : index
      %swap3A_222 = tpu.vector_load %arg10[%swap3A_220, %swap3A_221] {strides = array<i32>} : memref<32x128xf32, #tpu.memory_space<vmem>>, vector<16xf32>,
      tpu.vector_store %arg10[%swap3A_220, %swap3A_221], %broadcast_in_dim3A_12 {strides = array<i32>} : memref<32x128xf32, #tpu.memory_space<vmem>>, vector<16xf32>,
      %swap3A_223 = arith.index_cast %scan3A_163 : i32 to index
      %swap3A_224 = arith.constant 80 : index
      %swap3A_225 = tpu.vector_load %arg7[%swap3A_223, %swap3A_224] {strides = array<i32>} : memref<32x128xf32, #tpu.memory_space<vmem>>, vector<16xf32>,
      tpu.vector_store %arg7[%swap3A_223, %swap3A_224], %broadcast_in_dim3A_12 {strides = array<i32>} : memref<32x128xf32, #tpu.memory_space<vmem>>, vector<16xf32>,
      %swap3A_226 = arith.index_cast %scan3A_163 : i32 to index
      %swap3A_227 = arith.constant 80 : index
      %swap3A_228 = tpu.vector_load %arg8[%swap3A_226, %swap3A_227] {strides = array<i32>} : memref<32x128xf32, #tpu.memory_space<vmem>>, vector<16xf32>,
      tpu.vector_store %arg8[%swap3A_226, %swap3A_227], %broadcast_in_dim3A_12 {strides = array<i32>} : memref<32x128xf32, #tpu.memory_space<vmem>>, vector<16xf32>,
      %swap3A_229 = arith.index_cast %scan3A_163 : i32 to index
      %swap3A_230 = arith.constant 80 : index
      %swap3A_231 = tpu.vector_load %arg9[%swap3A_229, %swap3A_230] {strides = array<i32>} : memref<32x128xf32, #tpu.memory_space<vmem>>, vector<16xf32>,
      tpu.vector_store %arg9[%swap3A_229, %swap3A_230], %broadcast_in_dim3A_12 {strides = array<i32>} : memref<32x128xf32, #tpu.memory_space<vmem>>, vector<16xf32>,
      %swap3A_232 = arith.index_cast %scan3A_163 : i32 to index
      %swap3A_233 = arith.constant 80 : index
      %swap3A_234 = tpu.vector_load %arg10[%swap3A_232, %swap3A_233] {strides = array<i32>} : memref<32x128xf32, #tpu.memory_space<vmem>>, vector<16xf32>,
      tpu.vector_store %arg10[%swap3A_232, %swap3A_233], %broadcast_in_dim3A_12 {strides = array<i32>} : memref<32x128xf32, #tpu.memory_space<vmem>>, vector<16xf32>,
      %swap3A_235 = arith.index_cast %scan3A_163 : i32 to index
      %swap3A_236 = arith.constant 96 : index
      %swap3A_237 = tpu.vector_load %arg7[%swap3A_235, %swap3A_236] {strides = array<i32>} : memref<32x128xf32, #tpu.memory_space<vmem>>, vector<16xf32>,
      tpu.vector_store %arg7[%swap3A_235, %swap3A_236], %broadcast_in_dim3A_12 {strides = array<i32>} : memref<32x128xf32, #tpu.memory_space<vmem>>, vector<16xf32>,
      %swap3A_238 = arith.index_cast %scan3A_163 : i32 to index
      %swap3A_239 = arith.constant 96 : index
      %swap3A_240 = tpu.vector_load %arg8[%swap3A_238, %swap3A_239] {strides = array<i32>} : memref<32x128xf32, #tpu.memory_space<vmem>>, vector<16xf32>,
      tpu.vector_store %arg8[%swap3A_238, %swap3A_239], %broadcast_in_dim3A_12 {strides = array<i32>} : memref<32x128xf32, #tpu.memory_space<vmem>>, vector<16xf32>,
      %swap3A_241 = arith.index_cast %scan3A_163 : i32 to index
      %swap3A_242 = arith.constant 96 : index
      %swap3A_243 = tpu.vector_load %arg9[%swap3A_241, %swap3A_242] {strides = array<i32>} : memref<32x128xf32, #tpu.memory_space<vmem>>, vector<16xf32>,
      tpu.vector_store %arg9[%swap3A_241, %swap3A_242], %broadcast_in_dim3A_12 {strides = array<i32>} : memref<32x128xf32, #tpu.memory_space<vmem>>, vector<16xf32>,
      %swap3A_244 = arith.index_cast %scan3A_163 : i32 to index
      %swap3A_245 = arith.constant 96 : index
      %swap3A_246 = tpu.vector_load %arg10[%swap3A_244, %swap3A_245] {strides = array<i32>} : memref<32x128xf32, #tpu.memory_space<vmem>>, vector<16xf32>,
      tpu.vector_store %arg10[%swap3A_244, %swap3A_245], %broadcast_in_dim3A_12 {strides = array<i32>} : memref<32x128xf32, #tpu.memory_space<vmem>>, vector<16xf32>,
      %swap3A_247 = arith.index_cast %scan3A_163 : i32 to index
      %swap3A_248 = arith.constant 112 : index
      %swap3A_249 = tpu.vector_load %arg7[%swap3A_247, %swap3A_248] {strides = array<i32>} : memref<32x128xf32, #tpu.memory_space<vmem>>, vector<16xf32>,
      tpu.vector_store %arg7[%swap3A_247, %swap3A_248], %broadcast_in_dim3A_12 {strides = array<i32>} : memref<32x128xf32, #tpu.memory_space<vmem>>, vector<16xf32>,
      %swap3A_250 = arith.index_cast %scan3A_163 : i32 to index
      %swap3A_251 = arith.constant 112 : index
      %swap3A_252 = tpu.vector_load %arg8[%swap3A_250, %swap3A_251] {strides = array<i32>} : memref<32x128xf32, #tpu.memory_space<vmem>>, vector<16xf32>,
      tpu.vector_store %arg8[%swap3A_250, %swap3A_251], %broadcast_in_dim3A_12 {strides = array<i32>} : memref<32x128xf32, #tpu.memory_space<vmem>>, vector<16xf32>,
      %swap3A_253 = arith.index_cast %scan3A_163 : i32 to index
      %swap3A_254 = arith.constant 112 : index
      %swap3A_255 = tpu.vector_load %arg9[%swap3A_253, %swap3A_254] {strides = array<i32>} : memref<32x128xf32, #tpu.memory_space<vmem>>, vector<16xf32>,
      tpu.vector_store %arg9[%swap3A_253, %swap3A_254], %broadcast_in_dim3A_12 {strides = array<i32>} : memref<32x128xf32, #tpu.memory_space<vmem>>, vector<16xf32>,
      %swap3A_256 = arith.index_cast %scan3A_163 : i32 to index
      %swap3A_257 = arith.constant 112 : index
      %swap3A_258 = tpu.vector_load %arg10[%swap3A_256, %swap3A_257] {strides = array<i32>} : memref<32x128xf32, #tpu.memory_space<vmem>>, vector<16xf32>,
      tpu.vector_store %arg10[%swap3A_256, %swap3A_257], %broadcast_in_dim3A_12 {strides = array<i32>} : memref<32x128xf32, #tpu.memory_space<vmem>>, vector<16xf32>,
    }
    %scan3A_17 = arith.constant 32 : i32
    %mul3A_18 = arith.constant 640 : i32
    %mul3A_19 = arith.muli %arg1, %mul3A_18 : i32
    %add3A_20 = arith.constant 0 : i32
    %add3A_21 = arith.addi %mul3A_19, %add3A_20 : i32
    "tpu.region"() ({
      %run_scoped3A_163 = tpu.sem_alloc : memref<!tpu.dma_semaphore, #tpu.memory_space<semaphore_mem>>
      %dma_start3A_164 = arith.constant 0 : i32
      %dma_start3A_165 = tpu.memref_slice %arg11[%add3A_21, %dma_start3A_164] : memref<10240x128xf32, #tpu.memory_space<vmem_shared>> -> memref<32x128xf32, #tpu.memory_space<vmem_shared>>
      %dma_start3A_166 = arith.constant 0 : i32
      %dma_start3A_167 = tpu.memref_slice %arg11[%add3A_21, %dma_start3A_166] : memref<10240x128xf32, #tpu.memory_space<vmem_shared>> -> memref<32x128xf32, #tpu.memory_space<vmem_shared>>
      tpu.enqueue_dma source(%arg7 : memref<32x128xf32, #tpu.memory_space<vmem>>) target(%dma_start3A_167 : memref<32x128xf32, #tpu.memory_space<vmem_shared>>) target_semaphore(%run_scoped3A_163 : memref<!tpu.dma_semaphore, #tpu.memory_space<semaphore_mem>>)
      %dma_wait3A_168 = arith.constant 0 : i32
      %dma_wait3A_169 = tpu.memref_slice %arg11[%add3A_21, %dma_wait3A_168] : memref<10240x128xf32, #tpu.memory_space<vmem_shared>> -> memref<32x128xf32, #tpu.memory_space<vmem_shared>>
      %dma_wait3A_170 = arith.constant 0 : i32
      %dma_wait3A_171 = tpu.memref_slice %arg11[%add3A_21, %dma_wait3A_170] : memref<10240x128xf32, #tpu.memory_space<vmem_shared>> -> memref<32x128xf32, #tpu.memory_space<vmem_shared>>
      tpu.wait_dma2 semaphore(%run_scoped3A_163 : memref<!tpu.dma_semaphore, #tpu.memory_space<semaphore_mem>>) src(%arg7 : memref<32x128xf32, #tpu.memory_space<vmem>>) dst(%dma_wait3A_171 : memref<32x128xf32, #tpu.memory_space<vmem_shared>>)
      tpu.yield
    }) : () -> ()
    %mul3A_22 = arith.constant 640 : i32
    %mul3A_23 = arith.muli %arg1, %mul3A_22 : i32
    %add3A_24 = arith.constant 32 : i32
    %add3A_25 = arith.addi %mul3A_23, %add3A_24 : i32
    "tpu.region"() ({
      %run_scoped3A_163 = tpu.sem_alloc : memref<!tpu.dma_semaphore, #tpu.memory_space<semaphore_mem>>
      %dma_start3A_164 = arith.constant 0 : i32
      %dma_start3A_165 = tpu.memref_slice %arg11[%add3A_25, %dma_start3A_164] : memref<10240x128xf32, #tpu.memory_space<vmem_shared>> -> memref<32x128xf32, #tpu.memory_space<vmem_shared>>
      %dma_start3A_166 = arith.constant 0 : i32
      %dma_start3A_167 = tpu.memref_slice %arg11[%add3A_25, %dma_start3A_166] : memref<10240x128xf32, #tpu.memory_space<vmem_shared>> -> memref<32x128xf32, #tpu.memory_space<vmem_shared>>
      tpu.enqueue_dma source(%arg7 : memref<32x128xf32, #tpu.memory_space<vmem>>) target(%dma_start3A_167 : memref<32x128xf32, #tpu.memory_space<vmem_shared>>) target_semaphore(%run_scoped3A_163 : memref<!tpu.dma_semaphore, #tpu.memory_space<semaphore_mem>>)
      %dma_wait3A_168 = arith.constant 0 : i32
      %dma_wait3A_169 = tpu.memref_slice %arg11[%add3A_25, %dma_wait3A_168] : memref<10240x128xf32, #tpu.memory_space<vmem_shared>> -> memref<32x128xf32, #tpu.memory_space<vmem_shared>>
      %dma_wait3A_170 = arith.constant 0 : i32
      %dma_wait3A_171 = tpu.memref_slice %arg11[%add3A_25, %dma_wait3A_170] : memref<10240x128xf32, #tpu.memory_space<vmem_shared>> -> memref<32x128xf32, #tpu.memory_space<vmem_shared>>
      tpu.wait_dma2 semaphore(%run_scoped3A_163 : memref<!tpu.dma_semaphore, #tpu.memory_space<semaphore_mem>>) src(%arg7 : memref<32x128xf32, #tpu.memory_space<vmem>>) dst(%dma_wait3A_171 : memref<32x128xf32, #tpu.memory_space<vmem_shared>>)
      tpu.yield
    }) : () -> ()
    %mul3A_26 = arith.constant 640 : i32
    %mul3A_27 = arith.muli %arg1, %mul3A_26 : i32
    %add3A_28 = arith.constant 64 : i32
    %add3A_29 = arith.addi %mul3A_27, %add3A_28 : i32
    "tpu.region"() ({
      %run_scoped3A_163 = tpu.sem_alloc : memref<!tpu.dma_semaphore, #tpu.memory_space<semaphore_mem>>
      %dma_start3A_164 = arith.constant 0 : i32
      %dma_start3A_165 = tpu.memref_slice %arg11[%add3A_29, %dma_start3A_164] : memref<10240x128xf32, #tpu.memory_space<vmem_shared>> -> memref<32x128xf32, #tpu.memory_space<vmem_shared>>
      %dma_start3A_166 = arith.constant 0 : i32
      %dma_start3A_167 = tpu.memref_slice %arg11[%add3A_29, %dma_start3A_166] : memref<10240x128xf32, #tpu.memory_space<vmem_shared>> -> memref<32x128xf32, #tpu.memory_space<vmem_shared>>
      tpu.enqueue_dma source(%arg7 : memref<32x128xf32, #tpu.memory_space<vmem>>) target(%dma_start3A_167 : memref<32x128xf32, #tpu.memory_space<vmem_shared>>) target_semaphore(%run_scoped3A_163 : memref<!tpu.dma_semaphore, #tpu.memory_space<semaphore_mem>>)
      %dma_wait3A_168 = arith.constant 0 : i32
      %dma_wait3A_169 = tpu.memref_slice %arg11[%add3A_29, %dma_wait3A_168] : memref<10240x128xf32, #tpu.memory_space<vmem_shared>> -> memref<32x128xf32, #tpu.memory_space<vmem_shared>>
      %dma_wait3A_170 = arith.constant 0 : i32
      %dma_wait3A_171 = tpu.memref_slice %arg11[%add3A_29, %dma_wait3A_170] : memref<10240x128xf32, #tpu.memory_space<vmem_shared>> -> memref<32x128xf32, #tpu.memory_space<vmem_shared>>
      tpu.wait_dma2 semaphore(%run_scoped3A_163 : memref<!tpu.dma_semaphore, #tpu.memory_space<semaphore_mem>>) src(%arg7 : memref<32x128xf32, #tpu.memory_space<vmem>>) dst(%dma_wait3A_171 : memref<32x128xf32, #tpu.memory_space<vmem_shared>>)
      tpu.yield
    }) : () -> ()
    %mul3A_30 = arith.constant 640 : i32
    %mul3A_31 = arith.muli %arg1, %mul3A_30 : i32
    %add3A_32 = arith.constant 96 : i32
    %add3A_33 = arith.addi %mul3A_31, %add3A_32 : i32
    "tpu.region"() ({
      %run_scoped3A_163 = tpu.sem_alloc : memref<!tpu.dma_semaphore, #tpu.memory_space<semaphore_mem>>
      %dma_start3A_164 = arith.constant 0 : i32
      %dma_start3A_165 = tpu.memref_slice %arg11[%add3A_33, %dma_start3A_164] : memref<10240x128xf32, #tpu.memory_space<vmem_shared>> -> memref<32x128xf32, #tpu.memory_space<vmem_shared>>
      %dma_start3A_166 = arith.constant 0 : i32
      %dma_start3A_167 = tpu.memref_slice %arg11[%add3A_33, %dma_start3A_166] : memref<10240x128xf32, #tpu.memory_space<vmem_shared>> -> memref<32x128xf32, #tpu.memory_space<vmem_shared>>
      tpu.enqueue_dma source(%arg7 : memref<32x128xf32, #tpu.memory_space<vmem>>) target(%dma_start3A_167 : memref<32x128xf32, #tpu.memory_space<vmem_shared>>) target_semaphore(%run_scoped3A_163 : memref<!tpu.dma_semaphore, #tpu.memory_space<semaphore_mem>>)
      %dma_wait3A_168 = arith.constant 0 : i32
      %dma_wait3A_169 = tpu.memref_slice %arg11[%add3A_33, %dma_wait3A_168] : memref<10240x128xf32, #tpu.memory_space<vmem_shared>> -> memref<32x128xf32, #tpu.memory_space<vmem_shared>>
      %dma_wait3A_170 = arith.constant 0 : i32
      %dma_wait3A_171 = tpu.memref_slice %arg11[%add3A_33, %dma_wait3A_170] : memref<10240x128xf32, #tpu.memory_space<vmem_shared>> -> memref<32x128xf32, #tpu.memory_space<vmem_shared>>
      tpu.wait_dma2 semaphore(%run_scoped3A_163 : memref<!tpu.dma_semaphore, #tpu.memory_space<semaphore_mem>>) src(%arg7 : memref<32x128xf32, #tpu.memory_space<vmem>>) dst(%dma_wait3A_171 : memref<32x128xf32, #tpu.memory_space<vmem_shared>>)
      tpu.yield
    }) : () -> ()
    %mul3A_34 = arith.constant 640 : i32
    %mul3A_35 = arith.muli %arg1, %mul3A_34 : i32
    %add3A_36 = arith.constant 128 : i32
    %add3A_37 = arith.addi %mul3A_35, %add3A_36 : i32
    "tpu.region"() ({
      %run_scoped3A_163 = tpu.sem_alloc : memref<!tpu.dma_semaphore, #tpu.memory_space<semaphore_mem>>
      %dma_start3A_164 = arith.constant 0 : i32
      %dma_start3A_165 = tpu.memref_slice %arg11[%add3A_37, %dma_start3A_164] : memref<10240x128xf32, #tpu.memory_space<vmem_shared>> -> memref<32x128xf32, #tpu.memory_space<vmem_shared>>
      %dma_start3A_166 = arith.constant 0 : i32
      %dma_start3A_167 = tpu.memref_slice %arg11[%add3A_37, %dma_start3A_166] : memref<10240x128xf32, #tpu.memory_space<vmem_shared>> -> memref<32x128xf32, #tpu.memory_space<vmem_shared>>
      tpu.enqueue_dma source(%arg7 : memref<32x128xf32, #tpu.memory_space<vmem>>) target(%dma_start3A_167 : memref<32x128xf32, #tpu.memory_space<vmem_shared>>) target_semaphore(%run_scoped3A_163 : memref<!tpu.dma_semaphore, #tpu.memory_space<semaphore_mem>>)
      %dma_wait3A_168 = arith.constant 0 : i32
      %dma_wait3A_169 = tpu.memref_slice %arg11[%add3A_37, %dma_wait3A_168] : memref<10240x128xf32, #tpu.memory_space<vmem_shared>> -> memref<32x128xf32, #tpu.memory_space<vmem_shared>>
      %dma_wait3A_170 = arith.constant 0 : i32
      %dma_wait3A_171 = tpu.memref_slice %arg11[%add3A_37, %dma_wait3A_170] : memref<10240x128xf32, #tpu.memory_space<vmem_shared>> -> memref<32x128xf32, #tpu.memory_space<vmem_shared>>
      tpu.wait_dma2 semaphore(%run_scoped3A_163 : memref<!tpu.dma_semaphore, #tpu.memory_space<semaphore_mem>>) src(%arg7 : memref<32x128xf32, #tpu.memory_space<vmem>>) dst(%dma_wait3A_171 : memref<32x128xf32, #tpu.memory_space<vmem_shared>>)
      tpu.yield
    }) : () -> ()
    %mul3A_38 = arith.constant 640 : i32
    %mul3A_39 = arith.muli %arg1, %mul3A_38 : i32
    %add3A_40 = arith.constant 160 : i32
    %add3A_41 = arith.addi %mul3A_39, %add3A_40 : i32
    "tpu.region"() ({
      %run_scoped3A_163 = tpu.sem_alloc : memref<!tpu.dma_semaphore, #tpu.memory_space<semaphore_mem>>
      %dma_start3A_164 = arith.constant 0 : i32
      %dma_start3A_165 = tpu.memref_slice %arg11[%add3A_41, %dma_start3A_164] : memref<10240x128xf32, #tpu.memory_space<vmem_shared>> -> memref<32x128xf32, #tpu.memory_space<vmem_shared>>
      %dma_start3A_166 = arith.constant 0 : i32
      %dma_start3A_167 = tpu.memref_slice %arg11[%add3A_41, %dma_start3A_166] : memref<10240x128xf32, #tpu.memory_space<vmem_shared>> -> memref<32x128xf32, #tpu.memory_space<vmem_shared>>
      tpu.enqueue_dma source(%arg7 : memref<32x128xf32, #tpu.memory_space<vmem>>) target(%dma_start3A_167 : memref<32x128xf32, #tpu.memory_space<vmem_shared>>) target_semaphore(%run_scoped3A_163 : memref<!tpu.dma_semaphore, #tpu.memory_space<semaphore_mem>>)
      %dma_wait3A_168 = arith.constant 0 : i32
      %dma_wait3A_169 = tpu.memref_slice %arg11[%add3A_41, %dma_wait3A_168] : memref<10240x128xf32, #tpu.memory_space<vmem_shared>> -> memref<32x128xf32, #tpu.memory_space<vmem_shared>>
      %dma_wait3A_170 = arith.constant 0 : i32
      %dma_wait3A_171 = tpu.memref_slice %arg11[%add3A_41, %dma_wait3A_170] : memref<10240x128xf32, #tpu.memory_space<vmem_shared>> -> memref<32x128xf32, #tpu.memory_space<vmem_shared>>
      tpu.wait_dma2 semaphore(%run_scoped3A_163 : memref<!tpu.dma_semaphore, #tpu.memory_space<semaphore_mem>>) src(%arg7 : memref<32x128xf32, #tpu.memory_space<vmem>>) dst(%dma_wait3A_171 : memref<32x128xf32, #tpu.memory_space<vmem_shared>>)
      tpu.yield
    }) : () -> ()
    %mul3A_42 = arith.constant 640 : i32
    %mul3A_43 = arith.muli %arg1, %mul3A_42 : i32
    %add3A_44 = arith.constant 192 : i32
    %add3A_45 = arith.addi %mul3A_43, %add3A_44 : i32
    "tpu.region"() ({
      %run_scoped3A_163 = tpu.sem_alloc : memref<!tpu.dma_semaphore, #tpu.memory_space<semaphore_mem>>
      %dma_start3A_164 = arith.constant 0 : i32
      %dma_start3A_165 = tpu.memref_slice %arg11[%add3A_45, %dma_start3A_164] : memref<10240x128xf32, #tpu.memory_space<vmem_shared>> -> memref<32x128xf32, #tpu.memory_space<vmem_shared>>
      %dma_start3A_166 = arith.constant 0 : i32
      %dma_start3A_167 = tpu.memref_slice %arg11[%add3A_45, %dma_start3A_166] : memref<10240x128xf32, #tpu.memory_space<vmem_shared>> -> memref<32x128xf32, #tpu.memory_space<vmem_shared>>
      tpu.enqueue_dma source(%arg7 : memref<32x128xf32, #tpu.memory_space<vmem>>) target(%dma_start3A_167 : memref<32x128xf32, #tpu.memory_space<vmem_shared>>) target_semaphore(%run_scoped3A_163 : memref<!tpu.dma_semaphore, #tpu.memory_space<semaphore_mem>>)
      %dma_wait3A_168 = arith.constant 0 : i32
      %dma_wait3A_169 = tpu.memref_slice %arg11[%add3A_45, %dma_wait3A_168] : memref<10240x128xf32, #tpu.memory_space<vmem_shared>> -> memref<32x128xf32, #tpu.memory_space<vmem_shared>>
      %dma_wait3A_170 = arith.constant 0 : i32
      %dma_wait3A_171 = tpu.memref_slice %arg11[%add3A_45, %dma_wait3A_170] : memref<10240x128xf32, #tpu.memory_space<vmem_shared>> -> memref<32x128xf32, #tpu.memory_space<vmem_shared>>
      tpu.wait_dma2 semaphore(%run_scoped3A_163 : memref<!tpu.dma_semaphore, #tpu.memory_space<semaphore_mem>>) src(%arg7 : memref<32x128xf32, #tpu.memory_space<vmem>>) dst(%dma_wait3A_171 : memref<32x128xf32, #tpu.memory_space<vmem_shared>>)
      tpu.yield
    }) : () -> ()
    %mul3A_46 = arith.constant 640 : i32
    %mul3A_47 = arith.muli %arg1, %mul3A_46 : i32
    %add3A_48 = arith.constant 224 : i32
    %add3A_49 = arith.addi %mul3A_47, %add3A_48 : i32
    "tpu.region"() ({
      %run_scoped3A_163 = tpu.sem_alloc : memref<!tpu.dma_semaphore, #tpu.memory_space<semaphore_mem>>
      %dma_start3A_164 = arith.constant 0 : i32
      %dma_start3A_165 = tpu.memref_slice %arg11[%add3A_49, %dma_start3A_164] : memref<10240x128xf32, #tpu.memory_space<vmem_shared>> -> memref<32x128xf32, #tpu.memory_space<vmem_shared>>
      %dma_start3A_166 = arith.constant 0 : i32
      %dma_start3A_167 = tpu.memref_slice %arg11[%add3A_49, %dma_start3A_166] : memref<10240x128xf32, #tpu.memory_space<vmem_shared>> -> memref<32x128xf32, #tpu.memory_space<vmem_shared>>
      tpu.enqueue_dma source(%arg7 : memref<32x128xf32, #tpu.memory_space<vmem>>) target(%dma_start3A_167 : memref<32x128xf32, #tpu.memory_space<vmem_shared>>) target_semaphore(%run_scoped3A_163 : memref<!tpu.dma_semaphore, #tpu.memory_space<semaphore_mem>>)
      %dma_wait3A_168 = arith.constant 0 : i32
      %dma_wait3A_169 = tpu.memref_slice %arg11[%add3A_49, %dma_wait3A_168] : memref<10240x128xf32, #tpu.memory_space<vmem_shared>> -> memref<32x128xf32, #tpu.memory_space<vmem_shared>>
      %dma_wait3A_170 = arith.constant 0 : i32
      %dma_wait3A_171 = tpu.memref_slice %arg11[%add3A_49, %dma_wait3A_170] : memref<10240x128xf32, #tpu.memory_space<vmem_shared>> -> memref<32x128xf32, #tpu.memory_space<vmem_shared>>
      tpu.wait_dma2 semaphore(%run_scoped3A_163 : memref<!tpu.dma_semaphore, #tpu.memory_space<semaphore_mem>>) src(%arg7 : memref<32x128xf32, #tpu.memory_space<vmem>>) dst(%dma_wait3A_171 : memref<32x128xf32, #tpu.memory_space<vmem_shared>>)
      tpu.yield
    }) : () -> ()
    %mul3A_50 = arith.constant 640 : i32
    %mul3A_51 = arith.muli %arg1, %mul3A_50 : i32
    %add3A_52 = arith.constant 256 : i32
    %add3A_53 = arith.addi %mul3A_51, %add3A_52 : i32
    "tpu.region"() ({
      %run_scoped3A_163 = tpu.sem_alloc : memref<!tpu.dma_semaphore, #tpu.memory_space<semaphore_mem>>
      %dma_start3A_164 = arith.constant 0 : i32
      %dma_start3A_165 = tpu.memref_slice %arg11[%add3A_53, %dma_start3A_164] : memref<10240x128xf32, #tpu.memory_space<vmem_shared>> -> memref<32x128xf32, #tpu.memory_space<vmem_shared>>
      %dma_start3A_166 = arith.constant 0 : i32
      %dma_start3A_167 = tpu.memref_slice %arg11[%add3A_53, %dma_start3A_166] : memref<10240x128xf32, #tpu.memory_space<vmem_shared>> -> memref<32x128xf32, #tpu.memory_space<vmem_shared>>
      tpu.enqueue_dma source(%arg7 : memref<32x128xf32, #tpu.memory_space<vmem>>) target(%dma_start3A_167 : memref<32x128xf32, #tpu.memory_space<vmem_shared>>) target_semaphore(%run_scoped3A_163 : memref<!tpu.dma_semaphore, #tpu.memory_space<semaphore_mem>>)
      %dma_wait3A_168 = arith.constant 0 : i32
      %dma_wait3A_169 = tpu.memref_slice %arg11[%add3A_53, %dma_wait3A_168] : memref<10240x128xf32, #tpu.memory_space<vmem_shared>> -> memref<32x128xf32, #tpu.memory_space<vmem_shared>>
      %dma_wait3A_170 = arith.constant 0 : i32
      %dma_wait3A_171 = tpu.memref_slice %arg11[%add3A_53, %dma_wait3A_170] : memref<10240x128xf32, #tpu.memory_space<vmem_shared>> -> memref<32x128xf32, #tpu.memory_space<vmem_shared>>
      tpu.wait_dma2 semaphore(%run_scoped3A_163 : memref<!tpu.dma_semaphore, #tpu.memory_space<semaphore_mem>>) src(%arg7 : memref<32x128xf32, #tpu.memory_space<vmem>>) dst(%dma_wait3A_171 : memref<32x128xf32, #tpu.memory_space<vmem_shared>>)
      tpu.yield
    }) : () -> ()
    %mul3A_54 = arith.constant 640 : i32
    %mul3A_55 = arith.muli %arg1, %mul3A_54 : i32
    %add3A_56 = arith.constant 288 : i32
    %add3A_57 = arith.addi %mul3A_55, %add3A_56 : i32
    "tpu.region"() ({
      %run_scoped3A_163 = tpu.sem_alloc : memref<!tpu.dma_semaphore, #tpu.memory_space<semaphore_mem>>
      %dma_start3A_164 = arith.constant 0 : i32
      %dma_start3A_165 = tpu.memref_slice %arg11[%add3A_57, %dma_start3A_164] : memref<10240x128xf32, #tpu.memory_space<vmem_shared>> -> memref<32x128xf32, #tpu.memory_space<vmem_shared>>
      %dma_start3A_166 = arith.constant 0 : i32
      %dma_start3A_167 = tpu.memref_slice %arg11[%add3A_57, %dma_start3A_166] : memref<10240x128xf32, #tpu.memory_space<vmem_shared>> -> memref<32x128xf32, #tpu.memory_space<vmem_shared>>
      tpu.enqueue_dma source(%arg7 : memref<32x128xf32, #tpu.memory_space<vmem>>) target(%dma_start3A_167 : memref<32x128xf32, #tpu.memory_space<vmem_shared>>) target_semaphore(%run_scoped3A_163 : memref<!tpu.dma_semaphore, #tpu.memory_space<semaphore_mem>>)
      %dma_wait3A_168 = arith.constant 0 : i32
      %dma_wait3A_169 = tpu.memref_slice %arg11[%add3A_57, %dma_wait3A_168] : memref<10240x128xf32, #tpu.memory_space<vmem_shared>> -> memref<32x128xf32, #tpu.memory_space<vmem_shared>>
      %dma_wait3A_170 = arith.constant 0 : i32
      %dma_wait3A_171 = tpu.memref_slice %arg11[%add3A_57, %dma_wait3A_170] : memref<10240x128xf32, #tpu.memory_space<vmem_shared>> -> memref<32x128xf32, #tpu.memory_space<vmem_shared>>
      tpu.wait_dma2 semaphore(%run_scoped3A_163 : memref<!tpu.dma_semaphore, #tpu.memory_space<semaphore_mem>>) src(%arg7 : memref<32x128xf32, #tpu.memory_space<vmem>>) dst(%dma_wait3A_171 : memref<32x128xf32, #tpu.memory_space<vmem_shared>>)
      tpu.yield
    }) : () -> ()
    %mul3A_58 = arith.constant 640 : i32
    %mul3A_59 = arith.muli %arg1, %mul3A_58 : i32
    %add3A_60 = arith.constant 320 : i32
    %add3A_61 = arith.addi %mul3A_59, %add3A_60 : i32
    "tpu.region"() ({
      %run_scoped3A_163 = tpu.sem_alloc : memref<!tpu.dma_semaphore, #tpu.memory_space<semaphore_mem>>
      %dma_start3A_164 = arith.constant 0 : i32
      %dma_start3A_165 = tpu.memref_slice %arg11[%add3A_61, %dma_start3A_164] : memref<10240x128xf32, #tpu.memory_space<vmem_shared>> -> memref<32x128xf32, #tpu.memory_space<vmem_shared>>
      %dma_start3A_166 = arith.constant 0 : i32
      %dma_start3A_167 = tpu.memref_slice %arg11[%add3A_61, %dma_start3A_166] : memref<10240x128xf32, #tpu.memory_space<vmem_shared>> -> memref<32x128xf32, #tpu.memory_space<vmem_shared>>
      tpu.enqueue_dma source(%arg7 : memref<32x128xf32, #tpu.memory_space<vmem>>) target(%dma_start3A_167 : memref<32x128xf32, #tpu.memory_space<vmem_shared>>) target_semaphore(%run_scoped3A_163 : memref<!tpu.dma_semaphore, #tpu.memory_space<semaphore_mem>>)
      %dma_wait3A_168 = arith.constant 0 : i32
      %dma_wait3A_169 = tpu.memref_slice %arg11[%add3A_61, %dma_wait3A_168] : memref<10240x128xf32, #tpu.memory_space<vmem_shared>> -> memref<32x128xf32, #tpu.memory_space<vmem_shared>>
      %dma_wait3A_170 = arith.constant 0 : i32
      %dma_wait3A_171 = tpu.memref_slice %arg11[%add3A_61, %dma_wait3A_170] : memref<10240x128xf32, #tpu.memory_space<vmem_shared>> -> memref<32x128xf32, #tpu.memory_space<vmem_shared>>
      tpu.wait_dma2 semaphore(%run_scoped3A_163 : memref<!tpu.dma_semaphore, #tpu.memory_space<semaphore_mem>>) src(%arg7 : memref<32x128xf32, #tpu.memory_space<vmem>>) dst(%dma_wait3A_171 : memref<32x128xf32, #tpu.memory_space<vmem_shared>>)
      tpu.yield
    }) : () -> ()
    %mul3A_62 = arith.constant 640 : i32
    %mul3A_63 = arith.muli %arg1, %mul3A_62 : i32
    %add3A_64 = arith.constant 352 : i32
    %add3A_65 = arith.addi %mul3A_63, %add3A_64 : i32
    "tpu.region"() ({
      %run_scoped3A_163 = tpu.sem_alloc : memref<!tpu.dma_semaphore, #tpu.memory_space<semaphore_mem>>
      %dma_start3A_164 = arith.constant 0 : i32
      %dma_start3A_165 = tpu.memref_slice %arg11[%add3A_65, %dma_start3A_164] : memref<10240x128xf32, #tpu.memory_space<vmem_shared>> -> memref<32x128xf32, #tpu.memory_space<vmem_shared>>
      %dma_start3A_166 = arith.constant 0 : i32
      %dma_start3A_167 = tpu.memref_slice %arg11[%add3A_65, %dma_start3A_166] : memref<10240x128xf32, #tpu.memory_space<vmem_shared>> -> memref<32x128xf32, #tpu.memory_space<vmem_shared>>
      tpu.enqueue_dma source(%arg7 : memref<32x128xf32, #tpu.memory_space<vmem>>) target(%dma_start3A_167 : memref<32x128xf32, #tpu.memory_space<vmem_shared>>) target_semaphore(%run_scoped3A_163 : memref<!tpu.dma_semaphore, #tpu.memory_space<semaphore_mem>>)
      %dma_wait3A_168 = arith.constant 0 : i32
      %dma_wait3A_169 = tpu.memref_slice %arg11[%add3A_65, %dma_wait3A_168] : memref<10240x128xf32, #tpu.memory_space<vmem_shared>> -> memref<32x128xf32, #tpu.memory_space<vmem_shared>>
      %dma_wait3A_170 = arith.constant 0 : i32
      %dma_wait3A_171 = tpu.memref_slice %arg11[%add3A_65, %dma_wait3A_170] : memref<10240x128xf32, #tpu.memory_space<vmem_shared>> -> memref<32x128xf32, #tpu.memory_space<vmem_shared>>
      tpu.wait_dma2 semaphore(%run_scoped3A_163 : memref<!tpu.dma_semaphore, #tpu.memory_space<semaphore_mem>>) src(%arg7 : memref<32x128xf32, #tpu.memory_space<vmem>>) dst(%dma_wait3A_171 : memref<32x128xf32, #tpu.memory_space<vmem_shared>>)
      tpu.yield
    }) : () -> ()
    %mul3A_66 = arith.constant 640 : i32
    %mul3A_67 = arith.muli %arg1, %mul3A_66 : i32
    %add3A_68 = arith.constant 384 : i32
    %add3A_69 = arith.addi %mul3A_67, %add3A_68 : i32
    "tpu.region"() ({
      %run_scoped3A_163 = tpu.sem_alloc : memref<!tpu.dma_semaphore, #tpu.memory_space<semaphore_mem>>
      %dma_start3A_164 = arith.constant 0 : i32
      %dma_start3A_165 = tpu.memref_slice %arg11[%add3A_69, %dma_start3A_164] : memref<10240x128xf32, #tpu.memory_space<vmem_shared>> -> memref<32x128xf32, #tpu.memory_space<vmem_shared>>
      %dma_start3A_166 = arith.constant 0 : i32
      %dma_start3A_167 = tpu.memref_slice %arg11[%add3A_69, %dma_start3A_166] : memref<10240x128xf32, #tpu.memory_space<vmem_shared>> -> memref<32x128xf32, #tpu.memory_space<vmem_shared>>
      tpu.enqueue_dma source(%arg7 : memref<32x128xf32, #tpu.memory_space<vmem>>) target(%dma_start3A_167 : memref<32x128xf32, #tpu.memory_space<vmem_shared>>) target_semaphore(%run_scoped3A_163 : memref<!tpu.dma_semaphore, #tpu.memory_space<semaphore_mem>>)
      %dma_wait3A_168 = arith.constant 0 : i32
      %dma_wait3A_169 = tpu.memref_slice %arg11[%add3A_69, %dma_wait3A_168] : memref<10240x128xf32, #tpu.memory_space<vmem_shared>> -> memref<32x128xf32, #tpu.memory_space<vmem_shared>>
      %dma_wait3A_170 = arith.constant 0 : i32
      %dma_wait3A_171 = tpu.memref_slice %arg11[%add3A_69, %dma_wait3A_170] : memref<10240x128xf32, #tpu.memory_space<vmem_shared>> -> memref<32x128xf32, #tpu.memory_space<vmem_shared>>
      tpu.wait_dma2 semaphore(%run_scoped3A_163 : memref<!tpu.dma_semaphore, #tpu.memory_space<semaphore_mem>>) src(%arg7 : memref<32x128xf32, #tpu.memory_space<vmem>>) dst(%dma_wait3A_171 : memref<32x128xf32, #tpu.memory_space<vmem_shared>>)
      tpu.yield
    }) : () -> ()
    %mul3A_70 = arith.constant 640 : i32
    %mul3A_71 = arith.muli %arg1, %mul3A_70 : i32
    %add3A_72 = arith.constant 416 : i32
    %add3A_73 = arith.addi %mul3A_71, %add3A_72 : i32
    "tpu.region"() ({
      %run_scoped3A_163 = tpu.sem_alloc : memref<!tpu.dma_semaphore, #tpu.memory_space<semaphore_mem>>
      %dma_start3A_164 = arith.constant 0 : i32
      %dma_start3A_165 = tpu.memref_slice %arg11[%add3A_73, %dma_start3A_164] : memref<10240x128xf32, #tpu.memory_space<vmem_shared>> -> memref<32x128xf32, #tpu.memory_space<vmem_shared>>
      %dma_start3A_166 = arith.constant 0 : i32
      %dma_start3A_167 = tpu.memref_slice %arg11[%add3A_73, %dma_start3A_166] : memref<10240x128xf32, #tpu.memory_space<vmem_shared>> -> memref<32x128xf32, #tpu.memory_space<vmem_shared>>
      tpu.enqueue_dma source(%arg7 : memref<32x128xf32, #tpu.memory_space<vmem>>) target(%dma_start3A_167 : memref<32x128xf32, #tpu.memory_space<vmem_shared>>) target_semaphore(%run_scoped3A_163 : memref<!tpu.dma_semaphore, #tpu.memory_space<semaphore_mem>>)
      %dma_wait3A_168 = arith.constant 0 : i32
      %dma_wait3A_169 = tpu.memref_slice %arg11[%add3A_73, %dma_wait3A_168] : memref<10240x128xf32, #tpu.memory_space<vmem_shared>> -> memref<32x128xf32, #tpu.memory_space<vmem_shared>>
      %dma_wait3A_170 = arith.constant 0 : i32
      %dma_wait3A_171 = tpu.memref_slice %arg11[%add3A_73, %dma_wait3A_170] : memref<10240x128xf32, #tpu.memory_space<vmem_shared>> -> memref<32x128xf32, #tpu.memory_space<vmem_shared>>
      tpu.wait_dma2 semaphore(%run_scoped3A_163 : memref<!tpu.dma_semaphore, #tpu.memory_space<semaphore_mem>>) src(%arg7 : memref<32x128xf32, #tpu.memory_space<vmem>>) dst(%dma_wait3A_171 : memref<32x128xf32, #tpu.memory_space<vmem_shared>>)
      tpu.yield
    }) : () -> ()
    %mul3A_74 = arith.constant 640 : i32
    %mul3A_75 = arith.muli %arg1, %mul3A_74 : i32
    %add3A_76 = arith.constant 448 : i32
    %add3A_77 = arith.addi %mul3A_75, %add3A_76 : i32
    "tpu.region"() ({
      %run_scoped3A_163 = tpu.sem_alloc : memref<!tpu.dma_semaphore, #tpu.memory_space<semaphore_mem>>
      %dma_start3A_164 = arith.constant 0 : i32
      %dma_start3A_165 = tpu.memref_slice %arg11[%add3A_77, %dma_start3A_164] : memref<10240x128xf32, #tpu.memory_space<vmem_shared>> -> memref<32x128xf32, #tpu.memory_space<vmem_shared>>
      %dma_start3A_166 = arith.constant 0 : i32
      %dma_start3A_167 = tpu.memref_slice %arg11[%add3A_77, %dma_start3A_166] : memref<10240x128xf32, #tpu.memory_space<vmem_shared>> -> memref<32x128xf32, #tpu.memory_space<vmem_shared>>
      tpu.enqueue_dma source(%arg7 : memref<32x128xf32, #tpu.memory_space<vmem>>) target(%dma_start3A_167 : memref<32x128xf32, #tpu.memory_space<vmem_shared>>) target_semaphore(%run_scoped3A_163 : memref<!tpu.dma_semaphore, #tpu.memory_space<semaphore_mem>>)
      %dma_wait3A_168 = arith.constant 0 : i32
      %dma_wait3A_169 = tpu.memref_slice %arg11[%add3A_77, %dma_wait3A_168] : memref<10240x128xf32, #tpu.memory_space<vmem_shared>> -> memref<32x128xf32, #tpu.memory_space<vmem_shared>>
      %dma_wait3A_170 = arith.constant 0 : i32
      %dma_wait3A_171 = tpu.memref_slice %arg11[%add3A_77, %dma_wait3A_170] : memref<10240x128xf32, #tpu.memory_space<vmem_shared>> -> memref<32x128xf32, #tpu.memory_space<vmem_shared>>
      tpu.wait_dma2 semaphore(%run_scoped3A_163 : memref<!tpu.dma_semaphore, #tpu.memory_space<semaphore_mem>>) src(%arg7 : memref<32x128xf32, #tpu.memory_space<vmem>>) dst(%dma_wait3A_171 : memref<32x128xf32, #tpu.memory_space<vmem_shared>>)
      tpu.yield
    }) : () -> ()
    %mul3A_78 = arith.constant 640 : i32
    %mul3A_79 = arith.muli %arg1, %mul3A_78 : i32
    %add3A_80 = arith.constant 480 : i32
    %add3A_81 = arith.addi %mul3A_79, %add3A_80 : i32
    "tpu.region"() ({
      %run_scoped3A_163 = tpu.sem_alloc : memref<!tpu.dma_semaphore, #tpu.memory_space<semaphore_mem>>
      %dma_start3A_164 = arith.constant 0 : i32
      %dma_start3A_165 = tpu.memref_slice %arg11[%add3A_81, %dma_start3A_164] : memref<10240x128xf32, #tpu.memory_space<vmem_shared>> -> memref<32x128xf32, #tpu.memory_space<vmem_shared>>
      %dma_start3A_166 = arith.constant 0 : i32
      %dma_start3A_167 = tpu.memref_slice %arg11[%add3A_81, %dma_start3A_166] : memref<10240x128xf32, #tpu.memory_space<vmem_shared>> -> memref<32x128xf32, #tpu.memory_space<vmem_shared>>
      tpu.enqueue_dma source(%arg7 : memref<32x128xf32, #tpu.memory_space<vmem>>) target(%dma_start3A_167 : memref<32x128xf32, #tpu.memory_space<vmem_shared>>) target_semaphore(%run_scoped3A_163 : memref<!tpu.dma_semaphore, #tpu.memory_space<semaphore_mem>>)
      %dma_wait3A_168 = arith.constant 0 : i32
      %dma_wait3A_169 = tpu.memref_slice %arg11[%add3A_81, %dma_wait3A_168] : memref<10240x128xf32, #tpu.memory_space<vmem_shared>> -> memref<32x128xf32, #tpu.memory_space<vmem_shared>>
      %dma_wait3A_170 = arith.constant 0 : i32
      %dma_wait3A_171 = tpu.memref_slice %arg11[%add3A_81, %dma_wait3A_170] : memref<10240x128xf32, #tpu.memory_space<vmem_shared>> -> memref<32x128xf32, #tpu.memory_space<vmem_shared>>
      tpu.wait_dma2 semaphore(%run_scoped3A_163 : memref<!tpu.dma_semaphore, #tpu.memory_space<semaphore_mem>>) src(%arg7 : memref<32x128xf32, #tpu.memory_space<vmem>>) dst(%dma_wait3A_171 : memref<32x128xf32, #tpu.memory_space<vmem_shared>>)
      tpu.yield
    }) : () -> ()
    %mul3A_82 = arith.constant 640 : i32
    %mul3A_83 = arith.muli %arg1, %mul3A_82 : i32
    %add3A_84 = arith.constant 512 : i32
    %add3A_85 = arith.addi %mul3A_83, %add3A_84 : i32
    "tpu.region"() ({
      %run_scoped3A_163 = tpu.sem_alloc : memref<!tpu.dma_semaphore, #tpu.memory_space<semaphore_mem>>
      %dma_start3A_164 = arith.constant 0 : i32
      %dma_start3A_165 = tpu.memref_slice %arg11[%add3A_85, %dma_start3A_164] : memref<10240x128xf32, #tpu.memory_space<vmem_shared>> -> memref<32x128xf32, #tpu.memory_space<vmem_shared>>
      %dma_start3A_166 = arith.constant 0 : i32
      %dma_start3A_167 = tpu.memref_slice %arg11[%add3A_85, %dma_start3A_166] : memref<10240x128xf32, #tpu.memory_space<vmem_shared>> -> memref<32x128xf32, #tpu.memory_space<vmem_shared>>
      tpu.enqueue_dma source(%arg7 : memref<32x128xf32, #tpu.memory_space<vmem>>) target(%dma_start3A_167 : memref<32x128xf32, #tpu.memory_space<vmem_shared>>) target_semaphore(%run_scoped3A_163 : memref<!tpu.dma_semaphore, #tpu.memory_space<semaphore_mem>>)
      %dma_wait3A_168 = arith.constant 0 : i32
      %dma_wait3A_169 = tpu.memref_slice %arg11[%add3A_85, %dma_wait3A_168] : memref<10240x128xf32, #tpu.memory_space<vmem_shared>> -> memref<32x128xf32, #tpu.memory_space<vmem_shared>>
      %dma_wait3A_170 = arith.constant 0 : i32
      %dma_wait3A_171 = tpu.memref_slice %arg11[%add3A_85, %dma_wait3A_170] : memref<10240x128xf32, #tpu.memory_space<vmem_shared>> -> memref<32x128xf32, #tpu.memory_space<vmem_shared>>
      tpu.wait_dma2 semaphore(%run_scoped3A_163 : memref<!tpu.dma_semaphore, #tpu.memory_space<semaphore_mem>>) src(%arg7 : memref<32x128xf32, #tpu.memory_space<vmem>>) dst(%dma_wait3A_171 : memref<32x128xf32, #tpu.memory_space<vmem_shared>>)
      tpu.yield
    }) : () -> ()
    %mul3A_86 = arith.constant 640 : i32
    %mul3A_87 = arith.muli %arg1, %mul3A_86 : i32
    %add3A_88 = arith.constant 544 : i32
    %add3A_89 = arith.addi %mul3A_87, %add3A_88 : i32
    "tpu.region"() ({
      %run_scoped3A_163 = tpu.sem_alloc : memref<!tpu.dma_semaphore, #tpu.memory_space<semaphore_mem>>
      %dma_start3A_164 = arith.constant 0 : i32
      %dma_start3A_165 = tpu.memref_slice %arg11[%add3A_89, %dma_start3A_164] : memref<10240x128xf32, #tpu.memory_space<vmem_shared>> -> memref<32x128xf32, #tpu.memory_space<vmem_shared>>
      %dma_start3A_166 = arith.constant 0 : i32
      %dma_start3A_167 = tpu.memref_slice %arg11[%add3A_89, %dma_start3A_166] : memref<10240x128xf32, #tpu.memory_space<vmem_shared>> -> memref<32x128xf32, #tpu.memory_space<vmem_shared>>
      tpu.enqueue_dma source(%arg7 : memref<32x128xf32, #tpu.memory_space<vmem>>) target(%dma_start3A_167 : memref<32x128xf32, #tpu.memory_space<vmem_shared>>) target_semaphore(%run_scoped3A_163 : memref<!tpu.dma_semaphore, #tpu.memory_space<semaphore_mem>>)
      %dma_wait3A_168 = arith.constant 0 : i32
      %dma_wait3A_169 = tpu.memref_slice %arg11[%add3A_89, %dma_wait3A_168] : memref<10240x128xf32, #tpu.memory_space<vmem_shared>> -> memref<32x128xf32, #tpu.memory_space<vmem_shared>>
      %dma_wait3A_170 = arith.constant 0 : i32
      %dma_wait3A_171 = tpu.memref_slice %arg11[%add3A_89, %dma_wait3A_170] : memref<10240x128xf32, #tpu.memory_space<vmem_shared>> -> memref<32x128xf32, #tpu.memory_space<vmem_shared>>
      tpu.wait_dma2 semaphore(%run_scoped3A_163 : memref<!tpu.dma_semaphore, #tpu.memory_space<semaphore_mem>>) src(%arg7 : memref<32x128xf32, #tpu.memory_space<vmem>>) dst(%dma_wait3A_171 : memref<32x128xf32, #tpu.memory_space<vmem_shared>>)
      tpu.yield
    }) : () -> ()
    %mul3A_90 = arith.constant 640 : i32
    %mul3A_91 = arith.muli %arg1, %mul3A_90 : i32
    %add3A_92 = arith.constant 576 : i32
    %add3A_93 = arith.addi %mul3A_91, %add3A_92 : i32
    "tpu.region"() ({
      %run_scoped3A_163 = tpu.sem_alloc : memref<!tpu.dma_semaphore, #tpu.memory_space<semaphore_mem>>
      %dma_start3A_164 = arith.constant 0 : i32
      %dma_start3A_165 = tpu.memref_slice %arg11[%add3A_93, %dma_start3A_164] : memref<10240x128xf32, #tpu.memory_space<vmem_shared>> -> memref<32x128xf32, #tpu.memory_space<vmem_shared>>
      %dma_start3A_166 = arith.constant 0 : i32
      %dma_start3A_167 = tpu.memref_slice %arg11[%add3A_93, %dma_start3A_166] : memref<10240x128xf32, #tpu.memory_space<vmem_shared>> -> memref<32x128xf32, #tpu.memory_space<vmem_shared>>
      tpu.enqueue_dma source(%arg7 : memref<32x128xf32, #tpu.memory_space<vmem>>) target(%dma_start3A_167 : memref<32x128xf32, #tpu.memory_space<vmem_shared>>) target_semaphore(%run_scoped3A_163 : memref<!tpu.dma_semaphore, #tpu.memory_space<semaphore_mem>>)
      %dma_wait3A_168 = arith.constant 0 : i32
      %dma_wait3A_169 = tpu.memref_slice %arg11[%add3A_93, %dma_wait3A_168] : memref<10240x128xf32, #tpu.memory_space<vmem_shared>> -> memref<32x128xf32, #tpu.memory_space<vmem_shared>>
      %dma_wait3A_170 = arith.constant 0 : i32
      %dma_wait3A_171 = tpu.memref_slice %arg11[%add3A_93, %dma_wait3A_170] : memref<10240x128xf32, #tpu.memory_space<vmem_shared>> -> memref<32x128xf32, #tpu.memory_space<vmem_shared>>
      tpu.wait_dma2 semaphore(%run_scoped3A_163 : memref<!tpu.dma_semaphore, #tpu.memory_space<semaphore_mem>>) src(%arg7 : memref<32x128xf32, #tpu.memory_space<vmem>>) dst(%dma_wait3A_171 : memref<32x128xf32, #tpu.memory_space<vmem_shared>>)
      tpu.yield
    }) : () -> ()
    %mul3A_94 = arith.constant 640 : i32
    %mul3A_95 = arith.muli %arg1, %mul3A_94 : i32
    %add3A_96 = arith.constant 608 : i32
    %add3A_97 = arith.addi %mul3A_95, %add3A_96 : i32
    "tpu.region"() ({
      %run_scoped3A_163 = tpu.sem_alloc : memref<!tpu.dma_semaphore, #tpu.memory_space<semaphore_mem>>
      %dma_start3A_164 = arith.constant 0 : i32
      %dma_start3A_165 = tpu.memref_slice %arg11[%add3A_97, %dma_start3A_164] : memref<10240x128xf32, #tpu.memory_space<vmem_shared>> -> memref<32x128xf32, #tpu.memory_space<vmem_shared>>
      %dma_start3A_166 = arith.constant 0 : i32
      %dma_start3A_167 = tpu.memref_slice %arg11[%add3A_97, %dma_start3A_166] : memref<10240x128xf32, #tpu.memory_space<vmem_shared>> -> memref<32x128xf32, #tpu.memory_space<vmem_shared>>
      tpu.enqueue_dma source(%arg7 : memref<32x128xf32, #tpu.memory_space<vmem>>) target(%dma_start3A_167 : memref<32x128xf32, #tpu.memory_space<vmem_shared>>) target_semaphore(%run_scoped3A_163 : memref<!tpu.dma_semaphore, #tpu.memory_space<semaphore_mem>>)
      %dma_wait3A_168 = arith.constant 0 : i32
      %dma_wait3A_169 = tpu.memref_slice %arg11[%add3A_97, %dma_wait3A_168] : memref<10240x128xf32, #tpu.memory_space<vmem_shared>> -> memref<32x128xf32, #tpu.memory_space<vmem_shared>>
      %dma_wait3A_170 = arith.constant 0 : i32
      %dma_wait3A_171 = tpu.memref_slice %arg11[%add3A_97, %dma_wait3A_170] : memref<10240x128xf32, #tpu.memory_space<vmem_shared>> -> memref<32x128xf32, #tpu.memory_space<vmem_shared>>
      tpu.wait_dma2 semaphore(%run_scoped3A_163 : memref<!tpu.dma_semaphore, #tpu.memory_space<semaphore_mem>>) src(%arg7 : memref<32x128xf32, #tpu.memory_space<vmem>>) dst(%dma_wait3A_171 : memref<32x128xf32, #tpu.memory_space<vmem_shared>>)
      tpu.yield
    }) : () -> ()
    %barrier3A = arith.constant 0 : index
    tpu.barrier barrier_id(%barrier3A)
    %dma_start3A = arith.constant 0 : i32
    %dma_start3A_98 = arith.constant 0 : i32
    %dma_start3A_99 = tpu.memref_slice %arg5[%dma_start3A, %dma_start3A_98] : memref<322x32xi32, #tpu.memory_space<vmem>> -> memref<1x32xi32, #tpu.memory_space<vmem>>
    %dma_start3A_100 = tpu.memref_squeeze %dma_start3A_99 : memref<1x32xi32, #tpu.memory_space<vmem>> -> memref<32xi32, #tpu.memory_space<vmem>>
    %dma_start3A_101 = arith.constant 0 : i32
    %dma_start3A_102 = arith.constant 0 : i32
    %dma_start3A_103 = tpu.memref_slice %arg3[%dma_start3A_101, %dma_start3A_102] : memref<10240x128xf32, #tpu.memory_space<hbm>> -> memref<10240x128xf32, #tpu.memory_space<hbm>>
    tpu.enqueue_indirect_dma source(%dma_start3A_103 : memref<10240x128xf32, #tpu.memory_space<hbm>>) target(%arg7 : memref<32x128xf32, #tpu.memory_space<vmem>>) offsets(%dma_start3A_100 : memref<32xi32, #tpu.memory_space<vmem>>) semaphore(%arg12 : memref<!tpu.dma_semaphore, #tpu.memory_space<semaphore_mem>>)
    %dma_start3A_104 = arith.constant 1 : i32
    %dma_start3A_105 = arith.constant 0 : i32
    %dma_start3A_106 = tpu.memref_slice %arg5[%dma_start3A_104, %dma_start3A_105] : memref<322x32xi32, #tpu.memory_space<vmem>> -> memref<1x32xi32, #tpu.memory_space<vmem>>
    %dma_start3A_107 = tpu.memref_squeeze %dma_start3A_106 : memref<1x32xi32, #tpu.memory_space<vmem>> -> memref<32xi32, #tpu.memory_space<vmem>>
    %dma_start3A_108 = arith.constant 0 : i32
    %dma_start3A_109 = arith.constant 0 : i32
    %dma_start3A_110 = tpu.memref_slice %arg3[%dma_start3A_108, %dma_start3A_109] : memref<10240x128xf32, #tpu.memory_space<hbm>> -> memref<10240x128xf32, #tpu.memory_space<hbm>>
    tpu.enqueue_indirect_dma source(%dma_start3A_110 : memref<10240x128xf32, #tpu.memory_space<hbm>>) target(%arg8 : memref<32x128xf32, #tpu.memory_space<vmem>>) offsets(%dma_start3A_107 : memref<32xi32, #tpu.memory_space<vmem>>) semaphore(%arg13 : memref<!tpu.dma_semaphore, #tpu.memory_space<semaphore_mem>>)
    %dma_start3A_111 = arith.constant 0 : i32
    %dma_start3A_112 = arith.constant 0 : i32
    %dma_start3A_113 = tpu.memref_slice %arg6[%dma_start3A_111, %dma_start3A_112] : memref<320x32xi32, #tpu.memory_space<vmem>> -> memref<1x32xi32, #tpu.memory_space<vmem>>
    %dma_start3A_114 = tpu.memref_squeeze %dma_start3A_113 : memref<1x32xi32, #tpu.memory_space<vmem>> -> memref<32xi32, #tpu.memory_space<vmem>>
    %dma_start3A_115 = arith.constant 0 : i32
    %dma_start3A_116 = arith.constant 0 : i32
    %dma_start3A_117 = tpu.memref_slice %arg11[%dma_start3A_115, %dma_start3A_116] : memref<10240x128xf32, #tpu.memory_space<vmem_shared>> -> memref<10240x128xf32, #tpu.memory_space<vmem_shared>>
    tpu.enqueue_indirect_dma source(%arg9 : memref<32x128xf32, #tpu.memory_space<vmem>>) target(%dma_start3A_117 : memref<10240x128xf32, #tpu.memory_space<vmem_shared>>) offsets(%dma_start3A_114 : memref<32xi32, #tpu.memory_space<vmem>>) semaphore(%arg18 : memref<!tpu.dma_semaphore, #tpu.memory_space<semaphore_mem>>) {add = true}
    %dma_start3A_118 = arith.constant 0 : i32
    %dma_start3A_119 = arith.constant 0 : i32
    %dma_start3A_120 = tpu.memref_slice %arg6[%dma_start3A_118, %dma_start3A_119] : memref<320x32xi32, #tpu.memory_space<vmem>> -> memref<1x32xi32, #tpu.memory_space<vmem>>
    %dma_start3A_121 = tpu.memref_squeeze %dma_start3A_120 : memref<1x32xi32, #tpu.memory_space<vmem>> -> memref<32xi32, #tpu.memory_space<vmem>>
    %dma_start3A_122 = arith.constant 0 : i32
    %dma_start3A_123 = arith.constant 0 : i32
    %dma_start3A_124 = tpu.memref_slice %arg11[%dma_start3A_122, %dma_start3A_123] : memref<10240x128xf32, #tpu.memory_space<vmem_shared>> -> memref<10240x128xf32, #tpu.memory_space<vmem_shared>>
    tpu.enqueue_indirect_dma source(%arg10 : memref<32x128xf32, #tpu.memory_space<vmem>>) target(%dma_start3A_124 : memref<10240x128xf32, #tpu.memory_space<vmem_shared>>) offsets(%dma_start3A_121 : memref<32xi32, #tpu.memory_space<vmem>>) semaphore(%arg19 : memref<!tpu.dma_semaphore, #tpu.memory_space<semaphore_mem>>) {add = true}
    %scan3A_125 = arith.constant 0 : i32
    %scan3A_126 = arith.constant 0 : i32
    %scan3A_127 = arith.constant 80 : i32
    %scan3A_128 = arith.addi %scan3A_126, %scan3A_127 : i32
    %scan3A_129 = arith.constant 1 : i32
    scf.for %scan3A_163 = %scan3A_126 to %scan3A_128 step %scan3A_129  : i32 {
      %mul3A_164 = arith.constant 4 : i32
      %mul3A_165 = arith.muli %mul3A_164, %scan3A_163 : i32
      %dma_wait3A_166 = arith.constant 0 : i32
      %dma_wait3A_167 = arith.constant 0 : i32
      %dma_wait3A_168 = tpu.memref_slice %arg6[%dma_wait3A_166, %dma_wait3A_167] : memref<320x32xi32, #tpu.memory_space<vmem>> -> memref<1x32xi32, #tpu.memory_space<vmem>>
      %dma_wait3A_169 = tpu.memref_squeeze %dma_wait3A_168 : memref<1x32xi32, #tpu.memory_space<vmem>> -> memref<32xi32, #tpu.memory_space<vmem>>
      %dma_wait3A_170 = arith.constant 0 : i32
      %dma_wait3A_171 = arith.constant 0 : i32
      %dma_wait3A_172 = tpu.memref_slice %arg11[%dma_wait3A_170, %dma_wait3A_171] : memref<10240x128xf32, #tpu.memory_space<vmem_shared>> -> memref<10240x128xf32, #tpu.memory_space<vmem_shared>>
      tpu.wait_indirect_dma semaphore(%arg18 : memref<!tpu.dma_semaphore, #tpu.memory_space<semaphore_mem>>) src(%arg9 : memref<32x128xf32, #tpu.memory_space<vmem>>) dst(%dma_wait3A_172 : memref<10240x128xf32, #tpu.memory_space<vmem_shared>>)
      %add3A_173 = arith.constant 2 : i32
      %add3A_174 = arith.addi %mul3A_165, %add3A_173 : i32
      %dma_start3A_175 = arith.constant 0 : i32
      %dma_start3A_176 = tpu.memref_slice %arg5[%add3A_174, %dma_start3A_175] : memref<322x32xi32, #tpu.memory_space<vmem>> -> memref<1x32xi32, #tpu.memory_space<vmem>>
      %dma_start3A_177 = tpu.memref_squeeze %dma_start3A_176 : memref<1x32xi32, #tpu.memory_space<vmem>> -> memref<32xi32, #tpu.memory_space<vmem>>
      %dma_start3A_178 = arith.constant 0 : i32
      %dma_start3A_179 = arith.constant 0 : i32
      %dma_start3A_180 = tpu.memref_slice %arg3[%dma_start3A_178, %dma_start3A_179] : memref<10240x128xf32, #tpu.memory_space<hbm>> -> memref<10240x128xf32, #tpu.memory_space<hbm>>
      tpu.enqueue_indirect_dma source(%dma_start3A_180 : memref<10240x128xf32, #tpu.memory_space<hbm>>) target(%arg9 : memref<32x128xf32, #tpu.memory_space<vmem>>) offsets(%dma_start3A_177 : memref<32xi32, #tpu.memory_space<vmem>>) semaphore(%arg14 : memref<!tpu.dma_semaphore, #tpu.memory_space<semaphore_mem>>)
      %dma_wait3A_181 = arith.constant 0 : i32
      %dma_wait3A_182 = tpu.memref_slice %arg5[%mul3A_165, %dma_wait3A_181] : memref<322x32xi32, #tpu.memory_space<vmem>> -> memref<1x32xi32, #tpu.memory_space<vmem>>
      %dma_wait3A_183 = tpu.memref_squeeze %dma_wait3A_182 : memref<1x32xi32, #tpu.memory_space<vmem>> -> memref<32xi32, #tpu.memory_space<vmem>>
      %dma_wait3A_184 = arith.constant 0 : i32
      %dma_wait3A_185 = arith.constant 0 : i32
      %dma_wait3A_186 = tpu.memref_slice %arg3[%dma_wait3A_184, %dma_wait3A_185] : memref<10240x128xf32, #tpu.memory_space<hbm>> -> memref<10240x128xf32, #tpu.memory_space<hbm>>
      tpu.wait_indirect_dma semaphore(%arg12 : memref<!tpu.dma_semaphore, #tpu.memory_space<semaphore_mem>>) src(%dma_wait3A_186 : memref<10240x128xf32, #tpu.memory_space<hbm>>) dst(%arg7 : memref<32x128xf32, #tpu.memory_space<vmem>>)
      %dma_start3A_187 = arith.constant 0 : i32
      %dma_start3A_188 = tpu.memref_slice %arg6[%mul3A_165, %dma_start3A_187] : memref<320x32xi32, #tpu.memory_space<vmem>> -> memref<1x32xi32, #tpu.memory_space<vmem>>
      %dma_start3A_189 = tpu.memref_squeeze %dma_start3A_188 : memref<1x32xi32, #tpu.memory_space<vmem>> -> memref<32xi32, #tpu.memory_space<vmem>>
      %dma_start3A_190 = arith.constant 0 : i32
      %dma_start3A_191 = arith.constant 0 : i32
      %dma_start3A_192 = tpu.memref_slice %arg11[%dma_start3A_190, %dma_start3A_191] : memref<10240x128xf32, #tpu.memory_space<vmem_shared>> -> memref<10240x128xf32, #tpu.memory_space<vmem_shared>>
      tpu.enqueue_indirect_dma source(%arg7 : memref<32x128xf32, #tpu.memory_space<vmem>>) target(%dma_start3A_192 : memref<10240x128xf32, #tpu.memory_space<vmem_shared>>) offsets(%dma_start3A_189 : memref<32xi32, #tpu.memory_space<vmem>>) semaphore(%arg16 : memref<!tpu.dma_semaphore, #tpu.memory_space<semaphore_mem>>) {add = true}
      %add3A_193 = arith.constant 1 : i32
      %add3A_194 = arith.addi %mul3A_165, %add3A_193 : i32
      %dma_wait3A_195 = arith.constant 0 : i32
      %dma_wait3A_196 = arith.constant 0 : i32
      %dma_wait3A_197 = tpu.memref_slice %arg6[%dma_wait3A_195, %dma_wait3A_196] : memref<320x32xi32, #tpu.memory_space<vmem>> -> memref<1x32xi32, #tpu.memory_space<vmem>>
      %dma_wait3A_198 = tpu.memref_squeeze %dma_wait3A_197 : memref<1x32xi32, #tpu.memory_space<vmem>> -> memref<32xi32, #tpu.memory_space<vmem>>
      %dma_wait3A_199 = arith.constant 0 : i32
      %dma_wait3A_200 = arith.constant 0 : i32
      %dma_wait3A_201 = tpu.memref_slice %arg11[%dma_wait3A_199, %dma_wait3A_200] : memref<10240x128xf32, #tpu.memory_space<vmem_shared>> -> memref<10240x128xf32, #tpu.memory_space<vmem_shared>>
      tpu.wait_indirect_dma semaphore(%arg19 : memref<!tpu.dma_semaphore, #tpu.memory_space<semaphore_mem>>) src(%arg10 : memref<32x128xf32, #tpu.memory_space<vmem>>) dst(%dma_wait3A_201 : memref<10240x128xf32, #tpu.memory_space<vmem_shared>>)
      %add3A_202 = arith.constant 2 : i32
      %add3A_203 = arith.addi %add3A_194, %add3A_202 : i32
      %dma_start3A_204 = arith.constant 0 : i32
      %dma_start3A_205 = tpu.memref_slice %arg5[%add3A_203, %dma_start3A_204] : memref<322x32xi32, #tpu.memory_space<vmem>> -> memref<1x32xi32, #tpu.memory_space<vmem>>
      %dma_start3A_206 = tpu.memref_squeeze %dma_start3A_205 : memref<1x32xi32, #tpu.memory_space<vmem>> -> memref<32xi32, #tpu.memory_space<vmem>>
      %dma_start3A_207 = arith.constant 0 : i32
      %dma_start3A_208 = arith.constant 0 : i32
      %dma_start3A_209 = tpu.memref_slice %arg3[%dma_start3A_207, %dma_start3A_208] : memref<10240x128xf32, #tpu.memory_space<hbm>> -> memref<10240x128xf32, #tpu.memory_space<hbm>>
      tpu.enqueue_indirect_dma source(%dma_start3A_209 : memref<10240x128xf32, #tpu.memory_space<hbm>>) target(%arg10 : memref<32x128xf32, #tpu.memory_space<vmem>>) offsets(%dma_start3A_206 : memref<32xi32, #tpu.memory_space<vmem>>) semaphore(%arg15 : memref<!tpu.dma_semaphore, #tpu.memory_space<semaphore_mem>>)
      %dma_wait3A_210 = arith.constant 0 : i32
      %dma_wait3A_211 = tpu.memref_slice %arg5[%add3A_194, %dma_wait3A_210] : memref<322x32xi32, #tpu.memory_space<vmem>> -> memref<1x32xi32, #tpu.memory_space<vmem>>
      %dma_wait3A_212 = tpu.memref_squeeze %dma_wait3A_211 : memref<1x32xi32, #tpu.memory_space<vmem>> -> memref<32xi32, #tpu.memory_space<vmem>>
      %dma_wait3A_213 = arith.constant 0 : i32
      %dma_wait3A_214 = arith.constant 0 : i32
      %dma_wait3A_215 = tpu.memref_slice %arg3[%dma_wait3A_213, %dma_wait3A_214] : memref<10240x128xf32, #tpu.memory_space<hbm>> -> memref<10240x128xf32, #tpu.memory_space<hbm>>
      tpu.wait_indirect_dma semaphore(%arg13 : memref<!tpu.dma_semaphore, #tpu.memory_space<semaphore_mem>>) src(%dma_wait3A_215 : memref<10240x128xf32, #tpu.memory_space<hbm>>) dst(%arg8 : memref<32x128xf32, #tpu.memory_space<vmem>>)
      %dma_start3A_216 = arith.constant 0 : i32
      %dma_start3A_217 = tpu.memref_slice %arg6[%add3A_194, %dma_start3A_216] : memref<320x32xi32, #tpu.memory_space<vmem>> -> memref<1x32xi32, #tpu.memory_space<vmem>>
      %dma_start3A_218 = tpu.memref_squeeze %dma_start3A_217 : memref<1x32xi32, #tpu.memory_space<vmem>> -> memref<32xi32, #tpu.memory_space<vmem>>
      %dma_start3A_219 = arith.constant 0 : i32
      %dma_start3A_220 = arith.constant 0 : i32
      %dma_start3A_221 = tpu.memref_slice %arg11[%dma_start3A_219, %dma_start3A_220] : memref<10240x128xf32, #tpu.memory_space<vmem_shared>> -> memref<10240x128xf32, #tpu.memory_space<vmem_shared>>
      tpu.enqueue_indirect_dma source(%arg8 : memref<32x128xf32, #tpu.memory_space<vmem>>) target(%dma_start3A_221 : memref<10240x128xf32, #tpu.memory_space<vmem_shared>>) offsets(%dma_start3A_218 : memref<32xi32, #tpu.memory_space<vmem>>) semaphore(%arg17 : memref<!tpu.dma_semaphore, #tpu.memory_space<semaphore_mem>>) {add = true}
      %add3A_222 = arith.constant 2 : i32
      %add3A_223 = arith.addi %mul3A_165, %add3A_222 : i32
      %dma_wait3A_224 = arith.constant 0 : i32
      %dma_wait3A_225 = arith.constant 0 : i32
      %dma_wait3A_226 = tpu.memref_slice %arg6[%dma_wait3A_224, %dma_wait3A_225] : memref<320x32xi32, #tpu.memory_space<vmem>> -> memref<1x32xi32, #tpu.memory_space<vmem>>
      %dma_wait3A_227 = tpu.memref_squeeze %dma_wait3A_226 : memref<1x32xi32, #tpu.memory_space<vmem>> -> memref<32xi32, #tpu.memory_space<vmem>>
      %dma_wait3A_228 = arith.constant 0 : i32
      %dma_wait3A_229 = arith.constant 0 : i32
      %dma_wait3A_230 = tpu.memref_slice %arg11[%dma_wait3A_228, %dma_wait3A_229] : memref<10240x128xf32, #tpu.memory_space<vmem_shared>> -> memref<10240x128xf32, #tpu.memory_space<vmem_shared>>
      tpu.wait_indirect_dma semaphore(%arg16 : memref<!tpu.dma_semaphore, #tpu.memory_space<semaphore_mem>>) src(%arg7 : memref<32x128xf32, #tpu.memory_space<vmem>>) dst(%dma_wait3A_230 : memref<10240x128xf32, #tpu.memory_space<vmem_shared>>)
      %add3A_231 = arith.constant 2 : i32
      %add3A_232 = arith.addi %add3A_223, %add3A_231 : i32
      %dma_start3A_233 = arith.constant 0 : i32
      %dma_start3A_234 = tpu.memref_slice %arg5[%add3A_232, %dma_start3A_233] : memref<322x32xi32, #tpu.memory_space<vmem>> -> memref<1x32xi32, #tpu.memory_space<vmem>>
      %dma_start3A_235 = tpu.memref_squeeze %dma_start3A_234 : memref<1x32xi32, #tpu.memory_space<vmem>> -> memref<32xi32, #tpu.memory_space<vmem>>
      %dma_start3A_236 = arith.constant 0 : i32
      %dma_start3A_237 = arith.constant 0 : i32
      %dma_start3A_238 = tpu.memref_slice %arg3[%dma_start3A_236, %dma_start3A_237] : memref<10240x128xf32, #tpu.memory_space<hbm>> -> memref<10240x128xf32, #tpu.memory_space<hbm>>
      tpu.enqueue_indirect_dma source(%dma_start3A_238 : memref<10240x128xf32, #tpu.memory_space<hbm>>) target(%arg7 : memref<32x128xf32, #tpu.memory_space<vmem>>) offsets(%dma_start3A_235 : memref<32xi32, #tpu.memory_space<vmem>>) semaphore(%arg12 : memref<!tpu.dma_semaphore, #tpu.memory_space<semaphore_mem>>)
      %dma_wait3A_239 = arith.constant 0 : i32
      %dma_wait3A_240 = tpu.memref_slice %arg5[%add3A_223, %dma_wait3A_239] : memref<322x32xi32, #tpu.memory_space<vmem>> -> memref<1x32xi32, #tpu.memory_space<vmem>>
      %dma_wait3A_241 = tpu.memref_squeeze %dma_wait3A_240 : memref<1x32xi32, #tpu.memory_space<vmem>> -> memref<32xi32, #tpu.memory_space<vmem>>
      %dma_wait3A_242 = arith.constant 0 : i32
      %dma_wait3A_243 = arith.constant 0 : i32
      %dma_wait3A_244 = tpu.memref_slice %arg3[%dma_wait3A_242, %dma_wait3A_243] : memref<10240x128xf32, #tpu.memory_space<hbm>> -> memref<10240x128xf32, #tpu.memory_space<hbm>>
      tpu.wait_indirect_dma semaphore(%arg14 : memref<!tpu.dma_semaphore, #tpu.memory_space<semaphore_mem>>) src(%dma_wait3A_244 : memref<10240x128xf32, #tpu.memory_space<hbm>>) dst(%arg9 : memref<32x128xf32, #tpu.memory_space<vmem>>)
      %dma_start3A_245 = arith.constant 0 : i32
      %dma_start3A_246 = tpu.memref_slice %arg6[%add3A_223, %dma_start3A_245] : memref<320x32xi32, #tpu.memory_space<vmem>> -> memref<1x32xi32, #tpu.memory_space<vmem>>
      %dma_start3A_247 = tpu.memref_squeeze %dma_start3A_246 : memref<1x32xi32, #tpu.memory_space<vmem>> -> memref<32xi32, #tpu.memory_space<vmem>>
      %dma_start3A_248 = arith.constant 0 : i32
      %dma_start3A_249 = arith.constant 0 : i32
      %dma_start3A_250 = tpu.memref_slice %arg11[%dma_start3A_248, %dma_start3A_249] : memref<10240x128xf32, #tpu.memory_space<vmem_shared>> -> memref<10240x128xf32, #tpu.memory_space<vmem_shared>>
      tpu.enqueue_indirect_dma source(%arg9 : memref<32x128xf32, #tpu.memory_space<vmem>>) target(%dma_start3A_250 : memref<10240x128xf32, #tpu.memory_space<vmem_shared>>) offsets(%dma_start3A_247 : memref<32xi32, #tpu.memory_space<vmem>>) semaphore(%arg18 : memref<!tpu.dma_semaphore, #tpu.memory_space<semaphore_mem>>) {add = true}
      %add3A_251 = arith.constant 3 : i32
      %add3A_252 = arith.addi %mul3A_165, %add3A_251 : i32
      %dma_wait3A_253 = arith.constant 0 : i32
      %dma_wait3A_254 = arith.constant 0 : i32
      %dma_wait3A_255 = tpu.memref_slice %arg6[%dma_wait3A_253, %dma_wait3A_254] : memref<320x32xi32, #tpu.memory_space<vmem>> -> memref<1x32xi32, #tpu.memory_space<vmem>>
      %dma_wait3A_256 = tpu.memref_squeeze %dma_wait3A_255 : memref<1x32xi32, #tpu.memory_space<vmem>> -> memref<32xi32, #tpu.memory_space<vmem>>
      %dma_wait3A_257 = arith.constant 0 : i32
      %dma_wait3A_258 = arith.constant 0 : i32
      %dma_wait3A_259 = tpu.memref_slice %arg11[%dma_wait3A_257, %dma_wait3A_258] : memref<10240x128xf32, #tpu.memory_space<vmem_shared>> -> memref<10240x128xf32, #tpu.memory_space<vmem_shared>>
      tpu.wait_indirect_dma semaphore(%arg17 : memref<!tpu.dma_semaphore, #tpu.memory_space<semaphore_mem>>) src(%arg8 : memref<32x128xf32, #tpu.memory_space<vmem>>) dst(%dma_wait3A_259 : memref<10240x128xf32, #tpu.memory_space<vmem_shared>>)
      %add3A_260 = arith.constant 2 : i32
      %add3A_261 = arith.addi %add3A_252, %add3A_260 : i32
      %dma_start3A_262 = arith.constant 0 : i32
      %dma_start3A_263 = tpu.memref_slice %arg5[%add3A_261, %dma_start3A_262] : memref<322x32xi32, #tpu.memory_space<vmem>> -> memref<1x32xi32, #tpu.memory_space<vmem>>
      %dma_start3A_264 = tpu.memref_squeeze %dma_start3A_263 : memref<1x32xi32, #tpu.memory_space<vmem>> -> memref<32xi32, #tpu.memory_space<vmem>>
      %dma_start3A_265 = arith.constant 0 : i32
      %dma_start3A_266 = arith.constant 0 : i32
      %dma_start3A_267 = tpu.memref_slice %arg3[%dma_start3A_265, %dma_start3A_266] : memref<10240x128xf32, #tpu.memory_space<hbm>> -> memref<10240x128xf32, #tpu.memory_space<hbm>>
      tpu.enqueue_indirect_dma source(%dma_start3A_267 : memref<10240x128xf32, #tpu.memory_space<hbm>>) target(%arg8 : memref<32x128xf32, #tpu.memory_space<vmem>>) offsets(%dma_start3A_264 : memref<32xi32, #tpu.memory_space<vmem>>) semaphore(%arg13 : memref<!tpu.dma_semaphore, #tpu.memory_space<semaphore_mem>>)
      %dma_wait3A_268 = arith.constant 0 : i32
      %dma_wait3A_269 = tpu.memref_slice %arg5[%add3A_252, %dma_wait3A_268] : memref<322x32xi32, #tpu.memory_space<vmem>> -> memref<1x32xi32, #tpu.memory_space<vmem>>
      %dma_wait3A_270 = tpu.memref_squeeze %dma_wait3A_269 : memref<1x32xi32, #tpu.memory_space<vmem>> -> memref<32xi32, #tpu.memory_space<vmem>>
      %dma_wait3A_271 = arith.constant 0 : i32
      %dma_wait3A_272 = arith.constant 0 : i32
      %dma_wait3A_273 = tpu.memref_slice %arg3[%dma_wait3A_271, %dma_wait3A_272] : memref<10240x128xf32, #tpu.memory_space<hbm>> -> memref<10240x128xf32, #tpu.memory_space<hbm>>
      tpu.wait_indirect_dma semaphore(%arg15 : memref<!tpu.dma_semaphore, #tpu.memory_space<semaphore_mem>>) src(%dma_wait3A_273 : memref<10240x128xf32, #tpu.memory_space<hbm>>) dst(%arg10 : memref<32x128xf32, #tpu.memory_space<vmem>>)
      %dma_start3A_274 = arith.constant 0 : i32
      %dma_start3A_275 = tpu.memref_slice %arg6[%add3A_252, %dma_start3A_274] : memref<320x32xi32, #tpu.memory_space<vmem>> -> memref<1x32xi32, #tpu.memory_space<vmem>>
      %dma_start3A_276 = tpu.memref_squeeze %dma_start3A_275 : memref<1x32xi32, #tpu.memory_space<vmem>> -> memref<32xi32, #tpu.memory_space<vmem>>
      %dma_start3A_277 = arith.constant 0 : i32
      %dma_start3A_278 = arith.constant 0 : i32
      %dma_start3A_279 = tpu.memref_slice %arg11[%dma_start3A_277, %dma_start3A_278] : memref<10240x128xf32, #tpu.memory_space<vmem_shared>> -> memref<10240x128xf32, #tpu.memory_space<vmem_shared>>
      tpu.enqueue_indirect_dma source(%arg10 : memref<32x128xf32, #tpu.memory_space<vmem>>) target(%dma_start3A_279 : memref<10240x128xf32, #tpu.memory_space<vmem_shared>>) offsets(%dma_start3A_276 : memref<32xi32, #tpu.memory_space<vmem>>) semaphore(%arg19 : memref<!tpu.dma_semaphore, #tpu.memory_space<semaphore_mem>>) {add = true}
    }
    %scan3A_130 = arith.constant 80 : i32
    %dma_wait3A = arith.constant 0 : i32
    %dma_wait3A_131 = arith.constant 0 : i32
    %dma_wait3A_132 = tpu.memref_slice %arg6[%dma_wait3A, %dma_wait3A_131] : memref<320x32xi32, #tpu.memory_space<vmem>> -> memref<1x32xi32, #tpu.memory_space<vmem>>
    %dma_wait3A_133 = tpu.memref_squeeze %dma_wait3A_132 : memref<1x32xi32, #tpu.memory_space<vmem>> -> memref<32xi32, #tpu.memory_space<vmem>>
    %dma_wait3A_134 = arith.constant 0 : i32
    %dma_wait3A_135 = arith.constant 0 : i32
    %dma_wait3A_136 = tpu.memref_slice %arg11[%dma_wait3A_134, %dma_wait3A_135] : memref<10240x128xf32, #tpu.memory_space<vmem_shared>> -> memref<10240x128xf32, #tpu.memory_space<vmem_shared>>
    tpu.wait_indirect_dma semaphore(%arg18 : memref<!tpu.dma_semaphore, #tpu.memory_space<semaphore_mem>>) src(%arg9 : memref<32x128xf32, #tpu.memory_space<vmem>>) dst(%dma_wait3A_136 : memref<10240x128xf32, #tpu.memory_space<vmem_shared>>)
    %dma_wait3A_137 = arith.constant 0 : i32
    %dma_wait3A_138 = arith.constant 0 : i32
    %dma_wait3A_139 = tpu.memref_slice %arg6[%dma_wait3A_137, %dma_wait3A_138] : memref<320x32xi32, #tpu.memory_space<vmem>> -> memref<1x32xi32, #tpu.memory_space<vmem>>
    %dma_wait3A_140 = tpu.memref_squeeze %dma_wait3A_139 : memref<1x32xi32, #tpu.memory_space<vmem>> -> memref<32xi32, #tpu.memory_space<vmem>>
    %dma_wait3A_141 = arith.constant 0 : i32
    %dma_wait3A_142 = arith.constant 0 : i32
    %dma_wait3A_143 = tpu.memref_slice %arg11[%dma_wait3A_141, %dma_wait3A_142] : memref<10240x128xf32, #tpu.memory_space<vmem_shared>> -> memref<10240x128xf32, #tpu.memory_space<vmem_shared>>
    tpu.wait_indirect_dma semaphore(%arg19 : memref<!tpu.dma_semaphore, #tpu.memory_space<semaphore_mem>>) src(%arg10 : memref<32x128xf32, #tpu.memory_space<vmem>>) dst(%dma_wait3A_143 : memref<10240x128xf32, #tpu.memory_space<vmem_shared>>)
    %dma_wait3A_144 = arith.constant 0 : i32
    %dma_wait3A_145 = arith.constant 0 : i32
    %dma_wait3A_146 = tpu.memref_slice %arg5[%dma_wait3A_144, %dma_wait3A_145] : memref<322x32xi32, #tpu.memory_space<vmem>> -> memref<1x32xi32, #tpu.memory_space<vmem>>
    %dma_wait3A_147 = tpu.memref_squeeze %dma_wait3A_146 : memref<1x32xi32, #tpu.memory_space<vmem>> -> memref<32xi32, #tpu.memory_space<vmem>>
    %dma_wait3A_148 = arith.constant 0 : i32
    %dma_wait3A_149 = arith.constant 0 : i32
    %dma_wait3A_150 = tpu.memref_slice %arg3[%dma_wait3A_148, %dma_wait3A_149] : memref<10240x128xf32, #tpu.memory_space<hbm>> -> memref<10240x128xf32, #tpu.memory_space<hbm>>
    tpu.wait_indirect_dma semaphore(%arg12 : memref<!tpu.dma_semaphore, #tpu.memory_space<semaphore_mem>>) src(%dma_wait3A_150 : memref<10240x128xf32, #tpu.memory_space<hbm>>) dst(%arg7 : memref<32x128xf32, #tpu.memory_space<vmem>>)
    %dma_wait3A_151 = arith.constant 1 : i32
    %dma_wait3A_152 = arith.constant 0 : i32
    %dma_wait3A_153 = tpu.memref_slice %arg5[%dma_wait3A_151, %dma_wait3A_152] : memref<322x32xi32, #tpu.memory_space<vmem>> -> memref<1x32xi32, #tpu.memory_space<vmem>>
    %dma_wait3A_154 = tpu.memref_squeeze %dma_wait3A_153 : memref<1x32xi32, #tpu.memory_space<vmem>> -> memref<32xi32, #tpu.memory_space<vmem>>
    %dma_wait3A_155 = arith.constant 0 : i32
    %dma_wait3A_156 = arith.constant 0 : i32
    %dma_wait3A_157 = tpu.memref_slice %arg3[%dma_wait3A_155, %dma_wait3A_156] : memref<10240x128xf32, #tpu.memory_space<hbm>> -> memref<10240x128xf32, #tpu.memory_space<hbm>>
    tpu.wait_indirect_dma semaphore(%arg13 : memref<!tpu.dma_semaphore, #tpu.memory_space<semaphore_mem>>) src(%dma_wait3A_157 : memref<10240x128xf32, #tpu.memory_space<hbm>>) dst(%arg8 : memref<32x128xf32, #tpu.memory_space<vmem>>)
    %barrier3A_158 = arith.constant 0 : index
    tpu.barrier barrier_id(%barrier3A_158)
    %mul3A_159 = arith.constant 640 : i32
    %mul3A_160 = arith.muli %arg1, %mul3A_159 : i32
    %mul3A_161 = arith.constant 640 : i32
    %mul3A_162 = arith.muli %arg1, %mul3A_161 : i32
    "tpu.region"() ({
      %run_scoped3A_163 = tpu.sem_alloc : memref<!tpu.dma_semaphore, #tpu.memory_space<semaphore_mem>>
      %dma_start3A_164 = arith.constant 0 : i32
      %dma_start3A_165 = tpu.memref_slice %arg4[%arg0, %mul3A_162, %dma_start3A_164] : memref<2x10240x128xf32, #tpu.memory_space<hbm>> -> memref<1x640x128xf32, #tpu.memory_space<hbm>>
      %dma_start3A_166 = tpu.memref_squeeze %dma_start3A_165 : memref<1x640x128xf32, #tpu.memory_space<hbm>> -> memref<640x128xf32, #tpu.memory_space<hbm>>
      %dma_start3A_167 = arith.constant 0 : i32
      %dma_start3A_168 = tpu.memref_slice %arg11[%mul3A_160, %dma_start3A_167] : memref<10240x128xf32, #tpu.memory_space<vmem_shared>> -> memref<640x128xf32, #tpu.memory_space<vmem_shared>>
      tpu.enqueue_dma source(%dma_start3A_168 : memref<640x128xf32, #tpu.memory_space<vmem_shared>>) target(%dma_start3A_166 : memref<640x128xf32, #tpu.memory_space<hbm>>) target_semaphore(%run_scoped3A_163 : memref<!tpu.dma_semaphore, #tpu.memory_space<semaphore_mem>>)
      %dma_wait3A_169 = arith.constant 0 : i32
      %dma_wait3A_170 = tpu.memref_slice %arg4[%arg0, %mul3A_162, %dma_wait3A_169] : memref<2x10240x128xf32, #tpu.memory_space<hbm>> -> memref<1x640x128xf32, #tpu.memory_space<hbm>>
      %dma_wait3A_171 = tpu.memref_squeeze %dma_wait3A_170 : memref<1x640x128xf32, #tpu.memory_space<hbm>> -> memref<640x128xf32, #tpu.memory_space<hbm>>
      %dma_wait3A_172 = arith.constant 0 : i32
      %dma_wait3A_173 = tpu.memref_slice %arg11[%mul3A_160, %dma_wait3A_172] : memref<10240x128xf32, #tpu.memory_space<vmem_shared>> -> memref<640x128xf32, #tpu.memory_space<vmem_shared>>
      tpu.wait_dma2 semaphore(%run_scoped3A_163 : memref<!tpu.dma_semaphore, #tpu.memory_space<semaphore_mem>>) src(%dma_wait3A_173 : memref<640x128xf32, #tpu.memory_space<vmem_shared>>) dst(%dma_wait3A_171 : memref<640x128xf32, #tpu.memory_space<hbm>>)
      tpu.yield
    }) : () -> ()
    return
  }
}

#map = affine_map<(d0, d1) -> (0, 0, 0)>
#map1 = affine_map<(d0, d1) -> (0, 0)>
module attributes {stable_mosaic.version = 14 : i64} {
  func.func @body(%arg0: i32, %arg1: i32, %arg2: memref<2x10240x32xi32, #tpu.memory_space<hbm>>, %arg3: memref<10240x128xf32, #tpu.memory_space<hbm>>, %arg4: memref<2x10240x128xf32, #tpu.memory_space<hbm>>, %arg5: memref<322x32xi32, #tpu.memory_space<vmem>>, %arg6: memref<320x32xi32, #tpu.memory_space<vmem>>, %arg7: memref<32x128xf32, #tpu.memory_space<vmem>>, %arg8: memref<32x128xf32, #tpu.memory_space<vmem>>, %arg9: memref<32x128xf32, #tpu.memory_space<vmem>>, %arg10: memref<32x128xf32, #tpu.memory_space<vmem>>, %arg11: memref<10240x128xf32, #tpu.memory_space<vmem_shared>>, %arg12: memref<!tpu.dma_semaphore, #tpu.memory_space<semaphore_mem>>, %arg13: memref<!tpu.dma_semaphore, #tpu.memory_space<semaphore_mem>>, %arg14: memref<!tpu.dma_semaphore, #tpu.memory_space<semaphore_mem>>, %arg15: memref<!tpu.dma_semaphore, #tpu.memory_space<semaphore_mem>>, %arg16: memref<!tpu.dma_semaphore, #tpu.memory_space<semaphore_mem>>, %arg17: memref<!tpu.dma_semaphore, #tpu.memory_space<semaphore_mem>>, %arg18: memref<!tpu.dma_semaphore, #tpu.memory_space<semaphore_mem>>, %arg19: memref<!tpu.dma_semaphore, #tpu.memory_space<semaphore_mem>>) attributes {dimension_semantics = [#tpu.dimension_semantics<core_parallel>, #tpu.dimension_semantics<subcore_parallel>], iteration_bounds = array<i64: 2, 16>, scalar_prefetch = 0 : i64, scratch_operands = 15 : i64, tpu.core_type = #tpu.core_type<sc_vector_subcore>, window_params = [{transform_indices = #map}, {transform_indices = #map1}, {transform_indices = #map}]} {
    %mul3A = arith.constant 16 : i32
    %mul3A_0 = arith.muli %arg0, %mul3A : i32
    %add3A = arith.addi %mul3A_0, %arg1 : i32
    %mul3A_1 = arith.constant 320 : i32
    %mul3A_2 = arith.muli %add3A, %mul3A_1 : i32
    %run_scoped3A = arith.constant 0 : i32
    "tpu.region"() ({
      %run_scoped3A_163 = tpu.sem_alloc : memref<!tpu.dma_semaphore, #tpu.memory_space<semaphore_mem>>
      %dma_start3A_164 = arith.constant 0 : i32
      %dma_start3A_165 = arith.constant 0 : i32
      %dma_start3A_166 = tpu.memref_slice %arg5[%dma_start3A_164, %dma_start3A_165] : memref<322x32xi32, #tpu.memory_space<vmem>> -> memref<320x32xi32, #tpu.memory_space<vmem>>
      %dma_start3A_167 = arith.constant 0 : i32
      %dma_start3A_168 = tpu.memref_slice %arg2[%run_scoped3A, %mul3A_2, %dma_start3A_167] : memref<2x10240x32xi32, #tpu.memory_space<hbm>> -> memref<1x320x32xi32, #tpu.memory_space<hbm>>
      %dma_start3A_169 = tpu.memref_squeeze %dma_start3A_168 : memref<1x320x32xi32, #tpu.memory_space<hbm>> -> memref<320x32xi32, #tpu.memory_space<hbm>>
      %dma_start3A_170 = arith.constant 0 : i32
      %dma_start3A_171 = arith.constant 0 : i32
      %dma_start3A_172 = tpu.memref_slice %arg5[%dma_start3A_170, %dma_start3A_171] : memref<322x32xi32, #tpu.memory_space<vmem>> -> memref<320x32xi32, #tpu.memory_space<vmem>>
      %dma_start3A_173 = arith.constant 0 : i32
      %dma_start3A_174 = tpu.memref_slice %arg2[%run_scoped3A, %mul3A_2, %dma_start3A_173] : memref<2x10240x32xi32, #tpu.memory_space<hbm>> -> memref<1x320x32xi32, #tpu.memory_space<hbm>>
      %dma_start3A_175 = tpu.memref_squeeze %dma_start3A_174 : memref<1x320x32xi32, #tpu.memory_space<hbm>> -> memref<320x32xi32, #tpu.memory_space<hbm>>
      tpu.enqueue_dma source(%dma_start3A_175 : memref<320x32xi32, #tpu.memory_space<hbm>>) target(%dma_start3A_172 : memref<320x32xi32, #tpu.memory_space<vmem>>) target_semaphore(%run_scoped3A_163 : memref<!tpu.dma_semaphore, #tpu.memory_space<semaphore_mem>>)
      %dma_wait3A_176 = arith.constant 0 : i32
      %dma_wait3A_177 = arith.constant 0 : i32
      %dma_wait3A_178 = tpu.memref_slice %arg5[%dma_wait3A_176, %dma_wait3A_177] : memref<322x32xi32, #tpu.memory_space<vmem>> -> memref<320x32xi32, #tpu.memory_space<vmem>>
      %dma_wait3A_179 = arith.constant 0 : i32
      %dma_wait3A_180 = tpu.memref_slice %arg2[%run_scoped3A, %mul3A_2, %dma_wait3A_179] : memref<2x10240x32xi32, #tpu.memory_space<hbm>> -> memref<1x320x32xi32, #tpu.memory_space<hbm>>
      %dma_wait3A_181 = tpu.memref_squeeze %dma_wait3A_180 : memref<1x320x32xi32, #tpu.memory_space<hbm>> -> memref<320x32xi32, #tpu.memory_space<hbm>>
      %dma_wait3A_182 = arith.constant 0 : i32
      %dma_wait3A_183 = arith.constant 0 : i32
      %dma_wait3A_184 = tpu.memref_slice %arg5[%dma_wait3A_182, %dma_wait3A_183] : memref<322x32xi32, #tpu.memory_space<vmem>> -> memref<320x32xi32, #tpu.memory_space<vmem>>
      %dma_wait3A_185 = arith.constant 0 : i32
      %dma_wait3A_186 = tpu.memref_slice %arg2[%run_scoped3A, %mul3A_2, %dma_wait3A_185] : memref<2x10240x32xi32, #tpu.memory_space<hbm>> -> memref<1x320x32xi32, #tpu.memory_space<hbm>>
      %dma_wait3A_187 = tpu.memref_squeeze %dma_wait3A_186 : memref<1x320x32xi32, #tpu.memory_space<hbm>> -> memref<320x32xi32, #tpu.memory_space<hbm>>
      tpu.wait_dma2 semaphore(%run_scoped3A_163 : memref<!tpu.dma_semaphore, #tpu.memory_space<semaphore_mem>>) src(%dma_wait3A_187 : memref<320x32xi32, #tpu.memory_space<hbm>>) dst(%dma_wait3A_184 : memref<320x32xi32, #tpu.memory_space<vmem>>)
      tpu.yield
    }) : () -> ()
    %mul3A_3 = arith.constant 320 : i32
    %mul3A_4 = arith.muli %add3A, %mul3A_3 : i32
    %run_scoped3A_5 = arith.constant 0 : i32
    "tpu.region"() ({
      %run_scoped3A_163 = tpu.sem_alloc : memref<!tpu.dma_semaphore, #tpu.memory_space<semaphore_mem>>
      %dma_start3A_164 = arith.constant 320 : i32
      %dma_start3A_165 = arith.constant 0 : i32
      %dma_start3A_166 = tpu.memref_slice %arg5[%dma_start3A_164, %dma_start3A_165] : memref<322x32xi32, #tpu.memory_space<vmem>> -> memref<1x32xi32, #tpu.memory_space<vmem>>
      %dma_start3A_167 = arith.constant 0 : i32
      %dma_start3A_168 = tpu.memref_slice %arg2[%run_scoped3A_5, %mul3A_4, %dma_start3A_167] : memref<2x10240x32xi32, #tpu.memory_space<hbm>> -> memref<1x1x32xi32, #tpu.memory_space<hbm>>
      %dma_start3A_169 = tpu.memref_squeeze %dma_start3A_168 : memref<1x1x32xi32, #tpu.memory_space<hbm>> -> memref<1x32xi32, #tpu.memory_space<hbm>>
      %dma_start3A_170 = arith.constant 320 : i32
      %dma_start3A_171 = arith.constant 0 : i32
      %dma_start3A_172 = tpu.memref_slice %arg5[%dma_start3A_170, %dma_start3A_171] : memref<322x32xi32, #tpu.memory_space<vmem>> -> memref<1x32xi32, #tpu.memory_space<vmem>>
      %dma_start3A_173 = arith.constant 0 : i32
      %dma_start3A_174 = tpu.memref_slice %arg2[%run_scoped3A_5, %mul3A_4, %dma_start3A_173] : memref<2x10240x32xi32, #tpu.memory_space<hbm>> -> memref<1x1x32xi32, #tpu.memory_space<hbm>>
      %dma_start3A_175 = tpu.memref_squeeze %dma_start3A_174 : memref<1x1x32xi32, #tpu.memory_space<hbm>> -> memref<1x32xi32, #tpu.memory_space<hbm>>
      tpu.enqueue_dma source(%dma_start3A_175 : memref<1x32xi32, #tpu.memory_space<hbm>>) target(%dma_start3A_172 : memref<1x32xi32, #tpu.memory_space<vmem>>) target_semaphore(%run_scoped3A_163 : memref<!tpu.dma_semaphore, #tpu.memory_space<semaphore_mem>>)
      %dma_wait3A_176 = arith.constant 320 : i32
      %dma_wait3A_177 = arith.constant 0 : i32
      %dma_wait3A_178 = tpu.memref_slice %arg5[%dma_wait3A_176, %dma_wait3A_177] : memref<322x32xi32, #tpu.memory_space<vmem>> -> memref<1x32xi32, #tpu.memory_space<vmem>>
      %dma_wait3A_179 = arith.constant 0 : i32
      %dma_wait3A_180 = tpu.memref_slice %arg2[%run_scoped3A_5, %mul3A_4, %dma_wait3A_179] : memref<2x10240x32xi32, #tpu.memory_space<hbm>> -> memref<1x1x32xi32, #tpu.memory_space<hbm>>
      %dma_wait3A_181 = tpu.memref_squeeze %dma_wait3A_180 : memref<1x1x32xi32, #tpu.memory_space<hbm>> -> memref<1x32xi32, #tpu.memory_space<hbm>>
      %dma_wait3A_182 = arith.constant 320 : i32
      %dma_wait3A_183 = arith.constant 0 : i32
      %dma_wait3A_184 = tpu.memref_slice %arg5[%dma_wait3A_182, %dma_wait3A_183] : memref<322x32xi32, #tpu.memory_space<vmem>> -> memref<1x32xi32, #tpu.memory_space<vmem>>
      %dma_wait3A_185 = arith.constant 0 : i32
      %dma_wait3A_186 = tpu.memref_slice %arg2[%run_scoped3A_5, %mul3A_4, %dma_wait3A_185] : memref<2x10240x32xi32, #tpu.memory_space<hbm>> -> memref<1x1x32xi32, #tpu.memory_space<hbm>>
      %dma_wait3A_187 = tpu.memref_squeeze %dma_wait3A_186 : memref<1x1x32xi32, #tpu.memory_space<hbm>> -> memref<1x32xi32, #tpu.memory_space<hbm>>
      tpu.wait_dma2 semaphore(%run_scoped3A_163 : memref<!tpu.dma_semaphore, #tpu.memory_space<semaphore_mem>>) src(%dma_wait3A_187 : memref<1x32xi32, #tpu.memory_space<hbm>>) dst(%dma_wait3A_184 : memref<1x32xi32, #tpu.memory_space<vmem>>)
      tpu.yield
    }) : () -> ()
    %mul3A_6 = arith.constant 320 : i32
    %mul3A_7 = arith.muli %add3A, %mul3A_6 : i32
    %run_scoped3A_8 = arith.constant 0 : i32
    "tpu.region"() ({
      %run_scoped3A_163 = tpu.sem_alloc : memref<!tpu.dma_semaphore, #tpu.memory_space<semaphore_mem>>
      %dma_start3A_164 = arith.constant 321 : i32
      %dma_start3A_165 = arith.constant 0 : i32
      %dma_start3A_166 = tpu.memref_slice %arg5[%dma_start3A_164, %dma_start3A_165] : memref<322x32xi32, #tpu.memory_space<vmem>> -> memref<1x32xi32, #tpu.memory_space<vmem>>
      %dma_start3A_167 = arith.constant 0 : i32
      %dma_start3A_168 = tpu.memref_slice %arg2[%run_scoped3A_8, %mul3A_7, %dma_start3A_167] : memref<2x10240x32xi32, #tpu.memory_space<hbm>> -> memref<1x1x32xi32, #tpu.memory_space<hbm>>
      %dma_start3A_169 = tpu.memref_squeeze %dma_start3A_168 : memref<1x1x32xi32, #tpu.memory_space<hbm>> -> memref<1x32xi32, #tpu.memory_space<hbm>>
      %dma_start3A_170 = arith.constant 321 : i32
      %dma_start3A_171 = arith.constant 0 : i32
      %dma_start3A_172 = tpu.memref_slice %arg5[%dma_start3A_170, %dma_start3A_171] : memref<322x32xi32, #tpu.memory_space<vmem>> -> memref<1x32xi32, #tpu.memory_space<vmem>>
      %dma_start3A_173 = arith.constant 0 : i32
      %dma_start3A_174 = tpu.memref_slice %arg2[%run_scoped3A_8, %mul3A_7, %dma_start3A_173] : memref<2x10240x32xi32, #tpu.memory_space<hbm>> -> memref<1x1x32xi32, #tpu.memory_space<hbm>>
      %dma_start3A_175 = tpu.memref_squeeze %dma_start3A_174 : memref<1x1x32xi32, #tpu.memory_space<hbm>> -> memref<1x32xi32, #tpu.memory_space<hbm>>
      tpu.enqueue_dma source(%dma_start3A_175 : memref<1x32xi32, #tpu.memory_space<hbm>>) target(%dma_start3A_172 : memref<1x32xi32, #tpu.memory_space<vmem>>) target_semaphore(%run_scoped3A_163 : memref<!tpu.dma_semaphore, #tpu.memory_space<semaphore_mem>>)
      %dma_wait3A_176 = arith.constant 321 : i32
      %dma_wait3A_177 = arith.constant 0 : i32
      %dma_wait3A_178 = tpu.memref_slice %arg5[%dma_wait3A_176, %dma_wait3A_177] : memref<322x32xi32, #tpu.memory_space<vmem>> -> memref<1x32xi32, #tpu.memory_space<vmem>>
      %dma_wait3A_179 = arith.constant 0 : i32
      %dma_wait3A_180 = tpu.memref_slice %arg2[%run_scoped3A_8, %mul3A_7, %dma_wait3A_179] : memref<2x10240x32xi32, #tpu.memory_space<hbm>> -> memref<1x1x32xi32, #tpu.memory_space<hbm>>
      %dma_wait3A_181 = tpu.memref_squeeze %dma_wait3A_180 : memref<1x1x32xi32, #tpu.memory_space<hbm>> -> memref<1x32xi32, #tpu.memory_space<hbm>>
      %dma_wait3A_182 = arith.constant 321 : i32
      %dma_wait3A_183 = arith.constant 0 : i32
      %dma_wait3A_184 = tpu.memref_slice %arg5[%dma_wait3A_182, %dma_wait3A_183] : memref<322x32xi32, #tpu.memory_space<vmem>> -> memref<1x32xi32, #tpu.memory_space<vmem>>
      %dma_wait3A_185 = arith.constant 0 : i32
      %dma_wait3A_186 = tpu.memref_slice %arg2[%run_scoped3A_8, %mul3A_7, %dma_wait3A_185] : memref<2x10240x32xi32, #tpu.memory_space<hbm>> -> memref<1x1x32xi32, #tpu.memory_space<hbm>>
      %dma_wait3A_187 = tpu.memref_squeeze %dma_wait3A_186 : memref<1x1x32xi32, #tpu.memory_space<hbm>> -> memref<1x32xi32, #tpu.memory_space<hbm>>
      tpu.wait_dma2 semaphore(%run_scoped3A_163 : memref<!tpu.dma_semaphore, #tpu.memory_space<semaphore_mem>>) src(%dma_wait3A_187 : memref<1x32xi32, #tpu.memory_space<hbm>>) dst(%dma_wait3A_184 : memref<1x32xi32, #tpu.memory_space<vmem>>)
      tpu.yield
    }) : () -> ()
    %mul3A_9 = arith.constant 320 : i32
    %mul3A_10 = arith.muli %add3A, %mul3A_9 : i32
    %run_scoped3A_11 = arith.constant 1 : i32
    "tpu.region"() ({
      %run_scoped3A_163 = tpu.sem_alloc : memref<!tpu.dma_semaphore, #tpu.memory_space<semaphore_mem>>
      %dma_start3A_164 = arith.constant 0 : i32
      %dma_start3A_165 = tpu.memref_slice %arg2[%run_scoped3A_11, %mul3A_10, %dma_start3A_164] : memref<2x10240x32xi32, #tpu.memory_space<hbm>> -> memref<1x320x32xi32, #tpu.memory_space<hbm>>
      %dma_start3A_166 = tpu.memref_squeeze %dma_start3A_165 : memref<1x320x32xi32, #tpu.memory_space<hbm>> -> memref<320x32xi32, #tpu.memory_space<hbm>>
      %dma_start3A_167 = arith.constant 0 : i32
      %dma_start3A_168 = tpu.memref_slice %arg2[%run_scoped3A_11, %mul3A_10, %dma_start3A_167] : memref<2x10240x32xi32, #tpu.memory_space<hbm>> -> memref<1x320x32xi32, #tpu.memory_space<hbm>>
      %dma_start3A_169 = tpu.memref_squeeze %dma_start3A_168 : memref<1x320x32xi32, #tpu.memory_space<hbm>> -> memref<320x32xi32, #tpu.memory_space<hbm>>
      tpu.enqueue_dma source(%dma_start3A_169 : memref<320x32xi32, #tpu.memory_space<hbm>>) target(%arg6 : memref<320x32xi32, #tpu.memory_space<vmem>>) target_semaphore(%run_scoped3A_163 : memref<!tpu.dma_semaphore, #tpu.memory_space<semaphore_mem>>)
      %dma_wait3A_170 = arith.constant 0 : i32
      %dma_wait3A_171 = tpu.memref_slice %arg2[%run_scoped3A_11, %mul3A_10, %dma_wait3A_170] : memref<2x10240x32xi32, #tpu.memory_space<hbm>> -> memref<1x320x32xi32, #tpu.memory_space<hbm>>
      %dma_wait3A_172 = tpu.memref_squeeze %dma_wait3A_171 : memref<1x320x32xi32, #tpu.memory_space<hbm>> -> memref<320x32xi32, #tpu.memory_space<hbm>>
      %dma_wait3A_173 = arith.constant 0 : i32
      %dma_wait3A_174 = tpu.memref_slice %arg2[%run_scoped3A_11, %mul3A_10, %dma_wait3A_173] : memref<2x10240x32xi32, #tpu.memory_space<hbm>> -> memref<1x320x32xi32, #tpu.memory_space<hbm>>
      %dma_wait3A_175 = tpu.memref_squeeze %dma_wait3A_174 : memref<1x320x32xi32, #tpu.memory_space<hbm>> -> memref<320x32xi32, #tpu.memory_space<hbm>>
      tpu.wait_dma2 semaphore(%run_scoped3A_163 : memref<!tpu.dma_semaphore, #tpu.memory_space<semaphore_mem>>) src(%dma_wait3A_175 : memref<320x32xi32, #tpu.memory_space<hbm>>) dst(%arg6 : memref<320x32xi32, #tpu.memory_space<vmem>>)
      tpu.yield
    }) : () -> ()
    %broadcast_in_dim3A = arith.constant 0.000000e+00 : f32
    %broadcast_in_dim3A_12 = vector.broadcast %broadcast_in_dim3A : f32 to vector<16xf32>
    %scan3A = arith.constant 0 : i32
    %scan3A_13 = arith.constant 0 : i32
    %scan3A_14 = arith.constant 32 : i32
    %scan3A_15 = arith.addi %scan3A_13, %scan3A_14 : i32
    %scan3A_16 = arith.constant 1 : i32
    scf.for %scan3A_163 = %scan3A_13 to %scan3A_15 step %scan3A_16  : i32 {
      %swap3A = arith.index_cast %scan3A_163 : i32 to index
      %swap3A_164 = arith.constant 0 : index
      %swap3A_165 = tpu.vector_load %arg7[%swap3A, %swap3A_164] {strides = array<i32>} : memref<32x128xf32, #tpu.memory_space<vmem>>, vector<16xf32>,
      tpu.vector_store %arg7[%swap3A, %swap3A_164], %broadcast_in_dim3A_12 {strides = array<i32>} : memref<32x128xf32, #tpu.memory_space<vmem>>, vector<16xf32>,
      %swap3A_166 = arith.index_cast %scan3A_163 : i32 to index
      %swap3A_167 = arith.constant 0 : index
      %swap3A_168 = tpu.vector_load %arg8[%swap3A_166, %swap3A_167] {strides = array<i32>} : memref<32x128xf32, #tpu.memory_space<vmem>>, vector<16xf32>,
      tpu.vector_store %arg8[%swap3A_166, %swap3A_167], %broadcast_in_dim3A_12 {strides = array<i32>} : memref<32x128xf32, #tpu.memory_space<vmem>>, vector<16xf32>,
      %swap3A_169 = arith.index_cast %scan3A_163 : i32 to index
      %swap3A_170 = arith.constant 0 : index
      %swap3A_171 = tpu.vector_load %arg9[%swap3A_169, %swap3A_170] {strides = array<i32>} : memref<32x128xf32, #tpu.memory_space<vmem>>, vector<16xf32>,
      tpu.vector_store %arg9[%swap3A_169, %swap3A_170], %broadcast_in_dim3A_12 {strides = array<i32>} : memref<32x128xf32, #tpu.memory_space<vmem>>, vector<16xf32>,
      %swap3A_172 = arith.index_cast %scan3A_163 : i32 to index
      %swap3A_173 = arith.constant 0 : index
      %swap3A_174 = tpu.vector_load %arg10[%swap3A_172, %swap3A_173] {strides = array<i32>} : memref<32x128xf32, #tpu.memory_space<vmem>>, vector<16xf32>,
      tpu.vector_store %arg10[%swap3A_172, %swap3A_173], %broadcast_in_dim3A_12 {strides = array<i32>} : memref<32x128xf32, #tpu.memory_space<vmem>>, vector<16xf32>,
      %swap3A_175 = arith.index_cast %scan3A_163 : i32 to index
      %swap3A_176 = arith.constant 16 : index
      %swap3A_177 = tpu.vector_load %arg7[%swap3A_175, %swap3A_176] {strides = array<i32>} : memref<32x128xf32, #tpu.memory_space<vmem>>, vector<16xf32>,
      tpu.vector_store %arg7[%swap3A_175, %swap3A_176], %broadcast_in_dim3A_12 {strides = array<i32>} : memref<32x128xf32, #tpu.memory_space<vmem>>, vector<16xf32>,
      %swap3A_178 = arith.index_cast %scan3A_163 : i32 to index
      %swap3A_179 = arith.constant 16 : index
      %swap3A_180 = tpu.vector_load %arg8[%swap3A_178, %swap3A_179] {strides = array<i32>} : memref<32x128xf32, #tpu.memory_space<vmem>>, vector<16xf32>,
      tpu.vector_store %arg8[%swap3A_178, %swap3A_179], %broadcast_in_dim3A_12 {strides = array<i32>} : memref<32x128xf32, #tpu.memory_space<vmem>>, vector<16xf32>,
      %swap3A_181 = arith.index_cast %scan3A_163 : i32 to index
      %swap3A_182 = arith.constant 16 : index
      %swap3A_183 = tpu.vector_load %arg9[%swap3A_181, %swap3A_182] {strides = array<i32>} : memref<32x128xf32, #tpu.memory_space<vmem>>, vector<16xf32>,
      tpu.vector_store %arg9[%swap3A_181, %swap3A_182], %broadcast_in_dim3A_12 {strides = array<i32>} : memref<32x128xf32, #tpu.memory_space<vmem>>, vector<16xf32>,
      %swap3A_184 = arith.index_cast %scan3A_163 : i32 to index
      %swap3A_185 = arith.constant 16 : index
      %swap3A_186 = tpu.vector_load %arg10[%swap3A_184, %swap3A_185] {strides = array<i32>} : memref<32x128xf32, #tpu.memory_space<vmem>>, vector<16xf32>,
      tpu.vector_store %arg10[%swap3A_184, %swap3A_185], %broadcast_in_dim3A_12 {strides = array<i32>} : memref<32x128xf32, #tpu.memory_space<vmem>>, vector<16xf32>,
      %swap3A_187 = arith.index_cast %scan3A_163 : i32 to index
      %swap3A_188 = arith.constant 32 : index
      %swap3A_189 = tpu.vector_load %arg7[%swap3A_187, %swap3A_188] {strides = array<i32>} : memref<32x128xf32, #tpu.memory_space<vmem>>, vector<16xf32>,
      tpu.vector_store %arg7[%swap3A_187, %swap3A_188], %broadcast_in_dim3A_12 {strides = array<i32>} : memref<32x128xf32, #tpu.memory_space<vmem>>, vector<16xf32>,
      %swap3A_190 = arith.index_cast %scan3A_163 : i32 to index
      %swap3A_191 = arith.constant 32 : index
      %swap3A_192 = tpu.vector_load %arg8[%swap3A_190, %swap3A_191] {strides = array<i32>} : memref<32x128xf32, #tpu.memory_space<vmem>>, vector<16xf32>,
      tpu.vector_store %arg8[%swap3A_190, %swap3A_191], %broadcast_in_dim3A_12 {strides = array<i32>} : memref<32x128xf32, #tpu.memory_space<vmem>>, vector<16xf32>,
      %swap3A_193 = arith.index_cast %scan3A_163 : i32 to index
      %swap3A_194 = arith.constant 32 : index
      %swap3A_195 = tpu.vector_load %arg9[%swap3A_193, %swap3A_194] {strides = array<i32>} : memref<32x128xf32, #tpu.memory_space<vmem>>, vector<16xf32>,
      tpu.vector_store %arg9[%swap3A_193, %swap3A_194], %broadcast_in_dim3A_12 {strides = array<i32>} : memref<32x128xf32, #tpu.memory_space<vmem>>, vector<16xf32>,
      %swap3A_196 = arith.index_cast %scan3A_163 : i32 to index
      %swap3A_197 = arith.constant 32 : index
      %swap3A_198 = tpu.vector_load %arg10[%swap3A_196, %swap3A_197] {strides = array<i32>} : memref<32x128xf32, #tpu.memory_space<vmem>>, vector<16xf32>,
      tpu.vector_store %arg10[%swap3A_196, %swap3A_197], %broadcast_in_dim3A_12 {strides = array<i32>} : memref<32x128xf32, #tpu.memory_space<vmem>>, vector<16xf32>,
      %swap3A_199 = arith.index_cast %scan3A_163 : i32 to index
      %swap3A_200 = arith.constant 48 : index
      %swap3A_201 = tpu.vector_load %arg7[%swap3A_199, %swap3A_200] {strides = array<i32>} : memref<32x128xf32, #tpu.memory_space<vmem>>, vector<16xf32>,
      tpu.vector_store %arg7[%swap3A_199, %swap3A_200], %broadcast_in_dim3A_12 {strides = array<i32>} : memref<32x128xf32, #tpu.memory_space<vmem>>, vector<16xf32>,
      %swap3A_202 = arith.index_cast %scan3A_163 : i32 to index
      %swap3A_203 = arith.constant 48 : index
      %swap3A_204 = tpu.vector_load %arg8[%swap3A_202, %swap3A_203] {strides = array<i32>} : memref<32x128xf32, #tpu.memory_space<vmem>>, vector<16xf32>,
      tpu.vector_store %arg8[%swap3A_202, %swap3A_203], %broadcast_in_dim3A_12 {strides = array<i32>} : memref<32x128xf32, #tpu.memory_space<vmem>>, vector<16xf32>,
      %swap3A_205 = arith.index_cast %scan3A_163 : i32 to index
      %swap3A_206 = arith.constant 48 : index
      %swap3A_207 = tpu.vector_load %arg9[%swap3A_205, %swap3A_206] {strides = array<i32>} : memref<32x128xf32, #tpu.memory_space<vmem>>, vector<16xf32>,
      tpu.vector_store %arg9[%swap3A_205, %swap3A_206], %broadcast_in_dim3A_12 {strides = array<i32>} : memref<32x128xf32, #tpu.memory_space<vmem>>, vector<16xf32>,
      %swap3A_208 = arith.index_cast %scan3A_163 : i32 to index
      %swap3A_209 = arith.constant 48 : index
      %swap3A_210 = tpu.vector_load %arg10[%swap3A_208, %swap3A_209] {strides = array<i32>} : memref<32x128xf32, #tpu.memory_space<vmem>>, vector<16xf32>,
      tpu.vector_store %arg10[%swap3A_208, %swap3A_209], %broadcast_in_dim3A_12 {strides = array<i32>} : memref<32x128xf32, #tpu.memory_space<vmem>>, vector<16xf32>,
      %swap3A_211 = arith.index_cast %scan3A_163 : i32 to index
      %swap3A_212 = arith.constant 64 : index
      %swap3A_213 = tpu.vector_load %arg7[%swap3A_211, %swap3A_212] {strides = array<i32>} : memref<32x128xf32, #tpu.memory_space<vmem>>, vector<16xf32>,
      tpu.vector_store %arg7[%swap3A_211, %swap3A_212], %broadcast_in_dim3A_12 {strides = array<i32>} : memref<32x128xf32, #tpu.memory_space<vmem>>, vector<16xf32>,
      %swap3A_214 = arith.index_cast %scan3A_163 : i32 to index
      %swap3A_215 = arith.constant 64 : index
      %swap3A_216 = tpu.vector_load %arg8[%swap3A_214, %swap3A_215] {strides = array<i32>} : memref<32x128xf32, #tpu.memory_space<vmem>>, vector<16xf32>,
      tpu.vector_store %arg8[%swap3A_214, %swap3A_215], %broadcast_in_dim3A_12 {strides = array<i32>} : memref<32x128xf32, #tpu.memory_space<vmem>>, vector<16xf32>,
      %swap3A_217 = arith.index_cast %scan3A_163 : i32 to index
      %swap3A_218 = arith.constant 64 : index
      %swap3A_219 = tpu.vector_load %arg9[%swap3A_217, %swap3A_218] {strides = array<i32>} : memref<32x128xf32, #tpu.memory_space<vmem>>, vector<16xf32>,
      tpu.vector_store %arg9[%swap3A_217, %swap3A_218], %broadcast_in_dim3A_12 {strides = array<i32>} : memref<32x128xf32, #tpu.memory_space<vmem>>, vector<16xf32>,
      %swap3A_220 = arith.index_cast %scan3A_163 : i32 to index
      %swap3A_221 = arith.constant 64 : index
      %swap3A_222 = tpu.vector_load %arg10[%swap3A_220, %swap3A_221] {strides = array<i32>} : memref<32x128xf32, #tpu.memory_space<vmem>>, vector<16xf32>,
      tpu.vector_store %arg10[%swap3A_220, %swap3A_221], %broadcast_in_dim3A_12 {strides = array<i32>} : memref<32x128xf32, #tpu.memory_space<vmem>>, vector<16xf32>,
      %swap3A_223 = arith.index_cast %scan3A_163 : i32 to index
      %swap3A_224 = arith.constant 80 : index
      %swap3A_225 = tpu.vector_load %arg7[%swap3A_223, %swap3A_224] {strides = array<i32>} : memref<32x128xf32, #tpu.memory_space<vmem>>, vector<16xf32>,
      tpu.vector_store %arg7[%swap3A_223, %swap3A_224], %broadcast_in_dim3A_12 {strides = array<i32>} : memref<32x128xf32, #tpu.memory_space<vmem>>, vector<16xf32>,
      %swap3A_226 = arith.index_cast %scan3A_163 : i32 to index
      %swap3A_227 = arith.constant 80 : index
      %swap3A_228 = tpu.vector_load %arg8[%swap3A_226, %swap3A_227] {strides = array<i32>} : memref<32x128xf32, #tpu.memory_space<vmem>>, vector<16xf32>,
      tpu.vector_store %arg8[%swap3A_226, %swap3A_227], %broadcast_in_dim3A_12 {strides = array<i32>} : memref<32x128xf32, #tpu.memory_space<vmem>>, vector<16xf32>,
      %swap3A_229 = arith.index_cast %scan3A_163 : i32 to index
      %swap3A_230 = arith.constant 80 : index
      %swap3A_231 = tpu.vector_load %arg9[%swap3A_229, %swap3A_230] {strides = array<i32>} : memref<32x128xf32, #tpu.memory_space<vmem>>, vector<16xf32>,
      tpu.vector_store %arg9[%swap3A_229, %swap3A_230], %broadcast_in_dim3A_12 {strides = array<i32>} : memref<32x128xf32, #tpu.memory_space<vmem>>, vector<16xf32>,
      %swap3A_232 = arith.index_cast %scan3A_163 : i32 to index
      %swap3A_233 = arith.constant 80 : index
      %swap3A_234 = tpu.vector_load %arg10[%swap3A_232, %swap3A_233] {strides = array<i32>} : memref<32x128xf32, #tpu.memory_space<vmem>>, vector<16xf32>,
      tpu.vector_store %arg10[%swap3A_232, %swap3A_233], %broadcast_in_dim3A_12 {strides = array<i32>} : memref<32x128xf32, #tpu.memory_space<vmem>>, vector<16xf32>,
      %swap3A_235 = arith.index_cast %scan3A_163 : i32 to index
      %swap3A_236 = arith.constant 96 : index
      %swap3A_237 = tpu.vector_load %arg7[%swap3A_235, %swap3A_236] {strides = array<i32>} : memref<32x128xf32, #tpu.memory_space<vmem>>, vector<16xf32>,
      tpu.vector_store %arg7[%swap3A_235, %swap3A_236], %broadcast_in_dim3A_12 {strides = array<i32>} : memref<32x128xf32, #tpu.memory_space<vmem>>, vector<16xf32>,
      %swap3A_238 = arith.index_cast %scan3A_163 : i32 to index
      %swap3A_239 = arith.constant 96 : index
      %swap3A_240 = tpu.vector_load %arg8[%swap3A_238, %swap3A_239] {strides = array<i32>} : memref<32x128xf32, #tpu.memory_space<vmem>>, vector<16xf32>,
      tpu.vector_store %arg8[%swap3A_238, %swap3A_239], %broadcast_in_dim3A_12 {strides = array<i32>} : memref<32x128xf32, #tpu.memory_space<vmem>>, vector<16xf32>,
      %swap3A_241 = arith.index_cast %scan3A_163 : i32 to index
      %swap3A_242 = arith.constant 96 : index
      %swap3A_243 = tpu.vector_load %arg9[%swap3A_241, %swap3A_242] {strides = array<i32>} : memref<32x128xf32, #tpu.memory_space<vmem>>, vector<16xf32>,
      tpu.vector_store %arg9[%swap3A_241, %swap3A_242], %broadcast_in_dim3A_12 {strides = array<i32>} : memref<32x128xf32, #tpu.memory_space<vmem>>, vector<16xf32>,
      %swap3A_244 = arith.index_cast %scan3A_163 : i32 to index
      %swap3A_245 = arith.constant 96 : index
      %swap3A_246 = tpu.vector_load %arg10[%swap3A_244, %swap3A_245] {strides = array<i32>} : memref<32x128xf32, #tpu.memory_space<vmem>>, vector<16xf32>,
      tpu.vector_store %arg10[%swap3A_244, %swap3A_245], %broadcast_in_dim3A_12 {strides = array<i32>} : memref<32x128xf32, #tpu.memory_space<vmem>>, vector<16xf32>,
      %swap3A_247 = arith.index_cast %scan3A_163 : i32 to index
      %swap3A_248 = arith.constant 112 : index
      %swap3A_249 = tpu.vector_load %arg7[%swap3A_247, %swap3A_248] {strides = array<i32>} : memref<32x128xf32, #tpu.memory_space<vmem>>, vector<16xf32>,
      tpu.vector_store %arg7[%swap3A_247, %swap3A_248], %broadcast_in_dim3A_12 {strides = array<i32>} : memref<32x128xf32, #tpu.memory_space<vmem>>, vector<16xf32>,
      %swap3A_250 = arith.index_cast %scan3A_163 : i32 to index
      %swap3A_251 = arith.constant 112 : index
      %swap3A_252 = tpu.vector_load %arg8[%swap3A_250, %swap3A_251] {strides = array<i32>} : memref<32x128xf32, #tpu.memory_space<vmem>>, vector<16xf32>,
      tpu.vector_store %arg8[%swap3A_250, %swap3A_251], %broadcast_in_dim3A_12 {strides = array<i32>} : memref<32x128xf32, #tpu.memory_space<vmem>>, vector<16xf32>,
      %swap3A_253 = arith.index_cast %scan3A_163 : i32 to index
      %swap3A_254 = arith.constant 112 : index
      %swap3A_255 = tpu.vector_load %arg9[%swap3A_253, %swap3A_254] {strides = array<i32>} : memref<32x128xf32, #tpu.memory_space<vmem>>, vector<16xf32>,
      tpu.vector_store %arg9[%swap3A_253, %swap3A_254], %broadcast_in_dim3A_12 {strides = array<i32>} : memref<32x128xf32, #tpu.memory_space<vmem>>, vector<16xf32>,
      %swap3A_256 = arith.index_cast %scan3A_163 : i32 to index
      %swap3A_257 = arith.constant 112 : index
      %swap3A_258 = tpu.vector_load %arg10[%swap3A_256, %swap3A_257] {strides = array<i32>} : memref<32x128xf32, #tpu.memory_space<vmem>>, vector<16xf32>,
      tpu.vector_store %arg10[%swap3A_256, %swap3A_257], %broadcast_in_dim3A_12 {strides = array<i32>} : memref<32x128xf32, #tpu.memory_space<vmem>>, vector<16xf32>,
    }
    %scan3A_17 = arith.constant 32 : i32
    %mul3A_18 = arith.constant 640 : i32
    %mul3A_19 = arith.muli %arg1, %mul3A_18 : i32
    %add3A_20 = arith.constant 0 : i32
    %add3A_21 = arith.addi %mul3A_19, %add3A_20 : i32
    "tpu.region"() ({
      %run_scoped3A_163 = tpu.sem_alloc : memref<!tpu.dma_semaphore, #tpu.memory_space<semaphore_mem>>
      %dma_start3A_164 = arith.constant 0 : i32
      %dma_start3A_165 = tpu.memref_slice %arg11[%add3A_21, %dma_start3A_164] : memref<10240x128xf32, #tpu.memory_space<vmem_shared>> -> memref<32x128xf32, #tpu.memory_space<vmem_shared>>
      %dma_start3A_166 = arith.constant 0 : i32
      %dma_start3A_167 = tpu.memref_slice %arg11[%add3A_21, %dma_start3A_166] : memref<10240x128xf32, #tpu.memory_space<vmem_shared>> -> memref<32x128xf32, #tpu.memory_space<vmem_shared>>
      tpu.enqueue_dma source(%arg7 : memref<32x128xf32, #tpu.memory_space<vmem>>) target(%dma_start3A_167 : memref<32x128xf32, #tpu.memory_space<vmem_shared>>) target_semaphore(%run_scoped3A_163 : memref<!tpu.dma_semaphore, #tpu.memory_space<semaphore_mem>>)
      %dma_wait3A_168 = arith.constant 0 : i32
      %dma_wait3A_169 = tpu.memref_slice %arg11[%add3A_21, %dma_wait3A_168] : memref<10240x128xf32, #tpu.memory_space<vmem_shared>> -> memref<32x128xf32, #tpu.memory_space<vmem_shared>>
      %dma_wait3A_170 = arith.constant 0 : i32
      %dma_wait3A_171 = tpu.memref_slice %arg11[%add3A_21, %dma_wait3A_170] : memref<10240x128xf32, #tpu.memory_space<vmem_shared>> -> memref<32x128xf32, #tpu.memory_space<vmem_shared>>
      tpu.wait_dma2 semaphore(%run_scoped3A_163 : memref<!tpu.dma_semaphore, #tpu.memory_space<semaphore_mem>>) src(%arg7 : memref<32x128xf32, #tpu.memory_space<vmem>>) dst(%dma_wait3A_171 : memref<32x128xf32, #tpu.memory_space<vmem_shared>>)
      tpu.yield
    }) : () -> ()
    %mul3A_22 = arith.constant 640 : i32
    %mul3A_23 = arith.muli %arg1, %mul3A_22 : i32
    %add3A_24 = arith.constant 32 : i32
    %add3A_25 = arith.addi %mul3A_23, %add3A_24 : i32
    "tpu.region"() ({
      %run_scoped3A_163 = tpu.sem_alloc : memref<!tpu.dma_semaphore, #tpu.memory_space<semaphore_mem>>
      %dma_start3A_164 = arith.constant 0 : i32
      %dma_start3A_165 = tpu.memref_slice %arg11[%add3A_25, %dma_start3A_164] : memref<10240x128xf32, #tpu.memory_space<vmem_shared>> -> memref<32x128xf32, #tpu.memory_space<vmem_shared>>
      %dma_start3A_166 = arith.constant 0 : i32
      %dma_start3A_167 = tpu.memref_slice %arg11[%add3A_25, %dma_start3A_166] : memref<10240x128xf32, #tpu.memory_space<vmem_shared>> -> memref<32x128xf32, #tpu.memory_space<vmem_shared>>
      tpu.enqueue_dma source(%arg7 : memref<32x128xf32, #tpu.memory_space<vmem>>) target(%dma_start3A_167 : memref<32x128xf32, #tpu.memory_space<vmem_shared>>) target_semaphore(%run_scoped3A_163 : memref<!tpu.dma_semaphore, #tpu.memory_space<semaphore_mem>>)
      %dma_wait3A_168 = arith.constant 0 : i32
      %dma_wait3A_169 = tpu.memref_slice %arg11[%add3A_25, %dma_wait3A_168] : memref<10240x128xf32, #tpu.memory_space<vmem_shared>> -> memref<32x128xf32, #tpu.memory_space<vmem_shared>>
      %dma_wait3A_170 = arith.constant 0 : i32
      %dma_wait3A_171 = tpu.memref_slice %arg11[%add3A_25, %dma_wait3A_170] : memref<10240x128xf32, #tpu.memory_space<vmem_shared>> -> memref<32x128xf32, #tpu.memory_space<vmem_shared>>
      tpu.wait_dma2 semaphore(%run_scoped3A_163 : memref<!tpu.dma_semaphore, #tpu.memory_space<semaphore_mem>>) src(%arg7 : memref<32x128xf32, #tpu.memory_space<vmem>>) dst(%dma_wait3A_171 : memref<32x128xf32, #tpu.memory_space<vmem_shared>>)
      tpu.yield
    }) : () -> ()
    %mul3A_26 = arith.constant 640 : i32
    %mul3A_27 = arith.muli %arg1, %mul3A_26 : i32
    %add3A_28 = arith.constant 64 : i32
    %add3A_29 = arith.addi %mul3A_27, %add3A_28 : i32
    "tpu.region"() ({
      %run_scoped3A_163 = tpu.sem_alloc : memref<!tpu.dma_semaphore, #tpu.memory_space<semaphore_mem>>
      %dma_start3A_164 = arith.constant 0 : i32
      %dma_start3A_165 = tpu.memref_slice %arg11[%add3A_29, %dma_start3A_164] : memref<10240x128xf32, #tpu.memory_space<vmem_shared>> -> memref<32x128xf32, #tpu.memory_space<vmem_shared>>
      %dma_start3A_166 = arith.constant 0 : i32
      %dma_start3A_167 = tpu.memref_slice %arg11[%add3A_29, %dma_start3A_166] : memref<10240x128xf32, #tpu.memory_space<vmem_shared>> -> memref<32x128xf32, #tpu.memory_space<vmem_shared>>
      tpu.enqueue_dma source(%arg7 : memref<32x128xf32, #tpu.memory_space<vmem>>) target(%dma_start3A_167 : memref<32x128xf32, #tpu.memory_space<vmem_shared>>) target_semaphore(%run_scoped3A_163 : memref<!tpu.dma_semaphore, #tpu.memory_space<semaphore_mem>>)
      %dma_wait3A_168 = arith.constant 0 : i32
      %dma_wait3A_169 = tpu.memref_slice %arg11[%add3A_29, %dma_wait3A_168] : memref<10240x128xf32, #tpu.memory_space<vmem_shared>> -> memref<32x128xf32, #tpu.memory_space<vmem_shared>>
      %dma_wait3A_170 = arith.constant 0 : i32
      %dma_wait3A_171 = tpu.memref_slice %arg11[%add3A_29, %dma_wait3A_170] : memref<10240x128xf32, #tpu.memory_space<vmem_shared>> -> memref<32x128xf32, #tpu.memory_space<vmem_shared>>
      tpu.wait_dma2 semaphore(%run_scoped3A_163 : memref<!tpu.dma_semaphore, #tpu.memory_space<semaphore_mem>>) src(%arg7 : memref<32x128xf32, #tpu.memory_space<vmem>>) dst(%dma_wait3A_171 : memref<32x128xf32, #tpu.memory_space<vmem_shared>>)
      tpu.yield
    }) : () -> ()
    %mul3A_30 = arith.constant 640 : i32
    %mul3A_31 = arith.muli %arg1, %mul3A_30 : i32
    %add3A_32 = arith.constant 96 : i32
    %add3A_33 = arith.addi %mul3A_31, %add3A_32 : i32
    "tpu.region"() ({
      %run_scoped3A_163 = tpu.sem_alloc : memref<!tpu.dma_semaphore, #tpu.memory_space<semaphore_mem>>
      %dma_start3A_164 = arith.constant 0 : i32
      %dma_start3A_165 = tpu.memref_slice %arg11[%add3A_33, %dma_start3A_164] : memref<10240x128xf32, #tpu.memory_space<vmem_shared>> -> memref<32x128xf32, #tpu.memory_space<vmem_shared>>
      %dma_start3A_166 = arith.constant 0 : i32
      %dma_start3A_167 = tpu.memref_slice %arg11[%add3A_33, %dma_start3A_166] : memref<10240x128xf32, #tpu.memory_space<vmem_shared>> -> memref<32x128xf32, #tpu.memory_space<vmem_shared>>
      tpu.enqueue_dma source(%arg7 : memref<32x128xf32, #tpu.memory_space<vmem>>) target(%dma_start3A_167 : memref<32x128xf32, #tpu.memory_space<vmem_shared>>) target_semaphore(%run_scoped3A_163 : memref<!tpu.dma_semaphore, #tpu.memory_space<semaphore_mem>>)
      %dma_wait3A_168 = arith.constant 0 : i32
      %dma_wait3A_169 = tpu.memref_slice %arg11[%add3A_33, %dma_wait3A_168] : memref<10240x128xf32, #tpu.memory_space<vmem_shared>> -> memref<32x128xf32, #tpu.memory_space<vmem_shared>>
      %dma_wait3A_170 = arith.constant 0 : i32
      %dma_wait3A_171 = tpu.memref_slice %arg11[%add3A_33, %dma_wait3A_170] : memref<10240x128xf32, #tpu.memory_space<vmem_shared>> -> memref<32x128xf32, #tpu.memory_space<vmem_shared>>
      tpu.wait_dma2 semaphore(%run_scoped3A_163 : memref<!tpu.dma_semaphore, #tpu.memory_space<semaphore_mem>>) src(%arg7 : memref<32x128xf32, #tpu.memory_space<vmem>>) dst(%dma_wait3A_171 : memref<32x128xf32, #tpu.memory_space<vmem_shared>>)
      tpu.yield
    }) : () -> ()
    %mul3A_34 = arith.constant 640 : i32
    %mul3A_35 = arith.muli %arg1, %mul3A_34 : i32
    %add3A_36 = arith.constant 128 : i32
    %add3A_37 = arith.addi %mul3A_35, %add3A_36 : i32
    "tpu.region"() ({
      %run_scoped3A_163 = tpu.sem_alloc : memref<!tpu.dma_semaphore, #tpu.memory_space<semaphore_mem>>
      %dma_start3A_164 = arith.constant 0 : i32
      %dma_start3A_165 = tpu.memref_slice %arg11[%add3A_37, %dma_start3A_164] : memref<10240x128xf32, #tpu.memory_space<vmem_shared>> -> memref<32x128xf32, #tpu.memory_space<vmem_shared>>
      %dma_start3A_166 = arith.constant 0 : i32
      %dma_start3A_167 = tpu.memref_slice %arg11[%add3A_37, %dma_start3A_166] : memref<10240x128xf32, #tpu.memory_space<vmem_shared>> -> memref<32x128xf32, #tpu.memory_space<vmem_shared>>
      tpu.enqueue_dma source(%arg7 : memref<32x128xf32, #tpu.memory_space<vmem>>) target(%dma_start3A_167 : memref<32x128xf32, #tpu.memory_space<vmem_shared>>) target_semaphore(%run_scoped3A_163 : memref<!tpu.dma_semaphore, #tpu.memory_space<semaphore_mem>>)
      %dma_wait3A_168 = arith.constant 0 : i32
      %dma_wait3A_169 = tpu.memref_slice %arg11[%add3A_37, %dma_wait3A_168] : memref<10240x128xf32, #tpu.memory_space<vmem_shared>> -> memref<32x128xf32, #tpu.memory_space<vmem_shared>>
      %dma_wait3A_170 = arith.constant 0 : i32
      %dma_wait3A_171 = tpu.memref_slice %arg11[%add3A_37, %dma_wait3A_170] : memref<10240x128xf32, #tpu.memory_space<vmem_shared>> -> memref<32x128xf32, #tpu.memory_space<vmem_shared>>
      tpu.wait_dma2 semaphore(%run_scoped3A_163 : memref<!tpu.dma_semaphore, #tpu.memory_space<semaphore_mem>>) src(%arg7 : memref<32x128xf32, #tpu.memory_space<vmem>>) dst(%dma_wait3A_171 : memref<32x128xf32, #tpu.memory_space<vmem_shared>>)
      tpu.yield
    }) : () -> ()
    %mul3A_38 = arith.constant 640 : i32
    %mul3A_39 = arith.muli %arg1, %mul3A_38 : i32
    %add3A_40 = arith.constant 160 : i32
    %add3A_41 = arith.addi %mul3A_39, %add3A_40 : i32
    "tpu.region"() ({
      %run_scoped3A_163 = tpu.sem_alloc : memref<!tpu.dma_semaphore, #tpu.memory_space<semaphore_mem>>
      %dma_start3A_164 = arith.constant 0 : i32
      %dma_start3A_165 = tpu.memref_slice %arg11[%add3A_41, %dma_start3A_164] : memref<10240x128xf32, #tpu.memory_space<vmem_shared>> -> memref<32x128xf32, #tpu.memory_space<vmem_shared>>
      %dma_start3A_166 = arith.constant 0 : i32
      %dma_start3A_167 = tpu.memref_slice %arg11[%add3A_41, %dma_start3A_166] : memref<10240x128xf32, #tpu.memory_space<vmem_shared>> -> memref<32x128xf32, #tpu.memory_space<vmem_shared>>
      tpu.enqueue_dma source(%arg7 : memref<32x128xf32, #tpu.memory_space<vmem>>) target(%dma_start3A_167 : memref<32x128xf32, #tpu.memory_space<vmem_shared>>) target_semaphore(%run_scoped3A_163 : memref<!tpu.dma_semaphore, #tpu.memory_space<semaphore_mem>>)
      %dma_wait3A_168 = arith.constant 0 : i32
      %dma_wait3A_169 = tpu.memref_slice %arg11[%add3A_41, %dma_wait3A_168] : memref<10240x128xf32, #tpu.memory_space<vmem_shared>> -> memref<32x128xf32, #tpu.memory_space<vmem_shared>>
      %dma_wait3A_170 = arith.constant 0 : i32
      %dma_wait3A_171 = tpu.memref_slice %arg11[%add3A_41, %dma_wait3A_170] : memref<10240x128xf32, #tpu.memory_space<vmem_shared>> -> memref<32x128xf32, #tpu.memory_space<vmem_shared>>
      tpu.wait_dma2 semaphore(%run_scoped3A_163 : memref<!tpu.dma_semaphore, #tpu.memory_space<semaphore_mem>>) src(%arg7 : memref<32x128xf32, #tpu.memory_space<vmem>>) dst(%dma_wait3A_171 : memref<32x128xf32, #tpu.memory_space<vmem_shared>>)
      tpu.yield
    }) : () -> ()
    %mul3A_42 = arith.constant 640 : i32
    %mul3A_43 = arith.muli %arg1, %mul3A_42 : i32
    %add3A_44 = arith.constant 192 : i32
    %add3A_45 = arith.addi %mul3A_43, %add3A_44 : i32
    "tpu.region"() ({
      %run_scoped3A_163 = tpu.sem_alloc : memref<!tpu.dma_semaphore, #tpu.memory_space<semaphore_mem>>
      %dma_start3A_164 = arith.constant 0 : i32
      %dma_start3A_165 = tpu.memref_slice %arg11[%add3A_45, %dma_start3A_164] : memref<10240x128xf32, #tpu.memory_space<vmem_shared>> -> memref<32x128xf32, #tpu.memory_space<vmem_shared>>
      %dma_start3A_166 = arith.constant 0 : i32
      %dma_start3A_167 = tpu.memref_slice %arg11[%add3A_45, %dma_start3A_166] : memref<10240x128xf32, #tpu.memory_space<vmem_shared>> -> memref<32x128xf32, #tpu.memory_space<vmem_shared>>
      tpu.enqueue_dma source(%arg7 : memref<32x128xf32, #tpu.memory_space<vmem>>) target(%dma_start3A_167 : memref<32x128xf32, #tpu.memory_space<vmem_shared>>) target_semaphore(%run_scoped3A_163 : memref<!tpu.dma_semaphore, #tpu.memory_space<semaphore_mem>>)
      %dma_wait3A_168 = arith.constant 0 : i32
      %dma_wait3A_169 = tpu.memref_slice %arg11[%add3A_45, %dma_wait3A_168] : memref<10240x128xf32, #tpu.memory_space<vmem_shared>> -> memref<32x128xf32, #tpu.memory_space<vmem_shared>>
      %dma_wait3A_170 = arith.constant 0 : i32
      %dma_wait3A_171 = tpu.memref_slice %arg11[%add3A_45, %dma_wait3A_170] : memref<10240x128xf32, #tpu.memory_space<vmem_shared>> -> memref<32x128xf32, #tpu.memory_space<vmem_shared>>
      tpu.wait_dma2 semaphore(%run_scoped3A_163 : memref<!tpu.dma_semaphore, #tpu.memory_space<semaphore_mem>>) src(%arg7 : memref<32x128xf32, #tpu.memory_space<vmem>>) dst(%dma_wait3A_171 : memref<32x128xf32, #tpu.memory_space<vmem_shared>>)
      tpu.yield
    }) : () -> ()
    %mul3A_46 = arith.constant 640 : i32
    %mul3A_47 = arith.muli %arg1, %mul3A_46 : i32
    %add3A_48 = arith.constant 224 : i32
    %add3A_49 = arith.addi %mul3A_47, %add3A_48 : i32
    "tpu.region"() ({
      %run_scoped3A_163 = tpu.sem_alloc : memref<!tpu.dma_semaphore, #tpu.memory_space<semaphore_mem>>
      %dma_start3A_164 = arith.constant 0 : i32
      %dma_start3A_165 = tpu.memref_slice %arg11[%add3A_49, %dma_start3A_164] : memref<10240x128xf32, #tpu.memory_space<vmem_shared>> -> memref<32x128xf32, #tpu.memory_space<vmem_shared>>
      %dma_start3A_166 = arith.constant 0 : i32
      %dma_start3A_167 = tpu.memref_slice %arg11[%add3A_49, %dma_start3A_166] : memref<10240x128xf32, #tpu.memory_space<vmem_shared>> -> memref<32x128xf32, #tpu.memory_space<vmem_shared>>
      tpu.enqueue_dma source(%arg7 : memref<32x128xf32, #tpu.memory_space<vmem>>) target(%dma_start3A_167 : memref<32x128xf32, #tpu.memory_space<vmem_shared>>) target_semaphore(%run_scoped3A_163 : memref<!tpu.dma_semaphore, #tpu.memory_space<semaphore_mem>>)
      %dma_wait3A_168 = arith.constant 0 : i32
      %dma_wait3A_169 = tpu.memref_slice %arg11[%add3A_49, %dma_wait3A_168] : memref<10240x128xf32, #tpu.memory_space<vmem_shared>> -> memref<32x128xf32, #tpu.memory_space<vmem_shared>>
      %dma_wait3A_170 = arith.constant 0 : i32
      %dma_wait3A_171 = tpu.memref_slice %arg11[%add3A_49, %dma_wait3A_170] : memref<10240x128xf32, #tpu.memory_space<vmem_shared>> -> memref<32x128xf32, #tpu.memory_space<vmem_shared>>
      tpu.wait_dma2 semaphore(%run_scoped3A_163 : memref<!tpu.dma_semaphore, #tpu.memory_space<semaphore_mem>>) src(%arg7 : memref<32x128xf32, #tpu.memory_space<vmem>>) dst(%dma_wait3A_171 : memref<32x128xf32, #tpu.memory_space<vmem_shared>>)
      tpu.yield
    }) : () -> ()
    %mul3A_50 = arith.constant 640 : i32
    %mul3A_51 = arith.muli %arg1, %mul3A_50 : i32
    %add3A_52 = arith.constant 256 : i32
    %add3A_53 = arith.addi %mul3A_51, %add3A_52 : i32
    "tpu.region"() ({
      %run_scoped3A_163 = tpu.sem_alloc : memref<!tpu.dma_semaphore, #tpu.memory_space<semaphore_mem>>
      %dma_start3A_164 = arith.constant 0 : i32
      %dma_start3A_165 = tpu.memref_slice %arg11[%add3A_53, %dma_start3A_164] : memref<10240x128xf32, #tpu.memory_space<vmem_shared>> -> memref<32x128xf32, #tpu.memory_space<vmem_shared>>
      %dma_start3A_166 = arith.constant 0 : i32
      %dma_start3A_167 = tpu.memref_slice %arg11[%add3A_53, %dma_start3A_166] : memref<10240x128xf32, #tpu.memory_space<vmem_shared>> -> memref<32x128xf32, #tpu.memory_space<vmem_shared>>
      tpu.enqueue_dma source(%arg7 : memref<32x128xf32, #tpu.memory_space<vmem>>) target(%dma_start3A_167 : memref<32x128xf32, #tpu.memory_space<vmem_shared>>) target_semaphore(%run_scoped3A_163 : memref<!tpu.dma_semaphore, #tpu.memory_space<semaphore_mem>>)
      %dma_wait3A_168 = arith.constant 0 : i32
      %dma_wait3A_169 = tpu.memref_slice %arg11[%add3A_53, %dma_wait3A_168] : memref<10240x128xf32, #tpu.memory_space<vmem_shared>> -> memref<32x128xf32, #tpu.memory_space<vmem_shared>>
      %dma_wait3A_170 = arith.constant 0 : i32
      %dma_wait3A_171 = tpu.memref_slice %arg11[%add3A_53, %dma_wait3A_170] : memref<10240x128xf32, #tpu.memory_space<vmem_shared>> -> memref<32x128xf32, #tpu.memory_space<vmem_shared>>
      tpu.wait_dma2 semaphore(%run_scoped3A_163 : memref<!tpu.dma_semaphore, #tpu.memory_space<semaphore_mem>>) src(%arg7 : memref<32x128xf32, #tpu.memory_space<vmem>>) dst(%dma_wait3A_171 : memref<32x128xf32, #tpu.memory_space<vmem_shared>>)
      tpu.yield
    }) : () -> ()
    %mul3A_54 = arith.constant 640 : i32
    %mul3A_55 = arith.muli %arg1, %mul3A_54 : i32
    %add3A_56 = arith.constant 288 : i32
    %add3A_57 = arith.addi %mul3A_55, %add3A_56 : i32
    "tpu.region"() ({
      %run_scoped3A_163 = tpu.sem_alloc : memref<!tpu.dma_semaphore, #tpu.memory_space<semaphore_mem>>
      %dma_start3A_164 = arith.constant 0 : i32
      %dma_start3A_165 = tpu.memref_slice %arg11[%add3A_57, %dma_start3A_164] : memref<10240x128xf32, #tpu.memory_space<vmem_shared>> -> memref<32x128xf32, #tpu.memory_space<vmem_shared>>
      %dma_start3A_166 = arith.constant 0 : i32
      %dma_start3A_167 = tpu.memref_slice %arg11[%add3A_57, %dma_start3A_166] : memref<10240x128xf32, #tpu.memory_space<vmem_shared>> -> memref<32x128xf32, #tpu.memory_space<vmem_shared>>
      tpu.enqueue_dma source(%arg7 : memref<32x128xf32, #tpu.memory_space<vmem>>) target(%dma_start3A_167 : memref<32x128xf32, #tpu.memory_space<vmem_shared>>) target_semaphore(%run_scoped3A_163 : memref<!tpu.dma_semaphore, #tpu.memory_space<semaphore_mem>>)
      %dma_wait3A_168 = arith.constant 0 : i32
      %dma_wait3A_169 = tpu.memref_slice %arg11[%add3A_57, %dma_wait3A_168] : memref<10240x128xf32, #tpu.memory_space<vmem_shared>> -> memref<32x128xf32, #tpu.memory_space<vmem_shared>>
      %dma_wait3A_170 = arith.constant 0 : i32
      %dma_wait3A_171 = tpu.memref_slice %arg11[%add3A_57, %dma_wait3A_170] : memref<10240x128xf32, #tpu.memory_space<vmem_shared>> -> memref<32x128xf32, #tpu.memory_space<vmem_shared>>
      tpu.wait_dma2 semaphore(%run_scoped3A_163 : memref<!tpu.dma_semaphore, #tpu.memory_space<semaphore_mem>>) src(%arg7 : memref<32x128xf32, #tpu.memory_space<vmem>>) dst(%dma_wait3A_171 : memref<32x128xf32, #tpu.memory_space<vmem_shared>>)
      tpu.yield
    }) : () -> ()
    %mul3A_58 = arith.constant 640 : i32
    %mul3A_59 = arith.muli %arg1, %mul3A_58 : i32
    %add3A_60 = arith.constant 320 : i32
    %add3A_61 = arith.addi %mul3A_59, %add3A_60 : i32
    "tpu.region"() ({
      %run_scoped3A_163 = tpu.sem_alloc : memref<!tpu.dma_semaphore, #tpu.memory_space<semaphore_mem>>
      %dma_start3A_164 = arith.constant 0 : i32
      %dma_start3A_165 = tpu.memref_slice %arg11[%add3A_61, %dma_start3A_164] : memref<10240x128xf32, #tpu.memory_space<vmem_shared>> -> memref<32x128xf32, #tpu.memory_space<vmem_shared>>
      %dma_start3A_166 = arith.constant 0 : i32
      %dma_start3A_167 = tpu.memref_slice %arg11[%add3A_61, %dma_start3A_166] : memref<10240x128xf32, #tpu.memory_space<vmem_shared>> -> memref<32x128xf32, #tpu.memory_space<vmem_shared>>
      tpu.enqueue_dma source(%arg7 : memref<32x128xf32, #tpu.memory_space<vmem>>) target(%dma_start3A_167 : memref<32x128xf32, #tpu.memory_space<vmem_shared>>) target_semaphore(%run_scoped3A_163 : memref<!tpu.dma_semaphore, #tpu.memory_space<semaphore_mem>>)
      %dma_wait3A_168 = arith.constant 0 : i32
      %dma_wait3A_169 = tpu.memref_slice %arg11[%add3A_61, %dma_wait3A_168] : memref<10240x128xf32, #tpu.memory_space<vmem_shared>> -> memref<32x128xf32, #tpu.memory_space<vmem_shared>>
      %dma_wait3A_170 = arith.constant 0 : i32
      %dma_wait3A_171 = tpu.memref_slice %arg11[%add3A_61, %dma_wait3A_170] : memref<10240x128xf32, #tpu.memory_space<vmem_shared>> -> memref<32x128xf32, #tpu.memory_space<vmem_shared>>
      tpu.wait_dma2 semaphore(%run_scoped3A_163 : memref<!tpu.dma_semaphore, #tpu.memory_space<semaphore_mem>>) src(%arg7 : memref<32x128xf32, #tpu.memory_space<vmem>>) dst(%dma_wait3A_171 : memref<32x128xf32, #tpu.memory_space<vmem_shared>>)
      tpu.yield
    }) : () -> ()
    %mul3A_62 = arith.constant 640 : i32
    %mul3A_63 = arith.muli %arg1, %mul3A_62 : i32
    %add3A_64 = arith.constant 352 : i32
    %add3A_65 = arith.addi %mul3A_63, %add3A_64 : i32
    "tpu.region"() ({
      %run_scoped3A_163 = tpu.sem_alloc : memref<!tpu.dma_semaphore, #tpu.memory_space<semaphore_mem>>
      %dma_start3A_164 = arith.constant 0 : i32
      %dma_start3A_165 = tpu.memref_slice %arg11[%add3A_65, %dma_start3A_164] : memref<10240x128xf32, #tpu.memory_space<vmem_shared>> -> memref<32x128xf32, #tpu.memory_space<vmem_shared>>
      %dma_start3A_166 = arith.constant 0 : i32
      %dma_start3A_167 = tpu.memref_slice %arg11[%add3A_65, %dma_start3A_166] : memref<10240x128xf32, #tpu.memory_space<vmem_shared>> -> memref<32x128xf32, #tpu.memory_space<vmem_shared>>
      tpu.enqueue_dma source(%arg7 : memref<32x128xf32, #tpu.memory_space<vmem>>) target(%dma_start3A_167 : memref<32x128xf32, #tpu.memory_space<vmem_shared>>) target_semaphore(%run_scoped3A_163 : memref<!tpu.dma_semaphore, #tpu.memory_space<semaphore_mem>>)
      %dma_wait3A_168 = arith.constant 0 : i32
      %dma_wait3A_169 = tpu.memref_slice %arg11[%add3A_65, %dma_wait3A_168] : memref<10240x128xf32, #tpu.memory_space<vmem_shared>> -> memref<32x128xf32, #tpu.memory_space<vmem_shared>>
      %dma_wait3A_170 = arith.constant 0 : i32
      %dma_wait3A_171 = tpu.memref_slice %arg11[%add3A_65, %dma_wait3A_170] : memref<10240x128xf32, #tpu.memory_space<vmem_shared>> -> memref<32x128xf32, #tpu.memory_space<vmem_shared>>
      tpu.wait_dma2 semaphore(%run_scoped3A_163 : memref<!tpu.dma_semaphore, #tpu.memory_space<semaphore_mem>>) src(%arg7 : memref<32x128xf32, #tpu.memory_space<vmem>>) dst(%dma_wait3A_171 : memref<32x128xf32, #tpu.memory_space<vmem_shared>>)
      tpu.yield
    }) : () -> ()
    %mul3A_66 = arith.constant 640 : i32
    %mul3A_67 = arith.muli %arg1, %mul3A_66 : i32
    %add3A_68 = arith.constant 384 : i32
    %add3A_69 = arith.addi %mul3A_67, %add3A_68 : i32
    "tpu.region"() ({
      %run_scoped3A_163 = tpu.sem_alloc : memref<!tpu.dma_semaphore, #tpu.memory_space<semaphore_mem>>
      %dma_start3A_164 = arith.constant 0 : i32
      %dma_start3A_165 = tpu.memref_slice %arg11[%add3A_69, %dma_start3A_164] : memref<10240x128xf32, #tpu.memory_space<vmem_shared>> -> memref<32x128xf32, #tpu.memory_space<vmem_shared>>
      %dma_start3A_166 = arith.constant 0 : i32
      %dma_start3A_167 = tpu.memref_slice %arg11[%add3A_69, %dma_start3A_166] : memref<10240x128xf32, #tpu.memory_space<vmem_shared>> -> memref<32x128xf32, #tpu.memory_space<vmem_shared>>
      tpu.enqueue_dma source(%arg7 : memref<32x128xf32, #tpu.memory_space<vmem>>) target(%dma_start3A_167 : memref<32x128xf32, #tpu.memory_space<vmem_shared>>) target_semaphore(%run_scoped3A_163 : memref<!tpu.dma_semaphore, #tpu.memory_space<semaphore_mem>>)
      %dma_wait3A_168 = arith.constant 0 : i32
      %dma_wait3A_169 = tpu.memref_slice %arg11[%add3A_69, %dma_wait3A_168] : memref<10240x128xf32, #tpu.memory_space<vmem_shared>> -> memref<32x128xf32, #tpu.memory_space<vmem_shared>>
      %dma_wait3A_170 = arith.constant 0 : i32
      %dma_wait3A_171 = tpu.memref_slice %arg11[%add3A_69, %dma_wait3A_170] : memref<10240x128xf32, #tpu.memory_space<vmem_shared>> -> memref<32x128xf32, #tpu.memory_space<vmem_shared>>
      tpu.wait_dma2 semaphore(%run_scoped3A_163 : memref<!tpu.dma_semaphore, #tpu.memory_space<semaphore_mem>>) src(%arg7 : memref<32x128xf32, #tpu.memory_space<vmem>>) dst(%dma_wait3A_171 : memref<32x128xf32, #tpu.memory_space<vmem_shared>>)
      tpu.yield
    }) : () -> ()
    %mul3A_70 = arith.constant 640 : i32
    %mul3A_71 = arith.muli %arg1, %mul3A_70 : i32
    %add3A_72 = arith.constant 416 : i32
    %add3A_73 = arith.addi %mul3A_71, %add3A_72 : i32
    "tpu.region"() ({
      %run_scoped3A_163 = tpu.sem_alloc : memref<!tpu.dma_semaphore, #tpu.memory_space<semaphore_mem>>
      %dma_start3A_164 = arith.constant 0 : i32
      %dma_start3A_165 = tpu.memref_slice %arg11[%add3A_73, %dma_start3A_164] : memref<10240x128xf32, #tpu.memory_space<vmem_shared>> -> memref<32x128xf32, #tpu.memory_space<vmem_shared>>
      %dma_start3A_166 = arith.constant 0 : i32
      %dma_start3A_167 = tpu.memref_slice %arg11[%add3A_73, %dma_start3A_166] : memref<10240x128xf32, #tpu.memory_space<vmem_shared>> -> memref<32x128xf32, #tpu.memory_space<vmem_shared>>
      tpu.enqueue_dma source(%arg7 : memref<32x128xf32, #tpu.memory_space<vmem>>) target(%dma_start3A_167 : memref<32x128xf32, #tpu.memory_space<vmem_shared>>) target_semaphore(%run_scoped3A_163 : memref<!tpu.dma_semaphore, #tpu.memory_space<semaphore_mem>>)
      %dma_wait3A_168 = arith.constant 0 : i32
      %dma_wait3A_169 = tpu.memref_slice %arg11[%add3A_73, %dma_wait3A_168] : memref<10240x128xf32, #tpu.memory_space<vmem_shared>> -> memref<32x128xf32, #tpu.memory_space<vmem_shared>>
      %dma_wait3A_170 = arith.constant 0 : i32
      %dma_wait3A_171 = tpu.memref_slice %arg11[%add3A_73, %dma_wait3A_170] : memref<10240x128xf32, #tpu.memory_space<vmem_shared>> -> memref<32x128xf32, #tpu.memory_space<vmem_shared>>
      tpu.wait_dma2 semaphore(%run_scoped3A_163 : memref<!tpu.dma_semaphore, #tpu.memory_space<semaphore_mem>>) src(%arg7 : memref<32x128xf32, #tpu.memory_space<vmem>>) dst(%dma_wait3A_171 : memref<32x128xf32, #tpu.memory_space<vmem_shared>>)
      tpu.yield
    }) : () -> ()
    %mul3A_74 = arith.constant 640 : i32
    %mul3A_75 = arith.muli %arg1, %mul3A_74 : i32
    %add3A_76 = arith.constant 448 : i32
    %add3A_77 = arith.addi %mul3A_75, %add3A_76 : i32
    "tpu.region"() ({
      %run_scoped3A_163 = tpu.sem_alloc : memref<!tpu.dma_semaphore, #tpu.memory_space<semaphore_mem>>
      %dma_start3A_164 = arith.constant 0 : i32
      %dma_start3A_165 = tpu.memref_slice %arg11[%add3A_77, %dma_start3A_164] : memref<10240x128xf32, #tpu.memory_space<vmem_shared>> -> memref<32x128xf32, #tpu.memory_space<vmem_shared>>
      %dma_start3A_166 = arith.constant 0 : i32
      %dma_start3A_167 = tpu.memref_slice %arg11[%add3A_77, %dma_start3A_166] : memref<10240x128xf32, #tpu.memory_space<vmem_shared>> -> memref<32x128xf32, #tpu.memory_space<vmem_shared>>
      tpu.enqueue_dma source(%arg7 : memref<32x128xf32, #tpu.memory_space<vmem>>) target(%dma_start3A_167 : memref<32x128xf32, #tpu.memory_space<vmem_shared>>) target_semaphore(%run_scoped3A_163 : memref<!tpu.dma_semaphore, #tpu.memory_space<semaphore_mem>>)
      %dma_wait3A_168 = arith.constant 0 : i32
      %dma_wait3A_169 = tpu.memref_slice %arg11[%add3A_77, %dma_wait3A_168] : memref<10240x128xf32, #tpu.memory_space<vmem_shared>> -> memref<32x128xf32, #tpu.memory_space<vmem_shared>>
      %dma_wait3A_170 = arith.constant 0 : i32
      %dma_wait3A_171 = tpu.memref_slice %arg11[%add3A_77, %dma_wait3A_170] : memref<10240x128xf32, #tpu.memory_space<vmem_shared>> -> memref<32x128xf32, #tpu.memory_space<vmem_shared>>
      tpu.wait_dma2 semaphore(%run_scoped3A_163 : memref<!tpu.dma_semaphore, #tpu.memory_space<semaphore_mem>>) src(%arg7 : memref<32x128xf32, #tpu.memory_space<vmem>>) dst(%dma_wait3A_171 : memref<32x128xf32, #tpu.memory_space<vmem_shared>>)
      tpu.yield
    }) : () -> ()
    %mul3A_78 = arith.constant 640 : i32
    %mul3A_79 = arith.muli %arg1, %mul3A_78 : i32
    %add3A_80 = arith.constant 480 : i32
    %add3A_81 = arith.addi %mul3A_79, %add3A_80 : i32
    "tpu.region"() ({
      %run_scoped3A_163 = tpu.sem_alloc : memref<!tpu.dma_semaphore, #tpu.memory_space<semaphore_mem>>
      %dma_start3A_164 = arith.constant 0 : i32
      %dma_start3A_165 = tpu.memref_slice %arg11[%add3A_81, %dma_start3A_164] : memref<10240x128xf32, #tpu.memory_space<vmem_shared>> -> memref<32x128xf32, #tpu.memory_space<vmem_shared>>
      %dma_start3A_166 = arith.constant 0 : i32
      %dma_start3A_167 = tpu.memref_slice %arg11[%add3A_81, %dma_start3A_166] : memref<10240x128xf32, #tpu.memory_space<vmem_shared>> -> memref<32x128xf32, #tpu.memory_space<vmem_shared>>
      tpu.enqueue_dma source(%arg7 : memref<32x128xf32, #tpu.memory_space<vmem>>) target(%dma_start3A_167 : memref<32x128xf32, #tpu.memory_space<vmem_shared>>) target_semaphore(%run_scoped3A_163 : memref<!tpu.dma_semaphore, #tpu.memory_space<semaphore_mem>>)
      %dma_wait3A_168 = arith.constant 0 : i32
      %dma_wait3A_169 = tpu.memref_slice %arg11[%add3A_81, %dma_wait3A_168] : memref<10240x128xf32, #tpu.memory_space<vmem_shared>> -> memref<32x128xf32, #tpu.memory_space<vmem_shared>>
      %dma_wait3A_170 = arith.constant 0 : i32
      %dma_wait3A_171 = tpu.memref_slice %arg11[%add3A_81, %dma_wait3A_170] : memref<10240x128xf32, #tpu.memory_space<vmem_shared>> -> memref<32x128xf32, #tpu.memory_space<vmem_shared>>
      tpu.wait_dma2 semaphore(%run_scoped3A_163 : memref<!tpu.dma_semaphore, #tpu.memory_space<semaphore_mem>>) src(%arg7 : memref<32x128xf32, #tpu.memory_space<vmem>>) dst(%dma_wait3A_171 : memref<32x128xf32, #tpu.memory_space<vmem_shared>>)
      tpu.yield
    }) : () -> ()
    %mul3A_82 = arith.constant 640 : i32
    %mul3A_83 = arith.muli %arg1, %mul3A_82 : i32
    %add3A_84 = arith.constant 512 : i32
    %add3A_85 = arith.addi %mul3A_83, %add3A_84 : i32
    "tpu.region"() ({
      %run_scoped3A_163 = tpu.sem_alloc : memref<!tpu.dma_semaphore, #tpu.memory_space<semaphore_mem>>
      %dma_start3A_164 = arith.constant 0 : i32
      %dma_start3A_165 = tpu.memref_slice %arg11[%add3A_85, %dma_start3A_164] : memref<10240x128xf32, #tpu.memory_space<vmem_shared>> -> memref<32x128xf32, #tpu.memory_space<vmem_shared>>
      %dma_start3A_166 = arith.constant 0 : i32
      %dma_start3A_167 = tpu.memref_slice %arg11[%add3A_85, %dma_start3A_166] : memref<10240x128xf32, #tpu.memory_space<vmem_shared>> -> memref<32x128xf32, #tpu.memory_space<vmem_shared>>
      tpu.enqueue_dma source(%arg7 : memref<32x128xf32, #tpu.memory_space<vmem>>) target(%dma_start3A_167 : memref<32x128xf32, #tpu.memory_space<vmem_shared>>) target_semaphore(%run_scoped3A_163 : memref<!tpu.dma_semaphore, #tpu.memory_space<semaphore_mem>>)
      %dma_wait3A_168 = arith.constant 0 : i32
      %dma_wait3A_169 = tpu.memref_slice %arg11[%add3A_85, %dma_wait3A_168] : memref<10240x128xf32, #tpu.memory_space<vmem_shared>> -> memref<32x128xf32, #tpu.memory_space<vmem_shared>>
      %dma_wait3A_170 = arith.constant 0 : i32
      %dma_wait3A_171 = tpu.memref_slice %arg11[%add3A_85, %dma_wait3A_170] : memref<10240x128xf32, #tpu.memory_space<vmem_shared>> -> memref<32x128xf32, #tpu.memory_space<vmem_shared>>
      tpu.wait_dma2 semaphore(%run_scoped3A_163 : memref<!tpu.dma_semaphore, #tpu.memory_space<semaphore_mem>>) src(%arg7 : memref<32x128xf32, #tpu.memory_space<vmem>>) dst(%dma_wait3A_171 : memref<32x128xf32, #tpu.memory_space<vmem_shared>>)
      tpu.yield
    }) : () -> ()
    %mul3A_86 = arith.constant 640 : i32
    %mul3A_87 = arith.muli %arg1, %mul3A_86 : i32
    %add3A_88 = arith.constant 544 : i32
    %add3A_89 = arith.addi %mul3A_87, %add3A_88 : i32
    "tpu.region"() ({
      %run_scoped3A_163 = tpu.sem_alloc : memref<!tpu.dma_semaphore, #tpu.memory_space<semaphore_mem>>
      %dma_start3A_164 = arith.constant 0 : i32
      %dma_start3A_165 = tpu.memref_slice %arg11[%add3A_89, %dma_start3A_164] : memref<10240x128xf32, #tpu.memory_space<vmem_shared>> -> memref<32x128xf32, #tpu.memory_space<vmem_shared>>
      %dma_start3A_166 = arith.constant 0 : i32
      %dma_start3A_167 = tpu.memref_slice %arg11[%add3A_89, %dma_start3A_166] : memref<10240x128xf32, #tpu.memory_space<vmem_shared>> -> memref<32x128xf32, #tpu.memory_space<vmem_shared>>
      tpu.enqueue_dma source(%arg7 : memref<32x128xf32, #tpu.memory_space<vmem>>) target(%dma_start3A_167 : memref<32x128xf32, #tpu.memory_space<vmem_shared>>) target_semaphore(%run_scoped3A_163 : memref<!tpu.dma_semaphore, #tpu.memory_space<semaphore_mem>>)
      %dma_wait3A_168 = arith.constant 0 : i32
      %dma_wait3A_169 = tpu.memref_slice %arg11[%add3A_89, %dma_wait3A_168] : memref<10240x128xf32, #tpu.memory_space<vmem_shared>> -> memref<32x128xf32, #tpu.memory_space<vmem_shared>>
      %dma_wait3A_170 = arith.constant 0 : i32
      %dma_wait3A_171 = tpu.memref_slice %arg11[%add3A_89, %dma_wait3A_170] : memref<10240x128xf32, #tpu.memory_space<vmem_shared>> -> memref<32x128xf32, #tpu.memory_space<vmem_shared>>
      tpu.wait_dma2 semaphore(%run_scoped3A_163 : memref<!tpu.dma_semaphore, #tpu.memory_space<semaphore_mem>>) src(%arg7 : memref<32x128xf32, #tpu.memory_space<vmem>>) dst(%dma_wait3A_171 : memref<32x128xf32, #tpu.memory_space<vmem_shared>>)
      tpu.yield
    }) : () -> ()
    %mul3A_90 = arith.constant 640 : i32
    %mul3A_91 = arith.muli %arg1, %mul3A_90 : i32
    %add3A_92 = arith.constant 576 : i32
    %add3A_93 = arith.addi %mul3A_91, %add3A_92 : i32
    "tpu.region"() ({
      %run_scoped3A_163 = tpu.sem_alloc : memref<!tpu.dma_semaphore, #tpu.memory_space<semaphore_mem>>
      %dma_start3A_164 = arith.constant 0 : i32
      %dma_start3A_165 = tpu.memref_slice %arg11[%add3A_93, %dma_start3A_164] : memref<10240x128xf32, #tpu.memory_space<vmem_shared>> -> memref<32x128xf32, #tpu.memory_space<vmem_shared>>
      %dma_start3A_166 = arith.constant 0 : i32
      %dma_start3A_167 = tpu.memref_slice %arg11[%add3A_93, %dma_start3A_166] : memref<10240x128xf32, #tpu.memory_space<vmem_shared>> -> memref<32x128xf32, #tpu.memory_space<vmem_shared>>
      tpu.enqueue_dma source(%arg7 : memref<32x128xf32, #tpu.memory_space<vmem>>) target(%dma_start3A_167 : memref<32x128xf32, #tpu.memory_space<vmem_shared>>) target_semaphore(%run_scoped3A_163 : memref<!tpu.dma_semaphore, #tpu.memory_space<semaphore_mem>>)
      %dma_wait3A_168 = arith.constant 0 : i32
      %dma_wait3A_169 = tpu.memref_slice %arg11[%add3A_93, %dma_wait3A_168] : memref<10240x128xf32, #tpu.memory_space<vmem_shared>> -> memref<32x128xf32, #tpu.memory_space<vmem_shared>>
      %dma_wait3A_170 = arith.constant 0 : i32
      %dma_wait3A_171 = tpu.memref_slice %arg11[%add3A_93, %dma_wait3A_170] : memref<10240x128xf32, #tpu.memory_space<vmem_shared>> -> memref<32x128xf32, #tpu.memory_space<vmem_shared>>
      tpu.wait_dma2 semaphore(%run_scoped3A_163 : memref<!tpu.dma_semaphore, #tpu.memory_space<semaphore_mem>>) src(%arg7 : memref<32x128xf32, #tpu.memory_space<vmem>>) dst(%dma_wait3A_171 : memref<32x128xf32, #tpu.memory_space<vmem_shared>>)
      tpu.yield
    }) : () -> ()
    %mul3A_94 = arith.constant 640 : i32
    %mul3A_95 = arith.muli %arg1, %mul3A_94 : i32
    %add3A_96 = arith.constant 608 : i32
    %add3A_97 = arith.addi %mul3A_95, %add3A_96 : i32
    "tpu.region"() ({
      %run_scoped3A_163 = tpu.sem_alloc : memref<!tpu.dma_semaphore, #tpu.memory_space<semaphore_mem>>
      %dma_start3A_164 = arith.constant 0 : i32
      %dma_start3A_165 = tpu.memref_slice %arg11[%add3A_97, %dma_start3A_164] : memref<10240x128xf32, #tpu.memory_space<vmem_shared>> -> memref<32x128xf32, #tpu.memory_space<vmem_shared>>
      %dma_start3A_166 = arith.constant 0 : i32
      %dma_start3A_167 = tpu.memref_slice %arg11[%add3A_97, %dma_start3A_166] : memref<10240x128xf32, #tpu.memory_space<vmem_shared>> -> memref<32x128xf32, #tpu.memory_space<vmem_shared>>
      tpu.enqueue_dma source(%arg7 : memref<32x128xf32, #tpu.memory_space<vmem>>) target(%dma_start3A_167 : memref<32x128xf32, #tpu.memory_space<vmem_shared>>) target_semaphore(%run_scoped3A_163 : memref<!tpu.dma_semaphore, #tpu.memory_space<semaphore_mem>>)
      %dma_wait3A_168 = arith.constant 0 : i32
      %dma_wait3A_169 = tpu.memref_slice %arg11[%add3A_97, %dma_wait3A_168] : memref<10240x128xf32, #tpu.memory_space<vmem_shared>> -> memref<32x128xf32, #tpu.memory_space<vmem_shared>>
      %dma_wait3A_170 = arith.constant 0 : i32
      %dma_wait3A_171 = tpu.memref_slice %arg11[%add3A_97, %dma_wait3A_170] : memref<10240x128xf32, #tpu.memory_space<vmem_shared>> -> memref<32x128xf32, #tpu.memory_space<vmem_shared>>
      tpu.wait_dma2 semaphore(%run_scoped3A_163 : memref<!tpu.dma_semaphore, #tpu.memory_space<semaphore_mem>>) src(%arg7 : memref<32x128xf32, #tpu.memory_space<vmem>>) dst(%dma_wait3A_171 : memref<32x128xf32, #tpu.memory_space<vmem_shared>>)
      tpu.yield
    }) : () -> ()
    %barrier3A = arith.constant 0 : index
    tpu.barrier barrier_id(%barrier3A)
    %dma_start3A = arith.constant 0 : i32
    %dma_start3A_98 = arith.constant 0 : i32
    %dma_start3A_99 = tpu.memref_slice %arg5[%dma_start3A, %dma_start3A_98] : memref<322x32xi32, #tpu.memory_space<vmem>> -> memref<1x32xi32, #tpu.memory_space<vmem>>
    %dma_start3A_100 = tpu.memref_squeeze %dma_start3A_99 : memref<1x32xi32, #tpu.memory_space<vmem>> -> memref<32xi32, #tpu.memory_space<vmem>>
    %dma_start3A_101 = arith.constant 0 : i32
    %dma_start3A_102 = arith.constant 0 : i32
    %dma_start3A_103 = tpu.memref_slice %arg3[%dma_start3A_101, %dma_start3A_102] : memref<10240x128xf32, #tpu.memory_space<hbm>> -> memref<10240x128xf32, #tpu.memory_space<hbm>>
    tpu.enqueue_indirect_dma source(%dma_start3A_103 : memref<10240x128xf32, #tpu.memory_space<hbm>>) target(%arg7 : memref<32x128xf32, #tpu.memory_space<vmem>>) offsets(%dma_start3A_100 : memref<32xi32, #tpu.memory_space<vmem>>) semaphore(%arg12 : memref<!tpu.dma_semaphore, #tpu.memory_space<semaphore_mem>>)
    %dma_start3A_104 = arith.constant 1 : i32
    %dma_start3A_105 = arith.constant 0 : i32
    %dma_start3A_106 = tpu.memref_slice %arg5[%dma_start3A_104, %dma_start3A_105] : memref<322x32xi32, #tpu.memory_space<vmem>> -> memref<1x32xi32, #tpu.memory_space<vmem>>
    %dma_start3A_107 = tpu.memref_squeeze %dma_start3A_106 : memref<1x32xi32, #tpu.memory_space<vmem>> -> memref<32xi32, #tpu.memory_space<vmem>>
    %dma_start3A_108 = arith.constant 0 : i32
    %dma_start3A_109 = arith.constant 0 : i32
    %dma_start3A_110 = tpu.memref_slice %arg3[%dma_start3A_108, %dma_start3A_109] : memref<10240x128xf32, #tpu.memory_space<hbm>> -> memref<10240x128xf32, #tpu.memory_space<hbm>>
    tpu.enqueue_indirect_dma source(%dma_start3A_110 : memref<10240x128xf32, #tpu.memory_space<hbm>>) target(%arg8 : memref<32x128xf32, #tpu.memory_space<vmem>>) offsets(%dma_start3A_107 : memref<32xi32, #tpu.memory_space<vmem>>) semaphore(%arg13 : memref<!tpu.dma_semaphore, #tpu.memory_space<semaphore_mem>>)
    %dma_start3A_111 = arith.constant 0 : i32
    %dma_start3A_112 = arith.constant 0 : i32
    %dma_start3A_113 = tpu.memref_slice %arg6[%dma_start3A_111, %dma_start3A_112] : memref<320x32xi32, #tpu.memory_space<vmem>> -> memref<1x32xi32, #tpu.memory_space<vmem>>
    %dma_start3A_114 = tpu.memref_squeeze %dma_start3A_113 : memref<1x32xi32, #tpu.memory_space<vmem>> -> memref<32xi32, #tpu.memory_space<vmem>>
    %dma_start3A_115 = arith.constant 0 : i32
    %dma_start3A_116 = arith.constant 0 : i32
    %dma_start3A_117 = tpu.memref_slice %arg11[%dma_start3A_115, %dma_start3A_116] : memref<10240x128xf32, #tpu.memory_space<vmem_shared>> -> memref<10240x128xf32, #tpu.memory_space<vmem_shared>>
    tpu.enqueue_indirect_dma source(%arg9 : memref<32x128xf32, #tpu.memory_space<vmem>>) target(%dma_start3A_117 : memref<10240x128xf32, #tpu.memory_space<vmem_shared>>) offsets(%dma_start3A_114 : memref<32xi32, #tpu.memory_space<vmem>>) semaphore(%arg18 : memref<!tpu.dma_semaphore, #tpu.memory_space<semaphore_mem>>) {add = true}
    %dma_start3A_118 = arith.constant 0 : i32
    %dma_start3A_119 = arith.constant 0 : i32
    %dma_start3A_120 = tpu.memref_slice %arg6[%dma_start3A_118, %dma_start3A_119] : memref<320x32xi32, #tpu.memory_space<vmem>> -> memref<1x32xi32, #tpu.memory_space<vmem>>
    %dma_start3A_121 = tpu.memref_squeeze %dma_start3A_120 : memref<1x32xi32, #tpu.memory_space<vmem>> -> memref<32xi32, #tpu.memory_space<vmem>>
    %dma_start3A_122 = arith.constant 0 : i32
    %dma_start3A_123 = arith.constant 0 : i32
    %dma_start3A_124 = tpu.memref_slice %arg11[%dma_start3A_122, %dma_start3A_123] : memref<10240x128xf32, #tpu.memory_space<vmem_shared>> -> memref<10240x128xf32, #tpu.memory_space<vmem_shared>>
    tpu.enqueue_indirect_dma source(%arg10 : memref<32x128xf32, #tpu.memory_space<vmem>>) target(%dma_start3A_124 : memref<10240x128xf32, #tpu.memory_space<vmem_shared>>) offsets(%dma_start3A_121 : memref<32xi32, #tpu.memory_space<vmem>>) semaphore(%arg19 : memref<!tpu.dma_semaphore, #tpu.memory_space<semaphore_mem>>) {add = true}
    %scan3A_125 = arith.constant 0 : i32
    %scan3A_126 = arith.constant 0 : i32
    %scan3A_127 = arith.constant 80 : i32
    %scan3A_128 = arith.addi %scan3A_126, %scan3A_127 : i32
    %scan3A_129 = arith.constant 1 : i32
    scf.for %scan3A_163 = %scan3A_126 to %scan3A_128 step %scan3A_129  : i32 {
      %mul3A_164 = arith.constant 4 : i32
      %mul3A_165 = arith.muli %mul3A_164, %scan3A_163 : i32
      %dma_wait3A_166 = arith.constant 0 : i32
      %dma_wait3A_167 = arith.constant 0 : i32
      %dma_wait3A_168 = tpu.memref_slice %arg6[%dma_wait3A_166, %dma_wait3A_167] : memref<320x32xi32, #tpu.memory_space<vmem>> -> memref<1x32xi32, #tpu.memory_space<vmem>>
      %dma_wait3A_169 = tpu.memref_squeeze %dma_wait3A_168 : memref<1x32xi32, #tpu.memory_space<vmem>> -> memref<32xi32, #tpu.memory_space<vmem>>
      %dma_wait3A_170 = arith.constant 0 : i32
      %dma_wait3A_171 = arith.constant 0 : i32
      %dma_wait3A_172 = tpu.memref_slice %arg11[%dma_wait3A_170, %dma_wait3A_171] : memref<10240x128xf32, #tpu.memory_space<vmem_shared>> -> memref<10240x128xf32, #tpu.memory_space<vmem_shared>>
      tpu.wait_indirect_dma semaphore(%arg18 : memref<!tpu.dma_semaphore, #tpu.memory_space<semaphore_mem>>) src(%arg9 : memref<32x128xf32, #tpu.memory_space<vmem>>) dst(%dma_wait3A_172 : memref<10240x128xf32, #tpu.memory_space<vmem_shared>>)
      %add3A_173 = arith.constant 2 : i32
      %add3A_174 = arith.addi %mul3A_165, %add3A_173 : i32
      %dma_start3A_175 = arith.constant 0 : i32
      %dma_start3A_176 = tpu.memref_slice %arg5[%add3A_174, %dma_start3A_175] : memref<322x32xi32, #tpu.memory_space<vmem>> -> memref<1x32xi32, #tpu.memory_space<vmem>>
      %dma_start3A_177 = tpu.memref_squeeze %dma_start3A_176 : memref<1x32xi32, #tpu.memory_space<vmem>> -> memref<32xi32, #tpu.memory_space<vmem>>
      %dma_start3A_178 = arith.constant 0 : i32
      %dma_start3A_179 = arith.constant 0 : i32
      %dma_start3A_180 = tpu.memref_slice %arg3[%dma_start3A_178, %dma_start3A_179] : memref<10240x128xf32, #tpu.memory_space<hbm>> -> memref<10240x128xf32, #tpu.memory_space<hbm>>
      tpu.enqueue_indirect_dma source(%dma_start3A_180 : memref<10240x128xf32, #tpu.memory_space<hbm>>) target(%arg9 : memref<32x128xf32, #tpu.memory_space<vmem>>) offsets(%dma_start3A_177 : memref<32xi32, #tpu.memory_space<vmem>>) semaphore(%arg14 : memref<!tpu.dma_semaphore, #tpu.memory_space<semaphore_mem>>)
      %dma_wait3A_181 = arith.constant 0 : i32
      %dma_wait3A_182 = tpu.memref_slice %arg5[%mul3A_165, %dma_wait3A_181] : memref<322x32xi32, #tpu.memory_space<vmem>> -> memref<1x32xi32, #tpu.memory_space<vmem>>
      %dma_wait3A_183 = tpu.memref_squeeze %dma_wait3A_182 : memref<1x32xi32, #tpu.memory_space<vmem>> -> memref<32xi32, #tpu.memory_space<vmem>>
      %dma_wait3A_184 = arith.constant 0 : i32
      %dma_wait3A_185 = arith.constant 0 : i32
      %dma_wait3A_186 = tpu.memref_slice %arg3[%dma_wait3A_184, %dma_wait3A_185] : memref<10240x128xf32, #tpu.memory_space<hbm>> -> memref<10240x128xf32, #tpu.memory_space<hbm>>
      tpu.wait_indirect_dma semaphore(%arg12 : memref<!tpu.dma_semaphore, #tpu.memory_space<semaphore_mem>>) src(%dma_wait3A_186 : memref<10240x128xf32, #tpu.memory_space<hbm>>) dst(%arg7 : memref<32x128xf32, #tpu.memory_space<vmem>>)
      %dma_start3A_187 = arith.constant 0 : i32
      %dma_start3A_188 = tpu.memref_slice %arg6[%mul3A_165, %dma_start3A_187] : memref<320x32xi32, #tpu.memory_space<vmem>> -> memref<1x32xi32, #tpu.memory_space<vmem>>
      %dma_start3A_189 = tpu.memref_squeeze %dma_start3A_188 : memref<1x32xi32, #tpu.memory_space<vmem>> -> memref<32xi32, #tpu.memory_space<vmem>>
      %dma_start3A_190 = arith.constant 0 : i32
      %dma_start3A_191 = arith.constant 0 : i32
      %dma_start3A_192 = tpu.memref_slice %arg11[%dma_start3A_190, %dma_start3A_191] : memref<10240x128xf32, #tpu.memory_space<vmem_shared>> -> memref<10240x128xf32, #tpu.memory_space<vmem_shared>>
      tpu.enqueue_indirect_dma source(%arg7 : memref<32x128xf32, #tpu.memory_space<vmem>>) target(%dma_start3A_192 : memref<10240x128xf32, #tpu.memory_space<vmem_shared>>) offsets(%dma_start3A_189 : memref<32xi32, #tpu.memory_space<vmem>>) semaphore(%arg16 : memref<!tpu.dma_semaphore, #tpu.memory_space<semaphore_mem>>) {add = true}
      %add3A_193 = arith.constant 1 : i32
      %add3A_194 = arith.addi %mul3A_165, %add3A_193 : i32
      %dma_wait3A_195 = arith.constant 0 : i32
      %dma_wait3A_196 = arith.constant 0 : i32
      %dma_wait3A_197 = tpu.memref_slice %arg6[%dma_wait3A_195, %dma_wait3A_196] : memref<320x32xi32, #tpu.memory_space<vmem>> -> memref<1x32xi32, #tpu.memory_space<vmem>>
      %dma_wait3A_198 = tpu.memref_squeeze %dma_wait3A_197 : memref<1x32xi32, #tpu.memory_space<vmem>> -> memref<32xi32, #tpu.memory_space<vmem>>
      %dma_wait3A_199 = arith.constant 0 : i32
      %dma_wait3A_200 = arith.constant 0 : i32
      %dma_wait3A_201 = tpu.memref_slice %arg11[%dma_wait3A_199, %dma_wait3A_200] : memref<10240x128xf32, #tpu.memory_space<vmem_shared>> -> memref<10240x128xf32, #tpu.memory_space<vmem_shared>>
      tpu.wait_indirect_dma semaphore(%arg19 : memref<!tpu.dma_semaphore, #tpu.memory_space<semaphore_mem>>) src(%arg10 : memref<32x128xf32, #tpu.memory_space<vmem>>) dst(%dma_wait3A_201 : memref<10240x128xf32, #tpu.memory_space<vmem_shared>>)
      %add3A_202 = arith.constant 2 : i32
      %add3A_203 = arith.addi %add3A_194, %add3A_202 : i32
      %dma_start3A_204 = arith.constant 0 : i32
      %dma_start3A_205 = tpu.memref_slice %arg5[%add3A_203, %dma_start3A_204] : memref<322x32xi32, #tpu.memory_space<vmem>> -> memref<1x32xi32, #tpu.memory_space<vmem>>
      %dma_start3A_206 = tpu.memref_squeeze %dma_start3A_205 : memref<1x32xi32, #tpu.memory_space<vmem>> -> memref<32xi32, #tpu.memory_space<vmem>>
      %dma_start3A_207 = arith.constant 0 : i32
      %dma_start3A_208 = arith.constant 0 : i32
      %dma_start3A_209 = tpu.memref_slice %arg3[%dma_start3A_207, %dma_start3A_208] : memref<10240x128xf32, #tpu.memory_space<hbm>> -> memref<10240x128xf32, #tpu.memory_space<hbm>>
      tpu.enqueue_indirect_dma source(%dma_start3A_209 : memref<10240x128xf32, #tpu.memory_space<hbm>>) target(%arg10 : memref<32x128xf32, #tpu.memory_space<vmem>>) offsets(%dma_start3A_206 : memref<32xi32, #tpu.memory_space<vmem>>) semaphore(%arg15 : memref<!tpu.dma_semaphore, #tpu.memory_space<semaphore_mem>>)
      %dma_wait3A_210 = arith.constant 0 : i32
      %dma_wait3A_211 = tpu.memref_slice %arg5[%add3A_194, %dma_wait3A_210] : memref<322x32xi32, #tpu.memory_space<vmem>> -> memref<1x32xi32, #tpu.memory_space<vmem>>
      %dma_wait3A_212 = tpu.memref_squeeze %dma_wait3A_211 : memref<1x32xi32, #tpu.memory_space<vmem>> -> memref<32xi32, #tpu.memory_space<vmem>>
      %dma_wait3A_213 = arith.constant 0 : i32
      %dma_wait3A_214 = arith.constant 0 : i32
      %dma_wait3A_215 = tpu.memref_slice %arg3[%dma_wait3A_213, %dma_wait3A_214] : memref<10240x128xf32, #tpu.memory_space<hbm>> -> memref<10240x128xf32, #tpu.memory_space<hbm>>
      tpu.wait_indirect_dma semaphore(%arg13 : memref<!tpu.dma_semaphore, #tpu.memory_space<semaphore_mem>>) src(%dma_wait3A_215 : memref<10240x128xf32, #tpu.memory_space<hbm>>) dst(%arg8 : memref<32x128xf32, #tpu.memory_space<vmem>>)
      %dma_start3A_216 = arith.constant 0 : i32
      %dma_start3A_217 = tpu.memref_slice %arg6[%add3A_194, %dma_start3A_216] : memref<320x32xi32, #tpu.memory_space<vmem>> -> memref<1x32xi32, #tpu.memory_space<vmem>>
      %dma_start3A_218 = tpu.memref_squeeze %dma_start3A_217 : memref<1x32xi32, #tpu.memory_space<vmem>> -> memref<32xi32, #tpu.memory_space<vmem>>
      %dma_start3A_219 = arith.constant 0 : i32
      %dma_start3A_220 = arith.constant 0 : i32
      %dma_start3A_221 = tpu.memref_slice %arg11[%dma_start3A_219, %dma_start3A_220] : memref<10240x128xf32, #tpu.memory_space<vmem_shared>> -> memref<10240x128xf32, #tpu.memory_space<vmem_shared>>
      tpu.enqueue_indirect_dma source(%arg8 : memref<32x128xf32, #tpu.memory_space<vmem>>) target(%dma_start3A_221 : memref<10240x128xf32, #tpu.memory_space<vmem_shared>>) offsets(%dma_start3A_218 : memref<32xi32, #tpu.memory_space<vmem>>) semaphore(%arg17 : memref<!tpu.dma_semaphore, #tpu.memory_space<semaphore_mem>>) {add = true}
      %add3A_222 = arith.constant 2 : i32
      %add3A_223 = arith.addi %mul3A_165, %add3A_222 : i32
      %dma_wait3A_224 = arith.constant 0 : i32
      %dma_wait3A_225 = arith.constant 0 : i32
      %dma_wait3A_226 = tpu.memref_slice %arg6[%dma_wait3A_224, %dma_wait3A_225] : memref<320x32xi32, #tpu.memory_space<vmem>> -> memref<1x32xi32, #tpu.memory_space<vmem>>
      %dma_wait3A_227 = tpu.memref_squeeze %dma_wait3A_226 : memref<1x32xi32, #tpu.memory_space<vmem>> -> memref<32xi32, #tpu.memory_space<vmem>>
      %dma_wait3A_228 = arith.constant 0 : i32
      %dma_wait3A_229 = arith.constant 0 : i32
      %dma_wait3A_230 = tpu.memref_slice %arg11[%dma_wait3A_228, %dma_wait3A_229] : memref<10240x128xf32, #tpu.memory_space<vmem_shared>> -> memref<10240x128xf32, #tpu.memory_space<vmem_shared>>
      tpu.wait_indirect_dma semaphore(%arg16 : memref<!tpu.dma_semaphore, #tpu.memory_space<semaphore_mem>>) src(%arg7 : memref<32x128xf32, #tpu.memory_space<vmem>>) dst(%dma_wait3A_230 : memref<10240x128xf32, #tpu.memory_space<vmem_shared>>)
      %add3A_231 = arith.constant 2 : i32
      %add3A_232 = arith.addi %add3A_223, %add3A_231 : i32
      %dma_start3A_233 = arith.constant 0 : i32
      %dma_start3A_234 = tpu.memref_slice %arg5[%add3A_232, %dma_start3A_233] : memref<322x32xi32, #tpu.memory_space<vmem>> -> memref<1x32xi32, #tpu.memory_space<vmem>>
      %dma_start3A_235 = tpu.memref_squeeze %dma_start3A_234 : memref<1x32xi32, #tpu.memory_space<vmem>> -> memref<32xi32, #tpu.memory_space<vmem>>
      %dma_start3A_236 = arith.constant 0 : i32
      %dma_start3A_237 = arith.constant 0 : i32
      %dma_start3A_238 = tpu.memref_slice %arg3[%dma_start3A_236, %dma_start3A_237] : memref<10240x128xf32, #tpu.memory_space<hbm>> -> memref<10240x128xf32, #tpu.memory_space<hbm>>
      tpu.enqueue_indirect_dma source(%dma_start3A_238 : memref<10240x128xf32, #tpu.memory_space<hbm>>) target(%arg7 : memref<32x128xf32, #tpu.memory_space<vmem>>) offsets(%dma_start3A_235 : memref<32xi32, #tpu.memory_space<vmem>>) semaphore(%arg12 : memref<!tpu.dma_semaphore, #tpu.memory_space<semaphore_mem>>)
      %dma_wait3A_239 = arith.constant 0 : i32
      %dma_wait3A_240 = tpu.memref_slice %arg5[%add3A_223, %dma_wait3A_239] : memref<322x32xi32, #tpu.memory_space<vmem>> -> memref<1x32xi32, #tpu.memory_space<vmem>>
      %dma_wait3A_241 = tpu.memref_squeeze %dma_wait3A_240 : memref<1x32xi32, #tpu.memory_space<vmem>> -> memref<32xi32, #tpu.memory_space<vmem>>
      %dma_wait3A_242 = arith.constant 0 : i32
      %dma_wait3A_243 = arith.constant 0 : i32
      %dma_wait3A_244 = tpu.memref_slice %arg3[%dma_wait3A_242, %dma_wait3A_243] : memref<10240x128xf32, #tpu.memory_space<hbm>> -> memref<10240x128xf32, #tpu.memory_space<hbm>>
      tpu.wait_indirect_dma semaphore(%arg14 : memref<!tpu.dma_semaphore, #tpu.memory_space<semaphore_mem>>) src(%dma_wait3A_244 : memref<10240x128xf32, #tpu.memory_space<hbm>>) dst(%arg9 : memref<32x128xf32, #tpu.memory_space<vmem>>)
      %dma_start3A_245 = arith.constant 0 : i32
      %dma_start3A_246 = tpu.memref_slice %arg6[%add3A_223, %dma_start3A_245] : memref<320x32xi32, #tpu.memory_space<vmem>> -> memref<1x32xi32, #tpu.memory_space<vmem>>
      %dma_start3A_247 = tpu.memref_squeeze %dma_start3A_246 : memref<1x32xi32, #tpu.memory_space<vmem>> -> memref<32xi32, #tpu.memory_space<vmem>>
      %dma_start3A_248 = arith.constant 0 : i32
      %dma_start3A_249 = arith.constant 0 : i32
      %dma_start3A_250 = tpu.memref_slice %arg11[%dma_start3A_248, %dma_start3A_249] : memref<10240x128xf32, #tpu.memory_space<vmem_shared>> -> memref<10240x128xf32, #tpu.memory_space<vmem_shared>>
      tpu.enqueue_indirect_dma source(%arg9 : memref<32x128xf32, #tpu.memory_space<vmem>>) target(%dma_start3A_250 : memref<10240x128xf32, #tpu.memory_space<vmem_shared>>) offsets(%dma_start3A_247 : memref<32xi32, #tpu.memory_space<vmem>>) semaphore(%arg18 : memref<!tpu.dma_semaphore, #tpu.memory_space<semaphore_mem>>) {add = true}
      %add3A_251 = arith.constant 3 : i32
      %add3A_252 = arith.addi %mul3A_165, %add3A_251 : i32
      %dma_wait3A_253 = arith.constant 0 : i32
      %dma_wait3A_254 = arith.constant 0 : i32
      %dma_wait3A_255 = tpu.memref_slice %arg6[%dma_wait3A_253, %dma_wait3A_254] : memref<320x32xi32, #tpu.memory_space<vmem>> -> memref<1x32xi32, #tpu.memory_space<vmem>>
      %dma_wait3A_256 = tpu.memref_squeeze %dma_wait3A_255 : memref<1x32xi32, #tpu.memory_space<vmem>> -> memref<32xi32, #tpu.memory_space<vmem>>
      %dma_wait3A_257 = arith.constant 0 : i32
      %dma_wait3A_258 = arith.constant 0 : i32
      %dma_wait3A_259 = tpu.memref_slice %arg11[%dma_wait3A_257, %dma_wait3A_258] : memref<10240x128xf32, #tpu.memory_space<vmem_shared>> -> memref<10240x128xf32, #tpu.memory_space<vmem_shared>>
      tpu.wait_indirect_dma semaphore(%arg17 : memref<!tpu.dma_semaphore, #tpu.memory_space<semaphore_mem>>) src(%arg8 : memref<32x128xf32, #tpu.memory_space<vmem>>) dst(%dma_wait3A_259 : memref<10240x128xf32, #tpu.memory_space<vmem_shared>>)
      %add3A_260 = arith.constant 2 : i32
      %add3A_261 = arith.addi %add3A_252, %add3A_260 : i32
      %dma_start3A_262 = arith.constant 0 : i32
      %dma_start3A_263 = tpu.memref_slice %arg5[%add3A_261, %dma_start3A_262] : memref<322x32xi32, #tpu.memory_space<vmem>> -> memref<1x32xi32, #tpu.memory_space<vmem>>
      %dma_start3A_264 = tpu.memref_squeeze %dma_start3A_263 : memref<1x32xi32, #tpu.memory_space<vmem>> -> memref<32xi32, #tpu.memory_space<vmem>>
      %dma_start3A_265 = arith.constant 0 : i32
      %dma_start3A_266 = arith.constant 0 : i32
      %dma_start3A_267 = tpu.memref_slice %arg3[%dma_start3A_265, %dma_start3A_266] : memref<10240x128xf32, #tpu.memory_space<hbm>> -> memref<10240x128xf32, #tpu.memory_space<hbm>>
      tpu.enqueue_indirect_dma source(%dma_start3A_267 : memref<10240x128xf32, #tpu.memory_space<hbm>>) target(%arg8 : memref<32x128xf32, #tpu.memory_space<vmem>>) offsets(%dma_start3A_264 : memref<32xi32, #tpu.memory_space<vmem>>) semaphore(%arg13 : memref<!tpu.dma_semaphore, #tpu.memory_space<semaphore_mem>>)
      %dma_wait3A_268 = arith.constant 0 : i32
      %dma_wait3A_269 = tpu.memref_slice %arg5[%add3A_252, %dma_wait3A_268] : memref<322x32xi32, #tpu.memory_space<vmem>> -> memref<1x32xi32, #tpu.memory_space<vmem>>
      %dma_wait3A_270 = tpu.memref_squeeze %dma_wait3A_269 : memref<1x32xi32, #tpu.memory_space<vmem>> -> memref<32xi32, #tpu.memory_space<vmem>>
      %dma_wait3A_271 = arith.constant 0 : i32
      %dma_wait3A_272 = arith.constant 0 : i32
      %dma_wait3A_273 = tpu.memref_slice %arg3[%dma_wait3A_271, %dma_wait3A_272] : memref<10240x128xf32, #tpu.memory_space<hbm>> -> memref<10240x128xf32, #tpu.memory_space<hbm>>
      tpu.wait_indirect_dma semaphore(%arg15 : memref<!tpu.dma_semaphore, #tpu.memory_space<semaphore_mem>>) src(%dma_wait3A_273 : memref<10240x128xf32, #tpu.memory_space<hbm>>) dst(%arg10 : memref<32x128xf32, #tpu.memory_space<vmem>>)
      %dma_start3A_274 = arith.constant 0 : i32
      %dma_start3A_275 = tpu.memref_slice %arg6[%add3A_252, %dma_start3A_274] : memref<320x32xi32, #tpu.memory_space<vmem>> -> memref<1x32xi32, #tpu.memory_space<vmem>>
      %dma_start3A_276 = tpu.memref_squeeze %dma_start3A_275 : memref<1x32xi32, #tpu.memory_space<vmem>> -> memref<32xi32, #tpu.memory_space<vmem>>
      %dma_start3A_277 = arith.constant 0 : i32
      %dma_start3A_278 = arith.constant 0 : i32
      %dma_start3A_279 = tpu.memref_slice %arg11[%dma_start3A_277, %dma_start3A_278] : memref<10240x128xf32, #tpu.memory_space<vmem_shared>> -> memref<10240x128xf32, #tpu.memory_space<vmem_shared>>
      tpu.enqueue_indirect_dma source(%arg10 : memref<32x128xf32, #tpu.memory_space<vmem>>) target(%dma_start3A_279 : memref<10240x128xf32, #tpu.memory_space<vmem_shared>>) offsets(%dma_start3A_276 : memref<32xi32, #tpu.memory_space<vmem>>) semaphore(%arg19 : memref<!tpu.dma_semaphore, #tpu.memory_space<semaphore_mem>>) {add = true}
    }
    %scan3A_130 = arith.constant 80 : i32
    %dma_wait3A = arith.constant 0 : i32
    %dma_wait3A_131 = arith.constant 0 : i32
    %dma_wait3A_132 = tpu.memref_slice %arg6[%dma_wait3A, %dma_wait3A_131] : memref<320x32xi32, #tpu.memory_space<vmem>> -> memref<1x32xi32, #tpu.memory_space<vmem>>
    %dma_wait3A_133 = tpu.memref_squeeze %dma_wait3A_132 : memref<1x32xi32, #tpu.memory_space<vmem>> -> memref<32xi32, #tpu.memory_space<vmem>>
    %dma_wait3A_134 = arith.constant 0 : i32
    %dma_wait3A_135 = arith.constant 0 : i32
    %dma_wait3A_136 = tpu.memref_slice %arg11[%dma_wait3A_134, %dma_wait3A_135] : memref<10240x128xf32, #tpu.memory_space<vmem_shared>> -> memref<10240x128xf32, #tpu.memory_space<vmem_shared>>
    tpu.wait_indirect_dma semaphore(%arg18 : memref<!tpu.dma_semaphore, #tpu.memory_space<semaphore_mem>>) src(%arg9 : memref<32x128xf32, #tpu.memory_space<vmem>>) dst(%dma_wait3A_136 : memref<10240x128xf32, #tpu.memory_space<vmem_shared>>)
    %dma_wait3A_137 = arith.constant 0 : i32
    %dma_wait3A_138 = arith.constant 0 : i32
    %dma_wait3A_139 = tpu.memref_slice %arg6[%dma_wait3A_137, %dma_wait3A_138] : memref<320x32xi32, #tpu.memory_space<vmem>> -> memref<1x32xi32, #tpu.memory_space<vmem>>
    %dma_wait3A_140 = tpu.memref_squeeze %dma_wait3A_139 : memref<1x32xi32, #tpu.memory_space<vmem>> -> memref<32xi32, #tpu.memory_space<vmem>>
    %dma_wait3A_141 = arith.constant 0 : i32
    %dma_wait3A_142 = arith.constant 0 : i32
    %dma_wait3A_143 = tpu.memref_slice %arg11[%dma_wait3A_141, %dma_wait3A_142] : memref<10240x128xf32, #tpu.memory_space<vmem_shared>> -> memref<10240x128xf32, #tpu.memory_space<vmem_shared>>
    tpu.wait_indirect_dma semaphore(%arg19 : memref<!tpu.dma_semaphore, #tpu.memory_space<semaphore_mem>>) src(%arg10 : memref<32x128xf32, #tpu.memory_space<vmem>>) dst(%dma_wait3A_143 : memref<10240x128xf32, #tpu.memory_space<vmem_shared>>)
    %dma_wait3A_144 = arith.constant 0 : i32
    %dma_wait3A_145 = arith.constant 0 : i32
    %dma_wait3A_146 = tpu.memref_slice %arg5[%dma_wait3A_144, %dma_wait3A_145] : memref<322x32xi32, #tpu.memory_space<vmem>> -> memref<1x32xi32, #tpu.memory_space<vmem>>
    %dma_wait3A_147 = tpu.memref_squeeze %dma_wait3A_146 : memref<1x32xi32, #tpu.memory_space<vmem>> -> memref<32xi32, #tpu.memory_space<vmem>>
    %dma_wait3A_148 = arith.constant 0 : i32
    %dma_wait3A_149 = arith.constant 0 : i32
    %dma_wait3A_150 = tpu.memref_slice %arg3[%dma_wait3A_148, %dma_wait3A_149] : memref<10240x128xf32, #tpu.memory_space<hbm>> -> memref<10240x128xf32, #tpu.memory_space<hbm>>
    tpu.wait_indirect_dma semaphore(%arg12 : memref<!tpu.dma_semaphore, #tpu.memory_space<semaphore_mem>>) src(%dma_wait3A_150 : memref<10240x128xf32, #tpu.memory_space<hbm>>) dst(%arg7 : memref<32x128xf32, #tpu.memory_space<vmem>>)
    %dma_wait3A_151 = arith.constant 1 : i32
    %dma_wait3A_152 = arith.constant 0 : i32
    %dma_wait3A_153 = tpu.memref_slice %arg5[%dma_wait3A_151, %dma_wait3A_152] : memref<322x32xi32, #tpu.memory_space<vmem>> -> memref<1x32xi32, #tpu.memory_space<vmem>>
    %dma_wait3A_154 = tpu.memref_squeeze %dma_wait3A_153 : memref<1x32xi32, #tpu.memory_space<vmem>> -> memref<32xi32, #tpu.memory_space<vmem>>
    %dma_wait3A_155 = arith.constant 0 : i32
    %dma_wait3A_156 = arith.constant 0 : i32
    %dma_wait3A_157 = tpu.memref_slice %arg3[%dma_wait3A_155, %dma_wait3A_156] : memref<10240x128xf32, #tpu.memory_space<hbm>> -> memref<10240x128xf32, #tpu.memory_space<hbm>>
    tpu.wait_indirect_dma semaphore(%arg13 : memref<!tpu.dma_semaphore, #tpu.memory_space<semaphore_mem>>) src(%dma_wait3A_157 : memref<10240x128xf32, #tpu.memory_space<hbm>>) dst(%arg8 : memref<32x128xf32, #tpu.memory_space<vmem>>)
    %barrier3A_158 = arith.constant 0 : index
    tpu.barrier barrier_id(%barrier3A_158)
    %mul3A_159 = arith.constant 640 : i32
    %mul3A_160 = arith.muli %arg1, %mul3A_159 : i32
    %mul3A_161 = arith.constant 640 : i32
    %mul3A_162 = arith.muli %arg1, %mul3A_161 : i32
    "tpu.region"() ({
      %run_scoped3A_163 = tpu.sem_alloc : memref<!tpu.dma_semaphore, #tpu.memory_space<semaphore_mem>>
      %dma_start3A_164 = arith.constant 0 : i32
      %dma_start3A_165 = tpu.memref_slice %arg4[%arg0, %mul3A_162, %dma_start3A_164] : memref<2x10240x128xf32, #tpu.memory_space<hbm>> -> memref<1x640x128xf32, #tpu.memory_space<hbm>>
      %dma_start3A_166 = tpu.memref_squeeze %dma_start3A_165 : memref<1x640x128xf32, #tpu.memory_space<hbm>> -> memref<640x128xf32, #tpu.memory_space<hbm>>
      %dma_start3A_167 = arith.constant 0 : i32
      %dma_start3A_168 = tpu.memref_slice %arg11[%mul3A_160, %dma_start3A_167] : memref<10240x128xf32, #tpu.memory_space<vmem_shared>> -> memref<640x128xf32, #tpu.memory_space<vmem_shared>>
      tpu.enqueue_dma source(%dma_start3A_168 : memref<640x128xf32, #tpu.memory_space<vmem_shared>>) target(%dma_start3A_166 : memref<640x128xf32, #tpu.memory_space<hbm>>) target_semaphore(%run_scoped3A_163 : memref<!tpu.dma_semaphore, #tpu.memory_space<semaphore_mem>>)
      %dma_wait3A_169 = arith.constant 0 : i32
      %dma_wait3A_170 = tpu.memref_slice %arg4[%arg0, %mul3A_162, %dma_wait3A_169] : memref<2x10240x128xf32, #tpu.memory_space<hbm>> -> memref<1x640x128xf32, #tpu.memory_space<hbm>>
      %dma_wait3A_171 = tpu.memref_squeeze %dma_wait3A_170 : memref<1x640x128xf32, #tpu.memory_space<hbm>> -> memref<640x128xf32, #tpu.memory_space<hbm>>
      %dma_wait3A_172 = arith.constant 0 : i32
      %dma_wait3A_173 = tpu.memref_slice %arg11[%mul3A_160, %dma_wait3A_172] : memref<10240x128xf32, #tpu.memory_space<vmem_shared>> -> memref<640x128xf32, #tpu.memory_space<vmem_shared>>
      tpu.wait_dma2 semaphore(%run_scoped3A_163 : memref<!tpu.dma_semaphore, #tpu.memory_space<semaphore_mem>>) src(%dma_wait3A_173 : memref<640x128xf32, #tpu.memory_space<vmem_shared>>) dst(%dma_wait3A_171 : memref<640x128xf32, #tpu.memory_space<hbm>>)
      tpu.yield
    }) : () -> ()
    return
  }
}

#map = affine_map<(d0, d1) -> (0, 0, 0)>
#map1 = affine_map<(d0, d1) -> (0, 0)>
module attributes {stable_mosaic.version = 14 : i64} {
  func.func @_degnorm(%arg0: i32, %arg1: i32, %arg2: memref<2x10240x32xi32, #tpu.memory_space<hbm>>, %arg3: memref<2x10240xf32, #tpu.memory_space<hbm>>, %arg4: memref<640x32xi32, #tpu.memory_space<vmem>>, %arg5: memref<10240xf32, #tpu.memory_space<vmem>>, %arg6: memref<16x640xf32, #tpu.memory_space<vmem>>, %arg7: memref<640xf32, #tpu.memory_space<vmem>>, %arg8: memref<16x10240xf32, #tpu.memory_space<vmem_shared>>) attributes {dimension_semantics = [#tpu.dimension_semantics<core_parallel>, #tpu.dimension_semantics<subcore_parallel>], iteration_bounds = array<i64: 2, 16>, scalar_prefetch = 0 : i64, scratch_operands = 5 : i64, tpu.core_type = #tpu.core_type<sc_vector_subcore>, window_params = [{transform_indices = #map}, {transform_indices = #map1}]} {
    %mul3A = arith.constant 640 : i32
    %mul3A_0 = arith.muli %arg1, %mul3A : i32
    "tpu.region"() ({
      %run_scoped3A_54 = tpu.sem_alloc : memref<!tpu.dma_semaphore, #tpu.memory_space<semaphore_mem>>
      %dma_start3A = arith.constant 0 : i32
      %dma_start3A_55 = tpu.memref_slice %arg2[%arg0, %mul3A_0, %dma_start3A] : memref<2x10240x32xi32, #tpu.memory_space<hbm>> -> memref<1x640x32xi32, #tpu.memory_space<hbm>>
      %dma_start3A_56 = tpu.memref_squeeze %dma_start3A_55 : memref<1x640x32xi32, #tpu.memory_space<hbm>> -> memref<640x32xi32, #tpu.memory_space<hbm>>
      %dma_start3A_57 = arith.constant 0 : i32
      %dma_start3A_58 = tpu.memref_slice %arg2[%arg0, %mul3A_0, %dma_start3A_57] : memref<2x10240x32xi32, #tpu.memory_space<hbm>> -> memref<1x640x32xi32, #tpu.memory_space<hbm>>
      %dma_start3A_59 = tpu.memref_squeeze %dma_start3A_58 : memref<1x640x32xi32, #tpu.memory_space<hbm>> -> memref<640x32xi32, #tpu.memory_space<hbm>>
      tpu.enqueue_dma source(%dma_start3A_59 : memref<640x32xi32, #tpu.memory_space<hbm>>) target(%arg4 : memref<640x32xi32, #tpu.memory_space<vmem>>) target_semaphore(%run_scoped3A_54 : memref<!tpu.dma_semaphore, #tpu.memory_space<semaphore_mem>>)
      %dma_wait3A = arith.constant 0 : i32
      %dma_wait3A_60 = tpu.memref_slice %arg2[%arg0, %mul3A_0, %dma_wait3A] : memref<2x10240x32xi32, #tpu.memory_space<hbm>> -> memref<1x640x32xi32, #tpu.memory_space<hbm>>
      %dma_wait3A_61 = tpu.memref_squeeze %dma_wait3A_60 : memref<1x640x32xi32, #tpu.memory_space<hbm>> -> memref<640x32xi32, #tpu.memory_space<hbm>>
      %dma_wait3A_62 = arith.constant 0 : i32
      %dma_wait3A_63 = tpu.memref_slice %arg2[%arg0, %mul3A_0, %dma_wait3A_62] : memref<2x10240x32xi32, #tpu.memory_space<hbm>> -> memref<1x640x32xi32, #tpu.memory_space<hbm>>
      %dma_wait3A_64 = tpu.memref_squeeze %dma_wait3A_63 : memref<1x640x32xi32, #tpu.memory_space<hbm>> -> memref<640x32xi32, #tpu.memory_space<hbm>>
      tpu.wait_dma2 semaphore(%run_scoped3A_54 : memref<!tpu.dma_semaphore, #tpu.memory_space<semaphore_mem>>) src(%dma_wait3A_64 : memref<640x32xi32, #tpu.memory_space<hbm>>) dst(%arg4 : memref<640x32xi32, #tpu.memory_space<vmem>>)
      tpu.yield
    }) : () -> ()
    %broadcast_in_dim3A = arith.constant 0.000000e+00 : f32
    %broadcast_in_dim3A_1 = vector.broadcast %broadcast_in_dim3A : f32 to vector<16xf32>
    %scan3A = arith.constant 0 : i32
    %scan3A_2 = arith.constant 0 : i32
    %scan3A_3 = arith.constant 640 : i32
    %scan3A_4 = arith.addi %scan3A_2, %scan3A_3 : i32
    %scan3A_5 = arith.constant 1 : i32
    scf.for %scan3A_54 = %scan3A_2 to %scan3A_4 step %scan3A_5  : i32 {
      %mul3A_55 = arith.constant 16 : i32
      %mul3A_56 = arith.muli %scan3A_54, %mul3A_55 : i32
      %swap3A = arith.index_cast %mul3A_56 : i32 to index
      %swap3A_57 = tpu.vector_load %arg5[%swap3A] {strides = array<i32>} : memref<10240xf32, #tpu.memory_space<vmem>>, vector<16xf32>,
      tpu.vector_store %arg5[%swap3A], %broadcast_in_dim3A_1 {strides = array<i32>} : memref<10240xf32, #tpu.memory_space<vmem>>, vector<16xf32>,
    }
    %scan3A_6 = arith.constant 640 : i32
    %broadcast_in_dim3A_7 = arith.constant 1.000000e+00 : f32
    %broadcast_in_dim3A_8 = vector.broadcast %broadcast_in_dim3A_7 : f32 to vector<16xf32>
    %scan3A_9 = arith.constant 0 : i32
    %scan3A_10 = arith.constant 0 : i32
    %scan3A_11 = arith.constant 640 : i32
    %scan3A_12 = arith.addi %scan3A_10, %scan3A_11 : i32
    %scan3A_13 = arith.constant 1 : i32
    scf.for %scan3A_54 = %scan3A_10 to %scan3A_12 step %scan3A_13  : i32 {
      %get3A = arith.index_cast %scan3A_54 : i32 to index
      %get3A_55 = arith.constant 0 : index
      %get3A_56 = tpu.vector_load %arg4[%get3A, %get3A_55] {strides = array<i32>} : memref<640x32xi32, #tpu.memory_space<vmem>>, vector<16xi32>,
      tpu.vector_store_idx %arg5[%get3A_56], %broadcast_in_dim3A_8 {add = true} : memref<10240xf32, #tpu.memory_space<vmem>>[vector<16xi32>], vector<16xf32>,
      %get3A_57 = arith.index_cast %scan3A_54 : i32 to index
      %get3A_58 = arith.constant 16 : index
      %get3A_59 = tpu.vector_load %arg4[%get3A_57, %get3A_58] {strides = array<i32>} : memref<640x32xi32, #tpu.memory_space<vmem>>, vector<16xi32>,
      tpu.vector_store_idx %arg5[%get3A_59], %broadcast_in_dim3A_8 {add = true} : memref<10240xf32, #tpu.memory_space<vmem>>[vector<16xi32>], vector<16xf32>,
    }
    %scan3A_14 = arith.constant 640 : i32
    "tpu.region"() ({
      %run_scoped3A_54 = tpu.sem_alloc : memref<!tpu.dma_semaphore, #tpu.memory_space<semaphore_mem>>
      %dma_start3A = arith.constant 0 : i32
      %dma_start3A_55 = tpu.memref_slice %arg8[%arg1, %dma_start3A] : memref<16x10240xf32, #tpu.memory_space<vmem_shared>> -> memref<1x10240xf32, #tpu.memory_space<vmem_shared>>
      %dma_start3A_56 = tpu.memref_squeeze %dma_start3A_55 : memref<1x10240xf32, #tpu.memory_space<vmem_shared>> -> memref<10240xf32, #tpu.memory_space<vmem_shared>>
      %dma_start3A_57 = arith.constant 0 : i32
      %dma_start3A_58 = tpu.memref_slice %arg8[%arg1, %dma_start3A_57] : memref<16x10240xf32, #tpu.memory_space<vmem_shared>> -> memref<1x10240xf32, #tpu.memory_space<vmem_shared>>
      %dma_start3A_59 = tpu.memref_squeeze %dma_start3A_58 : memref<1x10240xf32, #tpu.memory_space<vmem_shared>> -> memref<10240xf32, #tpu.memory_space<vmem_shared>>
      tpu.enqueue_dma source(%arg5 : memref<10240xf32, #tpu.memory_space<vmem>>) target(%dma_start3A_59 : memref<10240xf32, #tpu.memory_space<vmem_shared>>) target_semaphore(%run_scoped3A_54 : memref<!tpu.dma_semaphore, #tpu.memory_space<semaphore_mem>>)
      %dma_wait3A = arith.constant 0 : i32
      %dma_wait3A_60 = tpu.memref_slice %arg8[%arg1, %dma_wait3A] : memref<16x10240xf32, #tpu.memory_space<vmem_shared>> -> memref<1x10240xf32, #tpu.memory_space<vmem_shared>>
      %dma_wait3A_61 = tpu.memref_squeeze %dma_wait3A_60 : memref<1x10240xf32, #tpu.memory_space<vmem_shared>> -> memref<10240xf32, #tpu.memory_space<vmem_shared>>
      %dma_wait3A_62 = arith.constant 0 : i32
      %dma_wait3A_63 = tpu.memref_slice %arg8[%arg1, %dma_wait3A_62] : memref<16x10240xf32, #tpu.memory_space<vmem_shared>> -> memref<1x10240xf32, #tpu.memory_space<vmem_shared>>
      %dma_wait3A_64 = tpu.memref_squeeze %dma_wait3A_63 : memref<1x10240xf32, #tpu.memory_space<vmem_shared>> -> memref<10240xf32, #tpu.memory_space<vmem_shared>>
      tpu.wait_dma2 semaphore(%run_scoped3A_54 : memref<!tpu.dma_semaphore, #tpu.memory_space<semaphore_mem>>) src(%arg5 : memref<10240xf32, #tpu.memory_space<vmem>>) dst(%dma_wait3A_64 : memref<10240xf32, #tpu.memory_space<vmem_shared>>)
      tpu.yield
    }) : () -> ()
    %barrier3A = arith.constant 0 : index
    tpu.barrier barrier_id(%barrier3A)
    %mul3A_15 = arith.constant 640 : i32
    %mul3A_16 = arith.muli %arg1, %mul3A_15 : i32
    %run_scoped3A = arith.constant 0 : i32
    %run_scoped3A_17 = arith.constant 0 : i32
    "tpu.region"() ({
      %run_scoped3A_54 = tpu.sem_alloc : memref<!tpu.dma_semaphore, #tpu.memory_space<semaphore_mem>>
      %dma_start3A = arith.constant 0 : i32
      %dma_start3A_55 = tpu.memref_slice %arg6[%run_scoped3A_17, %dma_start3A] : memref<16x640xf32, #tpu.memory_space<vmem>> -> memref<1x640xf32, #tpu.memory_space<vmem>>
      %dma_start3A_56 = tpu.memref_squeeze %dma_start3A_55 : memref<1x640xf32, #tpu.memory_space<vmem>> -> memref<640xf32, #tpu.memory_space<vmem>>
      %dma_start3A_57 = tpu.memref_slice %arg8[%run_scoped3A, %mul3A_16] : memref<16x10240xf32, #tpu.memory_space<vmem_shared>> -> memref<1x640xf32, #tpu.memory_space<vmem_shared>>
      %dma_start3A_58 = tpu.memref_squeeze %dma_start3A_57 : memref<1x640xf32, #tpu.memory_space<vmem_shared>> -> memref<640xf32, #tpu.memory_space<vmem_shared>>
      %dma_start3A_59 = arith.constant 0 : i32
      %dma_start3A_60 = tpu.memref_slice %arg6[%run_scoped3A_17, %dma_start3A_59] : memref<16x640xf32, #tpu.memory_space<vmem>> -> memref<1x640xf32, #tpu.memory_space<vmem>>
      %dma_start3A_61 = tpu.memref_squeeze %dma_start3A_60 : memref<1x640xf32, #tpu.memory_space<vmem>> -> memref<640xf32, #tpu.memory_space<vmem>>
      %dma_start3A_62 = tpu.memref_slice %arg8[%run_scoped3A, %mul3A_16] : memref<16x10240xf32, #tpu.memory_space<vmem_shared>> -> memref<1x640xf32, #tpu.memory_space<vmem_shared>>
      %dma_start3A_63 = tpu.memref_squeeze %dma_start3A_62 : memref<1x640xf32, #tpu.memory_space<vmem_shared>> -> memref<640xf32, #tpu.memory_space<vmem_shared>>
      tpu.enqueue_dma source(%dma_start3A_63 : memref<640xf32, #tpu.memory_space<vmem_shared>>) target(%dma_start3A_61 : memref<640xf32, #tpu.memory_space<vmem>>) target_semaphore(%run_scoped3A_54 : memref<!tpu.dma_semaphore, #tpu.memory_space<semaphore_mem>>)
      %dma_wait3A = arith.constant 0 : i32
      %dma_wait3A_64 = tpu.memref_slice %arg6[%run_scoped3A_17, %dma_wait3A] : memref<16x640xf32, #tpu.memory_space<vmem>> -> memref<1x640xf32, #tpu.memory_space<vmem>>
      %dma_wait3A_65 = tpu.memref_squeeze %dma_wait3A_64 : memref<1x640xf32, #tpu.memory_space<vmem>> -> memref<640xf32, #tpu.memory_space<vmem>>
      %dma_wait3A_66 = tpu.memref_slice %arg8[%run_scoped3A, %mul3A_16] : memref<16x10240xf32, #tpu.memory_space<vmem_shared>> -> memref<1x640xf32, #tpu.memory_space<vmem_shared>>
      %dma_wait3A_67 = tpu.memref_squeeze %dma_wait3A_66 : memref<1x640xf32, #tpu.memory_space<vmem_shared>> -> memref<640xf32, #tpu.memory_space<vmem_shared>>
      %dma_wait3A_68 = arith.constant 0 : i32
      %dma_wait3A_69 = tpu.memref_slice %arg6[%run_scoped3A_17, %dma_wait3A_68] : memref<16x640xf32, #tpu.memory_space<vmem>> -> memref<1x640xf32, #tpu.memory_space<vmem>>
      %dma_wait3A_70 = tpu.memref_squeeze %dma_wait3A_69 : memref<1x640xf32, #tpu.memory_space<vmem>> -> memref<640xf32, #tpu.memory_space<vmem>>
      %dma_wait3A_71 = tpu.memref_slice %arg8[%run_scoped3A, %mul3A_16] : memref<16x10240xf32, #tpu.memory_space<vmem_shared>> -> memref<1x640xf32, #tpu.memory_space<vmem_shared>>
      %dma_wait3A_72 = tpu.memref_squeeze %dma_wait3A_71 : memref<1x640xf32, #tpu.memory_space<vmem_shared>> -> memref<640xf32, #tpu.memory_space<vmem_shared>>
      tpu.wait_dma2 semaphore(%run_scoped3A_54 : memref<!tpu.dma_semaphore, #tpu.memory_space<semaphore_mem>>) src(%dma_wait3A_72 : memref<640xf32, #tpu.memory_space<vmem_shared>>) dst(%dma_wait3A_70 : memref<640xf32, #tpu.memory_space<vmem>>)
      tpu.yield
    }) : () -> ()
    %run_scoped3A_18 = arith.constant 1 : i32
    %run_scoped3A_19 = arith.constant 1 : i32
    "tpu.region"() ({
      %run_scoped3A_54 = tpu.sem_alloc : memref<!tpu.dma_semaphore, #tpu.memory_space<semaphore_mem>>
      %dma_start3A = arith.constant 0 : i32
      %dma_start3A_55 = tpu.memref_slice %arg6[%run_scoped3A_19, %dma_start3A] : memref<16x640xf32, #tpu.memory_space<vmem>> -> memref<1x640xf32, #tpu.memory_space<vmem>>
      %dma_start3A_56 = tpu.memref_squeeze %dma_start3A_55 : memref<1x640xf32, #tpu.memory_space<vmem>> -> memref<640xf32, #tpu.memory_space<vmem>>
      %dma_start3A_57 = tpu.memref_slice %arg8[%run_scoped3A_18, %mul3A_16] : memref<16x10240xf32, #tpu.memory_space<vmem_shared>> -> memref<1x640xf32, #tpu.memory_space<vmem_shared>>
      %dma_start3A_58 = tpu.memref_squeeze %dma_start3A_57 : memref<1x640xf32, #tpu.memory_space<vmem_shared>> -> memref<640xf32, #tpu.memory_space<vmem_shared>>
      %dma_start3A_59 = arith.constant 0 : i32
      %dma_start3A_60 = tpu.memref_slice %arg6[%run_scoped3A_19, %dma_start3A_59] : memref<16x640xf32, #tpu.memory_space<vmem>> -> memref<1x640xf32, #tpu.memory_space<vmem>>
      %dma_start3A_61 = tpu.memref_squeeze %dma_start3A_60 : memref<1x640xf32, #tpu.memory_space<vmem>> -> memref<640xf32, #tpu.memory_space<vmem>>
      %dma_start3A_62 = tpu.memref_slice %arg8[%run_scoped3A_18, %mul3A_16] : memref<16x10240xf32, #tpu.memory_space<vmem_shared>> -> memref<1x640xf32, #tpu.memory_space<vmem_shared>>
      %dma_start3A_63 = tpu.memref_squeeze %dma_start3A_62 : memref<1x640xf32, #tpu.memory_space<vmem_shared>> -> memref<640xf32, #tpu.memory_space<vmem_shared>>
      tpu.enqueue_dma source(%dma_start3A_63 : memref<640xf32, #tpu.memory_space<vmem_shared>>) target(%dma_start3A_61 : memref<640xf32, #tpu.memory_space<vmem>>) target_semaphore(%run_scoped3A_54 : memref<!tpu.dma_semaphore, #tpu.memory_space<semaphore_mem>>)
      %dma_wait3A = arith.constant 0 : i32
      %dma_wait3A_64 = tpu.memref_slice %arg6[%run_scoped3A_19, %dma_wait3A] : memref<16x640xf32, #tpu.memory_space<vmem>> -> memref<1x640xf32, #tpu.memory_space<vmem>>
      %dma_wait3A_65 = tpu.memref_squeeze %dma_wait3A_64 : memref<1x640xf32, #tpu.memory_space<vmem>> -> memref<640xf32, #tpu.memory_space<vmem>>
      %dma_wait3A_66 = tpu.memref_slice %arg8[%run_scoped3A_18, %mul3A_16] : memref<16x10240xf32, #tpu.memory_space<vmem_shared>> -> memref<1x640xf32, #tpu.memory_space<vmem_shared>>
      %dma_wait3A_67 = tpu.memref_squeeze %dma_wait3A_66 : memref<1x640xf32, #tpu.memory_space<vmem_shared>> -> memref<640xf32, #tpu.memory_space<vmem_shared>>
      %dma_wait3A_68 = arith.constant 0 : i32
      %dma_wait3A_69 = tpu.memref_slice %arg6[%run_scoped3A_19, %dma_wait3A_68] : memref<16x640xf32, #tpu.memory_space<vmem>> -> memref<1x640xf32, #tpu.memory_space<vmem>>
      %dma_wait3A_70 = tpu.memref_squeeze %dma_wait3A_69 : memref<1x640xf32, #tpu.memory_space<vmem>> -> memref<640xf32, #tpu.memory_space<vmem>>
      %dma_wait3A_71 = tpu.memref_slice %arg8[%run_scoped3A_18, %mul3A_16] : memref<16x10240xf32, #tpu.memory_space<vmem_shared>> -> memref<1x640xf32, #tpu.memory_space<vmem_shared>>
      %dma_wait3A_72 = tpu.memref_squeeze %dma_wait3A_71 : memref<1x640xf32, #tpu.memory_space<vmem_shared>> -> memref<640xf32, #tpu.memory_space<vmem_shared>>
      tpu.wait_dma2 semaphore(%run_scoped3A_54 : memref<!tpu.dma_semaphore, #tpu.memory_space<semaphore_mem>>) src(%dma_wait3A_72 : memref<640xf32, #tpu.memory_space<vmem_shared>>) dst(%dma_wait3A_70 : memref<640xf32, #tpu.memory_space<vmem>>)
      tpu.yield
    }) : () -> ()
    %run_scoped3A_20 = arith.constant 2 : i32
    %run_scoped3A_21 = arith.constant 2 : i32
    "tpu.region"() ({
      %run_scoped3A_54 = tpu.sem_alloc : memref<!tpu.dma_semaphore, #tpu.memory_space<semaphore_mem>>
      %dma_start3A = arith.constant 0 : i32
      %dma_start3A_55 = tpu.memref_slice %arg6[%run_scoped3A_21, %dma_start3A] : memref<16x640xf32, #tpu.memory_space<vmem>> -> memref<1x640xf32, #tpu.memory_space<vmem>>
      %dma_start3A_56 = tpu.memref_squeeze %dma_start3A_55 : memref<1x640xf32, #tpu.memory_space<vmem>> -> memref<640xf32, #tpu.memory_space<vmem>>
      %dma_start3A_57 = tpu.memref_slice %arg8[%run_scoped3A_20, %mul3A_16] : memref<16x10240xf32, #tpu.memory_space<vmem_shared>> -> memref<1x640xf32, #tpu.memory_space<vmem_shared>>
      %dma_start3A_58 = tpu.memref_squeeze %dma_start3A_57 : memref<1x640xf32, #tpu.memory_space<vmem_shared>> -> memref<640xf32, #tpu.memory_space<vmem_shared>>
      %dma_start3A_59 = arith.constant 0 : i32
      %dma_start3A_60 = tpu.memref_slice %arg6[%run_scoped3A_21, %dma_start3A_59] : memref<16x640xf32, #tpu.memory_space<vmem>> -> memref<1x640xf32, #tpu.memory_space<vmem>>
      %dma_start3A_61 = tpu.memref_squeeze %dma_start3A_60 : memref<1x640xf32, #tpu.memory_space<vmem>> -> memref<640xf32, #tpu.memory_space<vmem>>
      %dma_start3A_62 = tpu.memref_slice %arg8[%run_scoped3A_20, %mul3A_16] : memref<16x10240xf32, #tpu.memory_space<vmem_shared>> -> memref<1x640xf32, #tpu.memory_space<vmem_shared>>
      %dma_start3A_63 = tpu.memref_squeeze %dma_start3A_62 : memref<1x640xf32, #tpu.memory_space<vmem_shared>> -> memref<640xf32, #tpu.memory_space<vmem_shared>>
      tpu.enqueue_dma source(%dma_start3A_63 : memref<640xf32, #tpu.memory_space<vmem_shared>>) target(%dma_start3A_61 : memref<640xf32, #tpu.memory_space<vmem>>) target_semaphore(%run_scoped3A_54 : memref<!tpu.dma_semaphore, #tpu.memory_space<semaphore_mem>>)
      %dma_wait3A = arith.constant 0 : i32
      %dma_wait3A_64 = tpu.memref_slice %arg6[%run_scoped3A_21, %dma_wait3A] : memref<16x640xf32, #tpu.memory_space<vmem>> -> memref<1x640xf32, #tpu.memory_space<vmem>>
      %dma_wait3A_65 = tpu.memref_squeeze %dma_wait3A_64 : memref<1x640xf32, #tpu.memory_space<vmem>> -> memref<640xf32, #tpu.memory_space<vmem>>
      %dma_wait3A_66 = tpu.memref_slice %arg8[%run_scoped3A_20, %mul3A_16] : memref<16x10240xf32, #tpu.memory_space<vmem_shared>> -> memref<1x640xf32, #tpu.memory_space<vmem_shared>>
      %dma_wait3A_67 = tpu.memref_squeeze %dma_wait3A_66 : memref<1x640xf32, #tpu.memory_space<vmem_shared>> -> memref<640xf32, #tpu.memory_space<vmem_shared>>
      %dma_wait3A_68 = arith.constant 0 : i32
      %dma_wait3A_69 = tpu.memref_slice %arg6[%run_scoped3A_21, %dma_wait3A_68] : memref<16x640xf32, #tpu.memory_space<vmem>> -> memref<1x640xf32, #tpu.memory_space<vmem>>
      %dma_wait3A_70 = tpu.memref_squeeze %dma_wait3A_69 : memref<1x640xf32, #tpu.memory_space<vmem>> -> memref<640xf32, #tpu.memory_space<vmem>>
      %dma_wait3A_71 = tpu.memref_slice %arg8[%run_scoped3A_20, %mul3A_16] : memref<16x10240xf32, #tpu.memory_space<vmem_shared>> -> memref<1x640xf32, #tpu.memory_space<vmem_shared>>
      %dma_wait3A_72 = tpu.memref_squeeze %dma_wait3A_71 : memref<1x640xf32, #tpu.memory_space<vmem_shared>> -> memref<640xf32, #tpu.memory_space<vmem_shared>>
      tpu.wait_dma2 semaphore(%run_scoped3A_54 : memref<!tpu.dma_semaphore, #tpu.memory_space<semaphore_mem>>) src(%dma_wait3A_72 : memref<640xf32, #tpu.memory_space<vmem_shared>>) dst(%dma_wait3A_70 : memref<640xf32, #tpu.memory_space<vmem>>)
      tpu.yield
    }) : () -> ()
    %run_scoped3A_22 = arith.constant 3 : i32
    %run_scoped3A_23 = arith.constant 3 : i32
    "tpu.region"() ({
      %run_scoped3A_54 = tpu.sem_alloc : memref<!tpu.dma_semaphore, #tpu.memory_space<semaphore_mem>>
      %dma_start3A = arith.constant 0 : i32
      %dma_start3A_55 = tpu.memref_slice %arg6[%run_scoped3A_23, %dma_start3A] : memref<16x640xf32, #tpu.memory_space<vmem>> -> memref<1x640xf32, #tpu.memory_space<vmem>>
      %dma_start3A_56 = tpu.memref_squeeze %dma_start3A_55 : memref<1x640xf32, #tpu.memory_space<vmem>> -> memref<640xf32, #tpu.memory_space<vmem>>
      %dma_start3A_57 = tpu.memref_slice %arg8[%run_scoped3A_22, %mul3A_16] : memref<16x10240xf32, #tpu.memory_space<vmem_shared>> -> memref<1x640xf32, #tpu.memory_space<vmem_shared>>
      %dma_start3A_58 = tpu.memref_squeeze %dma_start3A_57 : memref<1x640xf32, #tpu.memory_space<vmem_shared>> -> memref<640xf32, #tpu.memory_space<vmem_shared>>
      %dma_start3A_59 = arith.constant 0 : i32
      %dma_start3A_60 = tpu.memref_slice %arg6[%run_scoped3A_23, %dma_start3A_59] : memref<16x640xf32, #tpu.memory_space<vmem>> -> memref<1x640xf32, #tpu.memory_space<vmem>>
      %dma_start3A_61 = tpu.memref_squeeze %dma_start3A_60 : memref<1x640xf32, #tpu.memory_space<vmem>> -> memref<640xf32, #tpu.memory_space<vmem>>
      %dma_start3A_62 = tpu.memref_slice %arg8[%run_scoped3A_22, %mul3A_16] : memref<16x10240xf32, #tpu.memory_space<vmem_shared>> -> memref<1x640xf32, #tpu.memory_space<vmem_shared>>
      %dma_start3A_63 = tpu.memref_squeeze %dma_start3A_62 : memref<1x640xf32, #tpu.memory_space<vmem_shared>> -> memref<640xf32, #tpu.memory_space<vmem_shared>>
      tpu.enqueue_dma source(%dma_start3A_63 : memref<640xf32, #tpu.memory_space<vmem_shared>>) target(%dma_start3A_61 : memref<640xf32, #tpu.memory_space<vmem>>) target_semaphore(%run_scoped3A_54 : memref<!tpu.dma_semaphore, #tpu.memory_space<semaphore_mem>>)
      %dma_wait3A = arith.constant 0 : i32
      %dma_wait3A_64 = tpu.memref_slice %arg6[%run_scoped3A_23, %dma_wait3A] : memref<16x640xf32, #tpu.memory_space<vmem>> -> memref<1x640xf32, #tpu.memory_space<vmem>>
      %dma_wait3A_65 = tpu.memref_squeeze %dma_wait3A_64 : memref<1x640xf32, #tpu.memory_space<vmem>> -> memref<640xf32, #tpu.memory_space<vmem>>
      %dma_wait3A_66 = tpu.memref_slice %arg8[%run_scoped3A_22, %mul3A_16] : memref<16x10240xf32, #tpu.memory_space<vmem_shared>> -> memref<1x640xf32, #tpu.memory_space<vmem_shared>>
      %dma_wait3A_67 = tpu.memref_squeeze %dma_wait3A_66 : memref<1x640xf32, #tpu.memory_space<vmem_shared>> -> memref<640xf32, #tpu.memory_space<vmem_shared>>
      %dma_wait3A_68 = arith.constant 0 : i32
      %dma_wait3A_69 = tpu.memref_slice %arg6[%run_scoped3A_23, %dma_wait3A_68] : memref<16x640xf32, #tpu.memory_space<vmem>> -> memref<1x640xf32, #tpu.memory_space<vmem>>
      %dma_wait3A_70 = tpu.memref_squeeze %dma_wait3A_69 : memref<1x640xf32, #tpu.memory_space<vmem>> -> memref<640xf32, #tpu.memory_space<vmem>>
      %dma_wait3A_71 = tpu.memref_slice %arg8[%run_scoped3A_22, %mul3A_16] : memref<16x10240xf32, #tpu.memory_space<vmem_shared>> -> memref<1x640xf32, #tpu.memory_space<vmem_shared>>
      %dma_wait3A_72 = tpu.memref_squeeze %dma_wait3A_71 : memref<1x640xf32, #tpu.memory_space<vmem_shared>> -> memref<640xf32, #tpu.memory_space<vmem_shared>>
      tpu.wait_dma2 semaphore(%run_scoped3A_54 : memref<!tpu.dma_semaphore, #tpu.memory_space<semaphore_mem>>) src(%dma_wait3A_72 : memref<640xf32, #tpu.memory_space<vmem_shared>>) dst(%dma_wait3A_70 : memref<640xf32, #tpu.memory_space<vmem>>)
      tpu.yield
    }) : () -> ()
    %run_scoped3A_24 = arith.constant 4 : i32
    %run_scoped3A_25 = arith.constant 4 : i32
    "tpu.region"() ({
      %run_scoped3A_54 = tpu.sem_alloc : memref<!tpu.dma_semaphore, #tpu.memory_space<semaphore_mem>>
      %dma_start3A = arith.constant 0 : i32
      %dma_start3A_55 = tpu.memref_slice %arg6[%run_scoped3A_25, %dma_start3A] : memref<16x640xf32, #tpu.memory_space<vmem>> -> memref<1x640xf32, #tpu.memory_space<vmem>>
      %dma_start3A_56 = tpu.memref_squeeze %dma_start3A_55 : memref<1x640xf32, #tpu.memory_space<vmem>> -> memref<640xf32, #tpu.memory_space<vmem>>
      %dma_start3A_57 = tpu.memref_slice %arg8[%run_scoped3A_24, %mul3A_16] : memref<16x10240xf32, #tpu.memory_space<vmem_shared>> -> memref<1x640xf32, #tpu.memory_space<vmem_shared>>
      %dma_start3A_58 = tpu.memref_squeeze %dma_start3A_57 : memref<1x640xf32, #tpu.memory_space<vmem_shared>> -> memref<640xf32, #tpu.memory_space<vmem_shared>>
      %dma_start3A_59 = arith.constant 0 : i32
      %dma_start3A_60 = tpu.memref_slice %arg6[%run_scoped3A_25, %dma_start3A_59] : memref<16x640xf32, #tpu.memory_space<vmem>> -> memref<1x640xf32, #tpu.memory_space<vmem>>
      %dma_start3A_61 = tpu.memref_squeeze %dma_start3A_60 : memref<1x640xf32, #tpu.memory_space<vmem>> -> memref<640xf32, #tpu.memory_space<vmem>>
      %dma_start3A_62 = tpu.memref_slice %arg8[%run_scoped3A_24, %mul3A_16] : memref<16x10240xf32, #tpu.memory_space<vmem_shared>> -> memref<1x640xf32, #tpu.memory_space<vmem_shared>>
      %dma_start3A_63 = tpu.memref_squeeze %dma_start3A_62 : memref<1x640xf32, #tpu.memory_space<vmem_shared>> -> memref<640xf32, #tpu.memory_space<vmem_shared>>
      tpu.enqueue_dma source(%dma_start3A_63 : memref<640xf32, #tpu.memory_space<vmem_shared>>) target(%dma_start3A_61 : memref<640xf32, #tpu.memory_space<vmem>>) target_semaphore(%run_scoped3A_54 : memref<!tpu.dma_semaphore, #tpu.memory_space<semaphore_mem>>)
      %dma_wait3A = arith.constant 0 : i32
      %dma_wait3A_64 = tpu.memref_slice %arg6[%run_scoped3A_25, %dma_wait3A] : memref<16x640xf32, #tpu.memory_space<vmem>> -> memref<1x640xf32, #tpu.memory_space<vmem>>
      %dma_wait3A_65 = tpu.memref_squeeze %dma_wait3A_64 : memref<1x640xf32, #tpu.memory_space<vmem>> -> memref<640xf32, #tpu.memory_space<vmem>>
      %dma_wait3A_66 = tpu.memref_slice %arg8[%run_scoped3A_24, %mul3A_16] : memref<16x10240xf32, #tpu.memory_space<vmem_shared>> -> memref<1x640xf32, #tpu.memory_space<vmem_shared>>
      %dma_wait3A_67 = tpu.memref_squeeze %dma_wait3A_66 : memref<1x640xf32, #tpu.memory_space<vmem_shared>> -> memref<640xf32, #tpu.memory_space<vmem_shared>>
      %dma_wait3A_68 = arith.constant 0 : i32
      %dma_wait3A_69 = tpu.memref_slice %arg6[%run_scoped3A_25, %dma_wait3A_68] : memref<16x640xf32, #tpu.memory_space<vmem>> -> memref<1x640xf32, #tpu.memory_space<vmem>>
      %dma_wait3A_70 = tpu.memref_squeeze %dma_wait3A_69 : memref<1x640xf32, #tpu.memory_space<vmem>> -> memref<640xf32, #tpu.memory_space<vmem>>
      %dma_wait3A_71 = tpu.memref_slice %arg8[%run_scoped3A_24, %mul3A_16] : memref<16x10240xf32, #tpu.memory_space<vmem_shared>> -> memref<1x640xf32, #tpu.memory_space<vmem_shared>>
      %dma_wait3A_72 = tpu.memref_squeeze %dma_wait3A_71 : memref<1x640xf32, #tpu.memory_space<vmem_shared>> -> memref<640xf32, #tpu.memory_space<vmem_shared>>
      tpu.wait_dma2 semaphore(%run_scoped3A_54 : memref<!tpu.dma_semaphore, #tpu.memory_space<semaphore_mem>>) src(%dma_wait3A_72 : memref<640xf32, #tpu.memory_space<vmem_shared>>) dst(%dma_wait3A_70 : memref<640xf32, #tpu.memory_space<vmem>>)
      tpu.yield
    }) : () -> ()
    %run_scoped3A_26 = arith.constant 5 : i32
    %run_scoped3A_27 = arith.constant 5 : i32
    "tpu.region"() ({
      %run_scoped3A_54 = tpu.sem_alloc : memref<!tpu.dma_semaphore, #tpu.memory_space<semaphore_mem>>
      %dma_start3A = arith.constant 0 : i32
      %dma_start3A_55 = tpu.memref_slice %arg6[%run_scoped3A_27, %dma_start3A] : memref<16x640xf32, #tpu.memory_space<vmem>> -> memref<1x640xf32, #tpu.memory_space<vmem>>
      %dma_start3A_56 = tpu.memref_squeeze %dma_start3A_55 : memref<1x640xf32, #tpu.memory_space<vmem>> -> memref<640xf32, #tpu.memory_space<vmem>>
      %dma_start3A_57 = tpu.memref_slice %arg8[%run_scoped3A_26, %mul3A_16] : memref<16x10240xf32, #tpu.memory_space<vmem_shared>> -> memref<1x640xf32, #tpu.memory_space<vmem_shared>>
      %dma_start3A_58 = tpu.memref_squeeze %dma_start3A_57 : memref<1x640xf32, #tpu.memory_space<vmem_shared>> -> memref<640xf32, #tpu.memory_space<vmem_shared>>
      %dma_start3A_59 = arith.constant 0 : i32
      %dma_start3A_60 = tpu.memref_slice %arg6[%run_scoped3A_27, %dma_start3A_59] : memref<16x640xf32, #tpu.memory_space<vmem>> -> memref<1x640xf32, #tpu.memory_space<vmem>>
      %dma_start3A_61 = tpu.memref_squeeze %dma_start3A_60 : memref<1x640xf32, #tpu.memory_space<vmem>> -> memref<640xf32, #tpu.memory_space<vmem>>
      %dma_start3A_62 = tpu.memref_slice %arg8[%run_scoped3A_26, %mul3A_16] : memref<16x10240xf32, #tpu.memory_space<vmem_shared>> -> memref<1x640xf32, #tpu.memory_space<vmem_shared>>
      %dma_start3A_63 = tpu.memref_squeeze %dma_start3A_62 : memref<1x640xf32, #tpu.memory_space<vmem_shared>> -> memref<640xf32, #tpu.memory_space<vmem_shared>>
      tpu.enqueue_dma source(%dma_start3A_63 : memref<640xf32, #tpu.memory_space<vmem_shared>>) target(%dma_start3A_61 : memref<640xf32, #tpu.memory_space<vmem>>) target_semaphore(%run_scoped3A_54 : memref<!tpu.dma_semaphore, #tpu.memory_space<semaphore_mem>>)
      %dma_wait3A = arith.constant 0 : i32
      %dma_wait3A_64 = tpu.memref_slice %arg6[%run_scoped3A_27, %dma_wait3A] : memref<16x640xf32, #tpu.memory_space<vmem>> -> memref<1x640xf32, #tpu.memory_space<vmem>>
      %dma_wait3A_65 = tpu.memref_squeeze %dma_wait3A_64 : memref<1x640xf32, #tpu.memory_space<vmem>> -> memref<640xf32, #tpu.memory_space<vmem>>
      %dma_wait3A_66 = tpu.memref_slice %arg8[%run_scoped3A_26, %mul3A_16] : memref<16x10240xf32, #tpu.memory_space<vmem_shared>> -> memref<1x640xf32, #tpu.memory_space<vmem_shared>>
      %dma_wait3A_67 = tpu.memref_squeeze %dma_wait3A_66 : memref<1x640xf32, #tpu.memory_space<vmem_shared>> -> memref<640xf32, #tpu.memory_space<vmem_shared>>
      %dma_wait3A_68 = arith.constant 0 : i32
      %dma_wait3A_69 = tpu.memref_slice %arg6[%run_scoped3A_27, %dma_wait3A_68] : memref<16x640xf32, #tpu.memory_space<vmem>> -> memref<1x640xf32, #tpu.memory_space<vmem>>
      %dma_wait3A_70 = tpu.memref_squeeze %dma_wait3A_69 : memref<1x640xf32, #tpu.memory_space<vmem>> -> memref<640xf32, #tpu.memory_space<vmem>>
      %dma_wait3A_71 = tpu.memref_slice %arg8[%run_scoped3A_26, %mul3A_16] : memref<16x10240xf32, #tpu.memory_space<vmem_shared>> -> memref<1x640xf32, #tpu.memory_space<vmem_shared>>
      %dma_wait3A_72 = tpu.memref_squeeze %dma_wait3A_71 : memref<1x640xf32, #tpu.memory_space<vmem_shared>> -> memref<640xf32, #tpu.memory_space<vmem_shared>>
      tpu.wait_dma2 semaphore(%run_scoped3A_54 : memref<!tpu.dma_semaphore, #tpu.memory_space<semaphore_mem>>) src(%dma_wait3A_72 : memref<640xf32, #tpu.memory_space<vmem_shared>>) dst(%dma_wait3A_70 : memref<640xf32, #tpu.memory_space<vmem>>)
      tpu.yield
    }) : () -> ()
    %run_scoped3A_28 = arith.constant 6 : i32
    %run_scoped3A_29 = arith.constant 6 : i32
    "tpu.region"() ({
      %run_scoped3A_54 = tpu.sem_alloc : memref<!tpu.dma_semaphore, #tpu.memory_space<semaphore_mem>>
      %dma_start3A = arith.constant 0 : i32
      %dma_start3A_55 = tpu.memref_slice %arg6[%run_scoped3A_29, %dma_start3A] : memref<16x640xf32, #tpu.memory_space<vmem>> -> memref<1x640xf32, #tpu.memory_space<vmem>>
      %dma_start3A_56 = tpu.memref_squeeze %dma_start3A_55 : memref<1x640xf32, #tpu.memory_space<vmem>> -> memref<640xf32, #tpu.memory_space<vmem>>
      %dma_start3A_57 = tpu.memref_slice %arg8[%run_scoped3A_28, %mul3A_16] : memref<16x10240xf32, #tpu.memory_space<vmem_shared>> -> memref<1x640xf32, #tpu.memory_space<vmem_shared>>
      %dma_start3A_58 = tpu.memref_squeeze %dma_start3A_57 : memref<1x640xf32, #tpu.memory_space<vmem_shared>> -> memref<640xf32, #tpu.memory_space<vmem_shared>>
      %dma_start3A_59 = arith.constant 0 : i32
      %dma_start3A_60 = tpu.memref_slice %arg6[%run_scoped3A_29, %dma_start3A_59] : memref<16x640xf32, #tpu.memory_space<vmem>> -> memref<1x640xf32, #tpu.memory_space<vmem>>
      %dma_start3A_61 = tpu.memref_squeeze %dma_start3A_60 : memref<1x640xf32, #tpu.memory_space<vmem>> -> memref<640xf32, #tpu.memory_space<vmem>>
      %dma_start3A_62 = tpu.memref_slice %arg8[%run_scoped3A_28, %mul3A_16] : memref<16x10240xf32, #tpu.memory_space<vmem_shared>> -> memref<1x640xf32, #tpu.memory_space<vmem_shared>>
      %dma_start3A_63 = tpu.memref_squeeze %dma_start3A_62 : memref<1x640xf32, #tpu.memory_space<vmem_shared>> -> memref<640xf32, #tpu.memory_space<vmem_shared>>
      tpu.enqueue_dma source(%dma_start3A_63 : memref<640xf32, #tpu.memory_space<vmem_shared>>) target(%dma_start3A_61 : memref<640xf32, #tpu.memory_space<vmem>>) target_semaphore(%run_scoped3A_54 : memref<!tpu.dma_semaphore, #tpu.memory_space<semaphore_mem>>)
      %dma_wait3A = arith.constant 0 : i32
      %dma_wait3A_64 = tpu.memref_slice %arg6[%run_scoped3A_29, %dma_wait3A] : memref<16x640xf32, #tpu.memory_space<vmem>> -> memref<1x640xf32, #tpu.memory_space<vmem>>
      %dma_wait3A_65 = tpu.memref_squeeze %dma_wait3A_64 : memref<1x640xf32, #tpu.memory_space<vmem>> -> memref<640xf32, #tpu.memory_space<vmem>>
      %dma_wait3A_66 = tpu.memref_slice %arg8[%run_scoped3A_28, %mul3A_16] : memref<16x10240xf32, #tpu.memory_space<vmem_shared>> -> memref<1x640xf32, #tpu.memory_space<vmem_shared>>
      %dma_wait3A_67 = tpu.memref_squeeze %dma_wait3A_66 : memref<1x640xf32, #tpu.memory_space<vmem_shared>> -> memref<640xf32, #tpu.memory_space<vmem_shared>>
      %dma_wait3A_68 = arith.constant 0 : i32
      %dma_wait3A_69 = tpu.memref_slice %arg6[%run_scoped3A_29, %dma_wait3A_68] : memref<16x640xf32, #tpu.memory_space<vmem>> -> memref<1x640xf32, #tpu.memory_space<vmem>>
      %dma_wait3A_70 = tpu.memref_squeeze %dma_wait3A_69 : memref<1x640xf32, #tpu.memory_space<vmem>> -> memref<640xf32, #tpu.memory_space<vmem>>
      %dma_wait3A_71 = tpu.memref_slice %arg8[%run_scoped3A_28, %mul3A_16] : memref<16x10240xf32, #tpu.memory_space<vmem_shared>> -> memref<1x640xf32, #tpu.memory_space<vmem_shared>>
      %dma_wait3A_72 = tpu.memref_squeeze %dma_wait3A_71 : memref<1x640xf32, #tpu.memory_space<vmem_shared>> -> memref<640xf32, #tpu.memory_space<vmem_shared>>
      tpu.wait_dma2 semaphore(%run_scoped3A_54 : memref<!tpu.dma_semaphore, #tpu.memory_space<semaphore_mem>>) src(%dma_wait3A_72 : memref<640xf32, #tpu.memory_space<vmem_shared>>) dst(%dma_wait3A_70 : memref<640xf32, #tpu.memory_space<vmem>>)
      tpu.yield
    }) : () -> ()
    %run_scoped3A_30 = arith.constant 7 : i32
    %run_scoped3A_31 = arith.constant 7 : i32
    "tpu.region"() ({
      %run_scoped3A_54 = tpu.sem_alloc : memref<!tpu.dma_semaphore, #tpu.memory_space<semaphore_mem>>
      %dma_start3A = arith.constant 0 : i32
      %dma_start3A_55 = tpu.memref_slice %arg6[%run_scoped3A_31, %dma_start3A] : memref<16x640xf32, #tpu.memory_space<vmem>> -> memref<1x640xf32, #tpu.memory_space<vmem>>
      %dma_start3A_56 = tpu.memref_squeeze %dma_start3A_55 : memref<1x640xf32, #tpu.memory_space<vmem>> -> memref<640xf32, #tpu.memory_space<vmem>>
      %dma_start3A_57 = tpu.memref_slice %arg8[%run_scoped3A_30, %mul3A_16] : memref<16x10240xf32, #tpu.memory_space<vmem_shared>> -> memref<1x640xf32, #tpu.memory_space<vmem_shared>>
      %dma_start3A_58 = tpu.memref_squeeze %dma_start3A_57 : memref<1x640xf32, #tpu.memory_space<vmem_shared>> -> memref<640xf32, #tpu.memory_space<vmem_shared>>
      %dma_start3A_59 = arith.constant 0 : i32
      %dma_start3A_60 = tpu.memref_slice %arg6[%run_scoped3A_31, %dma_start3A_59] : memref<16x640xf32, #tpu.memory_space<vmem>> -> memref<1x640xf32, #tpu.memory_space<vmem>>
      %dma_start3A_61 = tpu.memref_squeeze %dma_start3A_60 : memref<1x640xf32, #tpu.memory_space<vmem>> -> memref<640xf32, #tpu.memory_space<vmem>>
      %dma_start3A_62 = tpu.memref_slice %arg8[%run_scoped3A_30, %mul3A_16] : memref<16x10240xf32, #tpu.memory_space<vmem_shared>> -> memref<1x640xf32, #tpu.memory_space<vmem_shared>>
      %dma_start3A_63 = tpu.memref_squeeze %dma_start3A_62 : memref<1x640xf32, #tpu.memory_space<vmem_shared>> -> memref<640xf32, #tpu.memory_space<vmem_shared>>
      tpu.enqueue_dma source(%dma_start3A_63 : memref<640xf32, #tpu.memory_space<vmem_shared>>) target(%dma_start3A_61 : memref<640xf32, #tpu.memory_space<vmem>>) target_semaphore(%run_scoped3A_54 : memref<!tpu.dma_semaphore, #tpu.memory_space<semaphore_mem>>)
      %dma_wait3A = arith.constant 0 : i32
      %dma_wait3A_64 = tpu.memref_slice %arg6[%run_scoped3A_31, %dma_wait3A] : memref<16x640xf32, #tpu.memory_space<vmem>> -> memref<1x640xf32, #tpu.memory_space<vmem>>
      %dma_wait3A_65 = tpu.memref_squeeze %dma_wait3A_64 : memref<1x640xf32, #tpu.memory_space<vmem>> -> memref<640xf32, #tpu.memory_space<vmem>>
      %dma_wait3A_66 = tpu.memref_slice %arg8[%run_scoped3A_30, %mul3A_16] : memref<16x10240xf32, #tpu.memory_space<vmem_shared>> -> memref<1x640xf32, #tpu.memory_space<vmem_shared>>
      %dma_wait3A_67 = tpu.memref_squeeze %dma_wait3A_66 : memref<1x640xf32, #tpu.memory_space<vmem_shared>> -> memref<640xf32, #tpu.memory_space<vmem_shared>>
      %dma_wait3A_68 = arith.constant 0 : i32
      %dma_wait3A_69 = tpu.memref_slice %arg6[%run_scoped3A_31, %dma_wait3A_68] : memref<16x640xf32, #tpu.memory_space<vmem>> -> memref<1x640xf32, #tpu.memory_space<vmem>>
      %dma_wait3A_70 = tpu.memref_squeeze %dma_wait3A_69 : memref<1x640xf32, #tpu.memory_space<vmem>> -> memref<640xf32, #tpu.memory_space<vmem>>
      %dma_wait3A_71 = tpu.memref_slice %arg8[%run_scoped3A_30, %mul3A_16] : memref<16x10240xf32, #tpu.memory_space<vmem_shared>> -> memref<1x640xf32, #tpu.memory_space<vmem_shared>>
      %dma_wait3A_72 = tpu.memref_squeeze %dma_wait3A_71 : memref<1x640xf32, #tpu.memory_space<vmem_shared>> -> memref<640xf32, #tpu.memory_space<vmem_shared>>
      tpu.wait_dma2 semaphore(%run_scoped3A_54 : memref<!tpu.dma_semaphore, #tpu.memory_space<semaphore_mem>>) src(%dma_wait3A_72 : memref<640xf32, #tpu.memory_space<vmem_shared>>) dst(%dma_wait3A_70 : memref<640xf32, #tpu.memory_space<vmem>>)
      tpu.yield
    }) : () -> ()
    %run_scoped3A_32 = arith.constant 8 : i32
    %run_scoped3A_33 = arith.constant 8 : i32
    "tpu.region"() ({
      %run_scoped3A_54 = tpu.sem_alloc : memref<!tpu.dma_semaphore, #tpu.memory_space<semaphore_mem>>
      %dma_start3A = arith.constant 0 : i32
      %dma_start3A_55 = tpu.memref_slice %arg6[%run_scoped3A_33, %dma_start3A] : memref<16x640xf32, #tpu.memory_space<vmem>> -> memref<1x640xf32, #tpu.memory_space<vmem>>
      %dma_start3A_56 = tpu.memref_squeeze %dma_start3A_55 : memref<1x640xf32, #tpu.memory_space<vmem>> -> memref<640xf32, #tpu.memory_space<vmem>>
      %dma_start3A_57 = tpu.memref_slice %arg8[%run_scoped3A_32, %mul3A_16] : memref<16x10240xf32, #tpu.memory_space<vmem_shared>> -> memref<1x640xf32, #tpu.memory_space<vmem_shared>>
      %dma_start3A_58 = tpu.memref_squeeze %dma_start3A_57 : memref<1x640xf32, #tpu.memory_space<vmem_shared>> -> memref<640xf32, #tpu.memory_space<vmem_shared>>
      %dma_start3A_59 = arith.constant 0 : i32
      %dma_start3A_60 = tpu.memref_slice %arg6[%run_scoped3A_33, %dma_start3A_59] : memref<16x640xf32, #tpu.memory_space<vmem>> -> memref<1x640xf32, #tpu.memory_space<vmem>>
      %dma_start3A_61 = tpu.memref_squeeze %dma_start3A_60 : memref<1x640xf32, #tpu.memory_space<vmem>> -> memref<640xf32, #tpu.memory_space<vmem>>
      %dma_start3A_62 = tpu.memref_slice %arg8[%run_scoped3A_32, %mul3A_16] : memref<16x10240xf32, #tpu.memory_space<vmem_shared>> -> memref<1x640xf32, #tpu.memory_space<vmem_shared>>
      %dma_start3A_63 = tpu.memref_squeeze %dma_start3A_62 : memref<1x640xf32, #tpu.memory_space<vmem_shared>> -> memref<640xf32, #tpu.memory_space<vmem_shared>>
      tpu.enqueue_dma source(%dma_start3A_63 : memref<640xf32, #tpu.memory_space<vmem_shared>>) target(%dma_start3A_61 : memref<640xf32, #tpu.memory_space<vmem>>) target_semaphore(%run_scoped3A_54 : memref<!tpu.dma_semaphore, #tpu.memory_space<semaphore_mem>>)
      %dma_wait3A = arith.constant 0 : i32
      %dma_wait3A_64 = tpu.memref_slice %arg6[%run_scoped3A_33, %dma_wait3A] : memref<16x640xf32, #tpu.memory_space<vmem>> -> memref<1x640xf32, #tpu.memory_space<vmem>>
      %dma_wait3A_65 = tpu.memref_squeeze %dma_wait3A_64 : memref<1x640xf32, #tpu.memory_space<vmem>> -> memref<640xf32, #tpu.memory_space<vmem>>
      %dma_wait3A_66 = tpu.memref_slice %arg8[%run_scoped3A_32, %mul3A_16] : memref<16x10240xf32, #tpu.memory_space<vmem_shared>> -> memref<1x640xf32, #tpu.memory_space<vmem_shared>>
      %dma_wait3A_67 = tpu.memref_squeeze %dma_wait3A_66 : memref<1x640xf32, #tpu.memory_space<vmem_shared>> -> memref<640xf32, #tpu.memory_space<vmem_shared>>
      %dma_wait3A_68 = arith.constant 0 : i32
      %dma_wait3A_69 = tpu.memref_slice %arg6[%run_scoped3A_33, %dma_wait3A_68] : memref<16x640xf32, #tpu.memory_space<vmem>> -> memref<1x640xf32, #tpu.memory_space<vmem>>
      %dma_wait3A_70 = tpu.memref_squeeze %dma_wait3A_69 : memref<1x640xf32, #tpu.memory_space<vmem>> -> memref<640xf32, #tpu.memory_space<vmem>>
      %dma_wait3A_71 = tpu.memref_slice %arg8[%run_scoped3A_32, %mul3A_16] : memref<16x10240xf32, #tpu.memory_space<vmem_shared>> -> memref<1x640xf32, #tpu.memory_space<vmem_shared>>
      %dma_wait3A_72 = tpu.memref_squeeze %dma_wait3A_71 : memref<1x640xf32, #tpu.memory_space<vmem_shared>> -> memref<640xf32, #tpu.memory_space<vmem_shared>>
      tpu.wait_dma2 semaphore(%run_scoped3A_54 : memref<!tpu.dma_semaphore, #tpu.memory_space<semaphore_mem>>) src(%dma_wait3A_72 : memref<640xf32, #tpu.memory_space<vmem_shared>>) dst(%dma_wait3A_70 : memref<640xf32, #tpu.memory_space<vmem>>)
      tpu.yield
    }) : () -> ()
    %run_scoped3A_34 = arith.constant 9 : i32
    %run_scoped3A_35 = arith.constant 9 : i32
    "tpu.region"() ({
      %run_scoped3A_54 = tpu.sem_alloc : memref<!tpu.dma_semaphore, #tpu.memory_space<semaphore_mem>>
      %dma_start3A = arith.constant 0 : i32
      %dma_start3A_55 = tpu.memref_slice %arg6[%run_scoped3A_35, %dma_start3A] : memref<16x640xf32, #tpu.memory_space<vmem>> -> memref<1x640xf32, #tpu.memory_space<vmem>>
      %dma_start3A_56 = tpu.memref_squeeze %dma_start3A_55 : memref<1x640xf32, #tpu.memory_space<vmem>> -> memref<640xf32, #tpu.memory_space<vmem>>
      %dma_start3A_57 = tpu.memref_slice %arg8[%run_scoped3A_34, %mul3A_16] : memref<16x10240xf32, #tpu.memory_space<vmem_shared>> -> memref<1x640xf32, #tpu.memory_space<vmem_shared>>
      %dma_start3A_58 = tpu.memref_squeeze %dma_start3A_57 : memref<1x640xf32, #tpu.memory_space<vmem_shared>> -> memref<640xf32, #tpu.memory_space<vmem_shared>>
      %dma_start3A_59 = arith.constant 0 : i32
      %dma_start3A_60 = tpu.memref_slice %arg6[%run_scoped3A_35, %dma_start3A_59] : memref<16x640xf32, #tpu.memory_space<vmem>> -> memref<1x640xf32, #tpu.memory_space<vmem>>
      %dma_start3A_61 = tpu.memref_squeeze %dma_start3A_60 : memref<1x640xf32, #tpu.memory_space<vmem>> -> memref<640xf32, #tpu.memory_space<vmem>>
      %dma_start3A_62 = tpu.memref_slice %arg8[%run_scoped3A_34, %mul3A_16] : memref<16x10240xf32, #tpu.memory_space<vmem_shared>> -> memref<1x640xf32, #tpu.memory_space<vmem_shared>>
      %dma_start3A_63 = tpu.memref_squeeze %dma_start3A_62 : memref<1x640xf32, #tpu.memory_space<vmem_shared>> -> memref<640xf32, #tpu.memory_space<vmem_shared>>
      tpu.enqueue_dma source(%dma_start3A_63 : memref<640xf32, #tpu.memory_space<vmem_shared>>) target(%dma_start3A_61 : memref<640xf32, #tpu.memory_space<vmem>>) target_semaphore(%run_scoped3A_54 : memref<!tpu.dma_semaphore, #tpu.memory_space<semaphore_mem>>)
      %dma_wait3A = arith.constant 0 : i32
      %dma_wait3A_64 = tpu.memref_slice %arg6[%run_scoped3A_35, %dma_wait3A] : memref<16x640xf32, #tpu.memory_space<vmem>> -> memref<1x640xf32, #tpu.memory_space<vmem>>
      %dma_wait3A_65 = tpu.memref_squeeze %dma_wait3A_64 : memref<1x640xf32, #tpu.memory_space<vmem>> -> memref<640xf32, #tpu.memory_space<vmem>>
      %dma_wait3A_66 = tpu.memref_slice %arg8[%run_scoped3A_34, %mul3A_16] : memref<16x10240xf32, #tpu.memory_space<vmem_shared>> -> memref<1x640xf32, #tpu.memory_space<vmem_shared>>
      %dma_wait3A_67 = tpu.memref_squeeze %dma_wait3A_66 : memref<1x640xf32, #tpu.memory_space<vmem_shared>> -> memref<640xf32, #tpu.memory_space<vmem_shared>>
      %dma_wait3A_68 = arith.constant 0 : i32
      %dma_wait3A_69 = tpu.memref_slice %arg6[%run_scoped3A_35, %dma_wait3A_68] : memref<16x640xf32, #tpu.memory_space<vmem>> -> memref<1x640xf32, #tpu.memory_space<vmem>>
      %dma_wait3A_70 = tpu.memref_squeeze %dma_wait3A_69 : memref<1x640xf32, #tpu.memory_space<vmem>> -> memref<640xf32, #tpu.memory_space<vmem>>
      %dma_wait3A_71 = tpu.memref_slice %arg8[%run_scoped3A_34, %mul3A_16] : memref<16x10240xf32, #tpu.memory_space<vmem_shared>> -> memref<1x640xf32, #tpu.memory_space<vmem_shared>>
      %dma_wait3A_72 = tpu.memref_squeeze %dma_wait3A_71 : memref<1x640xf32, #tpu.memory_space<vmem_shared>> -> memref<640xf32, #tpu.memory_space<vmem_shared>>
      tpu.wait_dma2 semaphore(%run_scoped3A_54 : memref<!tpu.dma_semaphore, #tpu.memory_space<semaphore_mem>>) src(%dma_wait3A_72 : memref<640xf32, #tpu.memory_space<vmem_shared>>) dst(%dma_wait3A_70 : memref<640xf32, #tpu.memory_space<vmem>>)
      tpu.yield
    }) : () -> ()
    %run_scoped3A_36 = arith.constant 10 : i32
    %run_scoped3A_37 = arith.constant 10 : i32
    "tpu.region"() ({
      %run_scoped3A_54 = tpu.sem_alloc : memref<!tpu.dma_semaphore, #tpu.memory_space<semaphore_mem>>
      %dma_start3A = arith.constant 0 : i32
      %dma_start3A_55 = tpu.memref_slice %arg6[%run_scoped3A_37, %dma_start3A] : memref<16x640xf32, #tpu.memory_space<vmem>> -> memref<1x640xf32, #tpu.memory_space<vmem>>
      %dma_start3A_56 = tpu.memref_squeeze %dma_start3A_55 : memref<1x640xf32, #tpu.memory_space<vmem>> -> memref<640xf32, #tpu.memory_space<vmem>>
      %dma_start3A_57 = tpu.memref_slice %arg8[%run_scoped3A_36, %mul3A_16] : memref<16x10240xf32, #tpu.memory_space<vmem_shared>> -> memref<1x640xf32, #tpu.memory_space<vmem_shared>>
      %dma_start3A_58 = tpu.memref_squeeze %dma_start3A_57 : memref<1x640xf32, #tpu.memory_space<vmem_shared>> -> memref<640xf32, #tpu.memory_space<vmem_shared>>
      %dma_start3A_59 = arith.constant 0 : i32
      %dma_start3A_60 = tpu.memref_slice %arg6[%run_scoped3A_37, %dma_start3A_59] : memref<16x640xf32, #tpu.memory_space<vmem>> -> memref<1x640xf32, #tpu.memory_space<vmem>>
      %dma_start3A_61 = tpu.memref_squeeze %dma_start3A_60 : memref<1x640xf32, #tpu.memory_space<vmem>> -> memref<640xf32, #tpu.memory_space<vmem>>
      %dma_start3A_62 = tpu.memref_slice %arg8[%run_scoped3A_36, %mul3A_16] : memref<16x10240xf32, #tpu.memory_space<vmem_shared>> -> memref<1x640xf32, #tpu.memory_space<vmem_shared>>
      %dma_start3A_63 = tpu.memref_squeeze %dma_start3A_62 : memref<1x640xf32, #tpu.memory_space<vmem_shared>> -> memref<640xf32, #tpu.memory_space<vmem_shared>>
      tpu.enqueue_dma source(%dma_start3A_63 : memref<640xf32, #tpu.memory_space<vmem_shared>>) target(%dma_start3A_61 : memref<640xf32, #tpu.memory_space<vmem>>) target_semaphore(%run_scoped3A_54 : memref<!tpu.dma_semaphore, #tpu.memory_space<semaphore_mem>>)
      %dma_wait3A = arith.constant 0 : i32
      %dma_wait3A_64 = tpu.memref_slice %arg6[%run_scoped3A_37, %dma_wait3A] : memref<16x640xf32, #tpu.memory_space<vmem>> -> memref<1x640xf32, #tpu.memory_space<vmem>>
      %dma_wait3A_65 = tpu.memref_squeeze %dma_wait3A_64 : memref<1x640xf32, #tpu.memory_space<vmem>> -> memref<640xf32, #tpu.memory_space<vmem>>
      %dma_wait3A_66 = tpu.memref_slice %arg8[%run_scoped3A_36, %mul3A_16] : memref<16x10240xf32, #tpu.memory_space<vmem_shared>> -> memref<1x640xf32, #tpu.memory_space<vmem_shared>>
      %dma_wait3A_67 = tpu.memref_squeeze %dma_wait3A_66 : memref<1x640xf32, #tpu.memory_space<vmem_shared>> -> memref<640xf32, #tpu.memory_space<vmem_shared>>
      %dma_wait3A_68 = arith.constant 0 : i32
      %dma_wait3A_69 = tpu.memref_slice %arg6[%run_scoped3A_37, %dma_wait3A_68] : memref<16x640xf32, #tpu.memory_space<vmem>> -> memref<1x640xf32, #tpu.memory_space<vmem>>
      %dma_wait3A_70 = tpu.memref_squeeze %dma_wait3A_69 : memref<1x640xf32, #tpu.memory_space<vmem>> -> memref<640xf32, #tpu.memory_space<vmem>>
      %dma_wait3A_71 = tpu.memref_slice %arg8[%run_scoped3A_36, %mul3A_16] : memref<16x10240xf32, #tpu.memory_space<vmem_shared>> -> memref<1x640xf32, #tpu.memory_space<vmem_shared>>
      %dma_wait3A_72 = tpu.memref_squeeze %dma_wait3A_71 : memref<1x640xf32, #tpu.memory_space<vmem_shared>> -> memref<640xf32, #tpu.memory_space<vmem_shared>>
      tpu.wait_dma2 semaphore(%run_scoped3A_54 : memref<!tpu.dma_semaphore, #tpu.memory_space<semaphore_mem>>) src(%dma_wait3A_72 : memref<640xf32, #tpu.memory_space<vmem_shared>>) dst(%dma_wait3A_70 : memref<640xf32, #tpu.memory_space<vmem>>)
      tpu.yield
    }) : () -> ()
    %run_scoped3A_38 = arith.constant 11 : i32
    %run_scoped3A_39 = arith.constant 11 : i32
    "tpu.region"() ({
      %run_scoped3A_54 = tpu.sem_alloc : memref<!tpu.dma_semaphore, #tpu.memory_space<semaphore_mem>>
      %dma_start3A = arith.constant 0 : i32
      %dma_start3A_55 = tpu.memref_slice %arg6[%run_scoped3A_39, %dma_start3A] : memref<16x640xf32, #tpu.memory_space<vmem>> -> memref<1x640xf32, #tpu.memory_space<vmem>>
      %dma_start3A_56 = tpu.memref_squeeze %dma_start3A_55 : memref<1x640xf32, #tpu.memory_space<vmem>> -> memref<640xf32, #tpu.memory_space<vmem>>
      %dma_start3A_57 = tpu.memref_slice %arg8[%run_scoped3A_38, %mul3A_16] : memref<16x10240xf32, #tpu.memory_space<vmem_shared>> -> memref<1x640xf32, #tpu.memory_space<vmem_shared>>
      %dma_start3A_58 = tpu.memref_squeeze %dma_start3A_57 : memref<1x640xf32, #tpu.memory_space<vmem_shared>> -> memref<640xf32, #tpu.memory_space<vmem_shared>>
      %dma_start3A_59 = arith.constant 0 : i32
      %dma_start3A_60 = tpu.memref_slice %arg6[%run_scoped3A_39, %dma_start3A_59] : memref<16x640xf32, #tpu.memory_space<vmem>> -> memref<1x640xf32, #tpu.memory_space<vmem>>
      %dma_start3A_61 = tpu.memref_squeeze %dma_start3A_60 : memref<1x640xf32, #tpu.memory_space<vmem>> -> memref<640xf32, #tpu.memory_space<vmem>>
      %dma_start3A_62 = tpu.memref_slice %arg8[%run_scoped3A_38, %mul3A_16] : memref<16x10240xf32, #tpu.memory_space<vmem_shared>> -> memref<1x640xf32, #tpu.memory_space<vmem_shared>>
      %dma_start3A_63 = tpu.memref_squeeze %dma_start3A_62 : memref<1x640xf32, #tpu.memory_space<vmem_shared>> -> memref<640xf32, #tpu.memory_space<vmem_shared>>
      tpu.enqueue_dma source(%dma_start3A_63 : memref<640xf32, #tpu.memory_space<vmem_shared>>) target(%dma_start3A_61 : memref<640xf32, #tpu.memory_space<vmem>>) target_semaphore(%run_scoped3A_54 : memref<!tpu.dma_semaphore, #tpu.memory_space<semaphore_mem>>)
      %dma_wait3A = arith.constant 0 : i32
      %dma_wait3A_64 = tpu.memref_slice %arg6[%run_scoped3A_39, %dma_wait3A] : memref<16x640xf32, #tpu.memory_space<vmem>> -> memref<1x640xf32, #tpu.memory_space<vmem>>
      %dma_wait3A_65 = tpu.memref_squeeze %dma_wait3A_64 : memref<1x640xf32, #tpu.memory_space<vmem>> -> memref<640xf32, #tpu.memory_space<vmem>>
      %dma_wait3A_66 = tpu.memref_slice %arg8[%run_scoped3A_38, %mul3A_16] : memref<16x10240xf32, #tpu.memory_space<vmem_shared>> -> memref<1x640xf32, #tpu.memory_space<vmem_shared>>
      %dma_wait3A_67 = tpu.memref_squeeze %dma_wait3A_66 : memref<1x640xf32, #tpu.memory_space<vmem_shared>> -> memref<640xf32, #tpu.memory_space<vmem_shared>>
      %dma_wait3A_68 = arith.constant 0 : i32
      %dma_wait3A_69 = tpu.memref_slice %arg6[%run_scoped3A_39, %dma_wait3A_68] : memref<16x640xf32, #tpu.memory_space<vmem>> -> memref<1x640xf32, #tpu.memory_space<vmem>>
      %dma_wait3A_70 = tpu.memref_squeeze %dma_wait3A_69 : memref<1x640xf32, #tpu.memory_space<vmem>> -> memref<640xf32, #tpu.memory_space<vmem>>
      %dma_wait3A_71 = tpu.memref_slice %arg8[%run_scoped3A_38, %mul3A_16] : memref<16x10240xf32, #tpu.memory_space<vmem_shared>> -> memref<1x640xf32, #tpu.memory_space<vmem_shared>>
      %dma_wait3A_72 = tpu.memref_squeeze %dma_wait3A_71 : memref<1x640xf32, #tpu.memory_space<vmem_shared>> -> memref<640xf32, #tpu.memory_space<vmem_shared>>
      tpu.wait_dma2 semaphore(%run_scoped3A_54 : memref<!tpu.dma_semaphore, #tpu.memory_space<semaphore_mem>>) src(%dma_wait3A_72 : memref<640xf32, #tpu.memory_space<vmem_shared>>) dst(%dma_wait3A_70 : memref<640xf32, #tpu.memory_space<vmem>>)
      tpu.yield
    }) : () -> ()
    %run_scoped3A_40 = arith.constant 12 : i32
    %run_scoped3A_41 = arith.constant 12 : i32
    "tpu.region"() ({
      %run_scoped3A_54 = tpu.sem_alloc : memref<!tpu.dma_semaphore, #tpu.memory_space<semaphore_mem>>
      %dma_start3A = arith.constant 0 : i32
      %dma_start3A_55 = tpu.memref_slice %arg6[%run_scoped3A_41, %dma_start3A] : memref<16x640xf32, #tpu.memory_space<vmem>> -> memref<1x640xf32, #tpu.memory_space<vmem>>
      %dma_start3A_56 = tpu.memref_squeeze %dma_start3A_55 : memref<1x640xf32, #tpu.memory_space<vmem>> -> memref<640xf32, #tpu.memory_space<vmem>>
      %dma_start3A_57 = tpu.memref_slice %arg8[%run_scoped3A_40, %mul3A_16] : memref<16x10240xf32, #tpu.memory_space<vmem_shared>> -> memref<1x640xf32, #tpu.memory_space<vmem_shared>>
      %dma_start3A_58 = tpu.memref_squeeze %dma_start3A_57 : memref<1x640xf32, #tpu.memory_space<vmem_shared>> -> memref<640xf32, #tpu.memory_space<vmem_shared>>
      %dma_start3A_59 = arith.constant 0 : i32
      %dma_start3A_60 = tpu.memref_slice %arg6[%run_scoped3A_41, %dma_start3A_59] : memref<16x640xf32, #tpu.memory_space<vmem>> -> memref<1x640xf32, #tpu.memory_space<vmem>>
      %dma_start3A_61 = tpu.memref_squeeze %dma_start3A_60 : memref<1x640xf32, #tpu.memory_space<vmem>> -> memref<640xf32, #tpu.memory_space<vmem>>
      %dma_start3A_62 = tpu.memref_slice %arg8[%run_scoped3A_40, %mul3A_16] : memref<16x10240xf32, #tpu.memory_space<vmem_shared>> -> memref<1x640xf32, #tpu.memory_space<vmem_shared>>
      %dma_start3A_63 = tpu.memref_squeeze %dma_start3A_62 : memref<1x640xf32, #tpu.memory_space<vmem_shared>> -> memref<640xf32, #tpu.memory_space<vmem_shared>>
      tpu.enqueue_dma source(%dma_start3A_63 : memref<640xf32, #tpu.memory_space<vmem_shared>>) target(%dma_start3A_61 : memref<640xf32, #tpu.memory_space<vmem>>) target_semaphore(%run_scoped3A_54 : memref<!tpu.dma_semaphore, #tpu.memory_space<semaphore_mem>>)
      %dma_wait3A = arith.constant 0 : i32
      %dma_wait3A_64 = tpu.memref_slice %arg6[%run_scoped3A_41, %dma_wait3A] : memref<16x640xf32, #tpu.memory_space<vmem>> -> memref<1x640xf32, #tpu.memory_space<vmem>>
      %dma_wait3A_65 = tpu.memref_squeeze %dma_wait3A_64 : memref<1x640xf32, #tpu.memory_space<vmem>> -> memref<640xf32, #tpu.memory_space<vmem>>
      %dma_wait3A_66 = tpu.memref_slice %arg8[%run_scoped3A_40, %mul3A_16] : memref<16x10240xf32, #tpu.memory_space<vmem_shared>> -> memref<1x640xf32, #tpu.memory_space<vmem_shared>>
      %dma_wait3A_67 = tpu.memref_squeeze %dma_wait3A_66 : memref<1x640xf32, #tpu.memory_space<vmem_shared>> -> memref<640xf32, #tpu.memory_space<vmem_shared>>
      %dma_wait3A_68 = arith.constant 0 : i32
      %dma_wait3A_69 = tpu.memref_slice %arg6[%run_scoped3A_41, %dma_wait3A_68] : memref<16x640xf32, #tpu.memory_space<vmem>> -> memref<1x640xf32, #tpu.memory_space<vmem>>
      %dma_wait3A_70 = tpu.memref_squeeze %dma_wait3A_69 : memref<1x640xf32, #tpu.memory_space<vmem>> -> memref<640xf32, #tpu.memory_space<vmem>>
      %dma_wait3A_71 = tpu.memref_slice %arg8[%run_scoped3A_40, %mul3A_16] : memref<16x10240xf32, #tpu.memory_space<vmem_shared>> -> memref<1x640xf32, #tpu.memory_space<vmem_shared>>
      %dma_wait3A_72 = tpu.memref_squeeze %dma_wait3A_71 : memref<1x640xf32, #tpu.memory_space<vmem_shared>> -> memref<640xf32, #tpu.memory_space<vmem_shared>>
      tpu.wait_dma2 semaphore(%run_scoped3A_54 : memref<!tpu.dma_semaphore, #tpu.memory_space<semaphore_mem>>) src(%dma_wait3A_72 : memref<640xf32, #tpu.memory_space<vmem_shared>>) dst(%dma_wait3A_70 : memref<640xf32, #tpu.memory_space<vmem>>)
      tpu.yield
    }) : () -> ()
    %run_scoped3A_42 = arith.constant 13 : i32
    %run_scoped3A_43 = arith.constant 13 : i32
    "tpu.region"() ({
      %run_scoped3A_54 = tpu.sem_alloc : memref<!tpu.dma_semaphore, #tpu.memory_space<semaphore_mem>>
      %dma_start3A = arith.constant 0 : i32
      %dma_start3A_55 = tpu.memref_slice %arg6[%run_scoped3A_43, %dma_start3A] : memref<16x640xf32, #tpu.memory_space<vmem>> -> memref<1x640xf32, #tpu.memory_space<vmem>>
      %dma_start3A_56 = tpu.memref_squeeze %dma_start3A_55 : memref<1x640xf32, #tpu.memory_space<vmem>> -> memref<640xf32, #tpu.memory_space<vmem>>
      %dma_start3A_57 = tpu.memref_slice %arg8[%run_scoped3A_42, %mul3A_16] : memref<16x10240xf32, #tpu.memory_space<vmem_shared>> -> memref<1x640xf32, #tpu.memory_space<vmem_shared>>
      %dma_start3A_58 = tpu.memref_squeeze %dma_start3A_57 : memref<1x640xf32, #tpu.memory_space<vmem_shared>> -> memref<640xf32, #tpu.memory_space<vmem_shared>>
      %dma_start3A_59 = arith.constant 0 : i32
      %dma_start3A_60 = tpu.memref_slice %arg6[%run_scoped3A_43, %dma_start3A_59] : memref<16x640xf32, #tpu.memory_space<vmem>> -> memref<1x640xf32, #tpu.memory_space<vmem>>
      %dma_start3A_61 = tpu.memref_squeeze %dma_start3A_60 : memref<1x640xf32, #tpu.memory_space<vmem>> -> memref<640xf32, #tpu.memory_space<vmem>>
      %dma_start3A_62 = tpu.memref_slice %arg8[%run_scoped3A_42, %mul3A_16] : memref<16x10240xf32, #tpu.memory_space<vmem_shared>> -> memref<1x640xf32, #tpu.memory_space<vmem_shared>>
      %dma_start3A_63 = tpu.memref_squeeze %dma_start3A_62 : memref<1x640xf32, #tpu.memory_space<vmem_shared>> -> memref<640xf32, #tpu.memory_space<vmem_shared>>
      tpu.enqueue_dma source(%dma_start3A_63 : memref<640xf32, #tpu.memory_space<vmem_shared>>) target(%dma_start3A_61 : memref<640xf32, #tpu.memory_space<vmem>>) target_semaphore(%run_scoped3A_54 : memref<!tpu.dma_semaphore, #tpu.memory_space<semaphore_mem>>)
      %dma_wait3A = arith.constant 0 : i32
      %dma_wait3A_64 = tpu.memref_slice %arg6[%run_scoped3A_43, %dma_wait3A] : memref<16x640xf32, #tpu.memory_space<vmem>> -> memref<1x640xf32, #tpu.memory_space<vmem>>
      %dma_wait3A_65 = tpu.memref_squeeze %dma_wait3A_64 : memref<1x640xf32, #tpu.memory_space<vmem>> -> memref<640xf32, #tpu.memory_space<vmem>>
      %dma_wait3A_66 = tpu.memref_slice %arg8[%run_scoped3A_42, %mul3A_16] : memref<16x10240xf32, #tpu.memory_space<vmem_shared>> -> memref<1x640xf32, #tpu.memory_space<vmem_shared>>
      %dma_wait3A_67 = tpu.memref_squeeze %dma_wait3A_66 : memref<1x640xf32, #tpu.memory_space<vmem_shared>> -> memref<640xf32, #tpu.memory_space<vmem_shared>>
      %dma_wait3A_68 = arith.constant 0 : i32
      %dma_wait3A_69 = tpu.memref_slice %arg6[%run_scoped3A_43, %dma_wait3A_68] : memref<16x640xf32, #tpu.memory_space<vmem>> -> memref<1x640xf32, #tpu.memory_space<vmem>>
      %dma_wait3A_70 = tpu.memref_squeeze %dma_wait3A_69 : memref<1x640xf32, #tpu.memory_space<vmem>> -> memref<640xf32, #tpu.memory_space<vmem>>
      %dma_wait3A_71 = tpu.memref_slice %arg8[%run_scoped3A_42, %mul3A_16] : memref<16x10240xf32, #tpu.memory_space<vmem_shared>> -> memref<1x640xf32, #tpu.memory_space<vmem_shared>>
      %dma_wait3A_72 = tpu.memref_squeeze %dma_wait3A_71 : memref<1x640xf32, #tpu.memory_space<vmem_shared>> -> memref<640xf32, #tpu.memory_space<vmem_shared>>
      tpu.wait_dma2 semaphore(%run_scoped3A_54 : memref<!tpu.dma_semaphore, #tpu.memory_space<semaphore_mem>>) src(%dma_wait3A_72 : memref<640xf32, #tpu.memory_space<vmem_shared>>) dst(%dma_wait3A_70 : memref<640xf32, #tpu.memory_space<vmem>>)
      tpu.yield
    }) : () -> ()
    %run_scoped3A_44 = arith.constant 14 : i32
    %run_scoped3A_45 = arith.constant 14 : i32
    "tpu.region"() ({
      %run_scoped3A_54 = tpu.sem_alloc : memref<!tpu.dma_semaphore, #tpu.memory_space<semaphore_mem>>
      %dma_start3A = arith.constant 0 : i32
      %dma_start3A_55 = tpu.memref_slice %arg6[%run_scoped3A_45, %dma_start3A] : memref<16x640xf32, #tpu.memory_space<vmem>> -> memref<1x640xf32, #tpu.memory_space<vmem>>
      %dma_start3A_56 = tpu.memref_squeeze %dma_start3A_55 : memref<1x640xf32, #tpu.memory_space<vmem>> -> memref<640xf32, #tpu.memory_space<vmem>>
      %dma_start3A_57 = tpu.memref_slice %arg8[%run_scoped3A_44, %mul3A_16] : memref<16x10240xf32, #tpu.memory_space<vmem_shared>> -> memref<1x640xf32, #tpu.memory_space<vmem_shared>>
      %dma_start3A_58 = tpu.memref_squeeze %dma_start3A_57 : memref<1x640xf32, #tpu.memory_space<vmem_shared>> -> memref<640xf32, #tpu.memory_space<vmem_shared>>
      %dma_start3A_59 = arith.constant 0 : i32
      %dma_start3A_60 = tpu.memref_slice %arg6[%run_scoped3A_45, %dma_start3A_59] : memref<16x640xf32, #tpu.memory_space<vmem>> -> memref<1x640xf32, #tpu.memory_space<vmem>>
      %dma_start3A_61 = tpu.memref_squeeze %dma_start3A_60 : memref<1x640xf32, #tpu.memory_space<vmem>> -> memref<640xf32, #tpu.memory_space<vmem>>
      %dma_start3A_62 = tpu.memref_slice %arg8[%run_scoped3A_44, %mul3A_16] : memref<16x10240xf32, #tpu.memory_space<vmem_shared>> -> memref<1x640xf32, #tpu.memory_space<vmem_shared>>
      %dma_start3A_63 = tpu.memref_squeeze %dma_start3A_62 : memref<1x640xf32, #tpu.memory_space<vmem_shared>> -> memref<640xf32, #tpu.memory_space<vmem_shared>>
      tpu.enqueue_dma source(%dma_start3A_63 : memref<640xf32, #tpu.memory_space<vmem_shared>>) target(%dma_start3A_61 : memref<640xf32, #tpu.memory_space<vmem>>) target_semaphore(%run_scoped3A_54 : memref<!tpu.dma_semaphore, #tpu.memory_space<semaphore_mem>>)
      %dma_wait3A = arith.constant 0 : i32
      %dma_wait3A_64 = tpu.memref_slice %arg6[%run_scoped3A_45, %dma_wait3A] : memref<16x640xf32, #tpu.memory_space<vmem>> -> memref<1x640xf32, #tpu.memory_space<vmem>>
      %dma_wait3A_65 = tpu.memref_squeeze %dma_wait3A_64 : memref<1x640xf32, #tpu.memory_space<vmem>> -> memref<640xf32, #tpu.memory_space<vmem>>
      %dma_wait3A_66 = tpu.memref_slice %arg8[%run_scoped3A_44, %mul3A_16] : memref<16x10240xf32, #tpu.memory_space<vmem_shared>> -> memref<1x640xf32, #tpu.memory_space<vmem_shared>>
      %dma_wait3A_67 = tpu.memref_squeeze %dma_wait3A_66 : memref<1x640xf32, #tpu.memory_space<vmem_shared>> -> memref<640xf32, #tpu.memory_space<vmem_shared>>
      %dma_wait3A_68 = arith.constant 0 : i32
      %dma_wait3A_69 = tpu.memref_slice %arg6[%run_scoped3A_45, %dma_wait3A_68] : memref<16x640xf32, #tpu.memory_space<vmem>> -> memref<1x640xf32, #tpu.memory_space<vmem>>
      %dma_wait3A_70 = tpu.memref_squeeze %dma_wait3A_69 : memref<1x640xf32, #tpu.memory_space<vmem>> -> memref<640xf32, #tpu.memory_space<vmem>>
      %dma_wait3A_71 = tpu.memref_slice %arg8[%run_scoped3A_44, %mul3A_16] : memref<16x10240xf32, #tpu.memory_space<vmem_shared>> -> memref<1x640xf32, #tpu.memory_space<vmem_shared>>
      %dma_wait3A_72 = tpu.memref_squeeze %dma_wait3A_71 : memref<1x640xf32, #tpu.memory_space<vmem_shared>> -> memref<640xf32, #tpu.memory_space<vmem_shared>>
      tpu.wait_dma2 semaphore(%run_scoped3A_54 : memref<!tpu.dma_semaphore, #tpu.memory_space<semaphore_mem>>) src(%dma_wait3A_72 : memref<640xf32, #tpu.memory_space<vmem_shared>>) dst(%dma_wait3A_70 : memref<640xf32, #tpu.memory_space<vmem>>)
      tpu.yield
    }) : () -> ()
    %run_scoped3A_46 = arith.constant 15 : i32
    %run_scoped3A_47 = arith.constant 15 : i32
    "tpu.region"() ({
      %run_scoped3A_54 = tpu.sem_alloc : memref<!tpu.dma_semaphore, #tpu.memory_space<semaphore_mem>>
      %dma_start3A = arith.constant 0 : i32
      %dma_start3A_55 = tpu.memref_slice %arg6[%run_scoped3A_47, %dma_start3A] : memref<16x640xf32, #tpu.memory_space<vmem>> -> memref<1x640xf32, #tpu.memory_space<vmem>>
      %dma_start3A_56 = tpu.memref_squeeze %dma_start3A_55 : memref<1x640xf32, #tpu.memory_space<vmem>> -> memref<640xf32, #tpu.memory_space<vmem>>
      %dma_start3A_57 = tpu.memref_slice %arg8[%run_scoped3A_46, %mul3A_16] : memref<16x10240xf32, #tpu.memory_space<vmem_shared>> -> memref<1x640xf32, #tpu.memory_space<vmem_shared>>
      %dma_start3A_58 = tpu.memref_squeeze %dma_start3A_57 : memref<1x640xf32, #tpu.memory_space<vmem_shared>> -> memref<640xf32, #tpu.memory_space<vmem_shared>>
      %dma_start3A_59 = arith.constant 0 : i32
      %dma_start3A_60 = tpu.memref_slice %arg6[%run_scoped3A_47, %dma_start3A_59] : memref<16x640xf32, #tpu.memory_space<vmem>> -> memref<1x640xf32, #tpu.memory_space<vmem>>
      %dma_start3A_61 = tpu.memref_squeeze %dma_start3A_60 : memref<1x640xf32, #tpu.memory_space<vmem>> -> memref<640xf32, #tpu.memory_space<vmem>>
      %dma_start3A_62 = tpu.memref_slice %arg8[%run_scoped3A_46, %mul3A_16] : memref<16x10240xf32, #tpu.memory_space<vmem_shared>> -> memref<1x640xf32, #tpu.memory_space<vmem_shared>>
      %dma_start3A_63 = tpu.memref_squeeze %dma_start3A_62 : memref<1x640xf32, #tpu.memory_space<vmem_shared>> -> memref<640xf32, #tpu.memory_space<vmem_shared>>
      tpu.enqueue_dma source(%dma_start3A_63 : memref<640xf32, #tpu.memory_space<vmem_shared>>) target(%dma_start3A_61 : memref<640xf32, #tpu.memory_space<vmem>>) target_semaphore(%run_scoped3A_54 : memref<!tpu.dma_semaphore, #tpu.memory_space<semaphore_mem>>)
      %dma_wait3A = arith.constant 0 : i32
      %dma_wait3A_64 = tpu.memref_slice %arg6[%run_scoped3A_47, %dma_wait3A] : memref<16x640xf32, #tpu.memory_space<vmem>> -> memref<1x640xf32, #tpu.memory_space<vmem>>
      %dma_wait3A_65 = tpu.memref_squeeze %dma_wait3A_64 : memref<1x640xf32, #tpu.memory_space<vmem>> -> memref<640xf32, #tpu.memory_space<vmem>>
      %dma_wait3A_66 = tpu.memref_slice %arg8[%run_scoped3A_46, %mul3A_16] : memref<16x10240xf32, #tpu.memory_space<vmem_shared>> -> memref<1x640xf32, #tpu.memory_space<vmem_shared>>
      %dma_wait3A_67 = tpu.memref_squeeze %dma_wait3A_66 : memref<1x640xf32, #tpu.memory_space<vmem_shared>> -> memref<640xf32, #tpu.memory_space<vmem_shared>>
      %dma_wait3A_68 = arith.constant 0 : i32
      %dma_wait3A_69 = tpu.memref_slice %arg6[%run_scoped3A_47, %dma_wait3A_68] : memref<16x640xf32, #tpu.memory_space<vmem>> -> memref<1x640xf32, #tpu.memory_space<vmem>>
      %dma_wait3A_70 = tpu.memref_squeeze %dma_wait3A_69 : memref<1x640xf32, #tpu.memory_space<vmem>> -> memref<640xf32, #tpu.memory_space<vmem>>
      %dma_wait3A_71 = tpu.memref_slice %arg8[%run_scoped3A_46, %mul3A_16] : memref<16x10240xf32, #tpu.memory_space<vmem_shared>> -> memref<1x640xf32, #tpu.memory_space<vmem_shared>>
      %dma_wait3A_72 = tpu.memref_squeeze %dma_wait3A_71 : memref<1x640xf32, #tpu.memory_space<vmem_shared>> -> memref<640xf32, #tpu.memory_space<vmem_shared>>
      tpu.wait_dma2 semaphore(%run_scoped3A_54 : memref<!tpu.dma_semaphore, #tpu.memory_space<semaphore_mem>>) src(%dma_wait3A_72 : memref<640xf32, #tpu.memory_space<vmem_shared>>) dst(%dma_wait3A_70 : memref<640xf32, #tpu.memory_space<vmem>>)
      tpu.yield
    }) : () -> ()
    %scan3A_48 = arith.constant 0 : i32
    %scan3A_49 = arith.constant 0 : i32
    %scan3A_50 = arith.constant 40 : i32
    %scan3A_51 = arith.addi %scan3A_49, %scan3A_50 : i32
    %scan3A_52 = arith.constant 1 : i32
    scf.for %scan3A_54 = %scan3A_49 to %scan3A_51 step %scan3A_52  : i32 {
      %mul3A_55 = arith.constant 16 : i32
      %mul3A_56 = arith.muli %scan3A_54, %mul3A_55 : i32
      %get3A = arith.constant 0 : i32
      %get3A_57 = arith.index_cast %get3A : i32 to index
      %get3A_58 = arith.index_cast %mul3A_56 : i32 to index
      %get3A_59 = tpu.vector_load %arg6[%get3A_57, %get3A_58] {strides = array<i32>} : memref<16x640xf32, #tpu.memory_space<vmem>>, vector<16xf32>,
      %mul3A_60 = arith.constant 16 : i32
      %mul3A_61 = arith.muli %scan3A_54, %mul3A_60 : i32
      %get3A_62 = arith.constant 1 : i32
      %get3A_63 = arith.index_cast %get3A_62 : i32 to index
      %get3A_64 = arith.index_cast %mul3A_61 : i32 to index
      %get3A_65 = tpu.vector_load %arg6[%get3A_63, %get3A_64] {strides = array<i32>} : memref<16x640xf32, #tpu.memory_space<vmem>>, vector<16xf32>,
      %add3A = arith.addf %get3A_59, %get3A_65 : vector<16xf32>
      %mul3A_66 = arith.constant 16 : i32
      %mul3A_67 = arith.muli %scan3A_54, %mul3A_66 : i32
      %get3A_68 = arith.constant 2 : i32
      %get3A_69 = arith.index_cast %get3A_68 : i32 to index
      %get3A_70 = arith.index_cast %mul3A_67 : i32 to index
      %get3A_71 = tpu.vector_load %arg6[%get3A_69, %get3A_70] {strides = array<i32>} : memref<16x640xf32, #tpu.memory_space<vmem>>, vector<16xf32>,
      %add3A_72 = arith.addf %add3A, %get3A_71 : vector<16xf32>
      %mul3A_73 = arith.constant 16 : i32
      %mul3A_74 = arith.muli %scan3A_54, %mul3A_73 : i32
      %get3A_75 = arith.constant 3 : i32
      %get3A_76 = arith.index_cast %get3A_75 : i32 to index
      %get3A_77 = arith.index_cast %mul3A_74 : i32 to index
      %get3A_78 = tpu.vector_load %arg6[%get3A_76, %get3A_77] {strides = array<i32>} : memref<16x640xf32, #tpu.memory_space<vmem>>, vector<16xf32>,
      %add3A_79 = arith.addf %add3A_72, %get3A_78 : vector<16xf32>
      %mul3A_80 = arith.constant 16 : i32
      %mul3A_81 = arith.muli %scan3A_54, %mul3A_80 : i32
      %get3A_82 = arith.constant 4 : i32
      %get3A_83 = arith.index_cast %get3A_82 : i32 to index
      %get3A_84 = arith.index_cast %mul3A_81 : i32 to index
      %get3A_85 = tpu.vector_load %arg6[%get3A_83, %get3A_84] {strides = array<i32>} : memref<16x640xf32, #tpu.memory_space<vmem>>, vector<16xf32>,
      %add3A_86 = arith.addf %add3A_79, %get3A_85 : vector<16xf32>
      %mul3A_87 = arith.constant 16 : i32
      %mul3A_88 = arith.muli %scan3A_54, %mul3A_87 : i32
      %get3A_89 = arith.constant 5 : i32
      %get3A_90 = arith.index_cast %get3A_89 : i32 to index
      %get3A_91 = arith.index_cast %mul3A_88 : i32 to index
      %get3A_92 = tpu.vector_load %arg6[%get3A_90, %get3A_91] {strides = array<i32>} : memref<16x640xf32, #tpu.memory_space<vmem>>, vector<16xf32>,
      %add3A_93 = arith.addf %add3A_86, %get3A_92 : vector<16xf32>
      %mul3A_94 = arith.constant 16 : i32
      %mul3A_95 = arith.muli %scan3A_54, %mul3A_94 : i32
      %get3A_96 = arith.constant 6 : i32
      %get3A_97 = arith.index_cast %get3A_96 : i32 to index
      %get3A_98 = arith.index_cast %mul3A_95 : i32 to index
      %get3A_99 = tpu.vector_load %arg6[%get3A_97, %get3A_98] {strides = array<i32>} : memref<16x640xf32, #tpu.memory_space<vmem>>, vector<16xf32>,
      %add3A_100 = arith.addf %add3A_93, %get3A_99 : vector<16xf32>
      %mul3A_101 = arith.constant 16 : i32
      %mul3A_102 = arith.muli %scan3A_54, %mul3A_101 : i32
      %get3A_103 = arith.constant 7 : i32
      %get3A_104 = arith.index_cast %get3A_103 : i32 to index
      %get3A_105 = arith.index_cast %mul3A_102 : i32 to index
      %get3A_106 = tpu.vector_load %arg6[%get3A_104, %get3A_105] {strides = array<i32>} : memref<16x640xf32, #tpu.memory_space<vmem>>, vector<16xf32>,
      %add3A_107 = arith.addf %add3A_100, %get3A_106 : vector<16xf32>
      %mul3A_108 = arith.constant 16 : i32
      %mul3A_109 = arith.muli %scan3A_54, %mul3A_108 : i32
      %get3A_110 = arith.constant 8 : i32
      %get3A_111 = arith.index_cast %get3A_110 : i32 to index
      %get3A_112 = arith.index_cast %mul3A_109 : i32 to index
      %get3A_113 = tpu.vector_load %arg6[%get3A_111, %get3A_112] {strides = array<i32>} : memref<16x640xf32, #tpu.memory_space<vmem>>, vector<16xf32>,
      %add3A_114 = arith.addf %add3A_107, %get3A_113 : vector<16xf32>
      %mul3A_115 = arith.constant 16 : i32
      %mul3A_116 = arith.muli %scan3A_54, %mul3A_115 : i32
      %get3A_117 = arith.constant 9 : i32
      %get3A_118 = arith.index_cast %get3A_117 : i32 to index
      %get3A_119 = arith.index_cast %mul3A_116 : i32 to index
      %get3A_120 = tpu.vector_load %arg6[%get3A_118, %get3A_119] {strides = array<i32>} : memref<16x640xf32, #tpu.memory_space<vmem>>, vector<16xf32>,
      %add3A_121 = arith.addf %add3A_114, %get3A_120 : vector<16xf32>
      %mul3A_122 = arith.constant 16 : i32
      %mul3A_123 = arith.muli %scan3A_54, %mul3A_122 : i32
      %get3A_124 = arith.constant 10 : i32
      %get3A_125 = arith.index_cast %get3A_124 : i32 to index
      %get3A_126 = arith.index_cast %mul3A_123 : i32 to index
      %get3A_127 = tpu.vector_load %arg6[%get3A_125, %get3A_126] {strides = array<i32>} : memref<16x640xf32, #tpu.memory_space<vmem>>, vector<16xf32>,
      %add3A_128 = arith.addf %add3A_121, %get3A_127 : vector<16xf32>
      %mul3A_129 = arith.constant 16 : i32
      %mul3A_130 = arith.muli %scan3A_54, %mul3A_129 : i32
      %get3A_131 = arith.constant 11 : i32
      %get3A_132 = arith.index_cast %get3A_131 : i32 to index
      %get3A_133 = arith.index_cast %mul3A_130 : i32 to index
      %get3A_134 = tpu.vector_load %arg6[%get3A_132, %get3A_133] {strides = array<i32>} : memref<16x640xf32, #tpu.memory_space<vmem>>, vector<16xf32>,
      %add3A_135 = arith.addf %add3A_128, %get3A_134 : vector<16xf32>
      %mul3A_136 = arith.constant 16 : i32
      %mul3A_137 = arith.muli %scan3A_54, %mul3A_136 : i32
      %get3A_138 = arith.constant 12 : i32
      %get3A_139 = arith.index_cast %get3A_138 : i32 to index
      %get3A_140 = arith.index_cast %mul3A_137 : i32 to index
      %get3A_141 = tpu.vector_load %arg6[%get3A_139, %get3A_140] {strides = array<i32>} : memref<16x640xf32, #tpu.memory_space<vmem>>, vector<16xf32>,
      %add3A_142 = arith.addf %add3A_135, %get3A_141 : vector<16xf32>
      %mul3A_143 = arith.constant 16 : i32
      %mul3A_144 = arith.muli %scan3A_54, %mul3A_143 : i32
      %get3A_145 = arith.constant 13 : i32
      %get3A_146 = arith.index_cast %get3A_145 : i32 to index
      %get3A_147 = arith.index_cast %mul3A_144 : i32 to index
      %get3A_148 = tpu.vector_load %arg6[%get3A_146, %get3A_147] {strides = array<i32>} : memref<16x640xf32, #tpu.memory_space<vmem>>, vector<16xf32>,
      %add3A_149 = arith.addf %add3A_142, %get3A_148 : vector<16xf32>
      %mul3A_150 = arith.constant 16 : i32
      %mul3A_151 = arith.muli %scan3A_54, %mul3A_150 : i32
      %get3A_152 = arith.constant 14 : i32
      %get3A_153 = arith.index_cast %get3A_152 : i32 to index
      %get3A_154 = arith.index_cast %mul3A_151 : i32 to index
      %get3A_155 = tpu.vector_load %arg6[%get3A_153, %get3A_154] {strides = array<i32>} : memref<16x640xf32, #tpu.memory_space<vmem>>, vector<16xf32>,
      %add3A_156 = arith.addf %add3A_149, %get3A_155 : vector<16xf32>
      %mul3A_157 = arith.constant 16 : i32
      %mul3A_158 = arith.muli %scan3A_54, %mul3A_157 : i32
      %get3A_159 = arith.constant 15 : i32
      %get3A_160 = arith.index_cast %get3A_159 : i32 to index
      %get3A_161 = arith.index_cast %mul3A_158 : i32 to index
      %get3A_162 = tpu.vector_load %arg6[%get3A_160, %get3A_161] {strides = array<i32>} : memref<16x640xf32, #tpu.memory_space<vmem>>, vector<16xf32>,
      %add3A_163 = arith.addf %add3A_156, %get3A_162 : vector<16xf32>
      %bitcast3A = vector.bitcast %add3A_163 : vector<16xf32> to vector<16xi32>
      %shift_right_logical3A = arith.constant 1 : i32
      %shift_right_logical3A_164 = vector.broadcast %shift_right_logical3A : i32 to vector<16xi32>
      %shift_right_logical3A_165 = arith.shrui %bitcast3A, %shift_right_logical3A_164 : vector<16xi32>
      %sub3A = arith.constant 1597463007 : i32
      %sub3A_166 = vector.broadcast %sub3A : i32 to vector<16xi32>
      %sub3A_167 = arith.subi %sub3A_166, %shift_right_logical3A_165 : vector<16xi32>
      %bitcast3A_168 = vector.bitcast %sub3A_167 : vector<16xi32> to vector<16xf32>
      %mul3A_169 = arith.constant 5.000000e-01 : f32
      %mul3A_170 = vector.broadcast %mul3A_169 : f32 to vector<16xf32>
      %mul3A_171 = arith.mulf %mul3A_170, %add3A_163 : vector<16xf32>
      %mul3A_172 = arith.mulf %mul3A_171, %bitcast3A_168 : vector<16xf32>
      %mul3A_173 = arith.mulf %mul3A_172, %bitcast3A_168 : vector<16xf32>
      %sub3A_174 = arith.constant 1.500000e+00 : f32
      %sub3A_175 = vector.broadcast %sub3A_174 : f32 to vector<16xf32>
      %sub3A_176 = arith.subf %sub3A_175, %mul3A_173 : vector<16xf32>
      %mul3A_177 = arith.mulf %bitcast3A_168, %sub3A_176 : vector<16xf32>
      %mul3A_178 = arith.mulf %mul3A_171, %mul3A_177 : vector<16xf32>
      %mul3A_179 = arith.mulf %mul3A_178, %mul3A_177 : vector<16xf32>
      %sub3A_180 = arith.constant 1.500000e+00 : f32
      %sub3A_181 = vector.broadcast %sub3A_180 : f32 to vector<16xf32>
      %sub3A_182 = arith.subf %sub3A_181, %mul3A_179 : vector<16xf32>
      %mul3A_183 = arith.mulf %mul3A_177, %sub3A_182 : vector<16xf32>
      %mul3A_184 = arith.mulf %mul3A_171, %mul3A_183 : vector<16xf32>
      %mul3A_185 = arith.mulf %mul3A_184, %mul3A_183 : vector<16xf32>
      %sub3A_186 = arith.constant 1.500000e+00 : f32
      %sub3A_187 = vector.broadcast %sub3A_186 : f32 to vector<16xf32>
      %sub3A_188 = arith.subf %sub3A_187, %mul3A_185 : vector<16xf32>
      %mul3A_189 = arith.mulf %mul3A_183, %sub3A_188 : vector<16xf32>
      %gt3A = arith.constant 0.000000e+00 : f32
      %gt3A_190 = vector.broadcast %gt3A : f32 to vector<16xf32>
      %gt3A_191 = arith.cmpf ogt, %add3A_163, %gt3A_190 : vector<16xf32>
      %broadcast_in_dim3A_192 = arith.constant 0.000000e+00 : f32
      %broadcast_in_dim3A_193 = vector.broadcast %broadcast_in_dim3A_192 : f32 to vector<16xf32>
      %select_n3A = arith.select %gt3A_191, %mul3A_189, %broadcast_in_dim3A_193 : vector<16xi1>, vector<16xf32>
      %mul3A_194 = arith.constant 16 : i32
      %mul3A_195 = arith.muli %scan3A_54, %mul3A_194 : i32
      %swap3A = arith.index_cast %mul3A_195 : i32 to index
      %swap3A_196 = tpu.vector_load %arg7[%swap3A] {strides = array<i32>} : memref<640xf32, #tpu.memory_space<vmem>>, vector<16xf32>,
      tpu.vector_store %arg7[%swap3A], %select_n3A {strides = array<i32>} : memref<640xf32, #tpu.memory_space<vmem>>, vector<16xf32>,
    }
    %scan3A_53 = arith.constant 40 : i32
    "tpu.region"() ({
      %run_scoped3A_54 = tpu.sem_alloc : memref<!tpu.dma_semaphore, #tpu.memory_space<semaphore_mem>>
      %dma_start3A = tpu.memref_slice %arg3[%arg0, %mul3A_16] : memref<2x10240xf32, #tpu.memory_space<hbm>> -> memref<1x640xf32, #tpu.memory_space<hbm>>
      %dma_start3A_55 = tpu.memref_squeeze %dma_start3A : memref<1x640xf32, #tpu.memory_space<hbm>> -> memref<640xf32, #tpu.memory_space<hbm>>
      %dma_start3A_56 = tpu.memref_slice %arg3[%arg0, %mul3A_16] : memref<2x10240xf32, #tpu.memory_space<hbm>> -> memref<1x640xf32, #tpu.memory_space<hbm>>
      %dma_start3A_57 = tpu.memref_squeeze %dma_start3A_56 : memref<1x640xf32, #tpu.memory_space<hbm>> -> memref<640xf32, #tpu.memory_space<hbm>>
      tpu.enqueue_dma source(%arg7 : memref<640xf32, #tpu.memory_space<vmem>>) target(%dma_start3A_57 : memref<640xf32, #tpu.memory_space<hbm>>) target_semaphore(%run_scoped3A_54 : memref<!tpu.dma_semaphore, #tpu.memory_space<semaphore_mem>>)
      %dma_wait3A = tpu.memref_slice %arg3[%arg0, %mul3A_16] : memref<2x10240xf32, #tpu.memory_space<hbm>> -> memref<1x640xf32, #tpu.memory_space<hbm>>
      %dma_wait3A_58 = tpu.memref_squeeze %dma_wait3A : memref<1x640xf32, #tpu.memory_space<hbm>> -> memref<640xf32, #tpu.memory_space<hbm>>
      %dma_wait3A_59 = tpu.memref_slice %arg3[%arg0, %mul3A_16] : memref<2x10240xf32, #tpu.memory_space<hbm>> -> memref<1x640xf32, #tpu.memory_space<hbm>>
      %dma_wait3A_60 = tpu.memref_squeeze %dma_wait3A_59 : memref<1x640xf32, #tpu.memory_space<hbm>> -> memref<640xf32, #tpu.memory_space<hbm>>
      tpu.wait_dma2 semaphore(%run_scoped3A_54 : memref<!tpu.dma_semaphore, #tpu.memory_space<semaphore_mem>>) src(%arg7 : memref<640xf32, #tpu.memory_space<vmem>>) dst(%dma_wait3A_60 : memref<640xf32, #tpu.memory_space<hbm>>)
      tpu.yield
    }) : () -> ()
    return
  }
}

module attributes {stable_mosaic.version = 14 : i64} {
  func.func @_scale_tc(%arg0: i32, %arg1: memref<1024x128xf32, #tpu.memory_space<vmem>>, %arg2: memref<1024x1xf32, #tpu.memory_space<vmem>>, %arg3: memref<1024x128xf32, #tpu.memory_space<vmem>>) attributes {dimension_semantics = [#tpu.dimension_semantics<arbitrary>], iteration_bounds = array<i64: 10>, scalar_prefetch = 0 : i64, scratch_operands = 0 : i64, tpu.core_type = #tpu.core_type<tc>, window_params = [{transform_indices = @transform_0, window_bounds = array<i64: 1024, 128>}, {transform_indices = @transform_1, window_bounds = array<i64: 1024, 1>}, {transform_indices = @transform_2, window_bounds = array<i64: 1024, 128>}]} {
    %get3A = arith.constant 0 : index
    %get3A_0 = arith.constant 0 : index
    %get3A_1 = vector.load %arg1[%get3A, %get3A_0] : memref<1024x128xf32, #tpu.memory_space<vmem>>, vector<1024x128xf32>
    %get3A_2 = arith.constant 0 : index
    %get3A_3 = arith.constant 0 : index
    %get3A_4 = vector.load %arg2[%get3A_2, %get3A_3] : memref<1024x1xf32, #tpu.memory_space<vmem>>, vector<1024x1xf32>
    %mul3A = vector.broadcast %get3A_4 : vector<1024x1xf32> to vector<1024x128xf32>
    %mul3A_5 = arith.mulf %get3A_1, %mul3A : vector<1024x128xf32>
    %swap3A = arith.constant 0 : index
    %swap3A_6 = arith.constant 0 : index
    %swap3A_7 = vector.load %arg3[%swap3A, %swap3A_6] : memref<1024x128xf32, #tpu.memory_space<vmem>>, vector<1024x128xf32>
    tpu.vector_store %arg3[%swap3A, %swap3A_6], %mul3A_5 {strides = array<i32>} : memref<1024x128xf32, #tpu.memory_space<vmem>>, vector<1024x128xf32>,
    return
  }
  func.func @transform_0(%arg0: i32) -> (i32, i32) {
    %c0_i32 = arith.constant 0 : i32
    %c0_i32_0 = arith.constant 0 : i32
    return %arg0, %c0_i32 : i32, i32
  }
  func.func @transform_1(%arg0: i32) -> (i32, i32) {
    %c0_i32 = arith.constant 0 : i32
    %c0_i32_0 = arith.constant 0 : i32
    return %arg0, %c0_i32 : i32, i32
  }
  func.func @transform_2(%arg0: i32) -> (i32, i32) {
    %c0_i32 = arith.constant 0 : i32
    %c0_i32_0 = arith.constant 0 : i32
    return %arg0, %c0_i32 : i32, i32
  }
}

module attributes {stable_mosaic.version = 14 : i64} {
  func.func @_mm1_tc(%arg0: i32, %arg1: memref<2x1024x128xf32, #tpu.memory_space<vmem>>, %arg2: memref<1024x1xf32, #tpu.memory_space<vmem>>, %arg3: memref<1024x1xf32, #tpu.memory_space<vmem>>, %arg4: memref<128x128xf32, #tpu.memory_space<vmem>>, %arg5: memref<1x128xf32, #tpu.memory_space<vmem>>, %arg6: memref<1024x128xf32, #tpu.memory_space<vmem>>) attributes {dimension_semantics = [#tpu.dimension_semantics<arbitrary>], iteration_bounds = array<i64: 10>, scalar_prefetch = 0 : i64, scratch_operands = 0 : i64, tpu.core_type = #tpu.core_type<tc>, window_params = [{transform_indices = @transform_0, window_bounds = array<i64: 2, 1024, 128>}, {transform_indices = @transform_1, window_bounds = array<i64: 1024, 1>}, {transform_indices = @transform_2, window_bounds = array<i64: 1024, 1>}, {pipeline_mode = #tpu.pipeline_mode<synchronous>, transform_indices = @transform_3, window_bounds = array<i64: 128, 128>}, {pipeline_mode = #tpu.pipeline_mode<synchronous>, transform_indices = @transform_4, window_bounds = array<i64: 1, 128>}, {transform_indices = @transform_5, window_bounds = array<i64: 1024, 128>}]} {
    %get3A = arith.constant 0 : index
    %get3A_0 = arith.constant 0 : index
    %get3A_1 = arith.constant 0 : index
    %get3A_2 = vector.load %arg1[%get3A, %get3A_0, %get3A_1] : memref<2x1024x128xf32, #tpu.memory_space<vmem>>, vector<1x1024x128xf32>
    %get3A_3 = vector.shape_cast %get3A_2 : vector<1x1024x128xf32> to vector<1024x128xf32>
    %get3A_4 = arith.constant 1 : index
    %get3A_5 = arith.constant 0 : index
    %get3A_6 = arith.constant 0 : index
    %get3A_7 = vector.load %arg1[%get3A_4, %get3A_5, %get3A_6] : memref<2x1024x128xf32, #tpu.memory_space<vmem>>, vector<1x1024x128xf32>
    %get3A_8 = vector.shape_cast %get3A_7 : vector<1x1024x128xf32> to vector<1024x128xf32>
    %add3A = arith.addf %get3A_3, %get3A_8 : vector<1024x128xf32>
    %get3A_9 = arith.constant 0 : index
    %get3A_10 = arith.constant 0 : index
    %get3A_11 = vector.load %arg4[%get3A_9, %get3A_10] : memref<128x128xf32, #tpu.memory_space<vmem>>, vector<128x128xf32>
    %dot_general3A = arith.constant dense<0.000000e+00> : vector<1024x128xf32>
    %dot_general3A_12 = tpu.matmul %add3A, %get3A_11, %dot_general3A {dimension_numbers = #tpu.dot_dimension_numbers<[1], [0], [0], [1], [0, 0, 1, 1], [], []>, transpose_lhs_hint = false} : vector<1024x128xf32>, vector<128x128xf32>, vector<1024x128xf32> -> vector<1024x128xf32>
    %get3A_13 = arith.constant 0 : index
    %get3A_14 = arith.constant 0 : index
    %get3A_15 = vector.load %arg3[%get3A_13, %get3A_14] : memref<1024x1xf32, #tpu.memory_space<vmem>>, vector<1024x1xf32>
    %mul3A = vector.broadcast %get3A_15 : vector<1024x1xf32> to vector<1024x128xf32>
    %mul3A_16 = arith.mulf %mul3A, %dot_general3A_12 : vector<1024x128xf32>
    %get3A_17 = arith.constant 0 : index
    %get3A_18 = arith.constant 0 : index
    %get3A_19 = vector.load %arg5[%get3A_17, %get3A_18] : memref<1x128xf32, #tpu.memory_space<vmem>>, vector<1x128xf32>
    %add3A_20 = vector.broadcast %get3A_19 : vector<1x128xf32> to vector<1024x128xf32>
    %add3A_21 = arith.addf %mul3A_16, %add3A_20 : vector<1024x128xf32>
    %max3A = arith.constant 0.000000e+00 : f32
    %max3A_22 = vector.broadcast %max3A : f32 to vector<1024x128xf32>
    %max3A_23 = arith.maximumf %add3A_21, %max3A_22 : vector<1024x128xf32>
    %get3A_24 = arith.constant 0 : index
    %get3A_25 = arith.constant 0 : index
    %get3A_26 = vector.load %arg2[%get3A_24, %get3A_25] : memref<1024x1xf32, #tpu.memory_space<vmem>>, vector<1024x1xf32>
    %mul3A_27 = vector.broadcast %get3A_26 : vector<1024x1xf32> to vector<1024x128xf32>
    %mul3A_28 = arith.mulf %max3A_23, %mul3A_27 : vector<1024x128xf32>
    %swap3A = arith.constant 0 : index
    %swap3A_29 = arith.constant 0 : index
    %swap3A_30 = vector.load %arg6[%swap3A, %swap3A_29] : memref<1024x128xf32, #tpu.memory_space<vmem>>, vector<1024x128xf32>
    tpu.vector_store %arg6[%swap3A, %swap3A_29], %mul3A_28 {strides = array<i32>} : memref<1024x128xf32, #tpu.memory_space<vmem>>, vector<1024x128xf32>,
    return
  }
  func.func @transform_0(%arg0: i32) -> (i32, i32, i32) {
    %c0_i32 = arith.constant 0 : i32
    %c0_i32_0 = arith.constant 0 : i32
    %c0_i32_1 = arith.constant 0 : i32
    return %c0_i32, %arg0, %c0_i32_0 : i32, i32, i32
  }
  func.func @transform_1(%arg0: i32) -> (i32, i32) {
    %c0_i32 = arith.constant 0 : i32
    %c0_i32_0 = arith.constant 0 : i32
    return %arg0, %c0_i32 : i32, i32
  }
  func.func @transform_2(%arg0: i32) -> (i32, i32) {
    %c0_i32 = arith.constant 0 : i32
    %c0_i32_0 = arith.constant 0 : i32
    return %arg0, %c0_i32 : i32, i32
  }
  func.func @transform_3(%arg0: i32) -> (i32, i32) {
    %c0_i32 = arith.constant 0 : i32
    %c0_i32_0 = arith.constant 0 : i32
    %c0_i32_1 = arith.constant 0 : i32
    return %c0_i32, %c0_i32_0 : i32, i32
  }
  func.func @transform_4(%arg0: i32) -> (i32, i32) {
    %c0_i32 = arith.constant 0 : i32
    %c0_i32_0 = arith.constant 0 : i32
    %c0_i32_1 = arith.constant 0 : i32
    return %c0_i32, %c0_i32_0 : i32, i32
  }
  func.func @transform_5(%arg0: i32) -> (i32, i32) {
    %c0_i32 = arith.constant 0 : i32
    %c0_i32_0 = arith.constant 0 : i32
    return %arg0, %c0_i32 : i32, i32
  }
}

module attributes {stable_mosaic.version = 14 : i64} {
  func.func @_mm2_tc(%arg0: i32, %arg1: memref<2x1024x128xf32, #tpu.memory_space<vmem>>, %arg2: memref<1024x1xf32, #tpu.memory_space<vmem>>, %arg3: memref<128x128xf32, #tpu.memory_space<vmem>>, %arg4: memref<1x128xf32, #tpu.memory_space<vmem>>, %arg5: memref<128x64xf32, #tpu.memory_space<vmem>>, %arg6: memref<1x64xf32, #tpu.memory_space<vmem>>, %arg7: memref<1024x128xf32, #tpu.memory_space<vmem>>, %arg8: memref<1024x64xf32, #tpu.memory_space<vmem>>) attributes {dimension_semantics = [#tpu.dimension_semantics<arbitrary>], iteration_bounds = array<i64: 10>, scalar_prefetch = 0 : i64, scratch_operands = 0 : i64, tpu.core_type = #tpu.core_type<tc>, window_params = [{transform_indices = @transform_0, window_bounds = array<i64: 2, 1024, 128>}, {transform_indices = @transform_1, window_bounds = array<i64: 1024, 1>}, {pipeline_mode = #tpu.pipeline_mode<synchronous>, transform_indices = @transform_2, window_bounds = array<i64: 128, 128>}, {pipeline_mode = #tpu.pipeline_mode<synchronous>, transform_indices = @transform_3, window_bounds = array<i64: 1, 128>}, {pipeline_mode = #tpu.pipeline_mode<synchronous>, transform_indices = @transform_4, window_bounds = array<i64: 128, 64>}, {pipeline_mode = #tpu.pipeline_mode<synchronous>, transform_indices = @transform_5, window_bounds = array<i64: 1, 64>}, {transform_indices = @transform_6, window_bounds = array<i64: 1024, 128>}, {transform_indices = @transform_7, window_bounds = array<i64: 1024, 64>}]} {
    %get3A = arith.constant 0 : index
    %get3A_0 = arith.constant 0 : index
    %get3A_1 = arith.constant 0 : index
    %get3A_2 = vector.load %arg1[%get3A, %get3A_0, %get3A_1] : memref<2x1024x128xf32, #tpu.memory_space<vmem>>, vector<1x1024x128xf32>
    %get3A_3 = vector.shape_cast %get3A_2 : vector<1x1024x128xf32> to vector<1024x128xf32>
    %get3A_4 = arith.constant 1 : index
    %get3A_5 = arith.constant 0 : index
    %get3A_6 = arith.constant 0 : index
    %get3A_7 = vector.load %arg1[%get3A_4, %get3A_5, %get3A_6] : memref<2x1024x128xf32, #tpu.memory_space<vmem>>, vector<1x1024x128xf32>
    %get3A_8 = vector.shape_cast %get3A_7 : vector<1x1024x128xf32> to vector<1024x128xf32>
    %add3A = arith.addf %get3A_3, %get3A_8 : vector<1024x128xf32>
    %get3A_9 = arith.constant 0 : index
    %get3A_10 = arith.constant 0 : index
    %get3A_11 = vector.load %arg2[%get3A_9, %get3A_10] : memref<1024x1xf32, #tpu.memory_space<vmem>>, vector<1024x1xf32>
    %get3A_12 = arith.constant 0 : index
    %get3A_13 = arith.constant 0 : index
    %get3A_14 = vector.load %arg3[%get3A_12, %get3A_13] : memref<128x128xf32, #tpu.memory_space<vmem>>, vector<128x128xf32>
    %dot_general3A = arith.constant dense<0.000000e+00> : vector<1024x128xf32>
    %dot_general3A_15 = tpu.matmul %add3A, %get3A_14, %dot_general3A {dimension_numbers = #tpu.dot_dimension_numbers<[1], [0], [0], [1], [0, 0, 1, 1], [], []>, transpose_lhs_hint = false} : vector<1024x128xf32>, vector<128x128xf32>, vector<1024x128xf32> -> vector<1024x128xf32>
    %mul3A = vector.broadcast %get3A_11 : vector<1024x1xf32> to vector<1024x128xf32>
    %mul3A_16 = arith.mulf %mul3A, %dot_general3A_15 : vector<1024x128xf32>
    %get3A_17 = arith.constant 0 : index
    %get3A_18 = arith.constant 0 : index
    %get3A_19 = vector.load %arg4[%get3A_17, %get3A_18] : memref<1x128xf32, #tpu.memory_space<vmem>>, vector<1x128xf32>
    %add3A_20 = vector.broadcast %get3A_19 : vector<1x128xf32> to vector<1024x128xf32>
    %add3A_21 = arith.addf %mul3A_16, %add3A_20 : vector<1024x128xf32>
    %swap3A = arith.constant 0 : index
    %swap3A_22 = arith.constant 0 : index
    %swap3A_23 = vector.load %arg7[%swap3A, %swap3A_22] : memref<1024x128xf32, #tpu.memory_space<vmem>>, vector<1024x128xf32>
    tpu.vector_store %arg7[%swap3A, %swap3A_22], %add3A_21 {strides = array<i32>} : memref<1024x128xf32, #tpu.memory_space<vmem>>, vector<1024x128xf32>,
    %max3A = arith.constant 0.000000e+00 : f32
    %max3A_24 = vector.broadcast %max3A : f32 to vector<1024x128xf32>
    %max3A_25 = arith.maximumf %add3A_21, %max3A_24 : vector<1024x128xf32>
    %get3A_26 = arith.constant 0 : index
    %get3A_27 = arith.constant 0 : index
    %get3A_28 = vector.load %arg5[%get3A_26, %get3A_27] : memref<128x64xf32, #tpu.memory_space<vmem>>, vector<128x64xf32>
    %dot_general3A_29 = arith.constant dense<0.000000e+00> : vector<1024x64xf32>
    %dot_general3A_30 = tpu.matmul %max3A_25, %get3A_28, %dot_general3A_29 {dimension_numbers = #tpu.dot_dimension_numbers<[1], [0], [0], [1], [0, 0, 1, 1], [], []>, transpose_lhs_hint = false} : vector<1024x128xf32>, vector<128x64xf32>, vector<1024x64xf32> -> vector<1024x64xf32>
    %get3A_31 = arith.constant 0 : index
    %get3A_32 = arith.constant 0 : index
    %get3A_33 = vector.load %arg6[%get3A_31, %get3A_32] : memref<1x64xf32, #tpu.memory_space<vmem>>, vector<1x64xf32>
    %add3A_34 = vector.broadcast %get3A_33 : vector<1x64xf32> to vector<1024x64xf32>
    %add3A_35 = arith.addf %dot_general3A_30, %add3A_34 : vector<1024x64xf32>
    %swap3A_36 = arith.constant 0 : index
    %swap3A_37 = arith.constant 0 : index
    %swap3A_38 = vector.load %arg8[%swap3A_36, %swap3A_37] : memref<1024x64xf32, #tpu.memory_space<vmem>>, vector<1024x64xf32>
    tpu.vector_store %arg8[%swap3A_36, %swap3A_37], %add3A_35 {strides = array<i32>} : memref<1024x64xf32, #tpu.memory_space<vmem>>, vector<1024x64xf32>,
    return
  }
  func.func @transform_0(%arg0: i32) -> (i32, i32, i32) {
    %c0_i32 = arith.constant 0 : i32
    %c0_i32_0 = arith.constant 0 : i32
    %c0_i32_1 = arith.constant 0 : i32
    return %c0_i32, %arg0, %c0_i32_0 : i32, i32, i32
  }
  func.func @transform_1(%arg0: i32) -> (i32, i32) {
    %c0_i32 = arith.constant 0 : i32
    %c0_i32_0 = arith.constant 0 : i32
    return %arg0, %c0_i32 : i32, i32
  }
  func.func @transform_2(%arg0: i32) -> (i32, i32) {
    %c0_i32 = arith.constant 0 : i32
    %c0_i32_0 = arith.constant 0 : i32
    %c0_i32_1 = arith.constant 0 : i32
    return %c0_i32, %c0_i32_0 : i32, i32
  }
  func.func @transform_3(%arg0: i32) -> (i32, i32) {
    %c0_i32 = arith.constant 0 : i32
    %c0_i32_0 = arith.constant 0 : i32
    %c0_i32_1 = arith.constant 0 : i32
    return %c0_i32, %c0_i32_0 : i32, i32
  }
  func.func @transform_4(%arg0: i32) -> (i32, i32) {
    %c0_i32 = arith.constant 0 : i32
    %c0_i32_0 = arith.constant 0 : i32
    %c0_i32_1 = arith.constant 0 : i32
    return %c0_i32, %c0_i32_0 : i32, i32
  }
  func.func @transform_5(%arg0: i32) -> (i32, i32) {
    %c0_i32 = arith.constant 0 : i32
    %c0_i32_0 = arith.constant 0 : i32
    %c0_i32_1 = arith.constant 0 : i32
    return %c0_i32, %c0_i32_0 : i32, i32
  }
  func.func @transform_6(%arg0: i32) -> (i32, i32) {
    %c0_i32 = arith.constant 0 : i32
    %c0_i32_0 = arith.constant 0 : i32
    return %arg0, %c0_i32 : i32, i32
  }
  func.func @transform_7(%arg0: i32) -> (i32, i32) {
    %c0_i32 = arith.constant 0 : i32
    %c0_i32_0 = arith.constant 0 : i32
    return %arg0, %c0_i32 : i32, i32
  }
}

</mosaic_0001>

<sc_bundles>
// kernel: kernel.11.cloned.1.call-start
scs
__scs_entry_jumppad:
0x0: {  	(pc) =	sbr.rel $0x88, $3  }
0x1: {  	(tag) =	ssettag $0x0;
	lr =	simm.s32 $0x1  }
0x2: {  	[smem:$0x3F99] =	sst lr;
	_ =	strace $0xD0000000  }
0x3: {  	_ = 	snop  }
0x4: {  	_ = 	snop  }
0x5: {  	_ = 	snop  }
0x6: {  	_ = 	snop  }
0x7: {  	_ = 	snop  }
__scs_overlays_trampoline_lowered:
0x8: {  	[smem:$0x3FA8] =	sst s0  }
0x9: {  	[smem:$0x3FA9] =	sst s1  }
0xa: {  	[smem:$0x3FAA] =	sst s2  }
0xb: {  	[smem:$0x3FAB] =	sst s3  }
0xc: {  	[smem:$0x3FAC] =	sst s4  }
0xd: {  	[smem:$0x3FAD] =	sst s5  }
0xe: {  	[smem:$0x3FAE] =	sst s6  }
0xf: {  	[smem:$0x3FAF] =	sst s7  }
0x10: {  	[smem:$0x3FB0] =	sst s8  }
0x11: {  	[smem:$0x3FB1] =	sst s9;
	s0 =	simm.s32 @!p0 $0x0  }
0x12: {  	s1 =	sld [smem:$0x3F97];
	s0 =	simm.s32 @p0 $0x1  }
0x13: {  	[smem:$0x3FB2] =	sst s0;
	s0 =	simm.s32 @!p1 $0x0  }
0x14: {  	s2 =	sld [smem:$0x3F96];
	s0 =	simm.s32 @p1 $0x1  }
0x15: {  	[smem:$0x3FB3] =	sst s0;
	s0 =	simm.s32 @!p2 $0x0  }
0x16: {  	s3 =	sld [smem:$0x3FDB];
	s0 =	simm.s32 @p2 $0x1  }
0x17: {  	s4 =	simm.s32 $0x1BF5;
	[smem:$0x3FB5] =	sst s0  }
0x18: {  	s0 =	sld [smem:$0x3F98];
	_ =	swait.ge [sflag:s4], $0x0  }
0x19: {  	s7 =	sld [smem:$0x3F99]  }
0x1a: {  	s8 =	sadd.s32 $0xFFFFE003, lr  }
0x1b: {  	s9 =	sadd.s32 $0xFFFFFEF7, lr;
	s5 =	simm.s32 $0xFFFFFFFF;
	p2 =	slt.u32 s8, $0xFFFFF086  }
0x1c: {  	p1 =	slt.u32 s9, $0xF7A;
	s5 =	simm.s32 @!p2 $0x0  }
0x1d: {  	s5 =	simm.s32 @p1 $0x1;
	p0 =	seq.s32 s7, s2  }
0x1e: {  	s7 =	smul.u32 @!p0 $0xF7A, s2;
	p2 =	seq.s32 @!p0 s5, $0x0  }
0x1f: {  	s9 =	smul.u32 $0xF7A, s1;
	s8 =	simm.s32 @!p0 $0x1BF5;
	p2 =	por !p2, p0  }
0x20: {  	[sflag:s8] =	ssyncset.s32 @!p0 $0xFFFFF086;
	s6 =	sadd.s32 @!p0 s3, s7;
	s7 =	simm.s32 @!p0 $0x108  }
0x21: {  	s3 =	sadd.s32 s3, s9;
	s6 =	sadd.s32 @!p0 $0x88, s6;
	s7 =	simm.s32 @p2 $0x1082  }
0x22: {  	[simem:s7], [sflag:s8] =	dma.local @!p0 [hbm:s6], $0xF7A  }
0x23: {  	s9 =	sor.u32 $0xD0000000, s2;
	s6 =	simm.s32 $0x108;
	_ =	swait.ge @!p0 [sflag:s8], $0x0  }
0x24: {  	s3 =	sadd.s32 $0x88, s3;
	s6 =	simm.s32 @!p1 $0x1082;
	[sflag:s4] =	ssyncset.s32 $0xFFFFF086  }
0x25: {  	[simem:s6], [sflag:s4] =	dma.local [hbm:s3], $0xF7A  }
0x26: {  	[smem:$0x3F99] =	sst s1;
	(tag) =	ssettag s2;
	_ =	strace s9  }
0x27: {  	s1 =	sld [smem:$0x3FA9]  }
0x28: {  	s2 =	sld [smem:$0x3FAA]  }
0x29: {  	s4 =	sld [smem:$0x3FAC]  }
0x2a: {  	p0 =	seq.s32 s5, $0x0;
	s5 =	sld [smem:$0x3FAD]  }
0x2b: {  	s6 =	sld [smem:$0x3FAE]  }
0x2c: {  	s7 =	sld [smem:$0x3FAF]  }
0x2d: {  	s3 =	simm.s32 $0x108;
	s8 =	sld [smem:$0x3FB0]  }
0x2e: {  	s3 =	simm.s32 @!p0 $0x1082;
	s9 =	sld [smem:$0x3FB1]  }
0x2f: {  	lr =	sadd.s32 s0, s3;
	s0 =	sld [smem:$0x3FA8]  }
0x30: {  	s3 =	sld [smem:$0x3FAB]  }
0x31: {  	[smem:$0x3FB4] =	sst s10  }
0x32: {  	s10 =	sld [smem:$0x3FB2];
	_ =	sdelay $0x3  }
0x33: {  	p0 =	seq.s32 s10, $0x1;
	s10 =	sld [smem:$0x3FB4];
	_ =	sdelay $0x3  }
0x34: {  	[smem:$0x3FB4] =	sst s10  }
0x35: {  	s10 =	sld [smem:$0x3FB3];
	_ =	sdelay $0x3  }
0x36: {  	p1 =	seq.s32 s10, $0x1;
	s10 =	sld [smem:$0x3FB4];
	_ =	sdelay $0x3  }
0x37: {  	[smem:$0x3FB4] =	sst s10  }
0x38: {  	s10 =	sld [smem:$0x3FB5]  }
0x39: {  	_ = 	snop;
	(pc) =	sbr.ind lr, $3  }
0x3a: {  	_ = 	snop  }
0x3b: {  	_ = 	snop  }
0x3c: {  	p2 =	seq.s32 s10, $0x1;
	s10 =	sld [smem:$0x3FB4]  }
0x3d: {  	_ =	shalt  }
0x3e: {  	_ =	shalt  }
0x3f: {  	_ =	shalt  }
0x40: {  	_ =	shalt  }
0x41: {  	_ =	shalt  }
0x42: {  	_ =	shalt  }
0x43: {  	_ =	shalt  }
0x44: {  	_ =	shalt  }
0x45: {  	_ =	shalt  }
0x46: {  	_ =	shalt  }
0x47: {  	_ =	shalt  }
0x48: {  	_ =	shalt  }
0x49: {  	_ =	shalt  }
0x4a: {  	_ =	shalt  }
0x4b: {  	_ =	shalt  }
0x4c: {  	_ =	shalt  }
0x4d: {  	_ =	shalt  }
0x4e: {  	_ =	shalt  }
0x4f: {  	_ =	shalt  }
0x50: {  	_ =	shalt  }
0x51: {  	_ =	shalt  }
0x52: {  	_ =	shalt  }
0x53: {  	_ =	shalt  }
0x54: {  	_ =	shalt  }
0x55: {  	_ =	shalt  }
0x56: {  	_ =	shalt  }
0x57: {  	_ =	shalt  }
0x58: {  	_ =	shalt  }
0x59: {  	_ =	shalt  }
0x5a: {  	_ =	shalt  }
0x5b: {  	_ =	shalt  }
0x5c: {  	_ =	shalt  }
0x5d: {  	_ =	shalt  }
0x5e: {  	_ =	shalt  }
0x5f: {  	_ =	shalt  }
0x60: {  	_ =	shalt  }
0x61: {  	_ =	shalt  }
0x62: {  	_ =	shalt  }
0x63: {  	_ =	shalt  }
0x64: {  	_ =	shalt  }
0x65: {  	_ =	shalt  }
0x66: {  	_ =	shalt  }
0x67: {  	_ =	shalt  }
0x68: {  	_ =	shalt  }
0x69: {  	_ =	shalt  }
0x6a: {  	_ =	shalt  }
0x6b: {  	_ =	shalt  }
0x6c: {  	_ =	shalt  }
0x6d: {  	_ =	shalt  }
0x6e: {  	_ =	shalt  }
0x6f: {  	_ =	shalt  }
0x70: {  	_ =	shalt  }
0x71: {  	_ =	shalt  }
0x72: {  	_ =	shalt  }
0x73: {  	_ =	shalt  }
0x74: {  	_ =	shalt  }
0x75: {  	_ =	shalt  }
0x76: {  	_ =	shalt  }
0x77: {  	_ =	shalt  }
0x78: {  	_ =	shalt  }
0x79: {  	_ =	shalt  }
0x7a: {  	_ =	shalt  }
0x7b: {  	_ =	shalt  }
0x7c: {  	_ =	shalt  }
0x7d: {  	_ =	shalt  }
0x7e: {  	_ =	shalt  }
0x7f: {  	_ =	shalt  }
0x80: {  	_ =	shalt  }
0x81: {  	_ =	shalt  }
0x82: {  	_ =	shalt  }
0x83: {  	_ =	shalt  }
0x84: {  	_ =	shalt  }
0x85: {  	_ =	shalt  }
0x86: {  	_ =	shalt  }
0x87: {  	_ =	shalt  }
.Lfunc_end0:
.L_simem_size_0:
called_computation.1_lowered:
.L_overlay_start_0:
0x88: {  	s2 =	sld [smem:$0x3FD9]  }
0x89: {  	s3 =	sld [smem:$0x3FFE];
	_ =	sdelay $0x1  }
0x8a: {  	s1 =	srdreg.scid  }
0x8b: {  	s0 =	sand.u32 $0x1, s1  }
0x8c: {  	s14 =	sshll.u32 s0, $0xA;
	s2 =	sadd.s32 s3, s2  }
0x8d: {  	s2 =	sadd.s32 s2, s14  }
0x8e: {  	[smem:$0x3FC0] =	sst s2  }
0x8f: {  	_ = 	snop  }
0x90: {  	s2 =	sld [smem:$0x3FD0];
	_ =	sdelay $0x2  }
0x91: {  	s15 =	simm.s32 $0xA;
	s4 =	simm.s32 $0x10  }
0x92: {  	[smem:s4], [sflag:s15] =	dma.local [hbm:s2], $0x1  }
0x93: {  	_ =	swait.eq [sflag:s15], $0x1  }
0x94: {  	[sflag:s15] =	ssyncset.done $0x0  }
0x95: {  	[sflag:s15] =	ssyncadd.s32 $0xFFFFFFFF  }
0x96: {  	s16 =	sld [smem:$0x10];
	(tm) =	ssettm $0x1  }
0x97: {  	s17 =	sld [smem:$0x3FFB];
	_ =	sdelay $0x3  }
0x98: {  	_ =	strace s17  }
0x99: {  	s3 =	sld [smem:$0x3FFC];
	_ =	sdelay $0x3  }
0x9a: {  	_ =	strace s3  }
0x9b: {  	s3 =	sld [smem:$0x3FFD];
	_ =	sdelay $0x3  }
0x9c: {  	_ =	strace s3  }
0x9d: {  	_ =	strace $0x8FFFFFFF  }
0x9e: {  	s18 =	sld [smem:$0x3FDB];
	_ =	sdelay $0x1  }
0x9f: {  	s19 =	simm.s32 $_scs_section_size  }
0xa0: {  	s5 =	simm.s32 $_size__tile_overlayer_lowered;
	s6 =	simm.s32 $_tile_overlayer_lowered  }
0xa1: {  	s22 =	simm.s32 $0x1BFF;
	s21 =	sshll.u32 s6, $0x1;
	s3 =	sadd.s32 s19, s18  }
0xa2: {  	s7 =	simm.s32 $0x0;
	s20 =	sshll.u32 s5, $0x1;
	s5 =	sadd.s32 s21, s3  }
0xa3: {  	[timem:s7], [sflag:s22] =	dma.local [hbm:s5], s20  }
0xa4: {  	_ =	swait.ge [sflag:s22], s20  }
0xa5: {  	s4 =	ssub.s32 $0x0, s20;
	[sflag:s22] =	ssyncset.done $0x0  }
0xa6: {  	[sflag:s22] =	ssyncadd.s32 s4;
	_ =	sdelay $0x1  }
0xa7: {  	s23 =	simm.s32 $0x1B8B  }
0xa8: {  	_ =	swait.ge [sflag:s23], $0x1  }
0xa9: {  	[sflag:s23] =	ssyncset.done $0x0  }
0xaa: {  	s25 =	simm.s32 $0x1B8E;
	s24 =	sld [smem:$0x3FFE];
	[sflag:s23] =	ssyncadd.s32 $0xFFFFFFFF  }
0xab: {  	s26 =	simm.s32 $execute0_lowered;
	[smem:$0x3FD2] =	sst s25  }
0xac: {  	s5 =	sshll.u32 s26, $0x1;
	_ =	strace $0x80000049;
	[dreg:$0x1] =	wrdreg $0xFFFFFFFF  }
0xad: {  	s28 =	simm.s32 $_size_execute0_lowered;
	s3 =	sadd.s32 s3, s5;
	[dreg:$0x0] =	wrdreg $0x0  }
0xae: {  	s5 =	sshll.u32 s28, $0x1;
	[dreg:$0x2] =	wrdreg s3  }
0xaf: {  	[dreg:$0x3] =	wrdreg s5  }
0xb0: {  	[dreg:$0x4] =	wrdreg $0xC0  }
0xb1: {  	_ =	task [dreg:s7], $0x5FFFF  }
0xb2: {  	[dreg:$0x1] =	wrdreg $0xFFFFFFFF  }
0xb3: {  	[dreg:$0x0] =	wrdreg $0x60  }
0xb4: {  	[dreg:$0x2] =	wrdreg s16  }
0xb5: {  	[dreg:$0x3] =	wrdreg s24  }
0xb6: {  	[dreg:$0x4] =	wrdreg $0x90400  }
0xb7: {  	[dreg:$0x5] =	wrdreg $0x9  }
0xb8: {  	_ =	task.clear_ibuf [dreg:s7], $0x6FFFF;
	_ =	strace $0x90000049  }
0xb9: {  	s29 =	simm.s32 $0x9;
	_ =	strace $0x8000004B  }
0xba: {  	_ =	swait.ge [sflag:s29], $0x1  }
0xbb: {  	[sflag:s29] =	ssyncadd.s32 $0xFFFFFFFF  }
0xbc: {  	_ =	strace $0x9000004B  }
0xbd: {  	_ =	sfence  }
0xbe: {  	s30 =	sld [smem:$0x0];
	_ =	sdelay $0x2  }
0xbf: {  	s31 =	sshll.u32 s1, $0xD;
	s1 =	sshrl.u32 s1, $0x2  }
0xc0: {  	s3 =	sand.u32 $0x4000, s31;
	s1 =	sadd.s32 s1, s30  }
0xc1: {  	s0 =	sor.u32 s3, s0;
	s1 =	sshll.u32 s1, $0x11  }
0xc2: {  	s0 =	sor.u32 s1, s0  }
0xc3: {  	s0 =	sadd.s32 $0x8F2B, s0  }
0xc4: {  	[sflag:s0] =	ssyncadd.remote.s32 $0x1  }
0xc5: {  	_ =	sfence.sel $0xFFFF  }
0xc6: {  	[dreg:$0x0] =	wrdreg $0xFFFFFFFF;
	(pc) =	sbr.abs _section_cstart, $3  }
0xc7: {  	[dreg:$0x1] =	wrdreg $0xFFFFFFFF  }
0xc8: {  	_ =	task.clear_ibuf [dreg:s7], $0x2FFFF;
	_ =	strace $0x9FFFFFFF  }
0xc9: {  	(tm) =	ssettm $0x7FFFFFFF  }
tec
execute0_lowered:
.L_overlay_start_1:
0x0: {  	(tag) =	ssettag $0x1  }
0x1: {  	s4 =	srdreg.scid  }
0x2: {  	s9 =	stileid.u32;
	s5 =	sand.u32 $0x1, s4  }
0x3: {  	s0 =	rddreg [dreg:$0x0];
	s6 =	smul.u32 $0x14000, s9;
	s8 =	sshll.u32 s5, $0x4  }
0x4: {  	s1 =	rddreg [dreg:$0x1];
	s8 =	sor.u32 s9, s8;
	s9 =	smul.u32 $0x50000, s9  }
0x5: {  	s2 =	rddreg [dreg:$0x2];
	s3 =	simm.s32 $0x0  }
0x6: {  	s30 =	simm.s32 $0x9;
	s31 =	simm.s32 $0x5040;
	s9 =	sshrl.u32 s9, $0x2  }
0x7: {  	[smem:$0x7FF] =	sst s3;
	s4 =	sadd.s32 $0x2A00, s1;
	s11 =	sadd.s32 s9, s2  }
0x8: {  	s7 =	smul.u32 $0x140000, s5;
	_ =	strace $0x8000004A;
	s12 =	sadd.s32 $0x1000, s11  }
0x9: {  	s5 =	ssub.s32 $0x2, s5;
	s13 =	sadd.s32 $0x2000, s11;
	[dreg:$0x4] =	wrdreg s12  }
0xa: {  	s26 =	sshrl.u32 s5, $0x1;
	s14 =	sadd.s32 $0x3000, s11;
	[dreg:$0x5] =	wrdreg s13  }
0xb: {  	s7 =	sadd.s32 s6, s7;
	s15 =	sadd.s32 $0x4000, s11;
	[dreg:$0x6] =	wrdreg s14  }
0xc: {  	s8 =	smul.u32 $0x2800, s8;
	s16 =	sadd.s32 $0x5000, s11;
	[dreg:$0x7] =	wrdreg s15  }
0xd: {  	s6 =	sadd.s32 s6, s2;
	s17 =	sadd.s32 $0x6000, s11;
	[dreg:$0x8] =	wrdreg s16  }
0xe: {  	s7 =	sshrl.u32 s7, $0x3;
	s18 =	sadd.s32 $0x7000, s11;
	[dreg:$0x9] =	wrdreg s17  }
0xf: {  	s1 =	sadd.s32 s7, s1;
	s19 =	sadd.s32 $0x8000, s11;
	[dreg:$0xa] =	wrdreg s18  }
0x10: {  	s7 =	ssub.s32 s5, s26;
	s20 =	sadd.s32 $0x9000, s11;
	[dreg:$0xb] =	wrdreg s19  }
0x11: {  	s10 =	sshrl.u32 s8, $0x3;
	s21 =	sadd.s32 $0xA000, s11;
	[dreg:$0xc] =	wrdreg s20  }
0x12: {  	s8 =	simm.s32 $0x7040;
	s22 =	sadd.s32 $0xB000, s11;
	[dreg:$0xd] =	wrdreg s21  }
0x13: {  	s9 =	simm.s32 $0x8040;
	s23 =	sadd.s32 $0xC000, s11;
	[dreg:$0xe] =	wrdreg s22  }
0x14: {  	s5 =	sadd.s32 s0, s10;
	s24 =	sadd.s32 $0xD000, s11;
	[dreg:$0xf] =	wrdreg s23  }
0x15: {  	s25 =	sadd.s32 $0xE000, s11;
	s26 =	sadd.s32 $0xF000, s11;
	[dreg:$0x10] =	wrdreg s24  }
0x16: {  	s28 =	smax.u32 s7, $0x1;
	s0 =	simm.s32 $0x20;
	[dreg:$0x11] =	wrdreg s25  }
0x17: {  	s7 =	simm.s32 $0x6040;
	s10 =	simm.s32 $0x7;
	[dreg:$0x12] =	wrdreg s26  }
0x18: {  	s22 =	sadd.s32 $0x10000, s11;
	s23 =	sadd.s32 $0x11000, s11;
	s24 =	sadd.s32 $0x12000, s11  }
0x19: {  	s25 =	sadd.s32 $0x13000, s11;
	s26 =	sadd.s32 $0x2AA00, s1;
	s29 =	sadd.s32 $0xA000, s5  }
0x1a: {  	s1 =	simm.s32 $0x2840;
	s11 =	simm.s32 $0x1;
	s12 =	simm.s32 $0x8  }
0x1b: {  	s13 =	simm.s32 $0x2;
	s14 =	simm.s32 $0x5;
	s15 =	simm.s32 $0x3  }
0x1c: {  	v0 =	vimm.f32 $0.0e+00;
	s16 =	simm.s32 $0x6;
	s17 =	simm.s32 $0x4;
	s18 =	simm.s32 $0x0  }
.LBB2_1:
0x1d: {  	[tilespmem:s3], [sflag:$0x9] =	stream.linear.gather [hbm4b:s5+s3], $0x2800, $0x38;
	[tilespmem:$0x1D040] =	vst v63  }
0x1e: {  	_ =	swait.ge [sflag:s30], $0x2800  }
0x1f: {  	[sflag:s30] =	ssyncset.done $0x0  }
0x20: {  	s19 =	simm.s32 $0x2800;
	[sflag:s30] =	ssyncadd.s32 $0xFFFFD800  }
0x21: {  	[tilespmem:s19], [sflag:$0x9] =	stream.linear.gather [hbm4b:s5+s3], $0x20, $0x38;
	[tilespmem:$0x1D040] =	vst v63  }
0x22: {  	_ =	swait.ge [sflag:s30], $0x20  }
0x23: {  	[sflag:s30] =	ssyncset.done $0x0  }
0x24: {  	s21 =	simm.s32 $0x2820;
	[sflag:s30] =	ssyncadd.s32 $0xFFFFFFE0  }
0x25: {  	[tilespmem:s21], [sflag:$0x9] =	stream.linear.gather [hbm4b:s5+s3], $0x20, $0x38;
	[tilespmem:$0x1D040] =	vst v63  }
0x26: {  	_ =	swait.ge [sflag:s30], $0x20  }
0x27: {  	[sflag:s30] =	ssyncset.done $0x0  }
0x28: {  	[sflag:s30] =	ssyncadd.s32 $0xFFFFFFE0  }
0x29: {  	[tilespmem:s1], [sflag:$0x9] =	stream.linear.gather [hbm4b:s29+s3], $0x2800, $0x38;
	[tilespmem:$0x1D040] =	vst v63  }
0x2a: {  	_ =	swait.ge [sflag:s30], $0x2800  }
0x2b: {  	[sflag:s30] =	ssyncset.done $0x0  }
0x2c: {  	s20 =	simm.s32 $0x200;
	s19 =	simm.s32 $0x0;
	[sflag:s30] =	ssyncadd.s32 $0xFFFFD800  }
.LBB2_2:
0x2d: {  	p0 =	sne.s32 s20, $0x3E00;
	[tilespmem:s19+$0x80B0] =	vst v0  }
0x2e: {  	[tilespmem:s19+$0x5040] =	vst v0  }
0x2f: {  	[tilespmem:s19+$0x6040] =	vst v0  }
0x30: {  	[tilespmem:s19+$0x7040] =	vst v0  }
0x31: {  	[tilespmem:s19+$0x8040] =	vst v0  }
0x32: {  	[tilespmem:s19+$0x5050] =	vst v0  }
0x33: {  	[tilespmem:s19+$0x6050] =	vst v0  }
0x34: {  	[tilespmem:s19+$0x7050] =	vst v0  }
0x35: {  	[tilespmem:s19+$0x8050] =	vst v0  }
0x36: {  	[tilespmem:s19+$0x5060] =	vst v0  }
0x37: {  	[tilespmem:s19+$0x6060] =	vst v0  }
0x38: {  	[tilespmem:s19+$0x7060] =	vst v0  }
0x39: {  	[tilespmem:s19+$0x8060] =	vst v0  }
0x3a: {  	[tilespmem:s19+$0x5070] =	vst v0  }
0x3b: {  	[tilespmem:s19+$0x6070] =	vst v0  }
0x3c: {  	[tilespmem:s19+$0x7070] =	vst v0  }
0x3d: {  	[tilespmem:s19+$0x8070] =	vst v0  }
0x3e: {  	[tilespmem:s19+$0x5080] =	vst v0  }
0x3f: {  	[tilespmem:s19+$0x6080] =	vst v0  }
0x40: {  	[tilespmem:s19+$0x7080] =	vst v0  }
0x41: {  	[tilespmem:s19+$0x8080] =	vst v0  }
0x42: {  	[tilespmem:s19+$0x5090] =	vst v0  }
0x43: {  	[tilespmem:s19+$0x6090] =	vst v0  }
0x44: {  	[tilespmem:s19+$0x7090] =	vst v0  }
0x45: {  	[tilespmem:s19+$0x8090] =	vst v0  }
0x46: {  	[tilespmem:s19+$0x50A0] =	vst v0  }
0x47: {  	[tilespmem:s19+$0x60A0] =	vst v0  }
.Ltmp0:
0x48: {  	[tilespmem:s19+$0x70A0] =	vst v0;
	(pc) =	sbr.rel @p0 .LBB2_2-.Ltmp0, $4  }
0x49: {  	[tilespmem:s19+$0x80A0] =	vst v0  }
0x4a: {  	[tilespmem:s19+$0x50B0] =	vst v0  }
0x4b: {  	[tilespmem:s19+$0x60B0] =	vst v0  }
0x4c: {  	[tilespmem:s19+$0x70B0] =	vst v0;
	s19 =	sshra.s32 s20, $0x2;
	s20 =	sadd.s32 $0x200, s20  }
0x4d: {  	[tilespmem:s19+$0x80B0] =	vst v0  }
0x4e: {  	[tilespmem:s19+$0x5040] =	vst v0  }
0x4f: {  	[tilespmem:s19+$0x6040] =	vst v0  }
0x50: {  	[tilespmem:s19+$0x7040] =	vst v0  }
0x51: {  	[tilespmem:s19+$0x8040] =	vst v0  }
0x52: {  	[tilespmem:s19+$0x5050] =	vst v0  }
0x53: {  	[tilespmem:s19+$0x6050] =	vst v0  }
0x54: {  	[tilespmem:s19+$0x7050] =	vst v0  }
0x55: {  	[tilespmem:s19+$0x8050] =	vst v0  }
0x56: {  	[tilespmem:s19+$0x5060] =	vst v0  }
0x57: {  	[tilespmem:s19+$0x6060] =	vst v0  }
0x58: {  	[tilespmem:s19+$0x7060] =	vst v0  }
0x59: {  	[tilespmem:s19+$0x8060] =	vst v0  }
0x5a: {  	[tilespmem:s19+$0x5070] =	vst v0  }
0x5b: {  	[tilespmem:s19+$0x6070] =	vst v0  }
0x5c: {  	[tilespmem:s19+$0x7070] =	vst v0  }
0x5d: {  	[tilespmem:s19+$0x8070] =	vst v0  }
0x5e: {  	[tilespmem:s19+$0x5080] =	vst v0  }
0x5f: {  	[tilespmem:s19+$0x6080] =	vst v0  }
0x60: {  	[tilespmem:s19+$0x7080] =	vst v0  }
0x61: {  	[tilespmem:s19+$0x8080] =	vst v0  }
0x62: {  	[tilespmem:s19+$0x5090] =	vst v0  }
0x63: {  	[tilespmem:s19+$0x6090] =	vst v0  }
0x64: {  	[tilespmem:s19+$0x7090] =	vst v0  }
0x65: {  	[tilespmem:s19+$0x8090] =	vst v0  }
0x66: {  	[tilespmem:s19+$0x50A0] =	vst v0  }
0x67: {  	[tilespmem:s19+$0x60A0] =	vst v0  }
0x68: {  	[tilespmem:s19+$0x70A0] =	vst v0  }
0x69: {  	[tilespmem:s19+$0x80A0] =	vst v0  }
0x6a: {  	[tilespmem:s19+$0x50B0] =	vst v0  }
0x6b: {  	[tilespmem:s19+$0x60B0] =	vst v0  }
0x6c: {  	[tilespmem:s19+$0x70B0] =	vst v0  }
0x6d: {  	[spmem:s6] =	stream.linear.scatter [tilespmem:s31], [sflag:$0x9], $0x1000, $0x38;
	[tilespmem:$0x1D040] =	vst v63  }
0x6e: {  	_ =	swait.ge [sflag:s30], $0x1000  }
0x6f: {  	[sflag:s30] =	ssyncset.done $0x0  }
0x70: {  	s21 =	rddreg [dreg:$0x4];
	[sflag:s30] =	ssyncadd.s32 $0xFFFFF000  }
0x71: {  	[spmem:s21] =	stream.linear.scatter [tilespmem:s31], [sflag:$0x9], $0x1000, $0x38;
	[tilespmem:$0x1D040] =	vst v63  }
0x72: {  	_ =	swait.ge [sflag:s30], $0x1000  }
0x73: {  	[sflag:s30] =	ssyncset.done $0x0  }
0x74: {  	s20 =	rddreg [dreg:$0x5];
	[sflag:s30] =	ssyncadd.s32 $0xFFFFF000  }
0x75: {  	[spmem:s20] =	stream.linear.scatter [tilespmem:s31], [sflag:$0x9], $0x1000, $0x38;
	[tilespmem:$0x1D040] =	vst v63  }
0x76: {  	_ =	swait.ge [sflag:s30], $0x1000  }
0x77: {  	[sflag:s30] =	ssyncset.done $0x0  }
0x78: {  	s21 =	rddreg [dreg:$0x6];
	[sflag:s30] =	ssyncadd.s32 $0xFFFFF000  }
0x79: {  	[spmem:s21] =	stream.linear.scatter [tilespmem:s31], [sflag:$0x9], $0x1000, $0x38;
	[tilespmem:$0x1D040] =	vst v63  }
0x7a: {  	_ =	swait.ge [sflag:s30], $0x1000  }
0x7b: {  	[sflag:s30] =	ssyncset.done $0x0  }
0x7c: {  	s20 =	rddreg [dreg:$0x7];
	[sflag:s30] =	ssyncadd.s32 $0xFFFFF000  }
0x7d: {  	[spmem:s20] =	stream.linear.scatter [tilespmem:s31], [sflag:$0x9], $0x1000, $0x38;
	[tilespmem:$0x1D040] =	vst v63  }
0x7e: {  	_ =	swait.ge [sflag:s30], $0x1000  }
0x7f: {  	[sflag:s30] =	ssyncset.done $0x0  }
0x80: {  	s21 =	rddreg [dreg:$0x8];
	[sflag:s30] =	ssyncadd.s32 $0xFFFFF000  }
0x81: {  	[spmem:s21] =	stream.linear.scatter [tilespmem:s31], [sflag:$0x9], $0x1000, $0x38;
	[tilespmem:$0x1D040] =	vst v63  }
0x82: {  	_ =	swait.ge [sflag:s30], $0x1000  }
0x83: {  	[sflag:s30] =	ssyncset.done $0x0  }
0x84: {  	s20 =	rddreg [dreg:$0x9];
	[sflag:s30] =	ssyncadd.s32 $0xFFFFF000  }
0x85: {  	[spmem:s20] =	stream.linear.scatter [tilespmem:s31], [sflag:$0x9], $0x1000, $0x38;
	[tilespmem:$0x1D040] =	vst v63  }
0x86: {  	_ =	swait.ge [sflag:s30], $0x1000  }
0x87: {  	[sflag:s30] =	ssyncset.done $0x0  }
0x88: {  	s21 =	rddreg [dreg:$0xa];
	[sflag:s30] =	ssyncadd.s32 $0xFFFFF000  }
0x89: {  	[spmem:s21] =	stream.linear.scatter [tilespmem:s31], [sflag:$0x9], $0x1000, $0x38;
	[tilespmem:$0x1D040] =	vst v63  }
0x8a: {  	_ =	swait.ge [sflag:s30], $0x1000  }
0x8b: {  	[sflag:s30] =	ssyncset.done $0x0  }
0x8c: {  	s20 =	rddreg [dreg:$0xb];
	[sflag:s30] =	ssyncadd.s32 $0xFFFFF000  }
0x8d: {  	[spmem:s20] =	stream.linear.scatter [tilespmem:s31], [sflag:$0x9], $0x1000, $0x38;
	[tilespmem:$0x1D040] =	vst v63  }
0x8e: {  	_ =	swait.ge [sflag:s30], $0x1000  }
0x8f: {  	[sflag:s30] =	ssyncset.done $0x0  }
0x90: {  	s21 =	rddreg [dreg:$0xc];
	[sflag:s30] =	ssyncadd.s32 $0xFFFFF000  }
0x91: {  	[spmem:s21] =	stream.linear.scatter [tilespmem:s31], [sflag:$0x9], $0x1000, $0x38;
	[tilespmem:$0x1D040] =	vst v63  }
0x92: {  	_ =	swait.ge [sflag:s30], $0x1000  }
0x93: {  	[sflag:s30] =	ssyncset.done $0x0  }
0x94: {  	s20 =	rddreg [dreg:$0xd];
	[sflag:s30] =	ssyncadd.s32 $0xFFFFF000  }
0x95: {  	[spmem:s20] =	stream.linear.scatter [tilespmem:s31], [sflag:$0x9], $0x1000, $0x38;
	[tilespmem:$0x1D040] =	vst v63  }
0x96: {  	_ =	swait.ge [sflag:s30], $0x1000  }
0x97: {  	[sflag:s30] =	ssyncset.done $0x0  }
0x98: {  	s21 =	rddreg [dreg:$0xe];
	[sflag:s30] =	ssyncadd.s32 $0xFFFFF000  }
0x99: {  	[spmem:s21] =	stream.linear.scatter [tilespmem:s31], [sflag:$0x9], $0x1000, $0x38;
	[tilespmem:$0x1D040] =	vst v63  }
0x9a: {  	_ =	swait.ge [sflag:s30], $0x1000  }
0x9b: {  	[sflag:s30] =	ssyncset.done $0x0  }
0x9c: {  	s20 =	rddreg [dreg:$0xf];
	[sflag:s30] =	ssyncadd.s32 $0xFFFFF000  }
0x9d: {  	[spmem:s20] =	stream.linear.scatter [tilespmem:s31], [sflag:$0x9], $0x1000, $0x38;
	[tilespmem:$0x1D040] =	vst v63  }
0x9e: {  	_ =	swait.ge [sflag:s30], $0x1000  }
0x9f: {  	[sflag:s30] =	ssyncset.done $0x0  }
0xa0: {  	s21 =	rddreg [dreg:$0x10];
	[sflag:s30] =	ssyncadd.s32 $0xFFFFF000  }
0xa1: {  	[spmem:s21] =	stream.linear.scatter [tilespmem:s31], [sflag:$0x9], $0x1000, $0x38;
	[tilespmem:$0x1D040] =	vst v63  }
0xa2: {  	_ =	swait.ge [sflag:s30], $0x1000  }
0xa3: {  	[sflag:s30] =	ssyncset.done $0x0  }
0xa4: {  	s20 =	rddreg [dreg:$0x11];
	[sflag:s30] =	ssyncadd.s32 $0xFFFFF000  }
0xa5: {  	[spmem:s20] =	stream.linear.scatter [tilespmem:s31], [sflag:$0x9], $0x1000, $0x38;
	[tilespmem:$0x1D040] =	vst v63  }
0xa6: {  	_ =	swait.ge [sflag:s30], $0x1000  }
0xa7: {  	[sflag:s30] =	ssyncset.done $0x0  }
0xa8: {  	s21 =	rddreg [dreg:$0x12];
	[sflag:s30] =	ssyncadd.s32 $0xFFFFF000  }
0xa9: {  	[spmem:s21] =	stream.linear.scatter [tilespmem:s31], [sflag:$0x9], $0x1000, $0x38;
	[tilespmem:$0x1D040] =	vst v63  }
0xaa: {  	_ =	swait.ge [sflag:s30], $0x1000  }
0xab: {  	[sflag:s30] =	ssyncset.done $0x0  }
0xac: {  	[sflag:s30] =	ssyncadd.s32 $0xFFFFF000  }
0xad: {  	[spmem:s22] =	stream.linear.scatter [tilespmem:s31], [sflag:$0x9], $0x1000, $0x38;
	[tilespmem:$0x1D040] =	vst v63  }
0xae: {  	_ =	swait.ge [sflag:s30], $0x1000  }
0xaf: {  	[sflag:s30] =	ssyncset.done $0x0  }
0xb0: {  	[sflag:s30] =	ssyncadd.s32 $0xFFFFF000  }
0xb1: {  	[spmem:s23] =	stream.linear.scatter [tilespmem:s31], [sflag:$0x9], $0x1000, $0x38;
	[tilespmem:$0x1D040] =	vst v63  }
0xb2: {  	_ =	swait.ge [sflag:s30], $0x1000  }
0xb3: {  	[sflag:s30] =	ssyncset.done $0x0  }
0xb4: {  	[sflag:s30] =	ssyncadd.s32 $0xFFFFF000  }
0xb5: {  	[spmem:s24] =	stream.linear.scatter [tilespmem:s31], [sflag:$0x9], $0x1000, $0x38;
	[tilespmem:$0x1D040] =	vst v63  }
0xb6: {  	_ =	swait.ge [sflag:s30], $0x1000  }
0xb7: {  	[sflag:s30] =	ssyncset.done $0x0  }
0xb8: {  	[sflag:s30] =	ssyncadd.s32 $0xFFFFF000  }
0xb9: {  	[spmem:s25] =	stream.linear.scatter [tilespmem:s31], [sflag:$0x9], $0x1000, $0x38;
	[tilespmem:$0x1D040] =	vst v63  }
0xba: {  	_ =	swait.ge [sflag:s30], $0x1000  }
0xbb: {  	[sflag:s30] =	ssyncset.done $0x0  }
0xbc: {  	[sflag:s30] =	ssyncadd.s32 $0xFFFFF000  }
0xbd: {  	s20 =	simm.s32 $0x0;
	[bflag:$0x0] =	sbarrier.arrive $0xFFFF  }
0xbe: {  	[tilespmem:s31], [sflag:$0x1] =	stream.indirect.gather [hbm4b:s4+s0], $0x80, s20, s0, $0xb8;
	[tilespmem:$0x1D040] =	vst v63  }
0xbf: {  	_ = 	snop  }
0xc0: {  	[tilespmem:s7], [sflag:$0x2] =	stream.indirect.gather [hbm4b:s4+s0], $0x80, s0, s0, $0xb8;
	[tilespmem:$0x1D040] =	vst v63  }
0xc1: {  	_ = 	snop  }
0xc2: {  	[spmem:s2] =	stream.indirect.scatter.add.f32 [tilespmem:s8], [sflag:$0x7], $0x80, s1, s0, $0xb8;
	[tilespmem:$0x1D040] =	vst v63  }
0xc3: {  	_ = 	snop  }
0xc4: {  	[spmem:s2] =	stream.indirect.scatter.add.f32 [tilespmem:s9], [sflag:$0x8], $0x80, s1, s0, $0xb8;
	[tilespmem:$0x1D040] =	vst v63  }
0xc5: {  	_ =	swait.ge [sflag:s10], $0x1000  }
0xc6: {  	[sflag:s10] =	ssyncset.done $0x0  }
0xc7: {  	s21 =	simm.s32 $0x40;
	[sflag:s10] =	ssyncadd.s32 $0xFFFFF000  }
0xc8: {  	[tilespmem:s8], [sflag:$0x3] =	stream.indirect.gather [hbm4b:s4+s0], $0x80, s21, s0, $0xb8;
	[tilespmem:$0x1D040] =	vst v63  }
0xc9: {  	_ =	swait.ge [sflag:s11], $0x1000  }
0xca: {  	[sflag:s11] =	ssyncset.done $0x0  }
0xcb: {  	s20 =	simm.s32 $0x2840;
	[sflag:s11] =	ssyncadd.s32 $0xFFFFF000  }
0xcc: {  	[spmem:s2] =	stream.indirect.scatter.add.f32 [tilespmem:s31], [sflag:$0x5], $0x80, s20, s0, $0xb8;
	[tilespmem:$0x1D040] =	vst v63  }
0xcd: {  	_ =	swait.ge [sflag:s12], $0x1000  }
0xce: {  	[sflag:s12] =	ssyncset.done $0x0  }
0xcf: {  	s21 =	simm.s32 $0x60;
	[sflag:s12] =	ssyncadd.s32 $0xFFFFF000  }
0xd0: {  	[tilespmem:s9], [sflag:$0x4] =	stream.indirect.gather [hbm4b:s4+s0], $0x80, s21, s0, $0xb8;
	[tilespmem:$0x1D040] =	vst v63  }
0xd1: {  	_ =	swait.ge [sflag:s13], $0x1000  }
0xd2: {  	[sflag:s13] =	ssyncset.done $0x0  }
0xd3: {  	s20 =	simm.s32 $0x2860;
	[sflag:s13] =	ssyncadd.s32 $0xFFFFF000  }
0xd4: {  	[spmem:s2] =	stream.indirect.scatter.add.f32 [tilespmem:s7], [sflag:$0x6], $0x80, s20, s0, $0xb8;
	[tilespmem:$0x1D040] =	vst v63  }
0xd5: {  	_ =	swait.ge [sflag:s14], $0x1000  }
0xd6: {  	[sflag:s14] =	ssyncset.done $0x0  }
0xd7: {  	s21 =	simm.s32 $0x80;
	[sflag:s14] =	ssyncadd.s32 $0xFFFFF000  }
0xd8: {  	[tilespmem:s31], [sflag:$0x1] =	stream.indirect.gather [hbm4b:s4+s0], $0x80, s21, s0, $0xb8;
	[tilespmem:$0x1D040] =	vst v63  }
0xd9: {  	_ =	swait.ge [sflag:s15], $0x1000  }
0xda: {  	[sflag:s15] =	ssyncset.done $0x0  }
0xdb: {  	s20 =	simm.s32 $0x2880;
	[sflag:s15] =	ssyncadd.s32 $0xFFFFF000  }
0xdc: {  	[spmem:s2] =	stream.indirect.scatter.add.f32 [tilespmem:s8], [sflag:$0x7], $0x80, s20, s0, $0xb8;
	[tilespmem:$0x1D040] =	vst v63  }
0xdd: {  	_ =	swait.ge [sflag:s16], $0x1000  }
0xde: {  	[sflag:s16] =	ssyncset.done $0x0  }
0xdf: {  	s21 =	simm.s32 $0xA0;
	[sflag:s16] =	ssyncadd.s32 $0xFFFFF000  }
0xe0: {  	[tilespmem:s7], [sflag:$0x2] =	stream.indirect.gather [hbm4b:s4+s0], $0x80, s21, s0, $0xb8;
	[tilespmem:$0x1D040] =	vst v63  }
0xe1: {  	_ =	swait.ge [sflag:s17], $0x1000  }
0xe2: {  	[sflag:s17] =	ssyncset.done $0x0  }
0xe3: {  	s19 =	simm.s32 $0x200;
	s20 =	simm.s32 $0x28A0;
	[sflag:s17] =	ssyncadd.s32 $0xFFFFF000  }
.LBB2_4:
0xe4: {  	[spmem:s2] =	stream.indirect.scatter.add.f32 [tilespmem:s9], [sflag:$0x8], $0x80, s20, s0, $0xb8;
	[tilespmem:$0x1D040] =	vst v63  }
0xe5: {  	s20 =	smov.u32 s19  }
0xe6: {  	p0 =	sne.s32 s19, $0x9E00;
	s19 =	sadd.s32 $0x200, s19;
	_ =	swait.ge [sflag:s10], $0x1000  }
0xe7: {  	s20 =	sshra.s32 s20, $0x2;
	[sflag:s10] =	ssyncset.done $0x0  }
0xe8: {  	s21 =	sadd.s32 $0x40, s20;
	[sflag:s10] =	ssyncadd.s32 $0xFFFFF000  }
0xe9: {  	[tilespmem:s8], [sflag:$0x3] =	stream.indirect.gather [hbm4b:s4+s0], $0x80, s21, s0, $0xb8;
	[tilespmem:$0x1D040] =	vst v63  }
0xea: {  	_ =	swait.ge [sflag:s11], $0x1000  }
0xeb: {  	[sflag:s11] =	ssyncset.done $0x0  }
0xec: {  	s21 =	sadd.s32 $0x2840, s20;
	[sflag:s11] =	ssyncadd.s32 $0xFFFFF000  }
0xed: {  	[spmem:s2] =	stream.indirect.scatter.add.f32 [tilespmem:s31], [sflag:$0x5], $0x80, s21, s0, $0xb8;
	[tilespmem:$0x1D040] =	vst v63  }
0xee: {  	_ =	swait.ge [sflag:s12], $0x1000  }
0xef: {  	[sflag:s12] =	ssyncset.done $0x0  }
0xf0: {  	s21 =	sadd.s32 $0x60, s20;
	[sflag:s12] =	ssyncadd.s32 $0xFFFFF000  }
0xf1: {  	[tilespmem:s9], [sflag:$0x4] =	stream.indirect.gather [hbm4b:s4+s0], $0x80, s21, s0, $0xb8;
	[tilespmem:$0x1D040] =	vst v63  }
0xf2: {  	_ =	swait.ge [sflag:s13], $0x1000  }
0xf3: {  	[sflag:s13] =	ssyncset.done $0x0  }
0xf4: {  	s21 =	sadd.s32 $0x2860, s20;
	[sflag:s13] =	ssyncadd.s32 $0xFFFFF000  }
0xf5: {  	[spmem:s2] =	stream.indirect.scatter.add.f32 [tilespmem:s7], [sflag:$0x6], $0x80, s21, s0, $0xb8;
	[tilespmem:$0x1D040] =	vst v63  }
0xf6: {  	_ =	swait.ge [sflag:s14], $0x1000  }
0xf7: {  	[sflag:s14] =	ssyncset.done $0x0  }
0xf8: {  	s21 =	sadd.s32 $0x80, s20;
	[sflag:s14] =	ssyncadd.s32 $0xFFFFF000  }
0xf9: {  	[tilespmem:s31], [sflag:$0x1] =	stream.indirect.gather [hbm4b:s4+s0], $0x80, s21, s0, $0xb8;
	[tilespmem:$0x1D040] =	vst v63  }
0xfa: {  	_ =	swait.ge [sflag:s15], $0x1000  }
0xfb: {  	[sflag:s15] =	ssyncset.done $0x0  }
0xfc: {  	s21 =	sadd.s32 $0x2880, s20;
	[sflag:s15] =	ssyncadd.s32 $0xFFFFF000  }
0xfd: {  	[spmem:s2] =	stream.indirect.scatter.add.f32 [tilespmem:s8], [sflag:$0x7], $0x80, s21, s0, $0xb8;
	[tilespmem:$0x1D040] =	vst v63  }
0xfe: {  	_ =	swait.ge [sflag:s16], $0x1000  }
0xff: {  	[sflag:s16] =	ssyncset.done $0x0  }
.Ltmp1:
0x100: {  	s21 =	sadd.s32 $0xA0, s20;
	[sflag:s16] =	ssyncadd.s32 $0xFFFFF000;
	(pc) =	sbr.rel @p0 .LBB2_4-.Ltmp1, $4  }
0x101: {  	[tilespmem:s7], [sflag:$0x2] =	stream.indirect.gather [hbm4b:s4+s0], $0x80, s21, s0, $0xb8;
	[tilespmem:$0x1D040] =	vst v63  }
0x102: {  	_ =	swait.ge [sflag:s17], $0x1000  }
0x103: {  	[sflag:s17] =	ssyncset.done $0x0  }
0x104: {  	s20 =	sadd.s32 $0x28A0, s20;
	[sflag:s17] =	ssyncadd.s32 $0xFFFFF000  }
0x105: {  	[spmem:s2] =	stream.indirect.scatter.add.f32 [tilespmem:s9], [sflag:$0x8], $0x80, s20, s0, $0xb8;
	[tilespmem:$0x1D040] =	vst v63  }
0x106: {  	_ =	swait.ge [sflag:s10], $0x1000  }
0x107: {  	[sflag:s10] =	ssyncset.done $0x0  }
0x108: {  	[sflag:s10] =	ssyncadd.s32 $0xFFFFF000  }
0x109: {  	_ =	swait.ge [sflag:s12], $0x1000  }
0x10a: {  	[sflag:s12] =	ssyncset.done $0x0  }
0x10b: {  	[sflag:s12] =	ssyncadd.s32 $0xFFFFF000  }
0x10c: {  	_ =	swait.ge [sflag:s11], $0x1000  }
0x10d: {  	[sflag:s11] =	ssyncset.done $0x0  }
0x10e: {  	[sflag:s11] =	ssyncadd.s32 $0xFFFFF000  }
0x10f: {  	s19 =	stileid.u32;
	_ =	swait.ge [sflag:s13], $0x1000  }
0x110: {  	s21 =	sshrl.u32 s6, $0x3;
	s18 =	sadd.s32 $0x1, s18;
	[sflag:s13] =	ssyncset.done $0x0  }
0x111: {  	s19 =	sshll.u32 s19, $0x6;
	p0 =	sne.s32 s18, s28;
	[sflag:s13] =	ssyncadd.s32 $0xFFFFF000  }
.Ltmp2:
0x112: {  	s19 =	sor.u32 $0x1C09, s19;
	[bflag:$0x0] =	sbarrier.arrive $0xFFFF;
	(pc) =	sbr.rel @p0 .LBB2_1-.Ltmp2, $4  }
0x113: {  	[hbm:s26], [sflag:s19] =	dma.local [spmem:s21], $0x2800  }
0x114: {  	_ =	swait.ge [sflag:s30], $0x2800  }
0x115: {  	[sflag:s30] =	ssyncset.done $0x0  }
0x116: {  	[sflag:s30] =	ssyncadd.s32 $0xFFFFD800  }
0x117: {  	_ =	sfence.sel $0x180000  }
0x118: {  	[bflag:$0x0] =	sbarrier.arrive $0xFFFF  }
0x119: {  	_ =	strace $0x9000004A  }
0x11a: {  	s0 =	stileid.u32;
	[bflag:$0x2] =	sbarrier.arrive $0xFFFF  }
0x11b: {  	p0 =	sne.s32 s0, $0x0;
	s0 =	rddreg [dreg:$0x3]  }
0x11c: {  	s0 =	sadd.s32 @!p0 $0x100000, s0  }
0x11d: {  	[sflag:s0] =	ssyncadd.tile.s32 @!p0 $0x1;
	_ =	shalt  }
.Lfunc_end2:
_tile_overlayer_lowered:
.L_overlay_start_2:
0x11e: {  	(tag) =	ssettag $0x2  }
0x11f: {  	s0 =	rddreg [dreg:$0x0];
	s2 =	stileid.u32  }
0x120: {  	s1 =	rddreg [dreg:$0x1];
	p0 =	sne.s32 s2, $0x0  }
0x121: {  	s3 =	rddreg [dreg:$0x2];
	[bflag:$0x3] =	sbarrier.arrive $0xFFFF;
	s2 =	simm.s32 @!p0 $0x1C09  }
0x122: {  	[timem:s3], [sflag:s2] =	dma.local @!p0 [hbm:s0], s1  }
0x123: {  	s0 =	simm.s32 @!p0 $0x9  }
0x124: {  	_ =	swait.ge @!p0 [sflag:s0], s1  }
0x125: {  	s1 =	ssub.s32 @!p0 $0x0, s1;
	[sflag:s0] =	ssyncset.done @!p0 $0x0  }
0x126: {  	[sflag:s0] =	ssyncadd.s32 @!p0 s1  }
0x127: {  	[bflag:$0x3] =	sbarrier.arrive $0xFFFF  }
0x128: {  	_ =	shalt  }

// kernel: kernel.14.cloned.1.call-start
scs
__scs_entry_jumppad:
0x0: {  	(pc) =	sbr.rel $0x88, $3  }
0x1: {  	(tag) =	ssettag $0x0;
	lr =	simm.s32 $0x1  }
0x2: {  	[smem:$0x3F99] =	sst lr;
	_ =	strace $0xD0000000  }
0x3: {  	_ = 	snop  }
0x4: {  	_ = 	snop  }
0x5: {  	_ = 	snop  }
0x6: {  	_ = 	snop  }
0x7: {  	_ = 	snop  }
__scs_overlays_trampoline_lowered:
0x8: {  	[smem:$0x3FA8] =	sst s0  }
0x9: {  	[smem:$0x3FA9] =	sst s1  }
0xa: {  	[smem:$0x3FAA] =	sst s2  }
0xb: {  	[smem:$0x3FAB] =	sst s3  }
0xc: {  	[smem:$0x3FAC] =	sst s4  }
0xd: {  	[smem:$0x3FAD] =	sst s5  }
0xe: {  	[smem:$0x3FAE] =	sst s6  }
0xf: {  	[smem:$0x3FAF] =	sst s7  }
0x10: {  	[smem:$0x3FB0] =	sst s8  }
0x11: {  	[smem:$0x3FB1] =	sst s9;
	s0 =	simm.s32 @!p0 $0x0  }
0x12: {  	s1 =	sld [smem:$0x3F97];
	s0 =	simm.s32 @p0 $0x1  }
0x13: {  	[smem:$0x3FB2] =	sst s0;
	s0 =	simm.s32 @!p1 $0x0  }
0x14: {  	s2 =	sld [smem:$0x3F96];
	s0 =	simm.s32 @p1 $0x1  }
0x15: {  	[smem:$0x3FB3] =	sst s0;
	s0 =	simm.s32 @!p2 $0x0  }
0x16: {  	s3 =	sld [smem:$0x3FDB];
	s0 =	simm.s32 @p2 $0x1  }
0x17: {  	s4 =	simm.s32 $0x1BF5;
	[smem:$0x3FB5] =	sst s0  }
0x18: {  	s0 =	sld [smem:$0x3F98];
	_ =	swait.ge [sflag:s4], $0x0  }
0x19: {  	s7 =	sld [smem:$0x3F99]  }
0x1a: {  	s8 =	sadd.s32 $0xFFFFE003, lr  }
0x1b: {  	s9 =	sadd.s32 $0xFFFFFEF7, lr;
	s5 =	simm.s32 $0xFFFFFFFF;
	p2 =	slt.u32 s8, $0xFFFFF086  }
0x1c: {  	p1 =	slt.u32 s9, $0xF7A;
	s5 =	simm.s32 @!p2 $0x0  }
0x1d: {  	s5 =	simm.s32 @p1 $0x1;
	p0 =	seq.s32 s7, s2  }
0x1e: {  	s7 =	smul.u32 @!p0 $0xF7A, s2;
	p2 =	seq.s32 @!p0 s5, $0x0  }
0x1f: {  	s9 =	smul.u32 $0xF7A, s1;
	s8 =	simm.s32 @!p0 $0x1BF5;
	p2 =	por !p2, p0  }
0x20: {  	[sflag:s8] =	ssyncset.s32 @!p0 $0xFFFFF086;
	s6 =	sadd.s32 @!p0 s3, s7;
	s7 =	simm.s32 @!p0 $0x108  }
0x21: {  	s3 =	sadd.s32 s3, s9;
	s6 =	sadd.s32 @!p0 $0x88, s6;
	s7 =	simm.s32 @p2 $0x1082  }
0x22: {  	[simem:s7], [sflag:s8] =	dma.local @!p0 [hbm:s6], $0xF7A  }
0x23: {  	s9 =	sor.u32 $0xD0000000, s2;
	s6 =	simm.s32 $0x108;
	_ =	swait.ge @!p0 [sflag:s8], $0x0  }
0x24: {  	s3 =	sadd.s32 $0x88, s3;
	s6 =	simm.s32 @!p1 $0x1082;
	[sflag:s4] =	ssyncset.s32 $0xFFFFF086  }
0x25: {  	[simem:s6], [sflag:s4] =	dma.local [hbm:s3], $0xF7A  }
0x26: {  	[smem:$0x3F99] =	sst s1;
	(tag) =	ssettag s2;
	_ =	strace s9  }
0x27: {  	s1 =	sld [smem:$0x3FA9]  }
0x28: {  	s2 =	sld [smem:$0x3FAA]  }
0x29: {  	s4 =	sld [smem:$0x3FAC]  }
0x2a: {  	p0 =	seq.s32 s5, $0x0;
	s5 =	sld [smem:$0x3FAD]  }
0x2b: {  	s6 =	sld [smem:$0x3FAE]  }
0x2c: {  	s7 =	sld [smem:$0x3FAF]  }
0x2d: {  	s3 =	simm.s32 $0x108;
	s8 =	sld [smem:$0x3FB0]  }
0x2e: {  	s3 =	simm.s32 @!p0 $0x1082;
	s9 =	sld [smem:$0x3FB1]  }
0x2f: {  	lr =	sadd.s32 s0, s3;
	s0 =	sld [smem:$0x3FA8]  }
0x30: {  	s3 =	sld [smem:$0x3FAB]  }
0x31: {  	[smem:$0x3FB4] =	sst s10  }
0x32: {  	s10 =	sld [smem:$0x3FB2];
	_ =	sdelay $0x3  }
0x33: {  	p0 =	seq.s32 s10, $0x1;
	s10 =	sld [smem:$0x3FB4];
	_ =	sdelay $0x3  }
0x34: {  	[smem:$0x3FB4] =	sst s10  }
0x35: {  	s10 =	sld [smem:$0x3FB3];
	_ =	sdelay $0x3  }
0x36: {  	p1 =	seq.s32 s10, $0x1;
	s10 =	sld [smem:$0x3FB4];
	_ =	sdelay $0x3  }
0x37: {  	[smem:$0x3FB4] =	sst s10  }
0x38: {  	s10 =	sld [smem:$0x3FB5]  }
0x39: {  	_ = 	snop;
	(pc) =	sbr.ind lr, $3  }
0x3a: {  	_ = 	snop  }
0x3b: {  	_ = 	snop  }
0x3c: {  	p2 =	seq.s32 s10, $0x1;
	s10 =	sld [smem:$0x3FB4]  }
0x3d: {  	_ =	shalt  }
0x3e: {  	_ =	shalt  }
0x3f: {  	_ =	shalt  }
0x40: {  	_ =	shalt  }
0x41: {  	_ =	shalt  }
0x42: {  	_ =	shalt  }
0x43: {  	_ =	shalt  }
0x44: {  	_ =	shalt  }
0x45: {  	_ =	shalt  }
0x46: {  	_ =	shalt  }
0x47: {  	_ =	shalt  }
0x48: {  	_ =	shalt  }
0x49: {  	_ =	shalt  }
0x4a: {  	_ =	shalt  }
0x4b: {  	_ =	shalt  }
0x4c: {  	_ =	shalt  }
0x4d: {  	_ =	shalt  }
0x4e: {  	_ =	shalt  }
0x4f: {  	_ =	shalt  }
0x50: {  	_ =	shalt  }
0x51: {  	_ =	shalt  }
0x52: {  	_ =	shalt  }
0x53: {  	_ =	shalt  }
0x54: {  	_ =	shalt  }
0x55: {  	_ =	shalt  }
0x56: {  	_ =	shalt  }
0x57: {  	_ =	shalt  }
0x58: {  	_ =	shalt  }
0x59: {  	_ =	shalt  }
0x5a: {  	_ =	shalt  }
0x5b: {  	_ =	shalt  }
0x5c: {  	_ =	shalt  }
0x5d: {  	_ =	shalt  }
0x5e: {  	_ =	shalt  }
0x5f: {  	_ =	shalt  }
0x60: {  	_ =	shalt  }
0x61: {  	_ =	shalt  }
0x62: {  	_ =	shalt  }
0x63: {  	_ =	shalt  }
0x64: {  	_ =	shalt  }
0x65: {  	_ =	shalt  }
0x66: {  	_ =	shalt  }
0x67: {  	_ =	shalt  }
0x68: {  	_ =	shalt  }
0x69: {  	_ =	shalt  }
0x6a: {  	_ =	shalt  }
0x6b: {  	_ =	shalt  }
0x6c: {  	_ =	shalt  }
0x6d: {  	_ =	shalt  }
0x6e: {  	_ =	shalt  }
0x6f: {  	_ =	shalt  }
0x70: {  	_ =	shalt  }
0x71: {  	_ =	shalt  }
0x72: {  	_ =	shalt  }
0x73: {  	_ =	shalt  }
0x74: {  	_ =	shalt  }
0x75: {  	_ =	shalt  }
0x76: {  	_ =	shalt  }
0x77: {  	_ =	shalt  }
0x78: {  	_ =	shalt  }
0x79: {  	_ =	shalt  }
0x7a: {  	_ =	shalt  }
0x7b: {  	_ =	shalt  }
0x7c: {  	_ =	shalt  }
0x7d: {  	_ =	shalt  }
0x7e: {  	_ =	shalt  }
0x7f: {  	_ =	shalt  }
0x80: {  	_ =	shalt  }
0x81: {  	_ =	shalt  }
0x82: {  	_ =	shalt  }
0x83: {  	_ =	shalt  }
0x84: {  	_ =	shalt  }
0x85: {  	_ =	shalt  }
0x86: {  	_ =	shalt  }
0x87: {  	_ =	shalt  }
.Lfunc_end0:
.L_simem_size_0:
called_computation.2_lowered:
.L_overlay_start_0:
0x88: {  	s2 =	sld [smem:$0x3FD9]  }
0x89: {  	s3 =	sld [smem:$0x3FFE];
	_ =	sdelay $0x1  }
0x8a: {  	s1 =	srdreg.scid  }
0x8b: {  	s0 =	sand.u32 $0x1, s1  }
0x8c: {  	s14 =	sshll.u32 s0, $0xA;
	s2 =	sadd.s32 s3, s2  }
0x8d: {  	s2 =	sadd.s32 s2, s14  }
0x8e: {  	[smem:$0x3FC0] =	sst s2  }
0x8f: {  	_ = 	snop  }
0x90: {  	s2 =	sld [smem:$0x3FD0];
	_ =	sdelay $0x2  }
0x91: {  	s15 =	simm.s32 $0xA;
	s4 =	simm.s32 $0x10  }
0x92: {  	[smem:s4], [sflag:s15] =	dma.local [hbm:s2], $0x1  }
0x93: {  	_ =	swait.eq [sflag:s15], $0x1  }
0x94: {  	[sflag:s15] =	ssyncset.done $0x0  }
0x95: {  	[sflag:s15] =	ssyncadd.s32 $0xFFFFFFFF  }
0x96: {  	s16 =	sld [smem:$0x10];
	(tm) =	ssettm $0x1  }
0x97: {  	s17 =	sld [smem:$0x3FFB];
	_ =	sdelay $0x3  }
0x98: {  	_ =	strace s17  }
0x99: {  	s3 =	sld [smem:$0x3FFC];
	_ =	sdelay $0x3  }
0x9a: {  	_ =	strace s3  }
0x9b: {  	s3 =	sld [smem:$0x3FFD];
	_ =	sdelay $0x3  }
0x9c: {  	_ =	strace s3  }
0x9d: {  	_ =	strace $0x8FFFFFFF  }
0x9e: {  	s18 =	sld [smem:$0x3FDB];
	_ =	sdelay $0x1  }
0x9f: {  	s19 =	simm.s32 $_scs_section_size  }
0xa0: {  	s5 =	simm.s32 $_size__tile_overlayer_lowered;
	s6 =	simm.s32 $_tile_overlayer_lowered  }
0xa1: {  	s22 =	simm.s32 $0x1BFF;
	s21 =	sshll.u32 s6, $0x1;
	s3 =	sadd.s32 s19, s18  }
0xa2: {  	s7 =	simm.s32 $0x0;
	s20 =	sshll.u32 s5, $0x1;
	s5 =	sadd.s32 s21, s3  }
0xa3: {  	[timem:s7], [sflag:s22] =	dma.local [hbm:s5], s20  }
0xa4: {  	_ =	swait.ge [sflag:s22], s20  }
0xa5: {  	s4 =	ssub.s32 $0x0, s20;
	[sflag:s22] =	ssyncset.done $0x0  }
0xa6: {  	[sflag:s22] =	ssyncadd.s32 s4;
	_ =	sdelay $0x1  }
0xa7: {  	s23 =	simm.s32 $0x1B8B  }
0xa8: {  	_ =	swait.ge [sflag:s23], $0x1  }
0xa9: {  	[sflag:s23] =	ssyncset.done $0x0  }
0xaa: {  	s25 =	simm.s32 $0x1B8E;
	s24 =	sld [smem:$0x3FFE];
	[sflag:s23] =	ssyncadd.s32 $0xFFFFFFFF  }
0xab: {  	s26 =	simm.s32 $execute0_lowered;
	[smem:$0x3FD2] =	sst s25  }
0xac: {  	s5 =	sshll.u32 s26, $0x1;
	_ =	strace $0x8000004C;
	[dreg:$0x1] =	wrdreg $0xFFFFFFFF  }
0xad: {  	s28 =	simm.s32 $_size_execute0_lowered;
	s3 =	sadd.s32 s3, s5;
	[dreg:$0x0] =	wrdreg $0x0  }
0xae: {  	s5 =	sshll.u32 s28, $0x1;
	[dreg:$0x2] =	wrdreg s3  }
0xaf: {  	[dreg:$0x3] =	wrdreg s5  }
0xb0: {  	[dreg:$0x4] =	wrdreg $0xC0  }
0xb1: {  	_ =	task [dreg:s7], $0x5FFFF  }
0xb2: {  	[dreg:$0x1] =	wrdreg $0xFFFFFFFF  }
0xb3: {  	[dreg:$0x0] =	wrdreg $0x60  }
0xb4: {  	[dreg:$0x2] =	wrdreg s16  }
0xb5: {  	[dreg:$0x3] =	wrdreg s24  }
0xb6: {  	[dreg:$0x4] =	wrdreg $0x90400  }
0xb7: {  	[dreg:$0x5] =	wrdreg $0x9  }
0xb8: {  	_ =	task.clear_ibuf [dreg:s7], $0x6FFFF;
	_ =	strace $0x9000004C  }
0xb9: {  	s29 =	simm.s32 $0x9;
	_ =	strace $0x8000004E  }
0xba: {  	_ =	swait.ge [sflag:s29], $0x1  }
0xbb: {  	[sflag:s29] =	ssyncadd.s32 $0xFFFFFFFF  }
0xbc: {  	_ =	strace $0x9000004E  }
0xbd: {  	_ =	sfence  }
0xbe: {  	s30 =	sld [smem:$0x0];
	_ =	sdelay $0x2  }
0xbf: {  	s31 =	sshll.u32 s1, $0xD;
	s1 =	sshrl.u32 s1, $0x2  }
0xc0: {  	s3 =	sand.u32 $0x4000, s31;
	s1 =	sadd.s32 s1, s30  }
0xc1: {  	s0 =	sor.u32 s3, s0;
	s1 =	sshll.u32 s1, $0x11  }
0xc2: {  	s0 =	sor.u32 s1, s0  }
0xc3: {  	s0 =	sadd.s32 $0x8F2B, s0  }
0xc4: {  	[sflag:s0] =	ssyncadd.remote.s32 $0x1  }
0xc5: {  	_ =	sfence.sel $0xFFFF  }
0xc6: {  	[dreg:$0x0] =	wrdreg $0xFFFFFFFF;
	(pc) =	sbr.abs _section_cstart, $3  }
0xc7: {  	[dreg:$0x1] =	wrdreg $0xFFFFFFFF  }
0xc8: {  	_ =	task.clear_ibuf [dreg:s7], $0x2FFFF;
	_ =	strace $0x9FFFFFFF  }
0xc9: {  	(tm) =	ssettm $0x7FFFFFFF  }
tec
execute0_lowered:
.L_overlay_start_1:
0x0: {  	(tag) =	ssettag $0x1  }
0x1: {  	s4 =	srdreg.scid  }
0x2: {  	s9 =	stileid.u32;
	s5 =	sand.u32 $0x1, s4  }
0x3: {  	s0 =	rddreg [dreg:$0x0];
	s6 =	smul.u32 $0x14000, s9;
	s8 =	sshll.u32 s5, $0x4  }
0x4: {  	s1 =	rddreg [dreg:$0x1];
	s8 =	sor.u32 s9, s8;
	s9 =	smul.u32 $0x50000, s9  }
0x5: {  	s2 =	rddreg [dreg:$0x2];
	s3 =	simm.s32 $0x0  }
0x6: {  	s30 =	simm.s32 $0x9;
	s31 =	simm.s32 $0x5040;
	s9 =	sshrl.u32 s9, $0x2  }
0x7: {  	[smem:$0x7FF] =	sst s3;
	s4 =	sadd.s32 $0x2A00, s1;
	s11 =	sadd.s32 s9, s2  }
0x8: {  	s7 =	smul.u32 $0x140000, s5;
	_ =	strace $0x8000004D;
	s12 =	sadd.s32 $0x1000, s11  }
0x9: {  	s5 =	ssub.s32 $0x2, s5;
	s13 =	sadd.s32 $0x2000, s11;
	[dreg:$0x4] =	wrdreg s12  }
0xa: {  	s26 =	sshrl.u32 s5, $0x1;
	s14 =	sadd.s32 $0x3000, s11;
	[dreg:$0x5] =	wrdreg s13  }
0xb: {  	s7 =	sadd.s32 s6, s7;
	s15 =	sadd.s32 $0x4000, s11;
	[dreg:$0x6] =	wrdreg s14  }
0xc: {  	s8 =	smul.u32 $0x2800, s8;
	s16 =	sadd.s32 $0x5000, s11;
	[dreg:$0x7] =	wrdreg s15  }
0xd: {  	s6 =	sadd.s32 s6, s2;
	s17 =	sadd.s32 $0x6000, s11;
	[dreg:$0x8] =	wrdreg s16  }
0xe: {  	s7 =	sshrl.u32 s7, $0x3;
	s18 =	sadd.s32 $0x7000, s11;
	[dreg:$0x9] =	wrdreg s17  }
0xf: {  	s1 =	sadd.s32 s7, s1;
	s19 =	sadd.s32 $0x8000, s11;
	[dreg:$0xa] =	wrdreg s18  }
0x10: {  	s7 =	ssub.s32 s5, s26;
	s20 =	sadd.s32 $0x9000, s11;
	[dreg:$0xb] =	wrdreg s19  }
0x11: {  	s10 =	sshrl.u32 s8, $0x3;
	s21 =	sadd.s32 $0xA000, s11;
	[dreg:$0xc] =	wrdreg s20  }
0x12: {  	s8 =	simm.s32 $0x7040;
	s22 =	sadd.s32 $0xB000, s11;
	[dreg:$0xd] =	wrdreg s21  }
0x13: {  	s9 =	simm.s32 $0x8040;
	s23 =	sadd.s32 $0xC000, s11;
	[dreg:$0xe] =	wrdreg s22  }
0x14: {  	s5 =	sadd.s32 s0, s10;
	s24 =	sadd.s32 $0xD000, s11;
	[dreg:$0xf] =	wrdreg s23  }
0x15: {  	s25 =	sadd.s32 $0xE000, s11;
	s26 =	sadd.s32 $0xF000, s11;
	[dreg:$0x10] =	wrdreg s24  }
0x16: {  	s28 =	smax.u32 s7, $0x1;
	s0 =	simm.s32 $0x20;
	[dreg:$0x11] =	wrdreg s25  }
0x17: {  	s7 =	simm.s32 $0x6040;
	s10 =	simm.s32 $0x7;
	[dreg:$0x12] =	wrdreg s26  }
0x18: {  	s22 =	sadd.s32 $0x10000, s11;
	s23 =	sadd.s32 $0x11000, s11;
	s24 =	sadd.s32 $0x12000, s11  }
0x19: {  	s25 =	sadd.s32 $0x13000, s11;
	s26 =	sadd.s32 $0x2AA00, s1;
	s29 =	sadd.s32 $0xA000, s5  }
0x1a: {  	s1 =	simm.s32 $0x2840;
	s11 =	simm.s32 $0x1;
	s12 =	simm.s32 $0x8  }
0x1b: {  	s13 =	simm.s32 $0x2;
	s14 =	simm.s32 $0x5;
	s15 =	simm.s32 $0x3  }
0x1c: {  	v0 =	vimm.f32 $0.0e+00;
	s16 =	simm.s32 $0x6;
	s17 =	simm.s32 $0x4;
	s18 =	simm.s32 $0x0  }
.LBB2_1:
0x1d: {  	[tilespmem:s3], [sflag:$0x9] =	stream.linear.gather [hbm4b:s5+s3], $0x2800, $0x38;
	[tilespmem:$0x1D040] =	vst v63  }
0x1e: {  	_ =	swait.ge [sflag:s30], $0x2800  }
0x1f: {  	[sflag:s30] =	ssyncset.done $0x0  }
0x20: {  	s19 =	simm.s32 $0x2800;
	[sflag:s30] =	ssyncadd.s32 $0xFFFFD800  }
0x21: {  	[tilespmem:s19], [sflag:$0x9] =	stream.linear.gather [hbm4b:s5+s3], $0x20, $0x38;
	[tilespmem:$0x1D040] =	vst v63  }
0x22: {  	_ =	swait.ge [sflag:s30], $0x20  }
0x23: {  	[sflag:s30] =	ssyncset.done $0x0  }
0x24: {  	s21 =	simm.s32 $0x2820;
	[sflag:s30] =	ssyncadd.s32 $0xFFFFFFE0  }
0x25: {  	[tilespmem:s21], [sflag:$0x9] =	stream.linear.gather [hbm4b:s5+s3], $0x20, $0x38;
	[tilespmem:$0x1D040] =	vst v63  }
0x26: {  	_ =	swait.ge [sflag:s30], $0x20  }
0x27: {  	[sflag:s30] =	ssyncset.done $0x0  }
0x28: {  	[sflag:s30] =	ssyncadd.s32 $0xFFFFFFE0  }
0x29: {  	[tilespmem:s1], [sflag:$0x9] =	stream.linear.gather [hbm4b:s29+s3], $0x2800, $0x38;
	[tilespmem:$0x1D040] =	vst v63  }
0x2a: {  	_ =	swait.ge [sflag:s30], $0x2800  }
0x2b: {  	[sflag:s30] =	ssyncset.done $0x0  }
0x2c: {  	s20 =	simm.s32 $0x200;
	s19 =	simm.s32 $0x0;
	[sflag:s30] =	ssyncadd.s32 $0xFFFFD800  }
.LBB2_2:
0x2d: {  	p0 =	sne.s32 s20, $0x3E00;
	[tilespmem:s19+$0x80B0] =	vst v0  }
0x2e: {  	[tilespmem:s19+$0x5040] =	vst v0  }
0x2f: {  	[tilespmem:s19+$0x6040] =	vst v0  }
0x30: {  	[tilespmem:s19+$0x7040] =	vst v0  }
0x31: {  	[tilespmem:s19+$0x8040] =	vst v0  }
0x32: {  	[tilespmem:s19+$0x5050] =	vst v0  }
0x33: {  	[tilespmem:s19+$0x6050] =	vst v0  }
0x34: {  	[tilespmem:s19+$0x7050] =	vst v0  }
0x35: {  	[tilespmem:s19+$0x8050] =	vst v0  }
0x36: {  	[tilespmem:s19+$0x5060] =	vst v0  }
0x37: {  	[tilespmem:s19+$0x6060] =	vst v0  }
0x38: {  	[tilespmem:s19+$0x7060] =	vst v0  }
0x39: {  	[tilespmem:s19+$0x8060] =	vst v0  }
0x3a: {  	[tilespmem:s19+$0x5070] =	vst v0  }
0x3b: {  	[tilespmem:s19+$0x6070] =	vst v0  }
0x3c: {  	[tilespmem:s19+$0x7070] =	vst v0  }
0x3d: {  	[tilespmem:s19+$0x8070] =	vst v0  }
0x3e: {  	[tilespmem:s19+$0x5080] =	vst v0  }
0x3f: {  	[tilespmem:s19+$0x6080] =	vst v0  }
0x40: {  	[tilespmem:s19+$0x7080] =	vst v0  }
0x41: {  	[tilespmem:s19+$0x8080] =	vst v0  }
0x42: {  	[tilespmem:s19+$0x5090] =	vst v0  }
0x43: {  	[tilespmem:s19+$0x6090] =	vst v0  }
0x44: {  	[tilespmem:s19+$0x7090] =	vst v0  }
0x45: {  	[tilespmem:s19+$0x8090] =	vst v0  }
0x46: {  	[tilespmem:s19+$0x50A0] =	vst v0  }
0x47: {  	[tilespmem:s19+$0x60A0] =	vst v0  }
.Ltmp0:
0x48: {  	[tilespmem:s19+$0x70A0] =	vst v0;
	(pc) =	sbr.rel @p0 .LBB2_2-.Ltmp0, $4  }
0x49: {  	[tilespmem:s19+$0x80A0] =	vst v0  }
0x4a: {  	[tilespmem:s19+$0x50B0] =	vst v0  }
0x4b: {  	[tilespmem:s19+$0x60B0] =	vst v0  }
0x4c: {  	[tilespmem:s19+$0x70B0] =	vst v0;
	s19 =	sshra.s32 s20, $0x2;
	s20 =	sadd.s32 $0x200, s20  }
0x4d: {  	[tilespmem:s19+$0x80B0] =	vst v0  }
0x4e: {  	[tilespmem:s19+$0x5040] =	vst v0  }
0x4f: {  	[tilespmem:s19+$0x6040] =	vst v0  }
0x50: {  	[tilespmem:s19+$0x7040] =	vst v0  }
0x51: {  	[tilespmem:s19+$0x8040] =	vst v0  }
0x52: {  	[tilespmem:s19+$0x5050] =	vst v0  }
0x53: {  	[tilespmem:s19+$0x6050] =	vst v0  }
0x54: {  	[tilespmem:s19+$0x7050] =	vst v0  }
0x55: {  	[tilespmem:s19+$0x8050] =	vst v0  }
0x56: {  	[tilespmem:s19+$0x5060] =	vst v0  }
0x57: {  	[tilespmem:s19+$0x6060] =	vst v0  }
0x58: {  	[tilespmem:s19+$0x7060] =	vst v0  }
0x59: {  	[tilespmem:s19+$0x8060] =	vst v0  }
0x5a: {  	[tilespmem:s19+$0x5070] =	vst v0  }
0x5b: {  	[tilespmem:s19+$0x6070] =	vst v0  }
0x5c: {  	[tilespmem:s19+$0x7070] =	vst v0  }
0x5d: {  	[tilespmem:s19+$0x8070] =	vst v0  }
0x5e: {  	[tilespmem:s19+$0x5080] =	vst v0  }
0x5f: {  	[tilespmem:s19+$0x6080] =	vst v0  }
0x60: {  	[tilespmem:s19+$0x7080] =	vst v0  }
0x61: {  	[tilespmem:s19+$0x8080] =	vst v0  }
0x62: {  	[tilespmem:s19+$0x5090] =	vst v0  }
0x63: {  	[tilespmem:s19+$0x6090] =	vst v0  }
0x64: {  	[tilespmem:s19+$0x7090] =	vst v0  }
0x65: {  	[tilespmem:s19+$0x8090] =	vst v0  }
0x66: {  	[tilespmem:s19+$0x50A0] =	vst v0  }
0x67: {  	[tilespmem:s19+$0x60A0] =	vst v0  }
0x68: {  	[tilespmem:s19+$0x70A0] =	vst v0  }
0x69: {  	[tilespmem:s19+$0x80A0] =	vst v0  }
0x6a: {  	[tilespmem:s19+$0x50B0] =	vst v0  }
0x6b: {  	[tilespmem:s19+$0x60B0] =	vst v0  }
0x6c: {  	[tilespmem:s19+$0x70B0] =	vst v0  }
0x6d: {  	[spmem:s6] =	stream.linear.scatter [tilespmem:s31], [sflag:$0x9], $0x1000, $0x38;
	[tilespmem:$0x1D040] =	vst v63  }
0x6e: {  	_ =	swait.ge [sflag:s30], $0x1000  }
0x6f: {  	[sflag:s30] =	ssyncset.done $0x0  }
0x70: {  	s21 =	rddreg [dreg:$0x4];
	[sflag:s30] =	ssyncadd.s32 $0xFFFFF000  }
0x71: {  	[spmem:s21] =	stream.linear.scatter [tilespmem:s31], [sflag:$0x9], $0x1000, $0x38;
	[tilespmem:$0x1D040] =	vst v63  }
0x72: {  	_ =	swait.ge [sflag:s30], $0x1000  }
0x73: {  	[sflag:s30] =	ssyncset.done $0x0  }
0x74: {  	s20 =	rddreg [dreg:$0x5];
	[sflag:s30] =	ssyncadd.s32 $0xFFFFF000  }
0x75: {  	[spmem:s20] =	stream.linear.scatter [tilespmem:s31], [sflag:$0x9], $0x1000, $0x38;
	[tilespmem:$0x1D040] =	vst v63  }
0x76: {  	_ =	swait.ge [sflag:s30], $0x1000  }
0x77: {  	[sflag:s30] =	ssyncset.done $0x0  }
0x78: {  	s21 =	rddreg [dreg:$0x6];
	[sflag:s30] =	ssyncadd.s32 $0xFFFFF000  }
0x79: {  	[spmem:s21] =	stream.linear.scatter [tilespmem:s31], [sflag:$0x9], $0x1000, $0x38;
	[tilespmem:$0x1D040] =	vst v63  }
0x7a: {  	_ =	swait.ge [sflag:s30], $0x1000  }
0x7b: {  	[sflag:s30] =	ssyncset.done $0x0  }
0x7c: {  	s20 =	rddreg [dreg:$0x7];
	[sflag:s30] =	ssyncadd.s32 $0xFFFFF000  }
0x7d: {  	[spmem:s20] =	stream.linear.scatter [tilespmem:s31], [sflag:$0x9], $0x1000, $0x38;
	[tilespmem:$0x1D040] =	vst v63  }
0x7e: {  	_ =	swait.ge [sflag:s30], $0x1000  }
0x7f: {  	[sflag:s30] =	ssyncset.done $0x0  }
0x80: {  	s21 =	rddreg [dreg:$0x8];
	[sflag:s30] =	ssyncadd.s32 $0xFFFFF000  }
0x81: {  	[spmem:s21] =	stream.linear.scatter [tilespmem:s31], [sflag:$0x9], $0x1000, $0x38;
	[tilespmem:$0x1D040] =	vst v63  }
0x82: {  	_ =	swait.ge [sflag:s30], $0x1000  }
0x83: {  	[sflag:s30] =	ssyncset.done $0x0  }
0x84: {  	s20 =	rddreg [dreg:$0x9];
	[sflag:s30] =	ssyncadd.s32 $0xFFFFF000  }
0x85: {  	[spmem:s20] =	stream.linear.scatter [tilespmem:s31], [sflag:$0x9], $0x1000, $0x38;
	[tilespmem:$0x1D040] =	vst v63  }
0x86: {  	_ =	swait.ge [sflag:s30], $0x1000  }
0x87: {  	[sflag:s30] =	ssyncset.done $0x0  }
0x88: {  	s21 =	rddreg [dreg:$0xa];
	[sflag:s30] =	ssyncadd.s32 $0xFFFFF000  }
0x89: {  	[spmem:s21] =	stream.linear.scatter [tilespmem:s31], [sflag:$0x9], $0x1000, $0x38;
	[tilespmem:$0x1D040] =	vst v63  }
0x8a: {  	_ =	swait.ge [sflag:s30], $0x1000  }
0x8b: {  	[sflag:s30] =	ssyncset.done $0x0  }
0x8c: {  	s20 =	rddreg [dreg:$0xb];
	[sflag:s30] =	ssyncadd.s32 $0xFFFFF000  }
0x8d: {  	[spmem:s20] =	stream.linear.scatter [tilespmem:s31], [sflag:$0x9], $0x1000, $0x38;
	[tilespmem:$0x1D040] =	vst v63  }
0x8e: {  	_ =	swait.ge [sflag:s30], $0x1000  }
0x8f: {  	[sflag:s30] =	ssyncset.done $0x0  }
0x90: {  	s21 =	rddreg [dreg:$0xc];
	[sflag:s30] =	ssyncadd.s32 $0xFFFFF000  }
0x91: {  	[spmem:s21] =	stream.linear.scatter [tilespmem:s31], [sflag:$0x9], $0x1000, $0x38;
	[tilespmem:$0x1D040] =	vst v63  }
0x92: {  	_ =	swait.ge [sflag:s30], $0x1000  }
0x93: {  	[sflag:s30] =	ssyncset.done $0x0  }
0x94: {  	s20 =	rddreg [dreg:$0xd];
	[sflag:s30] =	ssyncadd.s32 $0xFFFFF000  }
0x95: {  	[spmem:s20] =	stream.linear.scatter [tilespmem:s31], [sflag:$0x9], $0x1000, $0x38;
	[tilespmem:$0x1D040] =	vst v63  }
0x96: {  	_ =	swait.ge [sflag:s30], $0x1000  }
0x97: {  	[sflag:s30] =	ssyncset.done $0x0  }
0x98: {  	s21 =	rddreg [dreg:$0xe];
	[sflag:s30] =	ssyncadd.s32 $0xFFFFF000  }
0x99: {  	[spmem:s21] =	stream.linear.scatter [tilespmem:s31], [sflag:$0x9], $0x1000, $0x38;
	[tilespmem:$0x1D040] =	vst v63  }
0x9a: {  	_ =	swait.ge [sflag:s30], $0x1000  }
0x9b: {  	[sflag:s30] =	ssyncset.done $0x0  }
0x9c: {  	s20 =	rddreg [dreg:$0xf];
	[sflag:s30] =	ssyncadd.s32 $0xFFFFF000  }
0x9d: {  	[spmem:s20] =	stream.linear.scatter [tilespmem:s31], [sflag:$0x9], $0x1000, $0x38;
	[tilespmem:$0x1D040] =	vst v63  }
0x9e: {  	_ =	swait.ge [sflag:s30], $0x1000  }
0x9f: {  	[sflag:s30] =	ssyncset.done $0x0  }
0xa0: {  	s21 =	rddreg [dreg:$0x10];
	[sflag:s30] =	ssyncadd.s32 $0xFFFFF000  }
0xa1: {  	[spmem:s21] =	stream.linear.scatter [tilespmem:s31], [sflag:$0x9], $0x1000, $0x38;
	[tilespmem:$0x1D040] =	vst v63  }
0xa2: {  	_ =	swait.ge [sflag:s30], $0x1000  }
0xa3: {  	[sflag:s30] =	ssyncset.done $0x0  }
0xa4: {  	s20 =	rddreg [dreg:$0x11];
	[sflag:s30] =	ssyncadd.s32 $0xFFFFF000  }
0xa5: {  	[spmem:s20] =	stream.linear.scatter [tilespmem:s31], [sflag:$0x9], $0x1000, $0x38;
	[tilespmem:$0x1D040] =	vst v63  }
0xa6: {  	_ =	swait.ge [sflag:s30], $0x1000  }
0xa7: {  	[sflag:s30] =	ssyncset.done $0x0  }
0xa8: {  	s21 =	rddreg [dreg:$0x12];
	[sflag:s30] =	ssyncadd.s32 $0xFFFFF000  }
0xa9: {  	[spmem:s21] =	stream.linear.scatter [tilespmem:s31], [sflag:$0x9], $0x1000, $0x38;
	[tilespmem:$0x1D040] =	vst v63  }
0xaa: {  	_ =	swait.ge [sflag:s30], $0x1000  }
0xab: {  	[sflag:s30] =	ssyncset.done $0x0  }
0xac: {  	[sflag:s30] =	ssyncadd.s32 $0xFFFFF000  }
0xad: {  	[spmem:s22] =	stream.linear.scatter [tilespmem:s31], [sflag:$0x9], $0x1000, $0x38;
	[tilespmem:$0x1D040] =	vst v63  }
0xae: {  	_ =	swait.ge [sflag:s30], $0x1000  }
0xaf: {  	[sflag:s30] =	ssyncset.done $0x0  }
0xb0: {  	[sflag:s30] =	ssyncadd.s32 $0xFFFFF000  }
0xb1: {  	[spmem:s23] =	stream.linear.scatter [tilespmem:s31], [sflag:$0x9], $0x1000, $0x38;
	[tilespmem:$0x1D040] =	vst v63  }
0xb2: {  	_ =	swait.ge [sflag:s30], $0x1000  }
0xb3: {  	[sflag:s30] =	ssyncset.done $0x0  }
0xb4: {  	[sflag:s30] =	ssyncadd.s32 $0xFFFFF000  }
0xb5: {  	[spmem:s24] =	stream.linear.scatter [tilespmem:s31], [sflag:$0x9], $0x1000, $0x38;
	[tilespmem:$0x1D040] =	vst v63  }
0xb6: {  	_ =	swait.ge [sflag:s30], $0x1000  }
0xb7: {  	[sflag:s30] =	ssyncset.done $0x0  }
0xb8: {  	[sflag:s30] =	ssyncadd.s32 $0xFFFFF000  }
0xb9: {  	[spmem:s25] =	stream.linear.scatter [tilespmem:s31], [sflag:$0x9], $0x1000, $0x38;
	[tilespmem:$0x1D040] =	vst v63  }
0xba: {  	_ =	swait.ge [sflag:s30], $0x1000  }
0xbb: {  	[sflag:s30] =	ssyncset.done $0x0  }
0xbc: {  	[sflag:s30] =	ssyncadd.s32 $0xFFFFF000  }
0xbd: {  	s20 =	simm.s32 $0x0;
	[bflag:$0x0] =	sbarrier.arrive $0xFFFF  }
0xbe: {  	[tilespmem:s31], [sflag:$0x1] =	stream.indirect.gather [hbm4b:s4+s0], $0x80, s20, s0, $0xb8;
	[tilespmem:$0x1D040] =	vst v63  }
0xbf: {  	_ = 	snop  }
0xc0: {  	[tilespmem:s7], [sflag:$0x2] =	stream.indirect.gather [hbm4b:s4+s0], $0x80, s0, s0, $0xb8;
	[tilespmem:$0x1D040] =	vst v63  }
0xc1: {  	_ = 	snop  }
0xc2: {  	[spmem:s2] =	stream.indirect.scatter.add.f32 [tilespmem:s8], [sflag:$0x7], $0x80, s1, s0, $0xb8;
	[tilespmem:$0x1D040] =	vst v63  }
0xc3: {  	_ = 	snop  }
0xc4: {  	[spmem:s2] =	stream.indirect.scatter.add.f32 [tilespmem:s9], [sflag:$0x8], $0x80, s1, s0, $0xb8;
	[tilespmem:$0x1D040] =	vst v63  }
0xc5: {  	_ =	swait.ge [sflag:s10], $0x1000  }
0xc6: {  	[sflag:s10] =	ssyncset.done $0x0  }
0xc7: {  	s21 =	simm.s32 $0x40;
	[sflag:s10] =	ssyncadd.s32 $0xFFFFF000  }
0xc8: {  	[tilespmem:s8], [sflag:$0x3] =	stream.indirect.gather [hbm4b:s4+s0], $0x80, s21, s0, $0xb8;
	[tilespmem:$0x1D040] =	vst v63  }
0xc9: {  	_ =	swait.ge [sflag:s11], $0x1000  }
0xca: {  	[sflag:s11] =	ssyncset.done $0x0  }
0xcb: {  	s20 =	simm.s32 $0x2840;
	[sflag:s11] =	ssyncadd.s32 $0xFFFFF000  }
0xcc: {  	[spmem:s2] =	stream.indirect.scatter.add.f32 [tilespmem:s31], [sflag:$0x5], $0x80, s20, s0, $0xb8;
	[tilespmem:$0x1D040] =	vst v63  }
0xcd: {  	_ =	swait.ge [sflag:s12], $0x1000  }
0xce: {  	[sflag:s12] =	ssyncset.done $0x0  }
0xcf: {  	s21 =	simm.s32 $0x60;
	[sflag:s12] =	ssyncadd.s32 $0xFFFFF000  }
0xd0: {  	[tilespmem:s9], [sflag:$0x4] =	stream.indirect.gather [hbm4b:s4+s0], $0x80, s21, s0, $0xb8;
	[tilespmem:$0x1D040] =	vst v63  }
0xd1: {  	_ =	swait.ge [sflag:s13], $0x1000  }
0xd2: {  	[sflag:s13] =	ssyncset.done $0x0  }
0xd3: {  	s20 =	simm.s32 $0x2860;
	[sflag:s13] =	ssyncadd.s32 $0xFFFFF000  }
0xd4: {  	[spmem:s2] =	stream.indirect.scatter.add.f32 [tilespmem:s7], [sflag:$0x6], $0x80, s20, s0, $0xb8;
	[tilespmem:$0x1D040] =	vst v63  }
0xd5: {  	_ =	swait.ge [sflag:s14], $0x1000  }
0xd6: {  	[sflag:s14] =	ssyncset.done $0x0  }
0xd7: {  	s21 =	simm.s32 $0x80;
	[sflag:s14] =	ssyncadd.s32 $0xFFFFF000  }
0xd8: {  	[tilespmem:s31], [sflag:$0x1] =	stream.indirect.gather [hbm4b:s4+s0], $0x80, s21, s0, $0xb8;
	[tilespmem:$0x1D040] =	vst v63  }
0xd9: {  	_ =	swait.ge [sflag:s15], $0x1000  }
0xda: {  	[sflag:s15] =	ssyncset.done $0x0  }
0xdb: {  	s20 =	simm.s32 $0x2880;
	[sflag:s15] =	ssyncadd.s32 $0xFFFFF000  }
0xdc: {  	[spmem:s2] =	stream.indirect.scatter.add.f32 [tilespmem:s8], [sflag:$0x7], $0x80, s20, s0, $0xb8;
	[tilespmem:$0x1D040] =	vst v63  }
0xdd: {  	_ =	swait.ge [sflag:s16], $0x1000  }
0xde: {  	[sflag:s16] =	ssyncset.done $0x0  }
0xdf: {  	s21 =	simm.s32 $0xA0;
	[sflag:s16] =	ssyncadd.s32 $0xFFFFF000  }
0xe0: {  	[tilespmem:s7], [sflag:$0x2] =	stream.indirect.gather [hbm4b:s4+s0], $0x80, s21, s0, $0xb8;
	[tilespmem:$0x1D040] =	vst v63  }
0xe1: {  	_ =	swait.ge [sflag:s17], $0x1000  }
0xe2: {  	[sflag:s17] =	ssyncset.done $0x0  }
0xe3: {  	s19 =	simm.s32 $0x200;
	s20 =	simm.s32 $0x28A0;
	[sflag:s17] =	ssyncadd.s32 $0xFFFFF000  }
.LBB2_4:
0xe4: {  	[spmem:s2] =	stream.indirect.scatter.add.f32 [tilespmem:s9], [sflag:$0x8], $0x80, s20, s0, $0xb8;
	[tilespmem:$0x1D040] =	vst v63  }
0xe5: {  	s20 =	smov.u32 s19  }
0xe6: {  	p0 =	sne.s32 s19, $0x9E00;
	s19 =	sadd.s32 $0x200, s19;
	_ =	swait.ge [sflag:s10], $0x1000  }
0xe7: {  	s20 =	sshra.s32 s20, $0x2;
	[sflag:s10] =	ssyncset.done $0x0  }
0xe8: {  	s21 =	sadd.s32 $0x40, s20;
	[sflag:s10] =	ssyncadd.s32 $0xFFFFF000  }
0xe9: {  	[tilespmem:s8], [sflag:$0x3] =	stream.indirect.gather [hbm4b:s4+s0], $0x80, s21, s0, $0xb8;
	[tilespmem:$0x1D040] =	vst v63  }
0xea: {  	_ =	swait.ge [sflag:s11], $0x1000  }
0xeb: {  	[sflag:s11] =	ssyncset.done $0x0  }
0xec: {  	s21 =	sadd.s32 $0x2840, s20;
	[sflag:s11] =	ssyncadd.s32 $0xFFFFF000  }
0xed: {  	[spmem:s2] =	stream.indirect.scatter.add.f32 [tilespmem:s31], [sflag:$0x5], $0x80, s21, s0, $0xb8;
	[tilespmem:$0x1D040] =	vst v63  }
0xee: {  	_ =	swait.ge [sflag:s12], $0x1000  }
0xef: {  	[sflag:s12] =	ssyncset.done $0x0  }
0xf0: {  	s21 =	sadd.s32 $0x60, s20;
	[sflag:s12] =	ssyncadd.s32 $0xFFFFF000  }
0xf1: {  	[tilespmem:s9], [sflag:$0x4] =	stream.indirect.gather [hbm4b:s4+s0], $0x80, s21, s0, $0xb8;
	[tilespmem:$0x1D040] =	vst v63  }
0xf2: {  	_ =	swait.ge [sflag:s13], $0x1000  }
0xf3: {  	[sflag:s13] =	ssyncset.done $0x0  }
0xf4: {  	s21 =	sadd.s32 $0x2860, s20;
	[sflag:s13] =	ssyncadd.s32 $0xFFFFF000  }
0xf5: {  	[spmem:s2] =	stream.indirect.scatter.add.f32 [tilespmem:s7], [sflag:$0x6], $0x80, s21, s0, $0xb8;
	[tilespmem:$0x1D040] =	vst v63  }
0xf6: {  	_ =	swait.ge [sflag:s14], $0x1000  }
0xf7: {  	[sflag:s14] =	ssyncset.done $0x0  }
0xf8: {  	s21 =	sadd.s32 $0x80, s20;
	[sflag:s14] =	ssyncadd.s32 $0xFFFFF000  }
0xf9: {  	[tilespmem:s31], [sflag:$0x1] =	stream.indirect.gather [hbm4b:s4+s0], $0x80, s21, s0, $0xb8;
	[tilespmem:$0x1D040] =	vst v63  }
0xfa: {  	_ =	swait.ge [sflag:s15], $0x1000  }
0xfb: {  	[sflag:s15] =	ssyncset.done $0x0  }
0xfc: {  	s21 =	sadd.s32 $0x2880, s20;
	[sflag:s15] =	ssyncadd.s32 $0xFFFFF000  }
0xfd: {  	[spmem:s2] =	stream.indirect.scatter.add.f32 [tilespmem:s8], [sflag:$0x7], $0x80, s21, s0, $0xb8;
	[tilespmem:$0x1D040] =	vst v63  }
0xfe: {  	_ =	swait.ge [sflag:s16], $0x1000  }
0xff: {  	[sflag:s16] =	ssyncset.done $0x0  }
.Ltmp1:
0x100: {  	s21 =	sadd.s32 $0xA0, s20;
	[sflag:s16] =	ssyncadd.s32 $0xFFFFF000;
	(pc) =	sbr.rel @p0 .LBB2_4-.Ltmp1, $4  }
0x101: {  	[tilespmem:s7], [sflag:$0x2] =	stream.indirect.gather [hbm4b:s4+s0], $0x80, s21, s0, $0xb8;
	[tilespmem:$0x1D040] =	vst v63  }
0x102: {  	_ =	swait.ge [sflag:s17], $0x1000  }
0x103: {  	[sflag:s17] =	ssyncset.done $0x0  }
0x104: {  	s20 =	sadd.s32 $0x28A0, s20;
	[sflag:s17] =	ssyncadd.s32 $0xFFFFF000  }
0x105: {  	[spmem:s2] =	stream.indirect.scatter.add.f32 [tilespmem:s9], [sflag:$0x8], $0x80, s20, s0, $0xb8;
	[tilespmem:$0x1D040] =	vst v63  }
0x106: {  	_ =	swait.ge [sflag:s10], $0x1000  }
0x107: {  	[sflag:s10] =	ssyncset.done $0x0  }
0x108: {  	[sflag:s10] =	ssyncadd.s32 $0xFFFFF000  }
0x109: {  	_ =	swait.ge [sflag:s12], $0x1000  }
0x10a: {  	[sflag:s12] =	ssyncset.done $0x0  }
0x10b: {  	[sflag:s12] =	ssyncadd.s32 $0xFFFFF000  }
0x10c: {  	_ =	swait.ge [sflag:s11], $0x1000  }
0x10d: {  	[sflag:s11] =	ssyncset.done $0x0  }
0x10e: {  	[sflag:s11] =	ssyncadd.s32 $0xFFFFF000  }
0x10f: {  	s19 =	stileid.u32;
	_ =	swait.ge [sflag:s13], $0x1000  }
0x110: {  	s21 =	sshrl.u32 s6, $0x3;
	s18 =	sadd.s32 $0x1, s18;
	[sflag:s13] =	ssyncset.done $0x0  }
0x111: {  	s19 =	sshll.u32 s19, $0x6;
	p0 =	sne.s32 s18, s28;
	[sflag:s13] =	ssyncadd.s32 $0xFFFFF000  }
.Ltmp2:
0x112: {  	s19 =	sor.u32 $0x1C09, s19;
	[bflag:$0x0] =	sbarrier.arrive $0xFFFF;
	(pc) =	sbr.rel @p0 .LBB2_1-.Ltmp2, $4  }
0x113: {  	[hbm:s26], [sflag:s19] =	dma.local [spmem:s21], $0x2800  }
0x114: {  	_ =	swait.ge [sflag:s30], $0x2800  }
0x115: {  	[sflag:s30] =	ssyncset.done $0x0  }
0x116: {  	[sflag:s30] =	ssyncadd.s32 $0xFFFFD800  }
0x117: {  	_ =	sfence.sel $0x180000  }
0x118: {  	[bflag:$0x0] =	sbarrier.arrive $0xFFFF  }
0x119: {  	_ =	strace $0x9000004D  }
0x11a: {  	s0 =	stileid.u32;
	[bflag:$0x2] =	sbarrier.arrive $0xFFFF  }
0x11b: {  	p0 =	sne.s32 s0, $0x0;
	s0 =	rddreg [dreg:$0x3]  }
0x11c: {  	s0 =	sadd.s32 @!p0 $0x100000, s0  }
0x11d: {  	[sflag:s0] =	ssyncadd.tile.s32 @!p0 $0x1;
	_ =	shalt  }
.Lfunc_end2:
_tile_overlayer_lowered:
.L_overlay_start_2:
0x11e: {  	(tag) =	ssettag $0x2  }
0x11f: {  	s0 =	rddreg [dreg:$0x0];
	s2 =	stileid.u32  }
0x120: {  	s1 =	rddreg [dreg:$0x1];
	p0 =	sne.s32 s2, $0x0  }
0x121: {  	s3 =	rddreg [dreg:$0x2];
	[bflag:$0x3] =	sbarrier.arrive $0xFFFF;
	s2 =	simm.s32 @!p0 $0x1C09  }
0x122: {  	[timem:s3], [sflag:s2] =	dma.local @!p0 [hbm:s0], s1  }
0x123: {  	s0 =	simm.s32 @!p0 $0x9  }
0x124: {  	_ =	swait.ge @!p0 [sflag:s0], s1  }
0x125: {  	s1 =	ssub.s32 @!p0 $0x0, s1;
	[sflag:s0] =	ssyncset.done @!p0 $0x0  }
0x126: {  	[sflag:s0] =	ssyncadd.s32 @!p0 s1  }
0x127: {  	[bflag:$0x3] =	sbarrier.arrive $0xFFFF  }
0x128: {  	_ =	shalt  }

// kernel: kernel.8.cloned.1.call-start
scs
__scs_entry_jumppad:
0x0: {  	(pc) =	sbr.rel $0x88, $3  }
0x1: {  	(tag) =	ssettag $0x0;
	lr =	simm.s32 $0x1  }
0x2: {  	[smem:$0x3F99] =	sst lr;
	_ =	strace $0xD0000000  }
0x3: {  	_ = 	snop  }
0x4: {  	_ = 	snop  }
0x5: {  	_ = 	snop  }
0x6: {  	_ = 	snop  }
0x7: {  	_ = 	snop  }
__scs_overlays_trampoline_lowered:
0x8: {  	[smem:$0x3FA8] =	sst s0  }
0x9: {  	[smem:$0x3FA9] =	sst s1  }
0xa: {  	[smem:$0x3FAA] =	sst s2  }
0xb: {  	[smem:$0x3FAB] =	sst s3  }
0xc: {  	[smem:$0x3FAC] =	sst s4  }
0xd: {  	[smem:$0x3FAD] =	sst s5  }
0xe: {  	[smem:$0x3FAE] =	sst s6  }
0xf: {  	[smem:$0x3FAF] =	sst s7  }
0x10: {  	[smem:$0x3FB0] =	sst s8  }
0x11: {  	[smem:$0x3FB1] =	sst s9;
	s0 =	simm.s32 @!p0 $0x0  }
0x12: {  	s1 =	sld [smem:$0x3F97];
	s0 =	simm.s32 @p0 $0x1  }
0x13: {  	[smem:$0x3FB2] =	sst s0;
	s0 =	simm.s32 @!p1 $0x0  }
0x14: {  	s2 =	sld [smem:$0x3F96];
	s0 =	simm.s32 @p1 $0x1  }
0x15: {  	[smem:$0x3FB3] =	sst s0;
	s0 =	simm.s32 @!p2 $0x0  }
0x16: {  	s3 =	sld [smem:$0x3FDB];
	s0 =	simm.s32 @p2 $0x1  }
0x17: {  	s4 =	simm.s32 $0x1BF5;
	[smem:$0x3FB5] =	sst s0  }
0x18: {  	s0 =	sld [smem:$0x3F98];
	_ =	swait.ge [sflag:s4], $0x0  }
0x19: {  	s7 =	sld [smem:$0x3F99]  }
0x1a: {  	s8 =	sadd.s32 $0xFFFFE003, lr  }
0x1b: {  	s9 =	sadd.s32 $0xFFFFFEF7, lr;
	s5 =	simm.s32 $0xFFFFFFFF;
	p2 =	slt.u32 s8, $0xFFFFF086  }
0x1c: {  	p1 =	slt.u32 s9, $0xF7A;
	s5 =	simm.s32 @!p2 $0x0  }
0x1d: {  	s5 =	simm.s32 @p1 $0x1;
	p0 =	seq.s32 s7, s2  }
0x1e: {  	s7 =	smul.u32 @!p0 $0xF7A, s2;
	p2 =	seq.s32 @!p0 s5, $0x0  }
0x1f: {  	s9 =	smul.u32 $0xF7A, s1;
	s8 =	simm.s32 @!p0 $0x1BF5;
	p2 =	por !p2, p0  }
0x20: {  	[sflag:s8] =	ssyncset.s32 @!p0 $0xFFFFF086;
	s6 =	sadd.s32 @!p0 s3, s7;
	s7 =	simm.s32 @!p0 $0x108  }
0x21: {  	s3 =	sadd.s32 s3, s9;
	s6 =	sadd.s32 @!p0 $0x88, s6;
	s7 =	simm.s32 @p2 $0x1082  }
0x22: {  	[simem:s7], [sflag:s8] =	dma.local @!p0 [hbm:s6], $0xF7A  }
0x23: {  	s9 =	sor.u32 $0xD0000000, s2;
	s6 =	simm.s32 $0x108;
	_ =	swait.ge @!p0 [sflag:s8], $0x0  }
0x24: {  	s3 =	sadd.s32 $0x88, s3;
	s6 =	simm.s32 @!p1 $0x1082;
	[sflag:s4] =	ssyncset.s32 $0xFFFFF086  }
0x25: {  	[simem:s6], [sflag:s4] =	dma.local [hbm:s3], $0xF7A  }
0x26: {  	[smem:$0x3F99] =	sst s1;
	(tag) =	ssettag s2;
	_ =	strace s9  }
0x27: {  	s1 =	sld [smem:$0x3FA9]  }
0x28: {  	s2 =	sld [smem:$0x3FAA]  }
0x29: {  	s4 =	sld [smem:$0x3FAC]  }
0x2a: {  	p0 =	seq.s32 s5, $0x0;
	s5 =	sld [smem:$0x3FAD]  }
0x2b: {  	s6 =	sld [smem:$0x3FAE]  }
0x2c: {  	s7 =	sld [smem:$0x3FAF]  }
0x2d: {  	s3 =	simm.s32 $0x108;
	s8 =	sld [smem:$0x3FB0]  }
0x2e: {  	s3 =	simm.s32 @!p0 $0x1082;
	s9 =	sld [smem:$0x3FB1]  }
0x2f: {  	lr =	sadd.s32 s0, s3;
	s0 =	sld [smem:$0x3FA8]  }
0x30: {  	s3 =	sld [smem:$0x3FAB]  }
0x31: {  	[smem:$0x3FB4] =	sst s10  }
0x32: {  	s10 =	sld [smem:$0x3FB2];
	_ =	sdelay $0x3  }
0x33: {  	p0 =	seq.s32 s10, $0x1;
	s10 =	sld [smem:$0x3FB4];
	_ =	sdelay $0x3  }
0x34: {  	[smem:$0x3FB4] =	sst s10  }
0x35: {  	s10 =	sld [smem:$0x3FB3];
	_ =	sdelay $0x3  }
0x36: {  	p1 =	seq.s32 s10, $0x1;
	s10 =	sld [smem:$0x3FB4];
	_ =	sdelay $0x3  }
0x37: {  	[smem:$0x3FB4] =	sst s10  }
0x38: {  	s10 =	sld [smem:$0x3FB5]  }
0x39: {  	_ = 	snop;
	(pc) =	sbr.ind lr, $3  }
0x3a: {  	_ = 	snop  }
0x3b: {  	_ = 	snop  }
0x3c: {  	p2 =	seq.s32 s10, $0x1;
	s10 =	sld [smem:$0x3FB4]  }
0x3d: {  	_ =	shalt  }
0x3e: {  	_ =	shalt  }
0x3f: {  	_ =	shalt  }
0x40: {  	_ =	shalt  }
0x41: {  	_ =	shalt  }
0x42: {  	_ =	shalt  }
0x43: {  	_ =	shalt  }
0x44: {  	_ =	shalt  }
0x45: {  	_ =	shalt  }
0x46: {  	_ =	shalt  }
0x47: {  	_ =	shalt  }
0x48: {  	_ =	shalt  }
0x49: {  	_ =	shalt  }
0x4a: {  	_ =	shalt  }
0x4b: {  	_ =	shalt  }
0x4c: {  	_ =	shalt  }
0x4d: {  	_ =	shalt  }
0x4e: {  	_ =	shalt  }
0x4f: {  	_ =	shalt  }
0x50: {  	_ =	shalt  }
0x51: {  	_ =	shalt  }
0x52: {  	_ =	shalt  }
0x53: {  	_ =	shalt  }
0x54: {  	_ =	shalt  }
0x55: {  	_ =	shalt  }
0x56: {  	_ =	shalt  }
0x57: {  	_ =	shalt  }
0x58: {  	_ =	shalt  }
0x59: {  	_ =	shalt  }
0x5a: {  	_ =	shalt  }
0x5b: {  	_ =	shalt  }
0x5c: {  	_ =	shalt  }
0x5d: {  	_ =	shalt  }
0x5e: {  	_ =	shalt  }
0x5f: {  	_ =	shalt  }
0x60: {  	_ =	shalt  }
0x61: {  	_ =	shalt  }
0x62: {  	_ =	shalt  }
0x63: {  	_ =	shalt  }
0x64: {  	_ =	shalt  }
0x65: {  	_ =	shalt  }
0x66: {  	_ =	shalt  }
0x67: {  	_ =	shalt  }
0x68: {  	_ =	shalt  }
0x69: {  	_ =	shalt  }
0x6a: {  	_ =	shalt  }
0x6b: {  	_ =	shalt  }
0x6c: {  	_ =	shalt  }
0x6d: {  	_ =	shalt  }
0x6e: {  	_ =	shalt  }
0x6f: {  	_ =	shalt  }
0x70: {  	_ =	shalt  }
0x71: {  	_ =	shalt  }
0x72: {  	_ =	shalt  }
0x73: {  	_ =	shalt  }
0x74: {  	_ =	shalt  }
0x75: {  	_ =	shalt  }
0x76: {  	_ =	shalt  }
0x77: {  	_ =	shalt  }
0x78: {  	_ =	shalt  }
0x79: {  	_ =	shalt  }
0x7a: {  	_ =	shalt  }
0x7b: {  	_ =	shalt  }
0x7c: {  	_ =	shalt  }
0x7d: {  	_ =	shalt  }
0x7e: {  	_ =	shalt  }
0x7f: {  	_ =	shalt  }
0x80: {  	_ =	shalt  }
0x81: {  	_ =	shalt  }
0x82: {  	_ =	shalt  }
0x83: {  	_ =	shalt  }
0x84: {  	_ =	shalt  }
0x85: {  	_ =	shalt  }
0x86: {  	_ =	shalt  }
0x87: {  	_ =	shalt  }
.Lfunc_end0:
.L_simem_size_0:
called_computation_lowered:
.L_overlay_start_0:
0x88: {  	s2 =	sld [smem:$0x3FD9]  }
0x89: {  	s3 =	sld [smem:$0x3FFE];
	_ =	sdelay $0x1  }
0x8a: {  	s1 =	srdreg.scid  }
0x8b: {  	s0 =	sand.u32 $0x1, s1  }
0x8c: {  	s15 =	sshll.u32 s0, $0xA;
	s2 =	sadd.s32 s3, s2  }
0x8d: {  	s2 =	sadd.s32 s2, s15  }
0x8e: {  	[smem:$0x3FC0] =	sst s2  }
0x8f: {  	_ = 	snop  }
0x90: {  	s2 =	sld [smem:$0x3FD0];
	_ =	sdelay $0x2  }
0x91: {  	s16 =	simm.s32 $0xA;
	s4 =	simm.s32 $0x10  }
0x92: {  	[smem:s4], [sflag:s16] =	dma.local [hbm:s2], $0x1  }
0x93: {  	_ =	swait.eq [sflag:s16], $0x1  }
0x94: {  	[sflag:s16] =	ssyncset.done $0x0  }
0x95: {  	s17 =	sld [smem:$0x10];
	[sflag:s16] =	ssyncadd.s32 $0xFFFFFFFF  }
0x96: {  	s18 =	sld [smem:$0x11];
	(tm) =	ssettm $0x1  }
0x97: {  	s19 =	sld [smem:$0x3FFB];
	_ =	sdelay $0x3  }
0x98: {  	_ =	strace s19  }
0x99: {  	s4 =	sld [smem:$0x3FFC];
	_ =	sdelay $0x3  }
0x9a: {  	_ =	strace s4  }
0x9b: {  	s4 =	sld [smem:$0x3FFD];
	_ =	sdelay $0x3  }
0x9c: {  	_ =	strace s4  }
0x9d: {  	_ =	strace $0x8FFFFFFF  }
0x9e: {  	s20 =	sld [smem:$0x3FDB];
	_ =	sdelay $0x1  }
0x9f: {  	s5 =	simm.s32 $_scs_section_size  }
0xa0: {  	s6 =	simm.s32 $_size__tile_overlayer_lowered;
	s7 =	simm.s32 $_tile_overlayer_lowered  }
0xa1: {  	s23 =	simm.s32 $0x1BFF;
	s22 =	sshll.u32 s7, $0x1;
	s4 =	sadd.s32 s5, s20  }
0xa2: {  	s8 =	simm.s32 $0x0;
	s21 =	sshll.u32 s6, $0x1;
	s6 =	sadd.s32 s22, s4  }
0xa3: {  	[timem:s8], [sflag:s23] =	dma.local [hbm:s6], s21  }
0xa4: {  	_ =	swait.ge [sflag:s23], s21  }
0xa5: {  	s5 =	ssub.s32 $0x0, s21;
	[sflag:s23] =	ssyncset.done $0x0  }
0xa6: {  	[sflag:s23] =	ssyncadd.s32 s5;
	_ =	sdelay $0x1  }
0xa7: {  	s24 =	simm.s32 $0x1B8B  }
0xa8: {  	_ =	swait.ge [sflag:s24], $0x1  }
0xa9: {  	[sflag:s24] =	ssyncset.done $0x0  }
0xaa: {  	s25 =	simm.s32 $0x1B8E;
	[sflag:s24] =	ssyncadd.s32 $0xFFFFFFFF  }
0xab: {  	s26 =	simm.s32 $execute0_lowered;
	[smem:$0x3FD2] =	sst s25  }
0xac: {  	s5 =	sshll.u32 s26, $0x1;
	_ =	strace $0x80000046;
	[dreg:$0x1] =	wrdreg $0xFFFFFFFF  }
0xad: {  	s28 =	simm.s32 $_size_execute0_lowered;
	s4 =	sadd.s32 s4, s5;
	[dreg:$0x0] =	wrdreg $0x0  }
0xae: {  	s5 =	sshll.u32 s28, $0x1;
	[dreg:$0x2] =	wrdreg s4  }
0xaf: {  	[dreg:$0x3] =	wrdreg s5  }
0xb0: {  	[dreg:$0x4] =	wrdreg $0xC0  }
0xb1: {  	_ =	task [dreg:s8], $0x5FFFF  }
0xb2: {  	[dreg:$0x1] =	wrdreg $0xFFFFFFFF  }
0xb3: {  	[dreg:$0x0] =	wrdreg $0x60  }
0xb4: {  	[dreg:$0x2] =	wrdreg s17  }
0xb5: {  	[dreg:$0x3] =	wrdreg s18  }
0xb6: {  	[dreg:$0x4] =	wrdreg $0xA2800  }
0xb7: {  	[dreg:$0x5] =	wrdreg $0x9  }
0xb8: {  	_ =	task.clear_ibuf [dreg:s8], $0x6FFFF;
	_ =	strace $0x90000046  }
0xb9: {  	s29 =	simm.s32 $0x9;
	_ =	strace $0x80000048  }
0xba: {  	_ =	swait.ge [sflag:s29], $0x1  }
0xbb: {  	[sflag:s29] =	ssyncadd.s32 $0xFFFFFFFF  }
0xbc: {  	_ =	strace $0x90000048  }
0xbd: {  	_ =	sfence  }
0xbe: {  	s30 =	sld [smem:$0x0];
	_ =	sdelay $0x2  }
0xbf: {  	s31 =	sshll.u32 s1, $0xD;
	s1 =	sshrl.u32 s1, $0x2  }
0xc0: {  	s3 =	sand.u32 $0x4000, s31;
	s1 =	sadd.s32 s1, s30  }
0xc1: {  	s0 =	sor.u32 s3, s0;
	s1 =	sshll.u32 s1, $0x11  }
0xc2: {  	s0 =	sor.u32 s1, s0  }
0xc3: {  	s0 =	sadd.s32 $0x8F2B, s0  }
0xc4: {  	[sflag:s0] =	ssyncadd.remote.s32 $0x1  }
0xc5: {  	_ =	sfence.sel $0xFFFF  }
0xc6: {  	[dreg:$0x0] =	wrdreg $0xFFFFFFFF;
	(pc) =	sbr.abs _section_cstart, $3  }
0xc7: {  	[dreg:$0x1] =	wrdreg $0xFFFFFFFF  }
0xc8: {  	_ =	task.clear_ibuf [dreg:s8], $0x2FFFF;
	_ =	strace $0x9FFFFFFF  }
0xc9: {  	(tm) =	ssettm $0x7FFFFFFF  }
tec
execute0_lowered:
.L_overlay_start_1:
0x0: {  	(tag) =	ssettag $0x1  }
0x1: {  	s0 =	rddreg [dreg:$0x0]  }
0x2: {  	s1 =	rddreg [dreg:$0x1]  }
0x3: {  	s2 =	srdreg.scid;
	s8 =	stileid.u32  }
0x4: {  	s5 =	rddreg [dreg:$0x2];
	s23 =	simm.s32 $0x1;
	s17 =	smul.u32 $0x280, s8  }
0x5: {  	s24 =	simm.s32 $0x5000;
	s25 =	simm.s32 $0xA000;
	s6 =	smul.u32 $0x5000, s8  }
0x6: {  	s26 =	simm.s32 $0x0;
	s12 =	sand.u32 $0x1, s2;
	s8 =	smul.u32 $0xA000, s8  }
0x7: {  	s2 =	simm.s32 $0x0;
	s3 =	smul.u32 $0x50000, s12;
	s4 =	ssub.s32 $0x2, s12  }
0x8: {  	[smem:$0x7FF] =	sst s2;
	s31 =	smul.u32 $0x2800, s12;
	s7 =	sshrl.u32 s4, $0x1  }
0x9: {  	_ =	strace $0x80000047;
	s30 =	sshrl.u32 s8, $0x2;
	s3 =	sadd.s32 s6, s3  }
0xa: {  	s22 =	ssub.s32 s4, s7;
	s29 =	sshrl.u32 s3, $0x3;
	s3 =	sadd.s32 s17, s5  }
0xb: {  	s5 =	sadd.s32 s30, s5;
	s22 =	smax.u32 s22, $0x1;
	s4 =	sadd.s32 s0, s29  }
0xc: {  	s6 =	sadd.s32 $0x2800, s3;
	s7 =	sadd.s32 $0x5000, s3;
	s8 =	sadd.s32 $0x7800, s3  }
0xd: {  	s9 =	sadd.s32 $0xA000, s3;
	s10 =	sadd.s32 $0xC800, s3;
	s11 =	sadd.s32 $0xF000, s3  }
0xe: {  	s12 =	sadd.s32 $0x11800, s3;
	s13 =	sadd.s32 $0x14000, s3;
	s14 =	sadd.s32 $0x16800, s3  }
0xf: {  	s15 =	sadd.s32 $0x19000, s3;
	s16 =	sadd.s32 $0x1B800, s3;
	s0 =	sadd.s32 s17, s31  }
0x10: {  	s17 =	sadd.s32 $0x1E000, s3;
	s18 =	sadd.s32 $0x20800, s3;
	s0 =	sshrl.u32 s0, $0x3  }
0x11: {  	v0 =	vimm.f32 $0.0e+00;
	v1 =	vimm.f32 $1.000000000e+00;
	s19 =	sadd.s32 $0x23000, s3;
	s20 =	sadd.s32 $0x25800, s3;
	s21 =	sadd.s32 s1, s0  }
.LBB2_1:
0x12: {  	[tilespmem:s2], [sflag:$0x1] =	stream.linear.gather [hbm4b:s4+s2], $0x5000, $0x38;
	[tilespmem:$0xCA80] =	vst v63  }
0x13: {  	_ =	swait.ge [sflag:s23], $0x5000  }
0x14: {  	[sflag:s23] =	ssyncset.done $0x0  }
0x15: {  	s1 =	simm.s32 $0x0;
	[sflag:s23] =	ssyncadd.s32 $0xFFFFB000  }
.LBB2_2:
0x16: {  	p0 =	sne.s32 s1, $0x9FC0  }
.Ltmp0:
0x17: {  	_ = 	snop;
	(pc) =	sbr.rel @p0 .LBB2_2-.Ltmp0, $3  }
0x18: {  	_ =	sdelay $0x1  }
0x19: {  	s28 =	sshra.s32 s1, $0x2  }
0x1a: {  	s1 =	sadd.s32 $0x40, s1;
	[tilespmem:s28+$0x5000] =	vst v0  }
0x1b: {  	s28 =	simm.s32 $0x0;
	s1 =	simm.s32 $0x80  }
.LBB2_4:
0x1c: {  	p0 =	sne.s32 s1, $0x13F80;
	v2 =	vld [tilespmem:s28+$0x0];
	_ =	sdelay $0x7  }
0x1d: {  	[tilespmem:v2+s24+$0x0] =	vst.idx.add.f32.msk $0xffff, v1  }
0x1e: {  	v2 =	vld [tilespmem:s28+$0x10];
	_ =	sdelay $0x3  }
.Ltmp1:
0x1f: {  	(pc) =	sbr.rel @p0 .LBB2_4-.Ltmp1, $2  }
0x20: {  	_ =	sdelay $0x2  }
0x21: {  	s28 =	sshra.s32 s1, $0x2;
	s1 =	sadd.s32 $0x80, s1;
	[tilespmem:v2+s24+$0x0] =	vst.idx.add.f32.msk $0xffff, v1  }
0x22: {  	v2 =	vld [tilespmem:s28+$0x0];
	_ =	sdelay $0x7  }
0x23: {  	[tilespmem:v2+s24+$0x0] =	vst.idx.add.f32.msk $0xffff, v1  }
0x24: {  	v2 =	vld [tilespmem:s28+$0x10];
	_ =	sdelay $0x7  }
0x25: {  	[tilespmem:v2+s24+$0x0] =	vst.idx.add.f32.msk $0xffff, v1  }
0x26: {  	[spmem:s5] =	stream.linear.scatter [tilespmem:s24], [sflag:$0x1], $0x2800, $0x38;
	[tilespmem:$0xCA80] =	vst v63  }
0x27: {  	_ =	swait.ge [sflag:s23], $0x2800  }
0x28: {  	[sflag:s23] =	ssyncset.done $0x0  }
0x29: {  	[sflag:s23] =	ssyncadd.s32 $0xFFFFD800  }
0x2a: {  	s0 =	simm.s32 $0x7800;
	[bflag:$0x0] =	sbarrier.arrive $0xFFFF  }
0x2b: {  	[tilespmem:s0], [sflag:$0x1] =	stream.linear.gather [spmem:s3], $0x280, $0x38;
	[tilespmem:$0xCA80] =	vst v63  }
0x2c: {  	_ =	swait.ge [sflag:s23], $0x280  }
0x2d: {  	[sflag:s23] =	ssyncset.done $0x0  }
0x2e: {  	s1 =	simm.s32 $0x7A80;
	[sflag:s23] =	ssyncadd.s32 $0xFFFFFD80  }
0x2f: {  	[tilespmem:s1], [sflag:$0x1] =	stream.linear.gather [spmem:s6], $0x280, $0x38;
	[tilespmem:$0xCA80] =	vst v63  }
0x30: {  	_ =	swait.ge [sflag:s23], $0x280  }
0x31: {  	[sflag:s23] =	ssyncset.done $0x0  }
0x32: {  	s1 =	simm.s32 $0x7D00;
	[sflag:s23] =	ssyncadd.s32 $0xFFFFFD80  }
0x33: {  	[tilespmem:s1], [sflag:$0x1] =	stream.linear.gather [spmem:s7], $0x280, $0x38;
	[tilespmem:$0xCA80] =	vst v63  }
0x34: {  	_ =	swait.ge [sflag:s23], $0x280  }
0x35: {  	[sflag:s23] =	ssyncset.done $0x0  }
0x36: {  	s1 =	simm.s32 $0x7F80;
	[sflag:s23] =	ssyncadd.s32 $0xFFFFFD80  }
0x37: {  	[tilespmem:s1], [sflag:$0x1] =	stream.linear.gather [spmem:s8], $0x280, $0x38;
	[tilespmem:$0xCA80] =	vst v63  }
0x38: {  	_ =	swait.ge [sflag:s23], $0x280  }
0x39: {  	[sflag:s23] =	ssyncset.done $0x0  }
0x3a: {  	s1 =	simm.s32 $0x8200;
	[sflag:s23] =	ssyncadd.s32 $0xFFFFFD80  }
0x3b: {  	[tilespmem:s1], [sflag:$0x1] =	stream.linear.gather [spmem:s9], $0x280, $0x38;
	[tilespmem:$0xCA80] =	vst v63  }
0x3c: {  	_ =	swait.ge [sflag:s23], $0x280  }
0x3d: {  	[sflag:s23] =	ssyncset.done $0x0  }
0x3e: {  	s1 =	simm.s32 $0x8480;
	[sflag:s23] =	ssyncadd.s32 $0xFFFFFD80  }
0x3f: {  	[tilespmem:s1], [sflag:$0x1] =	stream.linear.gather [spmem:s10], $0x280, $0x38;
	[tilespmem:$0xCA80] =	vst v63  }
0x40: {  	_ =	swait.ge [sflag:s23], $0x280  }
0x41: {  	[sflag:s23] =	ssyncset.done $0x0  }
0x42: {  	s1 =	simm.s32 $0x8700;
	[sflag:s23] =	ssyncadd.s32 $0xFFFFFD80  }
0x43: {  	[tilespmem:s1], [sflag:$0x1] =	stream.linear.gather [spmem:s11], $0x280, $0x38;
	[tilespmem:$0xCA80] =	vst v63  }
0x44: {  	_ =	swait.ge [sflag:s23], $0x280  }
0x45: {  	[sflag:s23] =	ssyncset.done $0x0  }
0x46: {  	s1 =	simm.s32 $0x8980;
	[sflag:s23] =	ssyncadd.s32 $0xFFFFFD80  }
0x47: {  	[tilespmem:s1], [sflag:$0x1] =	stream.linear.gather [spmem:s12], $0x280, $0x38;
	[tilespmem:$0xCA80] =	vst v63  }
0x48: {  	_ =	swait.ge [sflag:s23], $0x280  }
0x49: {  	[sflag:s23] =	ssyncset.done $0x0  }
0x4a: {  	s1 =	simm.s32 $0x8C00;
	[sflag:s23] =	ssyncadd.s32 $0xFFFFFD80  }
0x4b: {  	[tilespmem:s1], [sflag:$0x1] =	stream.linear.gather [spmem:s13], $0x280, $0x38;
	[tilespmem:$0xCA80] =	vst v63  }
0x4c: {  	_ =	swait.ge [sflag:s23], $0x280  }
0x4d: {  	[sflag:s23] =	ssyncset.done $0x0  }
0x4e: {  	s1 =	simm.s32 $0x8E80;
	[sflag:s23] =	ssyncadd.s32 $0xFFFFFD80  }
0x4f: {  	[tilespmem:s1], [sflag:$0x1] =	stream.linear.gather [spmem:s14], $0x280, $0x38;
	[tilespmem:$0xCA80] =	vst v63  }
0x50: {  	_ =	swait.ge [sflag:s23], $0x280  }
0x51: {  	[sflag:s23] =	ssyncset.done $0x0  }
0x52: {  	s1 =	simm.s32 $0x9100;
	[sflag:s23] =	ssyncadd.s32 $0xFFFFFD80  }
0x53: {  	[tilespmem:s1], [sflag:$0x1] =	stream.linear.gather [spmem:s15], $0x280, $0x38;
	[tilespmem:$0xCA80] =	vst v63  }
0x54: {  	_ =	swait.ge [sflag:s23], $0x280  }
0x55: {  	[sflag:s23] =	ssyncset.done $0x0  }
0x56: {  	s1 =	simm.s32 $0x9380;
	[sflag:s23] =	ssyncadd.s32 $0xFFFFFD80  }
0x57: {  	[tilespmem:s1], [sflag:$0x1] =	stream.linear.gather [spmem:s16], $0x280, $0x38;
	[tilespmem:$0xCA80] =	vst v63  }
0x58: {  	_ =	swait.ge [sflag:s23], $0x280  }
0x59: {  	[sflag:s23] =	ssyncset.done $0x0  }
0x5a: {  	s1 =	simm.s32 $0x9600;
	[sflag:s23] =	ssyncadd.s32 $0xFFFFFD80  }
0x5b: {  	[tilespmem:s1], [sflag:$0x1] =	stream.linear.gather [spmem:s17], $0x280, $0x38;
	[tilespmem:$0xCA80] =	vst v63  }
0x5c: {  	_ =	swait.ge [sflag:s23], $0x280  }
0x5d: {  	[sflag:s23] =	ssyncset.done $0x0  }
0x5e: {  	s1 =	simm.s32 $0x9880;
	[sflag:s23] =	ssyncadd.s32 $0xFFFFFD80  }
0x5f: {  	[tilespmem:s1], [sflag:$0x1] =	stream.linear.gather [spmem:s18], $0x280, $0x38;
	[tilespmem:$0xCA80] =	vst v63  }
0x60: {  	_ =	swait.ge [sflag:s23], $0x280  }
0x61: {  	[sflag:s23] =	ssyncset.done $0x0  }
0x62: {  	s1 =	simm.s32 $0x9B00;
	[sflag:s23] =	ssyncadd.s32 $0xFFFFFD80  }
0x63: {  	[tilespmem:s1], [sflag:$0x1] =	stream.linear.gather [spmem:s19], $0x280, $0x38;
	[tilespmem:$0xCA80] =	vst v63  }
0x64: {  	_ =	swait.ge [sflag:s23], $0x280  }
0x65: {  	[sflag:s23] =	ssyncset.done $0x0  }
0x66: {  	s1 =	simm.s32 $0x9D80;
	[sflag:s23] =	ssyncadd.s32 $0xFFFFFD80  }
0x67: {  	[tilespmem:s1], [sflag:$0x1] =	stream.linear.gather [spmem:s20], $0x280, $0x38;
	[tilespmem:$0xCA80] =	vst v63  }
0x68: {  	_ =	swait.ge [sflag:s23], $0x280  }
0x69: {  	[sflag:s23] =	ssyncset.done $0x0  }
0x6a: {  	s30 =	simm.s32 $0x0;
	[sflag:s23] =	ssyncadd.s32 $0xFFFFFD80  }
0x6b: {  	v2 =	vld [tilespmem:s30+$0x7800]  }
0x6c: {  	v3 =	vld [tilespmem:s30+$0x7A80];
	_ =	sdelay $0x1  }
0x6d: {  	v4 =	vld [tilespmem:s30+$0x7D00];
	_ =	sdelay $0x1  }
0x6e: {  	v5 =	vld [tilespmem:s30+$0x7F80]  }
0x6f: {  	v2 =	vadd.f32 v3, v2  }
0x70: {  	v3 =	vld [tilespmem:s30+$0x8200]  }
0x71: {  	v2 =	vadd.f32 v4, v2  }
0x72: {  	v4 =	vld [tilespmem:s30+$0x8480]  }
0x73: {  	v2 =	vadd.f32 v5, v2  }
0x74: {  	v5 =	vld [tilespmem:s30+$0x8700]  }
0x75: {  	v6 =	vld [tilespmem:s30+$0x8E80];
	v2 =	vadd.f32 v3, v2  }
0x76: {  	s28 =	simm.s32 $0x10;
	v3 =	vld [tilespmem:s30+$0x8980]  }
0x77: {  	v7 =	vld [tilespmem:s28+$0x7800];
	v2 =	vadd.f32 v4, v2  }
0x78: {  	v4 =	vld [tilespmem:s30+$0x8C00]  }
0x79: {  	v8 =	vld [tilespmem:s30+$0x9100];
	v2 =	vadd.f32 v5, v2  }
0x7a: {  	v5 =	vld [tilespmem:s28+$0x7A80]  }
0x7b: {  	v9 =	vld [tilespmem:s30+$0x9380];
	v2 =	vadd.f32 v3, v2  }
0x7c: {  	v3 =	vld [tilespmem:s28+$0x7D00]  }
0x7d: {  	v10 =	vld [tilespmem:s30+$0x9D80];
	v2 =	vadd.f32 v4, v2  }
0x7e: {  	v4 =	vld [tilespmem:s28+$0x7F80]  }
0x7f: {  	v5 =	vadd.f32 v5, v7;
	v7 =	vld [tilespmem:s30+$0x9600];
	v2 =	vadd.f32 v6, v2  }
0x80: {  	v6 =	vld [tilespmem:s28+$0x8200]  }
0x81: {  	v3 =	vadd.f32 v3, v5;
	v5 =	vld [tilespmem:s28+$0x8480];
	v2 =	vadd.f32 v8, v2  }
0x82: {  	v8 =	vld [tilespmem:s30+$0x9880]  }
0x83: {  	v3 =	vadd.f32 v4, v3;
	v4 =	vld [tilespmem:s28+$0x8700];
	v2 =	vadd.f32 v9, v2  }
0x84: {  	s29 =	simm.s32 $0x20;
	v9 =	vld [tilespmem:s30+$0x9B00]  }
0x85: {  	v11 =	vld [tilespmem:s29+$0x7A80];
	v3 =	vadd.f32 v6, v3;
	v2 =	vadd.f32 v7, v2  }
0x86: {  	v6 =	vld [tilespmem:s28+$0x8980]  }
0x87: {  	v12 =	vld [tilespmem:s29+$0x7F80];
	v3 =	vadd.f32 v5, v3;
	v2 =	vadd.f32 v8, v2  }
0x88: {  	v5 =	vld [tilespmem:s28+$0x8C00]  }
0x89: {  	v8 =	vld [tilespmem:s29+$0x7800];
	v3 =	vadd.f32 v4, v3;
	v2 =	vadd.f32 v9, v2  }
0x8a: {  	v7 =	vld [tilespmem:s28+$0x8E80]  }
0x8b: {  	v4 =	vadd.f32 v6, v3;
	v6 =	vld [tilespmem:s29+$0x7D00];
	v3 =	vadd.f32 v10, v2  }
0x8c: {  	v9 =	vld [tilespmem:s28+$0x9100]  }
0x8d: {  	v14 =	vld [tilespmem:s29+$0x8480];
	v5 =	vadd.f32 v5, v4;
	v13 =	vshrl.u32 v3, $0x1;
	v4 =	vmul.f32 $5.000000000e-01, v3  }
0x8e: {  	v10 =	vld [tilespmem:s28+$0x9380];
	v8 =	vadd.f32 v11, v8;
	v11 =	vsub.s32 $0x5F3759DF, v13  }
0x8f: {  	v5 =	vadd.f32 v7, v5;
	v7 =	vld [tilespmem:s29+$0x8200];
	v13 =	vmul.f32 v11, v4  }
0x90: {  	v6 =	vadd.f32 v6, v8;
	v8 =	vld [tilespmem:s28+$0x9600]  }
0x91: {  	v2 =	vld [tilespmem:s28+$0x9D80];
	v5 =	vadd.f32 v9, v5;
	v9 =	vmul.f32 v11, v13  }
0x92: {  	v6 =	vadd.f32 v12, v6;
	v12 =	vld [tilespmem:s28+$0x9880]  }
0x93: {  	v5 =	vadd.f32 v10, v5;
	v10 =	vld [tilespmem:s29+$0x8700];
	v9 =	vsub.f32 $1.500000000e+00, v9  }
0x94: {  	v13 =	vld [tilespmem:s28+$0x9B00];
	v7 =	vadd.f32 v7, v6  }
0x95: {  	v6 =	vld [tilespmem:s29+$0x8980];
	v8 =	vadd.f32 v8, v5;
	v9 =	vmul.f32 v11, v9  }
0x96: {  	v5 =	vld [tilespmem:s29+$0x8E80];
	v14 =	vadd.f32 v14, v7  }
0x97: {  	s31 =	simm.s32 $0x30;
	v7 =	vld [tilespmem:s29+$0x8C00];
	v8 =	vadd.f32 v12, v8;
	v15 =	vmul.f32 v9, v4  }
0x98: {  	v11 =	vld [tilespmem:s31+$0x7800];
	v10 =	vadd.f32 v10, v14  }
0x99: {  	s1 =	simm.s32 $0x100;
	v12 =	vld [tilespmem:s31+$0x7A80];
	v8 =	vadd.f32 v13, v8;
	v13 =	vmul.f32 v15, v9  }
.LBB2_6:
0x9a: {  	p0 =	sne.s32 s1, $0x9C0;
	v6 =	vadd.f32 v6, v10;
	v10 =	vld [tilespmem:s29+$0x9100]  }
0x9b: {  	v14 =	vld [tilespmem:s31+$0x7D00];
	v8 =	vadd.f32 v2, v8;
	v2 =	vsub.f32 $1.500000000e+00, v13  }
0x9c: {  	v6 =	vadd.f32 v7, v6;
	v7 =	vld [tilespmem:s29+$0x9380]  }
0x9d: {  	v13 =	vld [tilespmem:s31+$0x7F80];
	v15 =	vshrl.u32 v8, $0x1;
	v16 =	vmul.f32 $5.000000000e-01, v8;
	v17 =	vmul.f32 v2, v9  }
0x9e: {  	v9 =	vadd.f32 v12, v11;
	v5 =	vadd.f32 v5, v6;
	v2 =	vld [tilespmem:s29+$0x9D80];
	v11 =	vsub.s32 $0x5F3759DF, v15  }
0x9f: {  	v6 =	vld [tilespmem:s31+$0x8200];
	v12 =	vmul.f32 v11, v16;
	v15 =	vmul.f32 v17, v4;
	v4 =	vmov v16  }
0xa0: {  	v9 =	vadd.f32 v14, v9;
	v5 =	vadd.f32 v10, v5;
	v10 =	vld [tilespmem:s29+$0x9600]  }
0xa1: {  	v14 =	vld [tilespmem:s31+$0x8480];
	v12 =	vmul.f32 v11, v12;
	v15 =	vmul.f32 v15, v17  }
0xa2: {  	v9 =	vadd.f32 v13, v9;
	v5 =	vadd.f32 v7, v5;
	v13 =	vld [tilespmem:s29+$0x9880]  }
0xa3: {  	v16 =	vld [tilespmem:s31+$0x8700];
	v7 =	vsub.f32 $1.500000000e+00, v12;
	v12 =	vsub.f32 $1.500000000e+00, v15  }
0xa4: {  	v15 =	vadd.f32 v6, v9;
	v18 =	vld [tilespmem:s29+$0x9B00]  }
.Ltmp2:
0xa5: {  	v6 =	vld [tilespmem:s31+$0x8980];
	v10 =	vadd.f32 v10, v5;
	v9 =	vmul.f32 v11, v7;
	v11 =	vmul.f32 v12, v17;
	(pc) =	sbr.rel @p0 .LBB2_6-.Ltmp2, $4  }
0xa6: {  	vm0 =	vgt.f32 v3, $0.0e+00;
	v3 =	vmov v8;
	v12 =	vadd.f32 v14, v15;
	v5 =	vld [tilespmem:s31+$0x8E80]  }
0xa7: {  	s0 =	sshra.s32 s1, $0x2;
	v7 =	vld [tilespmem:s31+$0x8C00];
	v8 =	vadd.f32 v13, v10;
	v13 =	vmul.f32 v9, v4;
	v14 =	vnsel vm0, $0x0, v11  }
0xa8: {  	v11 =	vld [tilespmem:s0+$0x7800];
	v10 =	vadd.f32 v16, v12;
	[tilespmem:s30+$0xA000] =	vst v14;
	s30 =	smov.u32 s28;
	s28 =	smov.u32 s29;
	s29 =	smov.u32 s31  }
0xa9: {  	s1 =	sadd.s32 $0x40, s1;
	s31 =	smov.u32 s0;
	v12 =	vld [tilespmem:s0+$0x7A80];
	v8 =	vadd.f32 v18, v8;
	v13 =	vmul.f32 v13, v9  }
0xaa: {  	_ = 	snop  }
0xab: {  	v14 =	vld [tilespmem:s31+$0x7D00];
	_ =	sdelay $0x1  }
0xac: {  	v15 =	vld [tilespmem:s31+$0x7F80];
	v13 =	vsub.f32 $1.500000000e+00, v13  }
0xad: {  	v11 =	vadd.f32 v12, v11  }
0xae: {  	v31 =	vld [tilespmem:s31+$0x8200];
	v9 =	vmul.f32 v13, v9  }
0xaf: {  	v16 =	vld [tilespmem:s29+$0x9100];
	v11 =	vadd.f32 v14, v11  }
0xb0: {  	v33 =	vld [tilespmem:s31+$0x8480];
	v4 =	vmul.f32 v9, v4  }
0xb1: {  	v32 =	vld [tilespmem:s29+$0x9380];
	v11 =	vadd.f32 v15, v11  }
0xb2: {  	v34 =	vld [tilespmem:s31+$0x8700];
	v4 =	vmul.f32 v4, v9  }
0xb3: {  	v17 =	vld [tilespmem:s29+$0x9D80];
	v11 =	vadd.f32 v31, v11  }
0xb4: {  	v35 =	vld [tilespmem:s31+$0x8980];
	v4 =	vsub.f32 $1.500000000e+00, v4  }
0xb5: {  	v18 =	vld [tilespmem:s29+$0x9600];
	v11 =	vadd.f32 v33, v11  }
0xb6: {  	v37 =	vld [tilespmem:s31+$0x8C00];
	v4 =	vmul.f32 v4, v9  }
0xb7: {  	v36 =	vld [tilespmem:s29+$0x9880];
	vm0 =	vgt.f32 v3, $0.0e+00;
	v3 =	vadd.f32 v34, v11  }
0xb8: {  	v6 =	vadd.f32 v6, v10;
	v39 =	vld [tilespmem:s31+$0x8E80];
	v4 =	vnsel vm0, $0x0, v4  }
0xb9: {  	v38 =	vld [tilespmem:s29+$0x9B00];
	[tilespmem:s30+$0xA000] =	vst v4;
	v3 =	vadd.f32 v35, v3  }
0xba: {  	v40 =	vadd.f32 v7, v6;
	v41 =	vld [tilespmem:s31+$0x9100]  }
0xbb: {  	v3 =	vadd.f32 v37, v3  }
0xbc: {  	v4 =	vadd.f32 v5, v40;
	v42 =	vld [tilespmem:s31+$0x9380]  }
0xbd: {  	v3 =	vadd.f32 v39, v3  }
0xbe: {  	v43 =	vld [tilespmem:s31+$0x9600];
	v4 =	vadd.f32 v16, v4  }
0xbf: {  	v3 =	vadd.f32 v41, v3  }
0xc0: {  	v44 =	vld [tilespmem:s31+$0x9880];
	v4 =	vadd.f32 v32, v4  }
0xc1: {  	v3 =	vadd.f32 v42, v3  }
0xc2: {  	v45 =	vld [tilespmem:s31+$0x9B00];
	v4 =	vadd.f32 v18, v4  }
0xc3: {  	v3 =	vadd.f32 v43, v3  }
0xc4: {  	v46 =	vld [tilespmem:s31+$0x9D80];
	v4 =	vadd.f32 v36, v4  }
0xc5: {  	v3 =	vadd.f32 v44, v3  }
0xc6: {  	v2 =	vadd.f32 v2, v8;
	v4 =	vadd.f32 v38, v4  }
0xc7: {  	v3 =	vadd.f32 v45, v3  }
0xc8: {  	v47 =	vshrl.u32 v2, $0x1;
	v48 =	vmul.f32 $5.000000000e-01, v2;
	v4 =	vadd.f32 v17, v4  }
0xc9: {  	v5 =	vsub.s32 $0x5F3759DF, v47;
	v3 =	vadd.f32 v46, v3  }
0xca: {  	v49 =	vmul.f32 v5, v48;
	v50 =	vshrl.u32 v4, $0x1;
	v51 =	vmul.f32 $5.000000000e-01, v4  }
0xcb: {  	v8 =	vsub.s32 $0x5F3759DF, v50;
	v52 =	vshrl.u32 v3, $0x1;
	v53 =	vmul.f32 $5.000000000e-01, v3  }
0xcc: {  	v54 =	vmul.f32 v8, v51;
	v10 =	vsub.s32 $0x5F3759DF, v52  }
0xcd: {  	v7 =	vmul.f32 v5, v49;
	v55 =	vmul.f32 v10, v53  }
0xce: {  	v12 =	vmul.f32 v8, v54  }
0xcf: {  	v7 =	vsub.f32 $1.500000000e+00, v7;
	v13 =	vmul.f32 v10, v55  }
0xd0: {  	v12 =	vsub.f32 $1.500000000e+00, v12  }
0xd1: {  	v5 =	vmul.f32 v5, v7;
	v56 =	vsub.f32 $1.500000000e+00, v13  }
0xd2: {  	v8 =	vmul.f32 v8, v12  }
0xd3: {  	v57 =	vmul.f32 v5, v48;
	v7 =	vmul.f32 v10, v56  }
0xd4: {  	v58 =	vmul.f32 v8, v51  }
0xd5: {  	v12 =	vmul.f32 v57, v5;
	v59 =	vmul.f32 v7, v53  }
0xd6: {  	v10 =	vmul.f32 v58, v8  }
0xd7: {  	v12 =	vsub.f32 $1.500000000e+00, v12;
	v13 =	vmul.f32 v59, v7  }
0xd8: {  	v10 =	vsub.f32 $1.500000000e+00, v10  }
0xd9: {  	v5 =	vmul.f32 v12, v5;
	v60 =	vsub.f32 $1.500000000e+00, v13  }
0xda: {  	v8 =	vmul.f32 v10, v8  }
0xdb: {  	v6 =	vmul.f32 v5, v48;
	v7 =	vmul.f32 v60, v7  }
0xdc: {  	v9 =	vmul.f32 v8, v51  }
0xdd: {  	v6 =	vmul.f32 v6, v5;
	v61 =	vmul.f32 v7, v53  }
0xde: {  	v9 =	vmul.f32 v9, v8  }
0xdf: {  	v6 =	vsub.f32 $1.500000000e+00, v6;
	v10 =	vmul.f32 v61, v7  }
0xe0: {  	v9 =	vsub.f32 $1.500000000e+00, v9  }
0xe1: {  	v5 =	vmul.f32 v6, v5;
	v62 =	vsub.f32 $1.500000000e+00, v10  }
0xe2: {  	vm13 =	vgt.f32 v2, $0.0e+00;
	v2 =	vmul.f32 v9, v8  }
0xe3: {  	vm14 =	vgt.f32 v4, $0.0e+00;
	v5 =	vnsel vm13, $0x0, v5;
	v63 =	vmul.f32 v62, v7  }
0xe4: {  	s26 =	sadd.s32 $0x1, s26;
	vm15 =	vgt.f32 v3, $0.0e+00;
	[tilespmem:s28+$0xA000] =	vst v5;
	v2 =	vnsel vm14, $0x0, v2  }
0xe5: {  	p0 =	sne.s32 s26, s22;
	[tilespmem:s29+$0xA000] =	vst v2;
	v2 =	vnsel vm15, $0x0, v63  }
.Ltmp3:
0xe6: {  	[tilespmem:s31+$0xA000] =	vst v2;
	(pc) =	sbr.rel @p0 .LBB2_1-.Ltmp3, $4  }
0xe7: {  	[hbm4b:s21+s2] =	stream.linear.scatter [tilespmem:s25], [sflag:$0x1], $0x280, $0x38;
	[tilespmem:$0xCA80] =	vst v63  }
0xe8: {  	_ =	swait.ge [sflag:s23], $0x280  }
0xe9: {  	[sflag:s23] =	ssyncset.done $0x0  }
0xea: {  	[sflag:s23] =	ssyncadd.s32 $0xFFFFFD80  }
0xeb: {  	_ =	sfence.sel $0x180000  }
0xec: {  	[bflag:$0x0] =	sbarrier.arrive $0xFFFF  }
0xed: {  	_ =	strace $0x90000047  }
0xee: {  	s0 =	stileid.u32;
	[bflag:$0x2] =	sbarrier.arrive $0xFFFF  }
0xef: {  	p0 =	sne.s32 s0, $0x0;
	s0 =	rddreg [dreg:$0x3]  }
0xf0: {  	s0 =	sadd.s32 @!p0 $0x100000, s0  }
0xf1: {  	[sflag:s0] =	ssyncadd.tile.s32 @!p0 $0x1;
	_ =	shalt  }
.Lfunc_end2:
_tile_overlayer_lowered:
.L_overlay_start_2:
0xf2: {  	(tag) =	ssettag $0x2  }
0xf3: {  	s0 =	rddreg [dreg:$0x0];
	s2 =	stileid.u32  }
0xf4: {  	s1 =	rddreg [dreg:$0x1];
	p0 =	sne.s32 s2, $0x0  }
0xf5: {  	s3 =	rddreg [dreg:$0x2];
	[bflag:$0x3] =	sbarrier.arrive $0xFFFF;
	s2 =	simm.s32 @!p0 $0x1C01  }
0xf6: {  	[timem:s3], [sflag:s2] =	dma.local @!p0 [hbm:s0], s1  }
0xf7: {  	s0 =	simm.s32 @!p0 $0x1  }
0xf8: {  	_ =	swait.ge @!p0 [sflag:s0], s1  }
0xf9: {  	s1 =	ssub.s32 @!p0 $0x0, s1;
	[sflag:s0] =	ssyncset.done @!p0 $0x0  }
0xfa: {  	[sflag:s0] =	ssyncadd.s32 @!p0 s1  }
0xfb: {  	[bflag:$0x3] =	sbarrier.arrive $0xFFFF  }
0xfc: {  	_ =	shalt  }

</sc_bundles>
